<compile_context>
chip_gen: v7x
topology: tpu7x:2x2x1
jax: 0.10.2.dev20260603
libtpu: 0.0.44.dev20260713+nightly
codegen_flags: <defaults>
</compile_context>

<pallas_src>
import functools
import math

import jax
import jax.numpy as jnp
import numpy as np
from jax import lax
from jax.experimental import pallas as pl
from jax.experimental.pallas import tpu as pltpu
from jax.experimental.pallas import tpu_sc as plsc

N_NODES = 10000
N_EDGES = 160000
N_RBF = 8
CUTOFF = 5.5
ZS_VALS = (1, 6, 7, 8)

_LXLYLZ = [(0, 0, 0),
           (1, 0, 0), (0, 1, 0), (0, 0, 1),
           (2, 0, 0), (1, 1, 0), (1, 0, 1), (0, 2, 0), (0, 1, 1), (0, 0, 2)]
_L_OF = [0, 1, 1, 1, 2, 2, 2, 2, 2, 2]
_PREF2 = [1.0, 2.0, 2.0, 1.0, 2.0, 1.0]

_CHUNK = 128
_N_CHUNKS = N_EDGES // _CHUNK
_STRIPE = N_NODES // 16
_EB = 1280
_NB = 400


def _table_body(pos_ref, z_ref, w_ref, out_ref):
    z = z_ref[...]
    col = lax.broadcasted_iota(jnp.int32, (1, 4), 1)
    zs = ((col == 0) * ZS_VALS[0] + (col == 1) * ZS_VALS[1]
          + (col == 2) * ZS_VALS[2] + (col == 3) * ZS_VALS[3])
    one_hot = (z == zs).astype(jnp.float32)
    emb = jax.lax.dot_general(one_hot, w_ref[...], (((1,), (0,)), ((), ())),
                              precision=lax.Precision.HIGHEST)
    out_ref[:, 0:3] = pos_ref[...]
    out_ref[:, 3:5] = emb
    out_ref[:, 5:16] = jnp.zeros((z.shape[0], 11), jnp.float32)


def _build_table(positions, z2d, node_embedding_W):
    return pl.pallas_call(
        _table_body,
        out_shape=jax.ShapeDtypeStruct((N_NODES, 16), jnp.float32),
    )(positions, z2d, node_embedding_W)


def _gather_body(table_hbm, idx_hbm, out_hbm,
                 idx_v0, idx_v1, rows_v0, rows_v1, trows_v0, trows_v1,
                 gsem0, gsem1, osem0, osem1):
    cid = lax.axis_index("c")
    sid = lax.axis_index("s")
    wid = sid * 2 + cid
    n_rows = 2 * _N_CHUNKS
    n_k = (n_rows + 31) // 32
    lane = lax.iota(jnp.int32, 16)
    idx_v = (idx_v0, idx_v1)
    rows_v = (rows_v0, rows_v1)
    trows_v = (trows_v0, trows_v1)
    gsem = (gsem0, gsem1)
    osem = (osem0, osem1)

    def start_gather(k, b):
        @pl.when(k < n_k)
        def _():
            cc = wid + 32 * k

            @pl.when(cc < n_rows)
            def _():
                pltpu.sync_copy(idx_hbm.at[cc], idx_v[b])
                pltpu.async_copy(table_hbm.at[idx_v[b]], rows_v[b], gsem[b])

    def wait_gather(k, b):
        @pl.when(jnp.logical_and(k < n_k, wid + 32 * k < n_rows))
        def _():
            pltpu.make_async_copy(table_hbm.at[idx_v[b]], rows_v[b],
                                  gsem[b]).wait()

    def wait_out(k, b):
        @pl.when(jnp.logical_and(k >= 0, wid + 32 * k < n_rows))
        def _():
            pltpu.make_async_copy(trows_v[b], out_hbm.at[0], osem[b]).wait()

    def transpose_and_store(k, b):
        cc = wid + 32 * k

        @pl.when(jnp.logical_and(k < n_k, cc < n_rows))
        def _():
            for t in range(16):
                t_idx = jnp.full((16,), t, jnp.int32)
                for gi in range(8):
                    vals = plsc.load_gather(rows_v[b],
                                            [lane + 16 * gi, t_idx])
                    trows_v[b][t, pl.ds(16 * gi, 16)] = vals
            pltpu.async_copy(trows_v[b], out_hbm.at[cc], osem[b])

    start_gather(0, 0)
    start_gather(1, 1)

    def step(j, carry):
        for b in range(2):
            k = 2 * j + b
            wait_gather(k, b)
            wait_out(k - 2, b)
            transpose_and_store(k, b)
            start_gather(k + 2, b)
        return carry

    n_j = (n_k + 1) // 2
    lax.fori_loop(0, n_j, step, 0)
    wait_out(2 * n_j - 2, 0)
    wait_out(2 * n_j - 1, 1)


def _sc_gather(table, idx2d):
    f = pl.kernel(
        _gather_body,
        out_type=jax.ShapeDtypeStruct((2 * _N_CHUNKS, 16, _CHUNK),
                                      jnp.float32),
        mesh=plsc.VectorSubcoreMesh(core_axis_name="c", subcore_axis_name="s"),
        scratch_types=[
            pltpu.VMEM((_CHUNK,), jnp.int32),
            pltpu.VMEM((_CHUNK,), jnp.int32),
            pltpu.VMEM((_CHUNK, 16), jnp.float32),
            pltpu.VMEM((_CHUNK, 16), jnp.float32),
            pltpu.VMEM((16, _CHUNK), jnp.float32),
            pltpu.VMEM((16, _CHUNK), jnp.float32),
            pltpu.SemaphoreType.DMA,
            pltpu.SemaphoreType.DMA,
            pltpu.SemaphoreType.DMA,
            pltpu.SemaphoreType.DMA,
        ],
        compiler_params=pltpu.CompilerParams(use_tc_tiling_on_sc=False,
                                             needs_layout_passes=False),
    )
    return f(table, idx2d)


def _np_masks():
    col = np.arange(320)
    a_m = col // 32
    s_m = (col % 32) // 4
    c_m = col % 4
    l_m = (a_m >= 1).astype(np.int32) + (a_m >= 4).astype(np.int32)
    m1 = (np.arange(24)[:, None] == (l_m * 8 + s_m)[None, :]
          ).astype(np.float32)
    m23 = (np.arange(40)[:, None] == (a_m * 4 + c_m)[None, :]
           ).astype(np.float32)
    return m1, m23


def _edge_body(gs_ref, gr_ref, shifts_ref, w_ref, m1_ref, m23_ref,
               out_a, out_b, out_c):
    nch = _EB // _CHUNK
    gst = jnp.concatenate([gs_ref[i] for i in range(nch)], axis=1)
    grt = jnp.concatenate([gr_ref[i] for i in range(nch)], axis=1)
    vec = grt[0:3] - gst[0:3] + shifts_ref[...]
    d2 = jnp.sum(vec * vec, axis=0, keepdims=True)
    lengths = jnp.sqrt(d2 + 1e-12)
    inv_len = 1.0 / lengths
    unit = vec * inv_len

    r = lengths * (1.0 / CUTOFF)
    r2 = r * r
    r6 = r2 * r2 * r2
    r7 = r6 * r
    r8 = r7 * r
    fc = 1.0 - 28.0 * r6 + 48.0 * r7 - 21.0 * r8
    fc = jnp.where(lengths < CUTOFF, fc, 0.0)
    pref = fc * (math.sqrt(2.0 / CUTOFF)) * inv_len

    k_col = (lax.broadcasted_iota(jnp.int32, (N_RBF, 1), 0) + 1
             ).astype(jnp.float32)
    theta_t = jax.lax.dot_general(
        k_col, lengths * (math.pi / CUTOFF), (((1,), (0,)), ((), ())),
        precision=lax.Precision.HIGHEST)
    radial_t = jnp.sin(theta_t)

    x = unit[0:1]
    y = unit[1:2]
    z = unit[2:3]
    one = jnp.ones_like(x)
    es0 = gst[3:4]
    es1 = gst[4:5]
    er0 = grt[3:4]
    er1 = grt[4:5]
    enct = jnp.concatenate([es0 * er0, es0 * er1, es1 * er0, es1 * er1],
                           axis=0) * pref
    monos = [one, x, y, z, x * x, x * y, x * z, y * y, y * z, z * z]
    ae_t = jnp.concatenate([mono * enct for mono in monos], axis=0)

    wcat = jnp.concatenate([w_ref[0], w_ref[1], w_ref[2]], axis=1)
    w320 = jax.lax.dot_general(wcat, m1_ref[...], (((1,), (0,)), ((), ())),
                               precision=lax.Precision.HIGHEST)

    dot0 = functools.partial(jax.lax.dot_general,
                             dimension_numbers=(((0,), (0,)), ((), ())),
                             precision=lax.Precision.DEFAULT)

    def bf16_split(a):
        a_hi = a.astype(jnp.bfloat16).astype(jnp.float32)
        return a_hi, a - a_hi

    r_hi, r_lo = bf16_split(radial_t)
    w_hi, w_lo = bf16_split(w320)
    g1 = dot0(r_hi, w_hi) + dot0(r_hi, w_lo) + dot0(r_lo, w_hi)
    ae_hi, ae_lo = bf16_split(ae_t)
    gae = dot0(ae_hi, m23_ref[...]) + dot0(ae_lo, m23_ref[...])
    g = g1 * gae
    out_a[...] = g[:, 0:128]
    out_b[...] = g[:, 128:256]
    out_c[:, 0:64] = g[:, 256:320]


def _edge_expand(g, shifts_t, radial_transform_W):
    grid = N_EDGES // _EB
    nch = _EB // _CHUNK
    m1, m23 = _np_masks()
    slab = jax.ShapeDtypeStruct((N_EDGES, 128), jnp.float32)
    return pl.pallas_call(
        _edge_body,
        grid=(grid,),
        in_specs=[
            pl.BlockSpec((nch, 16, _CHUNK), lambda i: (i, 0, 0)),
            pl.BlockSpec((nch, 16, _CHUNK),
                         lambda i: (_N_CHUNKS // nch + i, 0, 0)),
            pl.BlockSpec((3, _EB), lambda i: (0, i)),
            pl.BlockSpec((3, 8, 8), lambda i: (0, 0, 0)),
            pl.BlockSpec((24, 320), lambda i: (0, 0)),
            pl.BlockSpec((40, 320), lambda i: (0, 0)),
        ],
        out_specs=[pl.BlockSpec((_EB, 128), lambda i: (i, 0))] * 3,
        out_shape=[slab, slab, slab],
    )(g, g, shifts_t, radial_transform_W, m1, m23)


def _scatter_body(ea_hbm, eb_hbm, ec_hbm, recv_hbm, zer_hbm, out_hbm,
                  idx_v, rows_v, acc):
    cid = lax.axis_index("c")
    tid = lax.axis_index("s")
    n_k = (_N_CHUNKS + 15) // 16

    pltpu.sync_copy(zer_hbm, acc.at[pl.ds(tid * _STRIPE, _STRIPE), :])
    plsc.subcore_barrier()

    def step(k, carry):
        c = tid + 16 * k

        @pl.when(c < _N_CHUNKS)
        def _():
            rows = pl.ds(c * _CHUNK, _CHUNK)
            pltpu.sync_copy(recv_hbm.at[c], idx_v)
            @pl.when(cid == 0)
            def _():
                pltpu.sync_copy(ea_hbm.at[rows, :],
                                rows_v.at[:, pl.ds(0, 128)])
                pltpu.sync_copy(eb_hbm.at[rows, pl.ds(0, 32)],
                                rows_v.at[:, pl.ds(128, 32)])

            @pl.when(cid == 1)
            def _():
                pltpu.sync_copy(eb_hbm.at[rows, pl.ds(32, 96)],
                                rows_v.at[:, pl.ds(0, 96)])
                pltpu.sync_copy(ec_hbm.at[rows, pl.ds(0, 64)],
                                rows_v.at[:, pl.ds(96, 64)])
            pltpu.sync_copy(rows_v, acc.at[idx_v], add=True)
        return carry

    lax.fori_loop(0, n_k, step, 0)
    plsc.subcore_barrier()
    pltpu.sync_copy(acc.at[pl.ds(tid * _STRIPE, _STRIPE), :],
                    out_hbm.at[cid, pl.ds(tid * _STRIPE, _STRIPE), :])


def _sc_scatter(ea, eb, ec, recv2d, zer):
    f = pl.kernel(
        _scatter_body,
        out_type=jax.ShapeDtypeStruct((2, N_NODES, 160), jnp.float32),
        mesh=plsc.VectorSubcoreMesh(core_axis_name="c", subcore_axis_name="s"),
        scratch_types=[
            pltpu.VMEM((_CHUNK,), jnp.int32),
            pltpu.VMEM((_CHUNK, 160), jnp.float32),
            pltpu.VMEM_SHARED((N_NODES, 160), jnp.float32),
        ],
        compiler_params=pltpu.CompilerParams(use_tc_tiling_on_sc=False),
    )
    return f(ea, eb, ec, recv2d, zer)


def _sym_body(nf_ref, out_ref):
    h0 = nf_ref[0]
    h1 = nf_ref[1]
    nu1 = h0[:, 0:32]
    nu21 = (h0[:, 32:64] * h0[:, 32:64]
            + h0[:, 64:96] * h0[:, 64:96]
            + h0[:, 96:128] * h0[:, 96:128])
    a4 = h0[:, 128:160]
    nu22 = _PREF2[0] * a4 * a4
    for j, pref in enumerate(_PREF2[1:]):
        blk = h1[:, 32 * j:32 * j + 32]
        nu22 = nu22 + pref * blk * blk
    pieces = []
    for s in range(8):
        pieces.append(nu1[:, 4 * s:4 * s + 4])
        pieces.append(nu21[:, 4 * s:4 * s + 4])
        pieces.append(nu22[:, 4 * s:4 * s + 4])
    out_ref[...] = jnp.concatenate(pieces, axis=1)


def _symmetrize(nfa):
    grid = N_NODES // _NB
    return pl.pallas_call(
        _sym_body,
        grid=(grid,),
        in_specs=[pl.BlockSpec((2, _NB, 160), lambda i: (0, i, 0))],
        out_specs=pl.BlockSpec((_NB, 96), lambda i: (i, 0)),
        out_shape=jax.ShapeDtypeStruct((N_NODES, 96), jnp.float32),
    )(nfa)


def kernel(positions, atomic_numbers, edge_index, shifts,
           node_embedding_W, radial_transform_W):
    n = positions.shape[0]
    z2d = atomic_numbers.reshape(n, 1).astype(jnp.int32)
    table = _build_table(positions, z2d, node_embedding_W)

    idx2d = edge_index.astype(jnp.int32).reshape(2 * _N_CHUNKS, _CHUNK)
    gathered = _sc_gather(table, idx2d)

    ea, eb, ec = _edge_expand(gathered, shifts.T, radial_transform_W)

    recv2d = edge_index[1].astype(jnp.int32).reshape(_N_CHUNKS, _CHUNK)
    zer = jnp.zeros((_STRIPE, 160), jnp.float32)
    nfa = _sc_scatter(ea, eb, ec, recv2d, zer)

    out96 = _symmetrize(nfa)
    return out96.reshape(n, 8, 3, 4)

# --- scband reference (transcript-rebuilt; emitter-appended) ---
"""Pipeline reference for scband-cace-42571715838070 (READ-ONLY COPY).

The authoritative reference and input builder live on the scoring server;
editing this copy changes nothing except your own understanding.
"""

import jax, jax.numpy as jnp
import numpy as np
import math

ZS = [1, 6, 7, 8]
NZ = len(ZS)
N_ATOM_BASIS = 2
CUTOFF = 5.5
N_RBF = 8
MAX_L = 2
MAX_NU = 2
P_CUT = 6.0
N_NODES = 10000
N_EDGES = 160000

def make_lxlylz(max_l):
    lst = []
    for l in range(max_l + 1):
        for lx in range(l, -1, -1):
            for ly in range(l - lx, -1, -1):
                lst.append((lx, ly, l - lx - ly))
    return lst

LXLYLZ = make_lxlylz(MAX_L)
L_OF = np.array([sum(v) for v in LXLYLZ], dtype=np.int32)


def setup_inputs(seed: int = 0):
    key = jax.random.key(seed)
    k1, k2, k3, k4, k5 = jax.random.split(key, 5)
    positions = jax.random.normal(k1, (N_NODES, 3), dtype=jnp.float32) * 3.0
    zidx = jax.random.randint(k2, (N_NODES,), 0, NZ)
    atomic_numbers = jnp.array(ZS, dtype=jnp.int32)[zidx]
    edge_index = jax.random.randint(k3, (2, N_EDGES), 0, N_NODES)
    shifts = jnp.zeros((N_EDGES, 3), dtype=jnp.float32)
    node_embedding_W = jax.random.normal(k4, (NZ, N_ATOM_BASIS), dtype=jnp.float32) / np.sqrt(NZ)
    radial_transform_W = jax.random.normal(k5, (MAX_L + 1, N_RBF, N_RBF), dtype=jnp.float32) / np.sqrt(N_RBF)
    return {
        'positions': positions,
        'atomic_numbers': atomic_numbers,
        'edge_index': edge_index,
        'shifts': shifts,
        'node_embedding_W': node_embedding_W,
        'radial_transform_W': radial_transform_W,
    }


def reference(positions, atomic_numbers, edge_index, shifts, node_embedding_W, radial_transform_W):
    n_nodes = positions.shape[0]
    zs = jnp.array(ZS, dtype=atomic_numbers.dtype)
    # NodeEncoder: one-hot over element list zs
    node_one_hot = (atomic_numbers[:, None] == zs[None, :]).astype(positions.dtype)
    # NodeEmbedding: linear one-hot -> n_atom_basis
    node_embedded = node_one_hot @ node_embedding_W  # [N, B]
    sender = edge_index[0]
    receiver = edge_index[1]
    # get_edge_node_type + EdgeEncoder (directed): outer product of sender/receiver embeddings
    emb_s = jnp.take(node_embedded, sender, axis=0)
    emb_r = jnp.take(node_embedded, receiver, axis=0)
    encoded_edges = (emb_s[:, :, None] * emb_r[:, None, :]).reshape(emb_s.shape[0], -1)  # [E, B*B]
    # get_edge_vectors_and_lengths (normalize=True)
    vec = jnp.take(positions, receiver, axis=0) - jnp.take(positions, sender, axis=0) + shifts
    d2 = jnp.sum(vec * vec, axis=-1, keepdims=True)
    lengths = jnp.sqrt(d2 + 1e-12)  # [E, 1]
    unit = vec / lengths
    # BesselRBF
    n = jnp.arange(1, N_RBF + 1, dtype=positions.dtype) * math.pi
    rbf = jnp.sqrt(2.0 / CUTOFF) * jnp.sin(n * lengths / CUTOFF) / lengths  # [E, R]
    # PolynomialCutoff p=6
    p = P_CUT
    r = lengths / CUTOFF
    fc = (1.0 - 0.5 * (p + 1.0) * (p + 2.0) * r ** p + p * (p + 2.0) * r ** (p + 1.0) - 0.5 * p * (p + 1.0) * r ** (p + 2.0))
    fc = fc * (lengths < CUTOFF).astype(positions.dtype)
    radial = rbf * fc  # [E, R]
    # AngularComponent: cartesian monomials x^lx y^ly z^lz for lx+ly+lz <= max_l
    ang = jnp.stack([unit[:, 0] ** lx * unit[:, 1] ** ly * unit[:, 2] ** lz for (lx, ly, lz) in LXLYLZ], axis=1)  # [E, A]
    # elementwise_multiply_3tensors
    edge_attri = radial[:, :, None, None] * ang[:, None, :, None] * encoded_edges[:, None, None, :]  # [E, R, A, C]
    # SharedRadialLinearTransform: radial mixing shared across angular terms with the same l
    W_per_a = radial_transform_W[jnp.asarray(L_OF)]  # [A, R, R]
    edge_attri = jnp.einsum('erac,ars->esac', edge_attri, W_per_a)
    # scatter_sum over receiver nodes
    node_feat_A = jax.ops.segment_sum(edge_attri, receiver, num_segments=n_nodes)  # [N, R, A, C]
    # Symmetrizer (max_nu=2): nu=1 is the l=0 channel; nu=2 are rotationally invariant squares
    feats = [node_feat_A[:, :, 0, :]]
    for l in range(1, MAX_L + 1):
        acc = jnp.zeros_like(node_feat_A[:, :, 0, :])
        for a, (lx, ly, lz) in enumerate(LXLYLZ):
            if lx + ly + lz == l:
                pref = math.factorial(l) / (math.factorial(lx) * math.factorial(ly) * math.factorial(lz))
                acc = acc + pref * node_feat_A[:, :, a, :] * node_feat_A[:, :, a, :]
        feats.append(acc)
    node_feat_B = jnp.stack(feats, axis=2)  # [N, R, 1+MAX_L, C]
    return node_feat_B

if __name__ == "__main__":
    import jax
    _d = setup_inputs()
    print(jax.jit(kernel)(*tuple(_d.values())))

</pallas_src>

<mosaic_0001>
#map = affine_map<(d0, d1) -> (0, 0)>
#map1 = affine_map<(d0, d1) -> (0, 0, 0)>
module attributes {stable_mosaic.version = 14 : i64} {
  func.func @_gather_body(%arg0: i32, %arg1: i32, %arg2: memref<10000x16xf32, #tpu.memory_space<hbm>>, %arg3: memref<2500x128xi32, #tpu.memory_space<hbm>>, %arg4: memref<2500x16x128xf32, #tpu.memory_space<hbm>>, %arg5: memref<128xi32, #tpu.memory_space<vmem>>, %arg6: memref<128xi32, #tpu.memory_space<vmem>>, %arg7: memref<128x16xf32, #tpu.memory_space<vmem>>, %arg8: memref<128x16xf32, #tpu.memory_space<vmem>>, %arg9: memref<16x128xf32, #tpu.memory_space<vmem>>, %arg10: memref<16x128xf32, #tpu.memory_space<vmem>>, %arg11: memref<!tpu.dma_semaphore, #tpu.memory_space<semaphore_mem>>, %arg12: memref<!tpu.dma_semaphore, #tpu.memory_space<semaphore_mem>>, %arg13: memref<!tpu.dma_semaphore, #tpu.memory_space<semaphore_mem>>, %arg14: memref<!tpu.dma_semaphore, #tpu.memory_space<semaphore_mem>>) attributes {dimension_semantics = [#tpu.dimension_semantics<core_parallel>, #tpu.dimension_semantics<subcore_parallel>], iteration_bounds = array<i64: 2, 16>, scalar_prefetch = 0 : i64, scratch_operands = 10 : i64, tpu.core_type = #tpu.core_type<sc_vector_subcore>, window_params = [{transform_indices = #map}, {transform_indices = #map}, {transform_indices = #map1}]} {
    %mul3A = arith.constant 2 : i32
    %mul3A_0 = arith.muli %arg1, %mul3A : i32
    %add3A = arith.addi %mul3A_0, %arg0 : i32
    %iota3A = tpu.iota {dimensions = array<i32: 0>} : vector<16xi32>
    %add3A_1 = arith.constant 0 : i32
    %add3A_2 = arith.addi %add3A, %add3A_1 : i32
    %lt3A = arith.constant 2500 : i32
    %lt3A_3 = arith.cmpi slt, %add3A_2, %lt3A : i32
    %convert_element_type3A = arith.extui %lt3A_3 : i1 to i32
    %cond3A = arith.constant 0 : i32
    %cond3A_4 = arith.cmpi ne, %convert_element_type3A, %cond3A : i32
    scf.if %cond3A_4 {
      "tpu.region"() ({
        %run_scoped3A = tpu.sem_alloc : memref<!tpu.dma_semaphore, #tpu.memory_space<semaphore_mem>>
        %dma_start3A_36 = arith.constant 0 : i32
        %dma_start3A_37 = tpu.memref_slice %arg3[%add3A_2, %dma_start3A_36] : memref<2500x128xi32, #tpu.memory_space<hbm>> -> memref<1x128xi32, #tpu.memory_space<hbm>>
        %dma_start3A_38 = tpu.memref_squeeze %dma_start3A_37 : memref<1x128xi32, #tpu.memory_space<hbm>> -> memref<128xi32, #tpu.memory_space<hbm>>
        %dma_start3A_39 = arith.constant 0 : i32
        %dma_start3A_40 = tpu.memref_slice %arg3[%add3A_2, %dma_start3A_39] : memref<2500x128xi32, #tpu.memory_space<hbm>> -> memref<1x128xi32, #tpu.memory_space<hbm>>
        %dma_start3A_41 = tpu.memref_squeeze %dma_start3A_40 : memref<1x128xi32, #tpu.memory_space<hbm>> -> memref<128xi32, #tpu.memory_space<hbm>>
        tpu.enqueue_dma source(%dma_start3A_41 : memref<128xi32, #tpu.memory_space<hbm>>) target(%arg5 : memref<128xi32, #tpu.memory_space<vmem>>) target_semaphore(%run_scoped3A : memref<!tpu.dma_semaphore, #tpu.memory_space<semaphore_mem>>)
        %dma_wait3A = arith.constant 0 : i32
        %dma_wait3A_42 = tpu.memref_slice %arg3[%add3A_2, %dma_wait3A] : memref<2500x128xi32, #tpu.memory_space<hbm>> -> memref<1x128xi32, #tpu.memory_space<hbm>>
        %dma_wait3A_43 = tpu.memref_squeeze %dma_wait3A_42 : memref<1x128xi32, #tpu.memory_space<hbm>> -> memref<128xi32, #tpu.memory_space<hbm>>
        %dma_wait3A_44 = arith.constant 0 : i32
        %dma_wait3A_45 = tpu.memref_slice %arg3[%add3A_2, %dma_wait3A_44] : memref<2500x128xi32, #tpu.memory_space<hbm>> -> memref<1x128xi32, #tpu.memory_space<hbm>>
        %dma_wait3A_46 = tpu.memref_squeeze %dma_wait3A_45 : memref<1x128xi32, #tpu.memory_space<hbm>> -> memref<128xi32, #tpu.memory_space<hbm>>
        tpu.wait_dma2 semaphore(%run_scoped3A : memref<!tpu.dma_semaphore, #tpu.memory_space<semaphore_mem>>) src(%dma_wait3A_46 : memref<128xi32, #tpu.memory_space<hbm>>) dst(%arg5 : memref<128xi32, #tpu.memory_space<vmem>>)
        tpu.yield
      }) : () -> ()
      %dma_start3A = arith.constant 0 : i32
      %dma_start3A_34 = arith.constant 0 : i32
      %dma_start3A_35 = tpu.memref_slice %arg2[%dma_start3A, %dma_start3A_34] : memref<10000x16xf32, #tpu.memory_space<hbm>> -> memref<10000x16xf32, #tpu.memory_space<hbm>>
      tpu.enqueue_indirect_dma source(%dma_start3A_35 : memref<10000x16xf32, #tpu.memory_space<hbm>>) target(%arg7 : memref<128x16xf32, #tpu.memory_space<vmem>>) offsets(%arg5 : memref<128xi32, #tpu.memory_space<vmem>>) semaphore(%arg11 : memref<!tpu.dma_semaphore, #tpu.memory_space<semaphore_mem>>)
    } else {
    }
    %add3A_5 = arith.constant 32 : i32
    %add3A_6 = arith.addi %add3A, %add3A_5 : i32
    %lt3A_7 = arith.constant 2500 : i32
    %lt3A_8 = arith.cmpi slt, %add3A_6, %lt3A_7 : i32
    %convert_element_type3A_9 = arith.extui %lt3A_8 : i1 to i32
    %cond3A_10 = arith.constant 0 : i32
    %cond3A_11 = arith.cmpi ne, %convert_element_type3A_9, %cond3A_10 : i32
    scf.if %cond3A_11 {
      "tpu.region"() ({
        %run_scoped3A = tpu.sem_alloc : memref<!tpu.dma_semaphore, #tpu.memory_space<semaphore_mem>>
        %dma_start3A_36 = arith.constant 0 : i32
        %dma_start3A_37 = tpu.memref_slice %arg3[%add3A_6, %dma_start3A_36] : memref<2500x128xi32, #tpu.memory_space<hbm>> -> memref<1x128xi32, #tpu.memory_space<hbm>>
        %dma_start3A_38 = tpu.memref_squeeze %dma_start3A_37 : memref<1x128xi32, #tpu.memory_space<hbm>> -> memref<128xi32, #tpu.memory_space<hbm>>
        %dma_start3A_39 = arith.constant 0 : i32
        %dma_start3A_40 = tpu.memref_slice %arg3[%add3A_6, %dma_start3A_39] : memref<2500x128xi32, #tpu.memory_space<hbm>> -> memref<1x128xi32, #tpu.memory_space<hbm>>
        %dma_start3A_41 = tpu.memref_squeeze %dma_start3A_40 : memref<1x128xi32, #tpu.memory_space<hbm>> -> memref<128xi32, #tpu.memory_space<hbm>>
        tpu.enqueue_dma source(%dma_start3A_41 : memref<128xi32, #tpu.memory_space<hbm>>) target(%arg6 : memref<128xi32, #tpu.memory_space<vmem>>) target_semaphore(%run_scoped3A : memref<!tpu.dma_semaphore, #tpu.memory_space<semaphore_mem>>)
        %dma_wait3A = arith.constant 0 : i32
        %dma_wait3A_42 = tpu.memref_slice %arg3[%add3A_6, %dma_wait3A] : memref<2500x128xi32, #tpu.memory_space<hbm>> -> memref<1x128xi32, #tpu.memory_space<hbm>>
        %dma_wait3A_43 = tpu.memref_squeeze %dma_wait3A_42 : memref<1x128xi32, #tpu.memory_space<hbm>> -> memref<128xi32, #tpu.memory_space<hbm>>
        %dma_wait3A_44 = arith.constant 0 : i32
        %dma_wait3A_45 = tpu.memref_slice %arg3[%add3A_6, %dma_wait3A_44] : memref<2500x128xi32, #tpu.memory_space<hbm>> -> memref<1x128xi32, #tpu.memory_space<hbm>>
        %dma_wait3A_46 = tpu.memref_squeeze %dma_wait3A_45 : memref<1x128xi32, #tpu.memory_space<hbm>> -> memref<128xi32, #tpu.memory_space<hbm>>
        tpu.wait_dma2 semaphore(%run_scoped3A : memref<!tpu.dma_semaphore, #tpu.memory_space<semaphore_mem>>) src(%dma_wait3A_46 : memref<128xi32, #tpu.memory_space<hbm>>) dst(%arg6 : memref<128xi32, #tpu.memory_space<vmem>>)
        tpu.yield
      }) : () -> ()
      %dma_start3A = arith.constant 0 : i32
      %dma_start3A_34 = arith.constant 0 : i32
      %dma_start3A_35 = tpu.memref_slice %arg2[%dma_start3A, %dma_start3A_34] : memref<10000x16xf32, #tpu.memory_space<hbm>> -> memref<10000x16xf32, #tpu.memory_space<hbm>>
      tpu.enqueue_indirect_dma source(%dma_start3A_35 : memref<10000x16xf32, #tpu.memory_space<hbm>>) target(%arg8 : memref<128x16xf32, #tpu.memory_space<vmem>>) offsets(%arg6 : memref<128xi32, #tpu.memory_space<vmem>>) semaphore(%arg12 : memref<!tpu.dma_semaphore, #tpu.memory_space<semaphore_mem>>)
    } else {
    }
    %scan3A = arith.constant 0 : i32
    %scan3A_12 = arith.constant 0 : i32
    %scan3A_13 = arith.constant 40 : i32
    %scan3A_14 = arith.addi %scan3A_12, %scan3A_13 : i32
    %scan3A_15 = arith.constant 1 : i32
    scf.for %scan3A_34 = %scan3A_12 to %scan3A_14 step %scan3A_15  : i32 {
      %mul3A_35 = arith.constant 2 : i32
      %mul3A_36 = arith.muli %mul3A_35, %scan3A_34 : i32
      %add3A_37 = arith.constant 0 : i32
      %add3A_38 = arith.addi %mul3A_36, %add3A_37 : i32
      %lt3A_39 = arith.constant 79 : i32
      %lt3A_40 = arith.cmpi slt, %add3A_38, %lt3A_39 : i32
      %mul3A_41 = arith.constant 32 : i32
      %mul3A_42 = arith.muli %mul3A_41, %add3A_38 : i32
      %add3A_43 = arith.addi %add3A, %mul3A_42 : i32
      %lt3A_44 = arith.constant 2500 : i32
      %lt3A_45 = arith.cmpi slt, %add3A_43, %lt3A_44 : i32
      %and3A_46 = arith.andi %lt3A_40, %lt3A_45 : i1
      %convert_element_type3A_47 = arith.extui %and3A_46 : i1 to i32
      %cond3A_48 = arith.constant 0 : i32
      %cond3A_49 = arith.cmpi ne, %convert_element_type3A_47, %cond3A_48 : i32
      scf.if %cond3A_49 {
        %dma_wait3A = arith.constant 0 : i32
        %dma_wait3A_125 = arith.constant 0 : i32
        %dma_wait3A_126 = tpu.memref_slice %arg2[%dma_wait3A, %dma_wait3A_125] : memref<10000x16xf32, #tpu.memory_space<hbm>> -> memref<10000x16xf32, #tpu.memory_space<hbm>>
        tpu.wait_indirect_dma semaphore(%arg11 : memref<!tpu.dma_semaphore, #tpu.memory_space<semaphore_mem>>) src(%dma_wait3A_126 : memref<10000x16xf32, #tpu.memory_space<hbm>>) dst(%arg7 : memref<128x16xf32, #tpu.memory_space<vmem>>)
      } else {
      }
      %sub3A = arith.constant 2 : i32
      %sub3A_50 = arith.subi %add3A_38, %sub3A : i32
      %ge3A = arith.constant 0 : i32
      %ge3A_51 = arith.cmpi sge, %sub3A_50, %ge3A : i32
      %mul3A_52 = arith.constant 32 : i32
      %mul3A_53 = arith.muli %mul3A_52, %sub3A_50 : i32
      %add3A_54 = arith.addi %add3A, %mul3A_53 : i32
      %lt3A_55 = arith.constant 2500 : i32
      %lt3A_56 = arith.cmpi slt, %add3A_54, %lt3A_55 : i32
      %and3A_57 = arith.andi %ge3A_51, %lt3A_56 : i1
      %convert_element_type3A_58 = arith.extui %and3A_57 : i1 to i32
      %cond3A_59 = arith.constant 0 : i32
      %cond3A_60 = arith.cmpi ne, %convert_element_type3A_58, %cond3A_59 : i32
      scf.if %cond3A_60 {
        %dma_wait3A = arith.constant 0 : i32
        %dma_wait3A_125 = arith.constant 0 : i32
        %dma_wait3A_126 = arith.constant 0 : i32
        %dma_wait3A_127 = tpu.memref_slice %arg4[%dma_wait3A, %dma_wait3A_125, %dma_wait3A_126] : memref<2500x16x128xf32, #tpu.memory_space<hbm>> -> memref<1x16x128xf32, #tpu.memory_space<hbm>>
        %dma_wait3A_128 = tpu.memref_squeeze %dma_wait3A_127 : memref<1x16x128xf32, #tpu.memory_space<hbm>> -> memref<16x128xf32, #tpu.memory_space<hbm>>
        %dma_wait3A_129 = arith.constant 0 : i32
        %dma_wait3A_130 = arith.constant 0 : i32
        %dma_wait3A_131 = tpu.memref_slice %arg4[%dma_wait3A, %dma_wait3A_129, %dma_wait3A_130] : memref<2500x16x128xf32, #tpu.memory_space<hbm>> -> memref<1x16x128xf32, #tpu.memory_space<hbm>>
        %dma_wait3A_132 = tpu.memref_squeeze %dma_wait3A_131 : memref<1x16x128xf32, #tpu.memory_space<hbm>> -> memref<16x128xf32, #tpu.memory_space<hbm>>
        tpu.wait_dma2 semaphore(%arg13 : memref<!tpu.dma_semaphore, #tpu.memory_space<semaphore_mem>>) src(%arg9 : memref<16x128xf32, #tpu.memory_space<vmem>>) dst(%dma_wait3A_132 : memref<16x128xf32, #tpu.memory_space<hbm>>)
      } else {
      }
      %mul3A_61 = arith.constant 32 : i32
      %mul3A_62 = arith.muli %mul3A_61, %add3A_38 : i32
      %add3A_63 = arith.addi %add3A, %mul3A_62 : i32
      %lt3A_64 = arith.constant 79 : i32
      %lt3A_65 = arith.cmpi slt, %add3A_38, %lt3A_64 : i32
      %lt3A_66 = arith.constant 2500 : i32
      %lt3A_67 = arith.cmpi slt, %add3A_63, %lt3A_66 : i32
      %and3A_68 = arith.andi %lt3A_65, %lt3A_67 : i1
      %convert_element_type3A_69 = arith.extui %and3A_68 : i1 to i32
      %cond3A_70 = arith.constant 0 : i32
      %cond3A_71 = arith.cmpi ne, %convert_element_type3A_69, %cond3A_70 : i32
      scf.if %cond3A_71 {
        %broadcast_in_dim3A = arith.constant 0 : i32
        %broadcast_in_dim3A_125 = vector.broadcast %broadcast_in_dim3A : i32 to vector<16xi32>
        %add3A_126 = arith.constant 0 : i32
        %add3A_127 = vector.broadcast %add3A_126 : i32 to vector<16xi32>
        %add3A_128 = arith.addi %iota3A, %add3A_127 : vector<16xi32>
        %gather3A = tpu.vector_load_idx %arg7[%add3A_128, %broadcast_in_dim3A_125] : memref<128x16xf32, #tpu.memory_space<vmem>>[vector<16xi32>, vector<16xi32>], vector<16xf32>,
        %swap3A = arith.constant 0 : i32
        %swap3A_129 = arith.index_cast %swap3A : i32 to index
        %swap3A_130 = arith.constant 0 : index
        %swap3A_131 = tpu.vector_load %arg9[%swap3A_129, %swap3A_130] {strides = array<i32>} : memref<16x128xf32, #tpu.memory_space<vmem>>, vector<16xf32>,
        tpu.vector_store %arg9[%swap3A_129, %swap3A_130], %gather3A {strides = array<i32>} : memref<16x128xf32, #tpu.memory_space<vmem>>, vector<16xf32>,
        %add3A_132 = arith.constant 16 : i32
        %add3A_133 = vector.broadcast %add3A_132 : i32 to vector<16xi32>
        %add3A_134 = arith.addi %iota3A, %add3A_133 : vector<16xi32>
        %gather3A_135 = tpu.vector_load_idx %arg7[%add3A_134, %broadcast_in_dim3A_125] : memref<128x16xf32, #tpu.memory_space<vmem>>[vector<16xi32>, vector<16xi32>], vector<16xf32>,
        %swap3A_136 = arith.constant 0 : i32
        %swap3A_137 = arith.index_cast %swap3A_136 : i32 to index
        %swap3A_138 = arith.constant 16 : index
        %swap3A_139 = tpu.vector_load %arg9[%swap3A_137, %swap3A_138] {strides = array<i32>} : memref<16x128xf32, #tpu.memory_space<vmem>>, vector<16xf32>,
        tpu.vector_store %arg9[%swap3A_137, %swap3A_138], %gather3A_135 {strides = array<i32>} : memref<16x128xf32, #tpu.memory_space<vmem>>, vector<16xf32>,
        %add3A_140 = arith.constant 32 : i32
        %add3A_141 = vector.broadcast %add3A_140 : i32 to vector<16xi32>
        %add3A_142 = arith.addi %iota3A, %add3A_141 : vector<16xi32>
        %gather3A_143 = tpu.vector_load_idx %arg7[%add3A_142, %broadcast_in_dim3A_125] : memref<128x16xf32, #tpu.memory_space<vmem>>[vector<16xi32>, vector<16xi32>], vector<16xf32>,
        %swap3A_144 = arith.constant 0 : i32
        %swap3A_145 = arith.index_cast %swap3A_144 : i32 to index
        %swap3A_146 = arith.constant 32 : index
        %swap3A_147 = tpu.vector_load %arg9[%swap3A_145, %swap3A_146] {strides = array<i32>} : memref<16x128xf32, #tpu.memory_space<vmem>>, vector<16xf32>,
        tpu.vector_store %arg9[%swap3A_145, %swap3A_146], %gather3A_143 {strides = array<i32>} : memref<16x128xf32, #tpu.memory_space<vmem>>, vector<16xf32>,
        %add3A_148 = arith.constant 48 : i32
        %add3A_149 = vector.broadcast %add3A_148 : i32 to vector<16xi32>
        %add3A_150 = arith.addi %iota3A, %add3A_149 : vector<16xi32>
        %gather3A_151 = tpu.vector_load_idx %arg7[%add3A_150, %broadcast_in_dim3A_125] : memref<128x16xf32, #tpu.memory_space<vmem>>[vector<16xi32>, vector<16xi32>], vector<16xf32>,
        %swap3A_152 = arith.constant 0 : i32
        %swap3A_153 = arith.index_cast %swap3A_152 : i32 to index
        %swap3A_154 = arith.constant 48 : index
        %swap3A_155 = tpu.vector_load %arg9[%swap3A_153, %swap3A_154] {strides = array<i32>} : memref<16x128xf32, #tpu.memory_space<vmem>>, vector<16xf32>,
        tpu.vector_store %arg9[%swap3A_153, %swap3A_154], %gather3A_151 {strides = array<i32>} : memref<16x128xf32, #tpu.memory_space<vmem>>, vector<16xf32>,
        %add3A_156 = arith.constant 64 : i32
        %add3A_157 = vector.broadcast %add3A_156 : i32 to vector<16xi32>
        %add3A_158 = arith.addi %iota3A, %add3A_157 : vector<16xi32>
        %gather3A_159 = tpu.vector_load_idx %arg7[%add3A_158, %broadcast_in_dim3A_125] : memref<128x16xf32, #tpu.memory_space<vmem>>[vector<16xi32>, vector<16xi32>], vector<16xf32>,
        %swap3A_160 = arith.constant 0 : i32
        %swap3A_161 = arith.index_cast %swap3A_160 : i32 to index
        %swap3A_162 = arith.constant 64 : index
        %swap3A_163 = tpu.vector_load %arg9[%swap3A_161, %swap3A_162] {strides = array<i32>} : memref<16x128xf32, #tpu.memory_space<vmem>>, vector<16xf32>,
        tpu.vector_store %arg9[%swap3A_161, %swap3A_162], %gather3A_159 {strides = array<i32>} : memref<16x128xf32, #tpu.memory_space<vmem>>, vector<16xf32>,
        %add3A_164 = arith.constant 80 : i32
        %add3A_165 = vector.broadcast %add3A_164 : i32 to vector<16xi32>
        %add3A_166 = arith.addi %iota3A, %add3A_165 : vector<16xi32>
        %gather3A_167 = tpu.vector_load_idx %arg7[%add3A_166, %broadcast_in_dim3A_125] : memref<128x16xf32, #tpu.memory_space<vmem>>[vector<16xi32>, vector<16xi32>], vector<16xf32>,
        %swap3A_168 = arith.constant 0 : i32
        %swap3A_169 = arith.index_cast %swap3A_168 : i32 to index
        %swap3A_170 = arith.constant 80 : index
        %swap3A_171 = tpu.vector_load %arg9[%swap3A_169, %swap3A_170] {strides = array<i32>} : memref<16x128xf32, #tpu.memory_space<vmem>>, vector<16xf32>,
        tpu.vector_store %arg9[%swap3A_169, %swap3A_170], %gather3A_167 {strides = array<i32>} : memref<16x128xf32, #tpu.memory_space<vmem>>, vector<16xf32>,
        %add3A_172 = arith.constant 96 : i32
        %add3A_173 = vector.broadcast %add3A_172 : i32 to vector<16xi32>
        %add3A_174 = arith.addi %iota3A, %add3A_173 : vector<16xi32>
        %gather3A_175 = tpu.vector_load_idx %arg7[%add3A_174, %broadcast_in_dim3A_125] : memref<128x16xf32, #tpu.memory_space<vmem>>[vector<16xi32>, vector<16xi32>], vector<16xf32>,
        %swap3A_176 = arith.constant 0 : i32
        %swap3A_177 = arith.index_cast %swap3A_176 : i32 to index
        %swap3A_178 = arith.constant 96 : index
        %swap3A_179 = tpu.vector_load %arg9[%swap3A_177, %swap3A_178] {strides = array<i32>} : memref<16x128xf32, #tpu.memory_space<vmem>>, vector<16xf32>,
        tpu.vector_store %arg9[%swap3A_177, %swap3A_178], %gather3A_175 {strides = array<i32>} : memref<16x128xf32, #tpu.memory_space<vmem>>, vector<16xf32>,
        %add3A_180 = arith.constant 112 : i32
        %add3A_181 = vector.broadcast %add3A_180 : i32 to vector<16xi32>
        %add3A_182 = arith.addi %iota3A, %add3A_181 : vector<16xi32>
        %gather3A_183 = tpu.vector_load_idx %arg7[%add3A_182, %broadcast_in_dim3A_125] : memref<128x16xf32, #tpu.memory_space<vmem>>[vector<16xi32>, vector<16xi32>], vector<16xf32>,
        %swap3A_184 = arith.constant 0 : i32
        %swap3A_185 = arith.index_cast %swap3A_184 : i32 to index
        %swap3A_186 = arith.constant 112 : index
        %swap3A_187 = tpu.vector_load %arg9[%swap3A_185, %swap3A_186] {strides = array<i32>} : memref<16x128xf32, #tpu.memory_space<vmem>>, vector<16xf32>,
        tpu.vector_store %arg9[%swap3A_185, %swap3A_186], %gather3A_183 {strides = array<i32>} : memref<16x128xf32, #tpu.memory_space<vmem>>, vector<16xf32>,
        %broadcast_in_dim3A_188 = arith.constant 1 : i32
        %broadcast_in_dim3A_189 = vector.broadcast %broadcast_in_dim3A_188 : i32 to vector<16xi32>
        %add3A_190 = arith.constant 0 : i32
        %add3A_191 = vector.broadcast %add3A_190 : i32 to vector<16xi32>
        %add3A_192 = arith.addi %iota3A, %add3A_191 : vector<16xi32>
        %gather3A_193 = tpu.vector_load_idx %arg7[%add3A_192, %broadcast_in_dim3A_189] : memref<128x16xf32, #tpu.memory_space<vmem>>[vector<16xi32>, vector<16xi32>], vector<16xf32>,
        %swap3A_194 = arith.constant 1 : i32
        %swap3A_195 = arith.index_cast %swap3A_194 : i32 to index
        %swap3A_196 = arith.constant 0 : index
        %swap3A_197 = tpu.vector_load %arg9[%swap3A_195, %swap3A_196] {strides = array<i32>} : memref<16x128xf32, #tpu.memory_space<vmem>>, vector<16xf32>,
        tpu.vector_store %arg9[%swap3A_195, %swap3A_196], %gather3A_193 {strides = array<i32>} : memref<16x128xf32, #tpu.memory_space<vmem>>, vector<16xf32>,
        %add3A_198 = arith.constant 16 : i32
        %add3A_199 = vector.broadcast %add3A_198 : i32 to vector<16xi32>
        %add3A_200 = arith.addi %iota3A, %add3A_199 : vector<16xi32>
        %gather3A_201 = tpu.vector_load_idx %arg7[%add3A_200, %broadcast_in_dim3A_189] : memref<128x16xf32, #tpu.memory_space<vmem>>[vector<16xi32>, vector<16xi32>], vector<16xf32>,
        %swap3A_202 = arith.constant 1 : i32
        %swap3A_203 = arith.index_cast %swap3A_202 : i32 to index
        %swap3A_204 = arith.constant 16 : index
        %swap3A_205 = tpu.vector_load %arg9[%swap3A_203, %swap3A_204] {strides = array<i32>} : memref<16x128xf32, #tpu.memory_space<vmem>>, vector<16xf32>,
        tpu.vector_store %arg9[%swap3A_203, %swap3A_204], %gather3A_201 {strides = array<i32>} : memref<16x128xf32, #tpu.memory_space<vmem>>, vector<16xf32>,
        %add3A_206 = arith.constant 32 : i32
        %add3A_207 = vector.broadcast %add3A_206 : i32 to vector<16xi32>
        %add3A_208 = arith.addi %iota3A, %add3A_207 : vector<16xi32>
        %gather3A_209 = tpu.vector_load_idx %arg7[%add3A_208, %broadcast_in_dim3A_189] : memref<128x16xf32, #tpu.memory_space<vmem>>[vector<16xi32>, vector<16xi32>], vector<16xf32>,
        %swap3A_210 = arith.constant 1 : i32
        %swap3A_211 = arith.index_cast %swap3A_210 : i32 to index
        %swap3A_212 = arith.constant 32 : index
        %swap3A_213 = tpu.vector_load %arg9[%swap3A_211, %swap3A_212] {strides = array<i32>} : memref<16x128xf32, #tpu.memory_space<vmem>>, vector<16xf32>,
        tpu.vector_store %arg9[%swap3A_211, %swap3A_212], %gather3A_209 {strides = array<i32>} : memref<16x128xf32, #tpu.memory_space<vmem>>, vector<16xf32>,
        %add3A_214 = arith.constant 48 : i32
        %add3A_215 = vector.broadcast %add3A_214 : i32 to vector<16xi32>
        %add3A_216 = arith.addi %iota3A, %add3A_215 : vector<16xi32>
        %gather3A_217 = tpu.vector_load_idx %arg7[%add3A_216, %broadcast_in_dim3A_189] : memref<128x16xf32, #tpu.memory_space<vmem>>[vector<16xi32>, vector<16xi32>], vector<16xf32>,
        %swap3A_218 = arith.constant 1 : i32
        %swap3A_219 = arith.index_cast %swap3A_218 : i32 to index
        %swap3A_220 = arith.constant 48 : index
        %swap3A_221 = tpu.vector_load %arg9[%swap3A_219, %swap3A_220] {strides = array<i32>} : memref<16x128xf32, #tpu.memory_space<vmem>>, vector<16xf32>,
        tpu.vector_store %arg9[%swap3A_219, %swap3A_220], %gather3A_217 {strides = array<i32>} : memref<16x128xf32, #tpu.memory_space<vmem>>, vector<16xf32>,
        %add3A_222 = arith.constant 64 : i32
        %add3A_223 = vector.broadcast %add3A_222 : i32 to vector<16xi32>
        %add3A_224 = arith.addi %iota3A, %add3A_223 : vector<16xi32>
        %gather3A_225 = tpu.vector_load_idx %arg7[%add3A_224, %broadcast_in_dim3A_189] : memref<128x16xf32, #tpu.memory_space<vmem>>[vector<16xi32>, vector<16xi32>], vector<16xf32>,
        %swap3A_226 = arith.constant 1 : i32
        %swap3A_227 = arith.index_cast %swap3A_226 : i32 to index
        %swap3A_228 = arith.constant 64 : index
        %swap3A_229 = tpu.vector_load %arg9[%swap3A_227, %swap3A_228] {strides = array<i32>} : memref<16x128xf32, #tpu.memory_space<vmem>>, vector<16xf32>,
        tpu.vector_store %arg9[%swap3A_227, %swap3A_228], %gather3A_225 {strides = array<i32>} : memref<16x128xf32, #tpu.memory_space<vmem>>, vector<16xf32>,
        %add3A_230 = arith.constant 80 : i32
        %add3A_231 = vector.broadcast %add3A_230 : i32 to vector<16xi32>
        %add3A_232 = arith.addi %iota3A, %add3A_231 : vector<16xi32>
        %gather3A_233 = tpu.vector_load_idx %arg7[%add3A_232, %broadcast_in_dim3A_189] : memref<128x16xf32, #tpu.memory_space<vmem>>[vector<16xi32>, vector<16xi32>], vector<16xf32>,
        %swap3A_234 = arith.constant 1 : i32
        %swap3A_235 = arith.index_cast %swap3A_234 : i32 to index
        %swap3A_236 = arith.constant 80 : index
        %swap3A_237 = tpu.vector_load %arg9[%swap3A_235, %swap3A_236] {strides = array<i32>} : memref<16x128xf32, #tpu.memory_space<vmem>>, vector<16xf32>,
        tpu.vector_store %arg9[%swap3A_235, %swap3A_236], %gather3A_233 {strides = array<i32>} : memref<16x128xf32, #tpu.memory_space<vmem>>, vector<16xf32>,
        %add3A_238 = arith.constant 96 : i32
        %add3A_239 = vector.broadcast %add3A_238 : i32 to vector<16xi32>
        %add3A_240 = arith.addi %iota3A, %add3A_239 : vector<16xi32>
        %gather3A_241 = tpu.vector_load_idx %arg7[%add3A_240, %broadcast_in_dim3A_189] : memref<128x16xf32, #tpu.memory_space<vmem>>[vector<16xi32>, vector<16xi32>], vector<16xf32>,
        %swap3A_242 = arith.constant 1 : i32
        %swap3A_243 = arith.index_cast %swap3A_242 : i32 to index
        %swap3A_244 = arith.constant 96 : index
        %swap3A_245 = tpu.vector_load %arg9[%swap3A_243, %swap3A_244] {strides = array<i32>} : memref<16x128xf32, #tpu.memory_space<vmem>>, vector<16xf32>,
        tpu.vector_store %arg9[%swap3A_243, %swap3A_244], %gather3A_241 {strides = array<i32>} : memref<16x128xf32, #tpu.memory_space<vmem>>, vector<16xf32>,
        %add3A_246 = arith.constant 112 : i32
        %add3A_247 = vector.broadcast %add3A_246 : i32 to vector<16xi32>
        %add3A_248 = arith.addi %iota3A, %add3A_247 : vector<16xi32>
        %gather3A_249 = tpu.vector_load_idx %arg7[%add3A_248, %broadcast_in_dim3A_189] : memref<128x16xf32, #tpu.memory_space<vmem>>[vector<16xi32>, vector<16xi32>], vector<16xf32>,
        %swap3A_250 = arith.constant 1 : i32
        %swap3A_251 = arith.index_cast %swap3A_250 : i32 to index
        %swap3A_252 = arith.constant 112 : index
        %swap3A_253 = tpu.vector_load %arg9[%swap3A_251, %swap3A_252] {strides = array<i32>} : memref<16x128xf32, #tpu.memory_space<vmem>>, vector<16xf32>,
        tpu.vector_store %arg9[%swap3A_251, %swap3A_252], %gather3A_249 {strides = array<i32>} : memref<16x128xf32, #tpu.memory_space<vmem>>, vector<16xf32>,
        %broadcast_in_dim3A_254 = arith.constant 2 : i32
        %broadcast_in_dim3A_255 = vector.broadcast %broadcast_in_dim3A_254 : i32 to vector<16xi32>
        %add3A_256 = arith.constant 0 : i32
        %add3A_257 = vector.broadcast %add3A_256 : i32 to vector<16xi32>
        %add3A_258 = arith.addi %iota3A, %add3A_257 : vector<16xi32>
        %gather3A_259 = tpu.vector_load_idx %arg7[%add3A_258, %broadcast_in_dim3A_255] : memref<128x16xf32, #tpu.memory_space<vmem>>[vector<16xi32>, vector<16xi32>], vector<16xf32>,
        %swap3A_260 = arith.constant 2 : i32
        %swap3A_261 = arith.index_cast %swap3A_260 : i32 to index
        %swap3A_262 = arith.constant 0 : index
        %swap3A_263 = tpu.vector_load %arg9[%swap3A_261, %swap3A_262] {strides = array<i32>} : memref<16x128xf32, #tpu.memory_space<vmem>>, vector<16xf32>,
        tpu.vector_store %arg9[%swap3A_261, %swap3A_262], %gather3A_259 {strides = array<i32>} : memref<16x128xf32, #tpu.memory_space<vmem>>, vector<16xf32>,
        %add3A_264 = arith.constant 16 : i32
        %add3A_265 = vector.broadcast %add3A_264 : i32 to vector<16xi32>
        %add3A_266 = arith.addi %iota3A, %add3A_265 : vector<16xi32>
        %gather3A_267 = tpu.vector_load_idx %arg7[%add3A_266, %broadcast_in_dim3A_255] : memref<128x16xf32, #tpu.memory_space<vmem>>[vector<16xi32>, vector<16xi32>], vector<16xf32>,
        %swap3A_268 = arith.constant 2 : i32
        %swap3A_269 = arith.index_cast %swap3A_268 : i32 to index
        %swap3A_270 = arith.constant 16 : index
        %swap3A_271 = tpu.vector_load %arg9[%swap3A_269, %swap3A_270] {strides = array<i32>} : memref<16x128xf32, #tpu.memory_space<vmem>>, vector<16xf32>,
        tpu.vector_store %arg9[%swap3A_269, %swap3A_270], %gather3A_267 {strides = array<i32>} : memref<16x128xf32, #tpu.memory_space<vmem>>, vector<16xf32>,
        %add3A_272 = arith.constant 32 : i32
        %add3A_273 = vector.broadcast %add3A_272 : i32 to vector<16xi32>
        %add3A_274 = arith.addi %iota3A, %add3A_273 : vector<16xi32>
        %gather3A_275 = tpu.vector_load_idx %arg7[%add3A_274, %broadcast_in_dim3A_255] : memref<128x16xf32, #tpu.memory_space<vmem>>[vector<16xi32>, vector<16xi32>], vector<16xf32>,
        %swap3A_276 = arith.constant 2 : i32
        %swap3A_277 = arith.index_cast %swap3A_276 : i32 to index
        %swap3A_278 = arith.constant 32 : index
        %swap3A_279 = tpu.vector_load %arg9[%swap3A_277, %swap3A_278] {strides = array<i32>} : memref<16x128xf32, #tpu.memory_space<vmem>>, vector<16xf32>,
        tpu.vector_store %arg9[%swap3A_277, %swap3A_278], %gather3A_275 {strides = array<i32>} : memref<16x128xf32, #tpu.memory_space<vmem>>, vector<16xf32>,
        %add3A_280 = arith.constant 48 : i32
        %add3A_281 = vector.broadcast %add3A_280 : i32 to vector<16xi32>
        %add3A_282 = arith.addi %iota3A, %add3A_281 : vector<16xi32>
        %gather3A_283 = tpu.vector_load_idx %arg7[%add3A_282, %broadcast_in_dim3A_255] : memref<128x16xf32, #tpu.memory_space<vmem>>[vector<16xi32>, vector<16xi32>], vector<16xf32>,
        %swap3A_284 = arith.constant 2 : i32
        %swap3A_285 = arith.index_cast %swap3A_284 : i32 to index
        %swap3A_286 = arith.constant 48 : index
        %swap3A_287 = tpu.vector_load %arg9[%swap3A_285, %swap3A_286] {strides = array<i32>} : memref<16x128xf32, #tpu.memory_space<vmem>>, vector<16xf32>,
        tpu.vector_store %arg9[%swap3A_285, %swap3A_286], %gather3A_283 {strides = array<i32>} : memref<16x128xf32, #tpu.memory_space<vmem>>, vector<16xf32>,
        %add3A_288 = arith.constant 64 : i32
        %add3A_289 = vector.broadcast %add3A_288 : i32 to vector<16xi32>
        %add3A_290 = arith.addi %iota3A, %add3A_289 : vector<16xi32>
        %gather3A_291 = tpu.vector_load_idx %arg7[%add3A_290, %broadcast_in_dim3A_255] : memref<128x16xf32, #tpu.memory_space<vmem>>[vector<16xi32>, vector<16xi32>], vector<16xf32>,
        %swap3A_292 = arith.constant 2 : i32
        %swap3A_293 = arith.index_cast %swap3A_292 : i32 to index
        %swap3A_294 = arith.constant 64 : index
        %swap3A_295 = tpu.vector_load %arg9[%swap3A_293, %swap3A_294] {strides = array<i32>} : memref<16x128xf32, #tpu.memory_space<vmem>>, vector<16xf32>,
        tpu.vector_store %arg9[%swap3A_293, %swap3A_294], %gather3A_291 {strides = array<i32>} : memref<16x128xf32, #tpu.memory_space<vmem>>, vector<16xf32>,
        %add3A_296 = arith.constant 80 : i32
        %add3A_297 = vector.broadcast %add3A_296 : i32 to vector<16xi32>
        %add3A_298 = arith.addi %iota3A, %add3A_297 : vector<16xi32>
        %gather3A_299 = tpu.vector_load_idx %arg7[%add3A_298, %broadcast_in_dim3A_255] : memref<128x16xf32, #tpu.memory_space<vmem>>[vector<16xi32>, vector<16xi32>], vector<16xf32>,
        %swap3A_300 = arith.constant 2 : i32
        %swap3A_301 = arith.index_cast %swap3A_300 : i32 to index
        %swap3A_302 = arith.constant 80 : index
        %swap3A_303 = tpu.vector_load %arg9[%swap3A_301, %swap3A_302] {strides = array<i32>} : memref<16x128xf32, #tpu.memory_space<vmem>>, vector<16xf32>,
        tpu.vector_store %arg9[%swap3A_301, %swap3A_302], %gather3A_299 {strides = array<i32>} : memref<16x128xf32, #tpu.memory_space<vmem>>, vector<16xf32>,
        %add3A_304 = arith.constant 96 : i32
        %add3A_305 = vector.broadcast %add3A_304 : i32 to vector<16xi32>
        %add3A_306 = arith.addi %iota3A, %add3A_305 : vector<16xi32>
        %gather3A_307 = tpu.vector_load_idx %arg7[%add3A_306, %broadcast_in_dim3A_255] : memref<128x16xf32, #tpu.memory_space<vmem>>[vector<16xi32>, vector<16xi32>], vector<16xf32>,
        %swap3A_308 = arith.constant 2 : i32
        %swap3A_309 = arith.index_cast %swap3A_308 : i32 to index
        %swap3A_310 = arith.constant 96 : index
        %swap3A_311 = tpu.vector_load %arg9[%swap3A_309, %swap3A_310] {strides = array<i32>} : memref<16x128xf32, #tpu.memory_space<vmem>>, vector<16xf32>,
        tpu.vector_store %arg9[%swap3A_309, %swap3A_310], %gather3A_307 {strides = array<i32>} : memref<16x128xf32, #tpu.memory_space<vmem>>, vector<16xf32>,
        %add3A_312 = arith.constant 112 : i32
        %add3A_313 = vector.broadcast %add3A_312 : i32 to vector<16xi32>
        %add3A_314 = arith.addi %iota3A, %add3A_313 : vector<16xi32>
        %gather3A_315 = tpu.vector_load_idx %arg7[%add3A_314, %broadcast_in_dim3A_255] : memref<128x16xf32, #tpu.memory_space<vmem>>[vector<16xi32>, vector<16xi32>], vector<16xf32>,
        %swap3A_316 = arith.constant 2 : i32
        %swap3A_317 = arith.index_cast %swap3A_316 : i32 to index
        %swap3A_318 = arith.constant 112 : index
        %swap3A_319 = tpu.vector_load %arg9[%swap3A_317, %swap3A_318] {strides = array<i32>} : memref<16x128xf32, #tpu.memory_space<vmem>>, vector<16xf32>,
        tpu.vector_store %arg9[%swap3A_317, %swap3A_318], %gather3A_315 {strides = array<i32>} : memref<16x128xf32, #tpu.memory_space<vmem>>, vector<16xf32>,
        %broadcast_in_dim3A_320 = arith.constant 3 : i32
        %broadcast_in_dim3A_321 = vector.broadcast %broadcast_in_dim3A_320 : i32 to vector<16xi32>
        %add3A_322 = arith.constant 0 : i32
        %add3A_323 = vector.broadcast %add3A_322 : i32 to vector<16xi32>
        %add3A_324 = arith.addi %iota3A, %add3A_323 : vector<16xi32>
        %gather3A_325 = tpu.vector_load_idx %arg7[%add3A_324, %broadcast_in_dim3A_321] : memref<128x16xf32, #tpu.memory_space<vmem>>[vector<16xi32>, vector<16xi32>], vector<16xf32>,
        %swap3A_326 = arith.constant 3 : i32
        %swap3A_327 = arith.index_cast %swap3A_326 : i32 to index
        %swap3A_328 = arith.constant 0 : index
        %swap3A_329 = tpu.vector_load %arg9[%swap3A_327, %swap3A_328] {strides = array<i32>} : memref<16x128xf32, #tpu.memory_space<vmem>>, vector<16xf32>,
        tpu.vector_store %arg9[%swap3A_327, %swap3A_328], %gather3A_325 {strides = array<i32>} : memref<16x128xf32, #tpu.memory_space<vmem>>, vector<16xf32>,
        %add3A_330 = arith.constant 16 : i32
        %add3A_331 = vector.broadcast %add3A_330 : i32 to vector<16xi32>
        %add3A_332 = arith.addi %iota3A, %add3A_331 : vector<16xi32>
        %gather3A_333 = tpu.vector_load_idx %arg7[%add3A_332, %broadcast_in_dim3A_321] : memref<128x16xf32, #tpu.memory_space<vmem>>[vector<16xi32>, vector<16xi32>], vector<16xf32>,
        %swap3A_334 = arith.constant 3 : i32
        %swap3A_335 = arith.index_cast %swap3A_334 : i32 to index
        %swap3A_336 = arith.constant 16 : index
        %swap3A_337 = tpu.vector_load %arg9[%swap3A_335, %swap3A_336] {strides = array<i32>} : memref<16x128xf32, #tpu.memory_space<vmem>>, vector<16xf32>,
        tpu.vector_store %arg9[%swap3A_335, %swap3A_336], %gather3A_333 {strides = array<i32>} : memref<16x128xf32, #tpu.memory_space<vmem>>, vector<16xf32>,
        %add3A_338 = arith.constant 32 : i32
        %add3A_339 = vector.broadcast %add3A_338 : i32 to vector<16xi32>
        %add3A_340 = arith.addi %iota3A, %add3A_339 : vector<16xi32>
        %gather3A_341 = tpu.vector_load_idx %arg7[%add3A_340, %broadcast_in_dim3A_321] : memref<128x16xf32, #tpu.memory_space<vmem>>[vector<16xi32>, vector<16xi32>], vector<16xf32>,
        %swap3A_342 = arith.constant 3 : i32
        %swap3A_343 = arith.index_cast %swap3A_342 : i32 to index
        %swap3A_344 = arith.constant 32 : index
        %swap3A_345 = tpu.vector_load %arg9[%swap3A_343, %swap3A_344] {strides = array<i32>} : memref<16x128xf32, #tpu.memory_space<vmem>>, vector<16xf32>,
        tpu.vector_store %arg9[%swap3A_343, %swap3A_344], %gather3A_341 {strides = array<i32>} : memref<16x128xf32, #tpu.memory_space<vmem>>, vector<16xf32>,
        %add3A_346 = arith.constant 48 : i32
        %add3A_347 = vector.broadcast %add3A_346 : i32 to vector<16xi32>
        %add3A_348 = arith.addi %iota3A, %add3A_347 : vector<16xi32>
        %gather3A_349 = tpu.vector_load_idx %arg7[%add3A_348, %broadcast_in_dim3A_321] : memref<128x16xf32, #tpu.memory_space<vmem>>[vector<16xi32>, vector<16xi32>], vector<16xf32>,
        %swap3A_350 = arith.constant 3 : i32
        %swap3A_351 = arith.index_cast %swap3A_350 : i32 to index
        %swap3A_352 = arith.constant 48 : index
        %swap3A_353 = tpu.vector_load %arg9[%swap3A_351, %swap3A_352] {strides = array<i32>} : memref<16x128xf32, #tpu.memory_space<vmem>>, vector<16xf32>,
        tpu.vector_store %arg9[%swap3A_351, %swap3A_352], %gather3A_349 {strides = array<i32>} : memref<16x128xf32, #tpu.memory_space<vmem>>, vector<16xf32>,
        %add3A_354 = arith.constant 64 : i32
        %add3A_355 = vector.broadcast %add3A_354 : i32 to vector<16xi32>
        %add3A_356 = arith.addi %iota3A, %add3A_355 : vector<16xi32>
        %gather3A_357 = tpu.vector_load_idx %arg7[%add3A_356, %broadcast_in_dim3A_321] : memref<128x16xf32, #tpu.memory_space<vmem>>[vector<16xi32>, vector<16xi32>], vector<16xf32>,
        %swap3A_358 = arith.constant 3 : i32
        %swap3A_359 = arith.index_cast %swap3A_358 : i32 to index
        %swap3A_360 = arith.constant 64 : index
        %swap3A_361 = tpu.vector_load %arg9[%swap3A_359, %swap3A_360] {strides = array<i32>} : memref<16x128xf32, #tpu.memory_space<vmem>>, vector<16xf32>,
        tpu.vector_store %arg9[%swap3A_359, %swap3A_360], %gather3A_357 {strides = array<i32>} : memref<16x128xf32, #tpu.memory_space<vmem>>, vector<16xf32>,
        %add3A_362 = arith.constant 80 : i32
        %add3A_363 = vector.broadcast %add3A_362 : i32 to vector<16xi32>
        %add3A_364 = arith.addi %iota3A, %add3A_363 : vector<16xi32>
        %gather3A_365 = tpu.vector_load_idx %arg7[%add3A_364, %broadcast_in_dim3A_321] : memref<128x16xf32, #tpu.memory_space<vmem>>[vector<16xi32>, vector<16xi32>], vector<16xf32>,
        %swap3A_366 = arith.constant 3 : i32
        %swap3A_367 = arith.index_cast %swap3A_366 : i32 to index
        %swap3A_368 = arith.constant 80 : index
        %swap3A_369 = tpu.vector_load %arg9[%swap3A_367, %swap3A_368] {strides = array<i32>} : memref<16x128xf32, #tpu.memory_space<vmem>>, vector<16xf32>,
        tpu.vector_store %arg9[%swap3A_367, %swap3A_368], %gather3A_365 {strides = array<i32>} : memref<16x128xf32, #tpu.memory_space<vmem>>, vector<16xf32>,
        %add3A_370 = arith.constant 96 : i32
        %add3A_371 = vector.broadcast %add3A_370 : i32 to vector<16xi32>
        %add3A_372 = arith.addi %iota3A, %add3A_371 : vector<16xi32>
        %gather3A_373 = tpu.vector_load_idx %arg7[%add3A_372, %broadcast_in_dim3A_321] : memref<128x16xf32, #tpu.memory_space<vmem>>[vector<16xi32>, vector<16xi32>], vector<16xf32>,
        %swap3A_374 = arith.constant 3 : i32
        %swap3A_375 = arith.index_cast %swap3A_374 : i32 to index
        %swap3A_376 = arith.constant 96 : index
        %swap3A_377 = tpu.vector_load %arg9[%swap3A_375, %swap3A_376] {strides = array<i32>} : memref<16x128xf32, #tpu.memory_space<vmem>>, vector<16xf32>,
        tpu.vector_store %arg9[%swap3A_375, %swap3A_376], %gather3A_373 {strides = array<i32>} : memref<16x128xf32, #tpu.memory_space<vmem>>, vector<16xf32>,
        %add3A_378 = arith.constant 112 : i32
        %add3A_379 = vector.broadcast %add3A_378 : i32 to vector<16xi32>
        %add3A_380 = arith.addi %iota3A, %add3A_379 : vector<16xi32>
        %gather3A_381 = tpu.vector_load_idx %arg7[%add3A_380, %broadcast_in_dim3A_321] : memref<128x16xf32, #tpu.memory_space<vmem>>[vector<16xi32>, vector<16xi32>], vector<16xf32>,
        %swap3A_382 = arith.constant 3 : i32
        %swap3A_383 = arith.index_cast %swap3A_382 : i32 to index
        %swap3A_384 = arith.constant 112 : index
        %swap3A_385 = tpu.vector_load %arg9[%swap3A_383, %swap3A_384] {strides = array<i32>} : memref<16x128xf32, #tpu.memory_space<vmem>>, vector<16xf32>,
        tpu.vector_store %arg9[%swap3A_383, %swap3A_384], %gather3A_381 {strides = array<i32>} : memref<16x128xf32, #tpu.memory_space<vmem>>, vector<16xf32>,
        %broadcast_in_dim3A_386 = arith.constant 4 : i32
        %broadcast_in_dim3A_387 = vector.broadcast %broadcast_in_dim3A_386 : i32 to vector<16xi32>
        %add3A_388 = arith.constant 0 : i32
        %add3A_389 = vector.broadcast %add3A_388 : i32 to vector<16xi32>
        %add3A_390 = arith.addi %iota3A, %add3A_389 : vector<16xi32>
        %gather3A_391 = tpu.vector_load_idx %arg7[%add3A_390, %broadcast_in_dim3A_387] : memref<128x16xf32, #tpu.memory_space<vmem>>[vector<16xi32>, vector<16xi32>], vector<16xf32>,
        %swap3A_392 = arith.constant 4 : i32
        %swap3A_393 = arith.index_cast %swap3A_392 : i32 to index
        %swap3A_394 = arith.constant 0 : index
        %swap3A_395 = tpu.vector_load %arg9[%swap3A_393, %swap3A_394] {strides = array<i32>} : memref<16x128xf32, #tpu.memory_space<vmem>>, vector<16xf32>,
        tpu.vector_store %arg9[%swap3A_393, %swap3A_394], %gather3A_391 {strides = array<i32>} : memref<16x128xf32, #tpu.memory_space<vmem>>, vector<16xf32>,
        %add3A_396 = arith.constant 16 : i32
        %add3A_397 = vector.broadcast %add3A_396 : i32 to vector<16xi32>
        %add3A_398 = arith.addi %iota3A, %add3A_397 : vector<16xi32>
        %gather3A_399 = tpu.vector_load_idx %arg7[%add3A_398, %broadcast_in_dim3A_387] : memref<128x16xf32, #tpu.memory_space<vmem>>[vector<16xi32>, vector<16xi32>], vector<16xf32>,
        %swap3A_400 = arith.constant 4 : i32
        %swap3A_401 = arith.index_cast %swap3A_400 : i32 to index
        %swap3A_402 = arith.constant 16 : index
        %swap3A_403 = tpu.vector_load %arg9[%swap3A_401, %swap3A_402] {strides = array<i32>} : memref<16x128xf32, #tpu.memory_space<vmem>>, vector<16xf32>,
        tpu.vector_store %arg9[%swap3A_401, %swap3A_402], %gather3A_399 {strides = array<i32>} : memref<16x128xf32, #tpu.memory_space<vmem>>, vector<16xf32>,
        %add3A_404 = arith.constant 32 : i32
        %add3A_405 = vector.broadcast %add3A_404 : i32 to vector<16xi32>
        %add3A_406 = arith.addi %iota3A, %add3A_405 : vector<16xi32>
        %gather3A_407 = tpu.vector_load_idx %arg7[%add3A_406, %broadcast_in_dim3A_387] : memref<128x16xf32, #tpu.memory_space<vmem>>[vector<16xi32>, vector<16xi32>], vector<16xf32>,
        %swap3A_408 = arith.constant 4 : i32
        %swap3A_409 = arith.index_cast %swap3A_408 : i32 to index
        %swap3A_410 = arith.constant 32 : index
        %swap3A_411 = tpu.vector_load %arg9[%swap3A_409, %swap3A_410] {strides = array<i32>} : memref<16x128xf32, #tpu.memory_space<vmem>>, vector<16xf32>,
        tpu.vector_store %arg9[%swap3A_409, %swap3A_410], %gather3A_407 {strides = array<i32>} : memref<16x128xf32, #tpu.memory_space<vmem>>, vector<16xf32>,
        %add3A_412 = arith.constant 48 : i32
        %add3A_413 = vector.broadcast %add3A_412 : i32 to vector<16xi32>
        %add3A_414 = arith.addi %iota3A, %add3A_413 : vector<16xi32>
        %gather3A_415 = tpu.vector_load_idx %arg7[%add3A_414, %broadcast_in_dim3A_387] : memref<128x16xf32, #tpu.memory_space<vmem>>[vector<16xi32>, vector<16xi32>], vector<16xf32>,
        %swap3A_416 = arith.constant 4 : i32
        %swap3A_417 = arith.index_cast %swap3A_416 : i32 to index
        %swap3A_418 = arith.constant 48 : index
        %swap3A_419 = tpu.vector_load %arg9[%swap3A_417, %swap3A_418] {strides = array<i32>} : memref<16x128xf32, #tpu.memory_space<vmem>>, vector<16xf32>,
        tpu.vector_store %arg9[%swap3A_417, %swap3A_418], %gather3A_415 {strides = array<i32>} : memref<16x128xf32, #tpu.memory_space<vmem>>, vector<16xf32>,
        %add3A_420 = arith.constant 64 : i32
        %add3A_421 = vector.broadcast %add3A_420 : i32 to vector<16xi32>
        %add3A_422 = arith.addi %iota3A, %add3A_421 : vector<16xi32>
        %gather3A_423 = tpu.vector_load_idx %arg7[%add3A_422, %broadcast_in_dim3A_387] : memref<128x16xf32, #tpu.memory_space<vmem>>[vector<16xi32>, vector<16xi32>], vector<16xf32>,
        %swap3A_424 = arith.constant 4 : i32
        %swap3A_425 = arith.index_cast %swap3A_424 : i32 to index
        %swap3A_426 = arith.constant 64 : index
        %swap3A_427 = tpu.vector_load %arg9[%swap3A_425, %swap3A_426] {strides = array<i32>} : memref<16x128xf32, #tpu.memory_space<vmem>>, vector<16xf32>,
        tpu.vector_store %arg9[%swap3A_425, %swap3A_426], %gather3A_423 {strides = array<i32>} : memref<16x128xf32, #tpu.memory_space<vmem>>, vector<16xf32>,
        %add3A_428 = arith.constant 80 : i32
        %add3A_429 = vector.broadcast %add3A_428 : i32 to vector<16xi32>
        %add3A_430 = arith.addi %iota3A, %add3A_429 : vector<16xi32>
        %gather3A_431 = tpu.vector_load_idx %arg7[%add3A_430, %broadcast_in_dim3A_387] : memref<128x16xf32, #tpu.memory_space<vmem>>[vector<16xi32>, vector<16xi32>], vector<16xf32>,
        %swap3A_432 = arith.constant 4 : i32
        %swap3A_433 = arith.index_cast %swap3A_432 : i32 to index
        %swap3A_434 = arith.constant 80 : index
        %swap3A_435 = tpu.vector_load %arg9[%swap3A_433, %swap3A_434] {strides = array<i32>} : memref<16x128xf32, #tpu.memory_space<vmem>>, vector<16xf32>,
        tpu.vector_store %arg9[%swap3A_433, %swap3A_434], %gather3A_431 {strides = array<i32>} : memref<16x128xf32, #tpu.memory_space<vmem>>, vector<16xf32>,
        %add3A_436 = arith.constant 96 : i32
        %add3A_437 = vector.broadcast %add3A_436 : i32 to vector<16xi32>
        %add3A_438 = arith.addi %iota3A, %add3A_437 : vector<16xi32>
        %gather3A_439 = tpu.vector_load_idx %arg7[%add3A_438, %broadcast_in_dim3A_387] : memref<128x16xf32, #tpu.memory_space<vmem>>[vector<16xi32>, vector<16xi32>], vector<16xf32>,
        %swap3A_440 = arith.constant 4 : i32
        %swap3A_441 = arith.index_cast %swap3A_440 : i32 to index
        %swap3A_442 = arith.constant 96 : index
        %swap3A_443 = tpu.vector_load %arg9[%swap3A_441, %swap3A_442] {strides = array<i32>} : memref<16x128xf32, #tpu.memory_space<vmem>>, vector<16xf32>,
        tpu.vector_store %arg9[%swap3A_441, %swap3A_442], %gather3A_439 {strides = array<i32>} : memref<16x128xf32, #tpu.memory_space<vmem>>, vector<16xf32>,
        %add3A_444 = arith.constant 112 : i32
        %add3A_445 = vector.broadcast %add3A_444 : i32 to vector<16xi32>
        %add3A_446 = arith.addi %iota3A, %add3A_445 : vector<16xi32>
        %gather3A_447 = tpu.vector_load_idx %arg7[%add3A_446, %broadcast_in_dim3A_387] : memref<128x16xf32, #tpu.memory_space<vmem>>[vector<16xi32>, vector<16xi32>], vector<16xf32>,
        %swap3A_448 = arith.constant 4 : i32
        %swap3A_449 = arith.index_cast %swap3A_448 : i32 to index
        %swap3A_450 = arith.constant 112 : index
        %swap3A_451 = tpu.vector_load %arg9[%swap3A_449, %swap3A_450] {strides = array<i32>} : memref<16x128xf32, #tpu.memory_space<vmem>>, vector<16xf32>,
        tpu.vector_store %arg9[%swap3A_449, %swap3A_450], %gather3A_447 {strides = array<i32>} : memref<16x128xf32, #tpu.memory_space<vmem>>, vector<16xf32>,
        %broadcast_in_dim3A_452 = arith.constant 5 : i32
        %broadcast_in_dim3A_453 = vector.broadcast %broadcast_in_dim3A_452 : i32 to vector<16xi32>
        %add3A_454 = arith.constant 0 : i32
        %add3A_455 = vector.broadcast %add3A_454 : i32 to vector<16xi32>
        %add3A_456 = arith.addi %iota3A, %add3A_455 : vector<16xi32>
        %gather3A_457 = tpu.vector_load_idx %arg7[%add3A_456, %broadcast_in_dim3A_453] : memref<128x16xf32, #tpu.memory_space<vmem>>[vector<16xi32>, vector<16xi32>], vector<16xf32>,
        %swap3A_458 = arith.constant 5 : i32
        %swap3A_459 = arith.index_cast %swap3A_458 : i32 to index
        %swap3A_460 = arith.constant 0 : index
        %swap3A_461 = tpu.vector_load %arg9[%swap3A_459, %swap3A_460] {strides = array<i32>} : memref<16x128xf32, #tpu.memory_space<vmem>>, vector<16xf32>,
        tpu.vector_store %arg9[%swap3A_459, %swap3A_460], %gather3A_457 {strides = array<i32>} : memref<16x128xf32, #tpu.memory_space<vmem>>, vector<16xf32>,
        %add3A_462 = arith.constant 16 : i32
        %add3A_463 = vector.broadcast %add3A_462 : i32 to vector<16xi32>
        %add3A_464 = arith.addi %iota3A, %add3A_463 : vector<16xi32>
        %gather3A_465 = tpu.vector_load_idx %arg7[%add3A_464, %broadcast_in_dim3A_453] : memref<128x16xf32, #tpu.memory_space<vmem>>[vector<16xi32>, vector<16xi32>], vector<16xf32>,
        %swap3A_466 = arith.constant 5 : i32
        %swap3A_467 = arith.index_cast %swap3A_466 : i32 to index
        %swap3A_468 = arith.constant 16 : index
        %swap3A_469 = tpu.vector_load %arg9[%swap3A_467, %swap3A_468] {strides = array<i32>} : memref<16x128xf32, #tpu.memory_space<vmem>>, vector<16xf32>,
        tpu.vector_store %arg9[%swap3A_467, %swap3A_468], %gather3A_465 {strides = array<i32>} : memref<16x128xf32, #tpu.memory_space<vmem>>, vector<16xf32>,
        %add3A_470 = arith.constant 32 : i32
        %add3A_471 = vector.broadcast %add3A_470 : i32 to vector<16xi32>
        %add3A_472 = arith.addi %iota3A, %add3A_471 : vector<16xi32>
        %gather3A_473 = tpu.vector_load_idx %arg7[%add3A_472, %broadcast_in_dim3A_453] : memref<128x16xf32, #tpu.memory_space<vmem>>[vector<16xi32>, vector<16xi32>], vector<16xf32>,
        %swap3A_474 = arith.constant 5 : i32
        %swap3A_475 = arith.index_cast %swap3A_474 : i32 to index
        %swap3A_476 = arith.constant 32 : index
        %swap3A_477 = tpu.vector_load %arg9[%swap3A_475, %swap3A_476] {strides = array<i32>} : memref<16x128xf32, #tpu.memory_space<vmem>>, vector<16xf32>,
        tpu.vector_store %arg9[%swap3A_475, %swap3A_476], %gather3A_473 {strides = array<i32>} : memref<16x128xf32, #tpu.memory_space<vmem>>, vector<16xf32>,
        %add3A_478 = arith.constant 48 : i32
        %add3A_479 = vector.broadcast %add3A_478 : i32 to vector<16xi32>
        %add3A_480 = arith.addi %iota3A, %add3A_479 : vector<16xi32>
        %gather3A_481 = tpu.vector_load_idx %arg7[%add3A_480, %broadcast_in_dim3A_453] : memref<128x16xf32, #tpu.memory_space<vmem>>[vector<16xi32>, vector<16xi32>], vector<16xf32>,
        %swap3A_482 = arith.constant 5 : i32
        %swap3A_483 = arith.index_cast %swap3A_482 : i32 to index
        %swap3A_484 = arith.constant 48 : index
        %swap3A_485 = tpu.vector_load %arg9[%swap3A_483, %swap3A_484] {strides = array<i32>} : memref<16x128xf32, #tpu.memory_space<vmem>>, vector<16xf32>,
        tpu.vector_store %arg9[%swap3A_483, %swap3A_484], %gather3A_481 {strides = array<i32>} : memref<16x128xf32, #tpu.memory_space<vmem>>, vector<16xf32>,
        %add3A_486 = arith.constant 64 : i32
        %add3A_487 = vector.broadcast %add3A_486 : i32 to vector<16xi32>
        %add3A_488 = arith.addi %iota3A, %add3A_487 : vector<16xi32>
        %gather3A_489 = tpu.vector_load_idx %arg7[%add3A_488, %broadcast_in_dim3A_453] : memref<128x16xf32, #tpu.memory_space<vmem>>[vector<16xi32>, vector<16xi32>], vector<16xf32>,
        %swap3A_490 = arith.constant 5 : i32
        %swap3A_491 = arith.index_cast %swap3A_490 : i32 to index
        %swap3A_492 = arith.constant 64 : index
        %swap3A_493 = tpu.vector_load %arg9[%swap3A_491, %swap3A_492] {strides = array<i32>} : memref<16x128xf32, #tpu.memory_space<vmem>>, vector<16xf32>,
        tpu.vector_store %arg9[%swap3A_491, %swap3A_492], %gather3A_489 {strides = array<i32>} : memref<16x128xf32, #tpu.memory_space<vmem>>, vector<16xf32>,
        %add3A_494 = arith.constant 80 : i32
        %add3A_495 = vector.broadcast %add3A_494 : i32 to vector<16xi32>
        %add3A_496 = arith.addi %iota3A, %add3A_495 : vector<16xi32>
        %gather3A_497 = tpu.vector_load_idx %arg7[%add3A_496, %broadcast_in_dim3A_453] : memref<128x16xf32, #tpu.memory_space<vmem>>[vector<16xi32>, vector<16xi32>], vector<16xf32>,
        %swap3A_498 = arith.constant 5 : i32
        %swap3A_499 = arith.index_cast %swap3A_498 : i32 to index
        %swap3A_500 = arith.constant 80 : index
        %swap3A_501 = tpu.vector_load %arg9[%swap3A_499, %swap3A_500] {strides = array<i32>} : memref<16x128xf32, #tpu.memory_space<vmem>>, vector<16xf32>,
        tpu.vector_store %arg9[%swap3A_499, %swap3A_500], %gather3A_497 {strides = array<i32>} : memref<16x128xf32, #tpu.memory_space<vmem>>, vector<16xf32>,
        %add3A_502 = arith.constant 96 : i32
        %add3A_503 = vector.broadcast %add3A_502 : i32 to vector<16xi32>
        %add3A_504 = arith.addi %iota3A, %add3A_503 : vector<16xi32>
        %gather3A_505 = tpu.vector_load_idx %arg7[%add3A_504, %broadcast_in_dim3A_453] : memref<128x16xf32, #tpu.memory_space<vmem>>[vector<16xi32>, vector<16xi32>], vector<16xf32>,
        %swap3A_506 = arith.constant 5 : i32
        %swap3A_507 = arith.index_cast %swap3A_506 : i32 to index
        %swap3A_508 = arith.constant 96 : index
        %swap3A_509 = tpu.vector_load %arg9[%swap3A_507, %swap3A_508] {strides = array<i32>} : memref<16x128xf32, #tpu.memory_space<vmem>>, vector<16xf32>,
        tpu.vector_store %arg9[%swap3A_507, %swap3A_508], %gather3A_505 {strides = array<i32>} : memref<16x128xf32, #tpu.memory_space<vmem>>, vector<16xf32>,
        %add3A_510 = arith.constant 112 : i32
        %add3A_511 = vector.broadcast %add3A_510 : i32 to vector<16xi32>
        %add3A_512 = arith.addi %iota3A, %add3A_511 : vector<16xi32>
        %gather3A_513 = tpu.vector_load_idx %arg7[%add3A_512, %broadcast_in_dim3A_453] : memref<128x16xf32, #tpu.memory_space<vmem>>[vector<16xi32>, vector<16xi32>], vector<16xf32>,
        %swap3A_514 = arith.constant 5 : i32
        %swap3A_515 = arith.index_cast %swap3A_514 : i32 to index
        %swap3A_516 = arith.constant 112 : index
        %swap3A_517 = tpu.vector_load %arg9[%swap3A_515, %swap3A_516] {strides = array<i32>} : memref<16x128xf32, #tpu.memory_space<vmem>>, vector<16xf32>,
        tpu.vector_store %arg9[%swap3A_515, %swap3A_516], %gather3A_513 {strides = array<i32>} : memref<16x128xf32, #tpu.memory_space<vmem>>, vector<16xf32>,
        %broadcast_in_dim3A_518 = arith.constant 6 : i32
        %broadcast_in_dim3A_519 = vector.broadcast %broadcast_in_dim3A_518 : i32 to vector<16xi32>
        %add3A_520 = arith.constant 0 : i32
        %add3A_521 = vector.broadcast %add3A_520 : i32 to vector<16xi32>
        %add3A_522 = arith.addi %iota3A, %add3A_521 : vector<16xi32>
        %gather3A_523 = tpu.vector_load_idx %arg7[%add3A_522, %broadcast_in_dim3A_519] : memref<128x16xf32, #tpu.memory_space<vmem>>[vector<16xi32>, vector<16xi32>], vector<16xf32>,
        %swap3A_524 = arith.constant 6 : i32
        %swap3A_525 = arith.index_cast %swap3A_524 : i32 to index
        %swap3A_526 = arith.constant 0 : index
        %swap3A_527 = tpu.vector_load %arg9[%swap3A_525, %swap3A_526] {strides = array<i32>} : memref<16x128xf32, #tpu.memory_space<vmem>>, vector<16xf32>,
        tpu.vector_store %arg9[%swap3A_525, %swap3A_526], %gather3A_523 {strides = array<i32>} : memref<16x128xf32, #tpu.memory_space<vmem>>, vector<16xf32>,
        %add3A_528 = arith.constant 16 : i32
        %add3A_529 = vector.broadcast %add3A_528 : i32 to vector<16xi32>
        %add3A_530 = arith.addi %iota3A, %add3A_529 : vector<16xi32>
        %gather3A_531 = tpu.vector_load_idx %arg7[%add3A_530, %broadcast_in_dim3A_519] : memref<128x16xf32, #tpu.memory_space<vmem>>[vector<16xi32>, vector<16xi32>], vector<16xf32>,
        %swap3A_532 = arith.constant 6 : i32
        %swap3A_533 = arith.index_cast %swap3A_532 : i32 to index
        %swap3A_534 = arith.constant 16 : index
        %swap3A_535 = tpu.vector_load %arg9[%swap3A_533, %swap3A_534] {strides = array<i32>} : memref<16x128xf32, #tpu.memory_space<vmem>>, vector<16xf32>,
        tpu.vector_store %arg9[%swap3A_533, %swap3A_534], %gather3A_531 {strides = array<i32>} : memref<16x128xf32, #tpu.memory_space<vmem>>, vector<16xf32>,
        %add3A_536 = arith.constant 32 : i32
        %add3A_537 = vector.broadcast %add3A_536 : i32 to vector<16xi32>
        %add3A_538 = arith.addi %iota3A, %add3A_537 : vector<16xi32>
        %gather3A_539 = tpu.vector_load_idx %arg7[%add3A_538, %broadcast_in_dim3A_519] : memref<128x16xf32, #tpu.memory_space<vmem>>[vector<16xi32>, vector<16xi32>], vector<16xf32>,
        %swap3A_540 = arith.constant 6 : i32
        %swap3A_541 = arith.index_cast %swap3A_540 : i32 to index
        %swap3A_542 = arith.constant 32 : index
        %swap3A_543 = tpu.vector_load %arg9[%swap3A_541, %swap3A_542] {strides = array<i32>} : memref<16x128xf32, #tpu.memory_space<vmem>>, vector<16xf32>,
        tpu.vector_store %arg9[%swap3A_541, %swap3A_542], %gather3A_539 {strides = array<i32>} : memref<16x128xf32, #tpu.memory_space<vmem>>, vector<16xf32>,
        %add3A_544 = arith.constant 48 : i32
        %add3A_545 = vector.broadcast %add3A_544 : i32 to vector<16xi32>
        %add3A_546 = arith.addi %iota3A, %add3A_545 : vector<16xi32>
        %gather3A_547 = tpu.vector_load_idx %arg7[%add3A_546, %broadcast_in_dim3A_519] : memref<128x16xf32, #tpu.memory_space<vmem>>[vector<16xi32>, vector<16xi32>], vector<16xf32>,
        %swap3A_548 = arith.constant 6 : i32
        %swap3A_549 = arith.index_cast %swap3A_548 : i32 to index
        %swap3A_550 = arith.constant 48 : index
        %swap3A_551 = tpu.vector_load %arg9[%swap3A_549, %swap3A_550] {strides = array<i32>} : memref<16x128xf32, #tpu.memory_space<vmem>>, vector<16xf32>,
        tpu.vector_store %arg9[%swap3A_549, %swap3A_550], %gather3A_547 {strides = array<i32>} : memref<16x128xf32, #tpu.memory_space<vmem>>, vector<16xf32>,
        %add3A_552 = arith.constant 64 : i32
        %add3A_553 = vector.broadcast %add3A_552 : i32 to vector<16xi32>
        %add3A_554 = arith.addi %iota3A, %add3A_553 : vector<16xi32>
        %gather3A_555 = tpu.vector_load_idx %arg7[%add3A_554, %broadcast_in_dim3A_519] : memref<128x16xf32, #tpu.memory_space<vmem>>[vector<16xi32>, vector<16xi32>], vector<16xf32>,
        %swap3A_556 = arith.constant 6 : i32
        %swap3A_557 = arith.index_cast %swap3A_556 : i32 to index
        %swap3A_558 = arith.constant 64 : index
        %swap3A_559 = tpu.vector_load %arg9[%swap3A_557, %swap3A_558] {strides = array<i32>} : memref<16x128xf32, #tpu.memory_space<vmem>>, vector<16xf32>,
        tpu.vector_store %arg9[%swap3A_557, %swap3A_558], %gather3A_555 {strides = array<i32>} : memref<16x128xf32, #tpu.memory_space<vmem>>, vector<16xf32>,
        %add3A_560 = arith.constant 80 : i32
        %add3A_561 = vector.broadcast %add3A_560 : i32 to vector<16xi32>
        %add3A_562 = arith.addi %iota3A, %add3A_561 : vector<16xi32>
        %gather3A_563 = tpu.vector_load_idx %arg7[%add3A_562, %broadcast_in_dim3A_519] : memref<128x16xf32, #tpu.memory_space<vmem>>[vector<16xi32>, vector<16xi32>], vector<16xf32>,
        %swap3A_564 = arith.constant 6 : i32
        %swap3A_565 = arith.index_cast %swap3A_564 : i32 to index
        %swap3A_566 = arith.constant 80 : index
        %swap3A_567 = tpu.vector_load %arg9[%swap3A_565, %swap3A_566] {strides = array<i32>} : memref<16x128xf32, #tpu.memory_space<vmem>>, vector<16xf32>,
        tpu.vector_store %arg9[%swap3A_565, %swap3A_566], %gather3A_563 {strides = array<i32>} : memref<16x128xf32, #tpu.memory_space<vmem>>, vector<16xf32>,
        %add3A_568 = arith.constant 96 : i32
        %add3A_569 = vector.broadcast %add3A_568 : i32 to vector<16xi32>
        %add3A_570 = arith.addi %iota3A, %add3A_569 : vector<16xi32>
        %gather3A_571 = tpu.vector_load_idx %arg7[%add3A_570, %broadcast_in_dim3A_519] : memref<128x16xf32, #tpu.memory_space<vmem>>[vector<16xi32>, vector<16xi32>], vector<16xf32>,
        %swap3A_572 = arith.constant 6 : i32
        %swap3A_573 = arith.index_cast %swap3A_572 : i32 to index
        %swap3A_574 = arith.constant 96 : index
        %swap3A_575 = tpu.vector_load %arg9[%swap3A_573, %swap3A_574] {strides = array<i32>} : memref<16x128xf32, #tpu.memory_space<vmem>>, vector<16xf32>,
        tpu.vector_store %arg9[%swap3A_573, %swap3A_574], %gather3A_571 {strides = array<i32>} : memref<16x128xf32, #tpu.memory_space<vmem>>, vector<16xf32>,
        %add3A_576 = arith.constant 112 : i32
        %add3A_577 = vector.broadcast %add3A_576 : i32 to vector<16xi32>
        %add3A_578 = arith.addi %iota3A, %add3A_577 : vector<16xi32>
        %gather3A_579 = tpu.vector_load_idx %arg7[%add3A_578, %broadcast_in_dim3A_519] : memref<128x16xf32, #tpu.memory_space<vmem>>[vector<16xi32>, vector<16xi32>], vector<16xf32>,
        %swap3A_580 = arith.constant 6 : i32
        %swap3A_581 = arith.index_cast %swap3A_580 : i32 to index
        %swap3A_582 = arith.constant 112 : index
        %swap3A_583 = tpu.vector_load %arg9[%swap3A_581, %swap3A_582] {strides = array<i32>} : memref<16x128xf32, #tpu.memory_space<vmem>>, vector<16xf32>,
        tpu.vector_store %arg9[%swap3A_581, %swap3A_582], %gather3A_579 {strides = array<i32>} : memref<16x128xf32, #tpu.memory_space<vmem>>, vector<16xf32>,
        %broadcast_in_dim3A_584 = arith.constant 7 : i32
        %broadcast_in_dim3A_585 = vector.broadcast %broadcast_in_dim3A_584 : i32 to vector<16xi32>
        %add3A_586 = arith.constant 0 : i32
        %add3A_587 = vector.broadcast %add3A_586 : i32 to vector<16xi32>
        %add3A_588 = arith.addi %iota3A, %add3A_587 : vector<16xi32>
        %gather3A_589 = tpu.vector_load_idx %arg7[%add3A_588, %broadcast_in_dim3A_585] : memref<128x16xf32, #tpu.memory_space<vmem>>[vector<16xi32>, vector<16xi32>], vector<16xf32>,
        %swap3A_590 = arith.constant 7 : i32
        %swap3A_591 = arith.index_cast %swap3A_590 : i32 to index
        %swap3A_592 = arith.constant 0 : index
        %swap3A_593 = tpu.vector_load %arg9[%swap3A_591, %swap3A_592] {strides = array<i32>} : memref<16x128xf32, #tpu.memory_space<vmem>>, vector<16xf32>,
        tpu.vector_store %arg9[%swap3A_591, %swap3A_592], %gather3A_589 {strides = array<i32>} : memref<16x128xf32, #tpu.memory_space<vmem>>, vector<16xf32>,
        %add3A_594 = arith.constant 16 : i32
        %add3A_595 = vector.broadcast %add3A_594 : i32 to vector<16xi32>
        %add3A_596 = arith.addi %iota3A, %add3A_595 : vector<16xi32>
        %gather3A_597 = tpu.vector_load_idx %arg7[%add3A_596, %broadcast_in_dim3A_585] : memref<128x16xf32, #tpu.memory_space<vmem>>[vector<16xi32>, vector<16xi32>], vector<16xf32>,
        %swap3A_598 = arith.constant 7 : i32
        %swap3A_599 = arith.index_cast %swap3A_598 : i32 to index
        %swap3A_600 = arith.constant 16 : index
        %swap3A_601 = tpu.vector_load %arg9[%swap3A_599, %swap3A_600] {strides = array<i32>} : memref<16x128xf32, #tpu.memory_space<vmem>>, vector<16xf32>,
        tpu.vector_store %arg9[%swap3A_599, %swap3A_600], %gather3A_597 {strides = array<i32>} : memref<16x128xf32, #tpu.memory_space<vmem>>, vector<16xf32>,
        %add3A_602 = arith.constant 32 : i32
        %add3A_603 = vector.broadcast %add3A_602 : i32 to vector<16xi32>
        %add3A_604 = arith.addi %iota3A, %add3A_603 : vector<16xi32>
        %gather3A_605 = tpu.vector_load_idx %arg7[%add3A_604, %broadcast_in_dim3A_585] : memref<128x16xf32, #tpu.memory_space<vmem>>[vector<16xi32>, vector<16xi32>], vector<16xf32>,
        %swap3A_606 = arith.constant 7 : i32
        %swap3A_607 = arith.index_cast %swap3A_606 : i32 to index
        %swap3A_608 = arith.constant 32 : index
        %swap3A_609 = tpu.vector_load %arg9[%swap3A_607, %swap3A_608] {strides = array<i32>} : memref<16x128xf32, #tpu.memory_space<vmem>>, vector<16xf32>,
        tpu.vector_store %arg9[%swap3A_607, %swap3A_608], %gather3A_605 {strides = array<i32>} : memref<16x128xf32, #tpu.memory_space<vmem>>, vector<16xf32>,
        %add3A_610 = arith.constant 48 : i32
        %add3A_611 = vector.broadcast %add3A_610 : i32 to vector<16xi32>
        %add3A_612 = arith.addi %iota3A, %add3A_611 : vector<16xi32>
        %gather3A_613 = tpu.vector_load_idx %arg7[%add3A_612, %broadcast_in_dim3A_585] : memref<128x16xf32, #tpu.memory_space<vmem>>[vector<16xi32>, vector<16xi32>], vector<16xf32>,
        %swap3A_614 = arith.constant 7 : i32
        %swap3A_615 = arith.index_cast %swap3A_614 : i32 to index
        %swap3A_616 = arith.constant 48 : index
        %swap3A_617 = tpu.vector_load %arg9[%swap3A_615, %swap3A_616] {strides = array<i32>} : memref<16x128xf32, #tpu.memory_space<vmem>>, vector<16xf32>,
        tpu.vector_store %arg9[%swap3A_615, %swap3A_616], %gather3A_613 {strides = array<i32>} : memref<16x128xf32, #tpu.memory_space<vmem>>, vector<16xf32>,
        %add3A_618 = arith.constant 64 : i32
        %add3A_619 = vector.broadcast %add3A_618 : i32 to vector<16xi32>
        %add3A_620 = arith.addi %iota3A, %add3A_619 : vector<16xi32>
        %gather3A_621 = tpu.vector_load_idx %arg7[%add3A_620, %broadcast_in_dim3A_585] : memref<128x16xf32, #tpu.memory_space<vmem>>[vector<16xi32>, vector<16xi32>], vector<16xf32>,
        %swap3A_622 = arith.constant 7 : i32
        %swap3A_623 = arith.index_cast %swap3A_622 : i32 to index
        %swap3A_624 = arith.constant 64 : index
        %swap3A_625 = tpu.vector_load %arg9[%swap3A_623, %swap3A_624] {strides = array<i32>} : memref<16x128xf32, #tpu.memory_space<vmem>>, vector<16xf32>,
        tpu.vector_store %arg9[%swap3A_623, %swap3A_624], %gather3A_621 {strides = array<i32>} : memref<16x128xf32, #tpu.memory_space<vmem>>, vector<16xf32>,
        %add3A_626 = arith.constant 80 : i32
        %add3A_627 = vector.broadcast %add3A_626 : i32 to vector<16xi32>
        %add3A_628 = arith.addi %iota3A, %add3A_627 : vector<16xi32>
        %gather3A_629 = tpu.vector_load_idx %arg7[%add3A_628, %broadcast_in_dim3A_585] : memref<128x16xf32, #tpu.memory_space<vmem>>[vector<16xi32>, vector<16xi32>], vector<16xf32>,
        %swap3A_630 = arith.constant 7 : i32
        %swap3A_631 = arith.index_cast %swap3A_630 : i32 to index
        %swap3A_632 = arith.constant 80 : index
        %swap3A_633 = tpu.vector_load %arg9[%swap3A_631, %swap3A_632] {strides = array<i32>} : memref<16x128xf32, #tpu.memory_space<vmem>>, vector<16xf32>,
        tpu.vector_store %arg9[%swap3A_631, %swap3A_632], %gather3A_629 {strides = array<i32>} : memref<16x128xf32, #tpu.memory_space<vmem>>, vector<16xf32>,
        %add3A_634 = arith.constant 96 : i32
        %add3A_635 = vector.broadcast %add3A_634 : i32 to vector<16xi32>
        %add3A_636 = arith.addi %iota3A, %add3A_635 : vector<16xi32>
        %gather3A_637 = tpu.vector_load_idx %arg7[%add3A_636, %broadcast_in_dim3A_585] : memref<128x16xf32, #tpu.memory_space<vmem>>[vector<16xi32>, vector<16xi32>], vector<16xf32>,
        %swap3A_638 = arith.constant 7 : i32
        %swap3A_639 = arith.index_cast %swap3A_638 : i32 to index
        %swap3A_640 = arith.constant 96 : index
        %swap3A_641 = tpu.vector_load %arg9[%swap3A_639, %swap3A_640] {strides = array<i32>} : memref<16x128xf32, #tpu.memory_space<vmem>>, vector<16xf32>,
        tpu.vector_store %arg9[%swap3A_639, %swap3A_640], %gather3A_637 {strides = array<i32>} : memref<16x128xf32, #tpu.memory_space<vmem>>, vector<16xf32>,
        %add3A_642 = arith.constant 112 : i32
        %add3A_643 = vector.broadcast %add3A_642 : i32 to vector<16xi32>
        %add3A_644 = arith.addi %iota3A, %add3A_643 : vector<16xi32>
        %gather3A_645 = tpu.vector_load_idx %arg7[%add3A_644, %broadcast_in_dim3A_585] : memref<128x16xf32, #tpu.memory_space<vmem>>[vector<16xi32>, vector<16xi32>], vector<16xf32>,
        %swap3A_646 = arith.constant 7 : i32
        %swap3A_647 = arith.index_cast %swap3A_646 : i32 to index
        %swap3A_648 = arith.constant 112 : index
        %swap3A_649 = tpu.vector_load %arg9[%swap3A_647, %swap3A_648] {strides = array<i32>} : memref<16x128xf32, #tpu.memory_space<vmem>>, vector<16xf32>,
        tpu.vector_store %arg9[%swap3A_647, %swap3A_648], %gather3A_645 {strides = array<i32>} : memref<16x128xf32, #tpu.memory_space<vmem>>, vector<16xf32>,
        %broadcast_in_dim3A_650 = arith.constant 8 : i32
        %broadcast_in_dim3A_651 = vector.broadcast %broadcast_in_dim3A_650 : i32 to vector<16xi32>
        %add3A_652 = arith.constant 0 : i32
        %add3A_653 = vector.broadcast %add3A_652 : i32 to vector<16xi32>
        %add3A_654 = arith.addi %iota3A, %add3A_653 : vector<16xi32>
        %gather3A_655 = tpu.vector_load_idx %arg7[%add3A_654, %broadcast_in_dim3A_651] : memref<128x16xf32, #tpu.memory_space<vmem>>[vector<16xi32>, vector<16xi32>], vector<16xf32>,
        %swap3A_656 = arith.constant 8 : i32
        %swap3A_657 = arith.index_cast %swap3A_656 : i32 to index
        %swap3A_658 = arith.constant 0 : index
        %swap3A_659 = tpu.vector_load %arg9[%swap3A_657, %swap3A_658] {strides = array<i32>} : memref<16x128xf32, #tpu.memory_space<vmem>>, vector<16xf32>,
        tpu.vector_store %arg9[%swap3A_657, %swap3A_658], %gather3A_655 {strides = array<i32>} : memref<16x128xf32, #tpu.memory_space<vmem>>, vector<16xf32>,
        %add3A_660 = arith.constant 16 : i32
        %add3A_661 = vector.broadcast %add3A_660 : i32 to vector<16xi32>
        %add3A_662 = arith.addi %iota3A, %add3A_661 : vector<16xi32>
        %gather3A_663 = tpu.vector_load_idx %arg7[%add3A_662, %broadcast_in_dim3A_651] : memref<128x16xf32, #tpu.memory_space<vmem>>[vector<16xi32>, vector<16xi32>], vector<16xf32>,
        %swap3A_664 = arith.constant 8 : i32
        %swap3A_665 = arith.index_cast %swap3A_664 : i32 to index
        %swap3A_666 = arith.constant 16 : index
        %swap3A_667 = tpu.vector_load %arg9[%swap3A_665, %swap3A_666] {strides = array<i32>} : memref<16x128xf32, #tpu.memory_space<vmem>>, vector<16xf32>,
        tpu.vector_store %arg9[%swap3A_665, %swap3A_666], %gather3A_663 {strides = array<i32>} : memref<16x128xf32, #tpu.memory_space<vmem>>, vector<16xf32>,
        %add3A_668 = arith.constant 32 : i32
        %add3A_669 = vector.broadcast %add3A_668 : i32 to vector<16xi32>
        %add3A_670 = arith.addi %iota3A, %add3A_669 : vector<16xi32>
        %gather3A_671 = tpu.vector_load_idx %arg7[%add3A_670, %broadcast_in_dim3A_651] : memref<128x16xf32, #tpu.memory_space<vmem>>[vector<16xi32>, vector<16xi32>], vector<16xf32>,
        %swap3A_672 = arith.constant 8 : i32
        %swap3A_673 = arith.index_cast %swap3A_672 : i32 to index
        %swap3A_674 = arith.constant 32 : index
        %swap3A_675 = tpu.vector_load %arg9[%swap3A_673, %swap3A_674] {strides = array<i32>} : memref<16x128xf32, #tpu.memory_space<vmem>>, vector<16xf32>,
        tpu.vector_store %arg9[%swap3A_673, %swap3A_674], %gather3A_671 {strides = array<i32>} : memref<16x128xf32, #tpu.memory_space<vmem>>, vector<16xf32>,
        %add3A_676 = arith.constant 48 : i32
        %add3A_677 = vector.broadcast %add3A_676 : i32 to vector<16xi32>
        %add3A_678 = arith.addi %iota3A, %add3A_677 : vector<16xi32>
        %gather3A_679 = tpu.vector_load_idx %arg7[%add3A_678, %broadcast_in_dim3A_651] : memref<128x16xf32, #tpu.memory_space<vmem>>[vector<16xi32>, vector<16xi32>], vector<16xf32>,
        %swap3A_680 = arith.constant 8 : i32
        %swap3A_681 = arith.index_cast %swap3A_680 : i32 to index
        %swap3A_682 = arith.constant 48 : index
        %swap3A_683 = tpu.vector_load %arg9[%swap3A_681, %swap3A_682] {strides = array<i32>} : memref<16x128xf32, #tpu.memory_space<vmem>>, vector<16xf32>,
        tpu.vector_store %arg9[%swap3A_681, %swap3A_682], %gather3A_679 {strides = array<i32>} : memref<16x128xf32, #tpu.memory_space<vmem>>, vector<16xf32>,
        %add3A_684 = arith.constant 64 : i32
        %add3A_685 = vector.broadcast %add3A_684 : i32 to vector<16xi32>
        %add3A_686 = arith.addi %iota3A, %add3A_685 : vector<16xi32>
        %gather3A_687 = tpu.vector_load_idx %arg7[%add3A_686, %broadcast_in_dim3A_651] : memref<128x16xf32, #tpu.memory_space<vmem>>[vector<16xi32>, vector<16xi32>], vector<16xf32>,
        %swap3A_688 = arith.constant 8 : i32
        %swap3A_689 = arith.index_cast %swap3A_688 : i32 to index
        %swap3A_690 = arith.constant 64 : index
        %swap3A_691 = tpu.vector_load %arg9[%swap3A_689, %swap3A_690] {strides = array<i32>} : memref<16x128xf32, #tpu.memory_space<vmem>>, vector<16xf32>,
        tpu.vector_store %arg9[%swap3A_689, %swap3A_690], %gather3A_687 {strides = array<i32>} : memref<16x128xf32, #tpu.memory_space<vmem>>, vector<16xf32>,
        %add3A_692 = arith.constant 80 : i32
        %add3A_693 = vector.broadcast %add3A_692 : i32 to vector<16xi32>
        %add3A_694 = arith.addi %iota3A, %add3A_693 : vector<16xi32>
        %gather3A_695 = tpu.vector_load_idx %arg7[%add3A_694, %broadcast_in_dim3A_651] : memref<128x16xf32, #tpu.memory_space<vmem>>[vector<16xi32>, vector<16xi32>], vector<16xf32>,
        %swap3A_696 = arith.constant 8 : i32
        %swap3A_697 = arith.index_cast %swap3A_696 : i32 to index
        %swap3A_698 = arith.constant 80 : index
        %swap3A_699 = tpu.vector_load %arg9[%swap3A_697, %swap3A_698] {strides = array<i32>} : memref<16x128xf32, #tpu.memory_space<vmem>>, vector<16xf32>,
        tpu.vector_store %arg9[%swap3A_697, %swap3A_698], %gather3A_695 {strides = array<i32>} : memref<16x128xf32, #tpu.memory_space<vmem>>, vector<16xf32>,
        %add3A_700 = arith.constant 96 : i32
        %add3A_701 = vector.broadcast %add3A_700 : i32 to vector<16xi32>
        %add3A_702 = arith.addi %iota3A, %add3A_701 : vector<16xi32>
        %gather3A_703 = tpu.vector_load_idx %arg7[%add3A_702, %broadcast_in_dim3A_651] : memref<128x16xf32, #tpu.memory_space<vmem>>[vector<16xi32>, vector<16xi32>], vector<16xf32>,
        %swap3A_704 = arith.constant 8 : i32
        %swap3A_705 = arith.index_cast %swap3A_704 : i32 to index
        %swap3A_706 = arith.constant 96 : index
        %swap3A_707 = tpu.vector_load %arg9[%swap3A_705, %swap3A_706] {strides = array<i32>} : memref<16x128xf32, #tpu.memory_space<vmem>>, vector<16xf32>,
        tpu.vector_store %arg9[%swap3A_705, %swap3A_706], %gather3A_703 {strides = array<i32>} : memref<16x128xf32, #tpu.memory_space<vmem>>, vector<16xf32>,
        %add3A_708 = arith.constant 112 : i32
        %add3A_709 = vector.broadcast %add3A_708 : i32 to vector<16xi32>
        %add3A_710 = arith.addi %iota3A, %add3A_709 : vector<16xi32>
        %gather3A_711 = tpu.vector_load_idx %arg7[%add3A_710, %broadcast_in_dim3A_651] : memref<128x16xf32, #tpu.memory_space<vmem>>[vector<16xi32>, vector<16xi32>], vector<16xf32>,
        %swap3A_712 = arith.constant 8 : i32
        %swap3A_713 = arith.index_cast %swap3A_712 : i32 to index
        %swap3A_714 = arith.constant 112 : index
        %swap3A_715 = tpu.vector_load %arg9[%swap3A_713, %swap3A_714] {strides = array<i32>} : memref<16x128xf32, #tpu.memory_space<vmem>>, vector<16xf32>,
        tpu.vector_store %arg9[%swap3A_713, %swap3A_714], %gather3A_711 {strides = array<i32>} : memref<16x128xf32, #tpu.memory_space<vmem>>, vector<16xf32>,
        %broadcast_in_dim3A_716 = arith.constant 9 : i32
        %broadcast_in_dim3A_717 = vector.broadcast %broadcast_in_dim3A_716 : i32 to vector<16xi32>
        %add3A_718 = arith.constant 0 : i32
        %add3A_719 = vector.broadcast %add3A_718 : i32 to vector<16xi32>
        %add3A_720 = arith.addi %iota3A, %add3A_719 : vector<16xi32>
        %gather3A_721 = tpu.vector_load_idx %arg7[%add3A_720, %broadcast_in_dim3A_717] : memref<128x16xf32, #tpu.memory_space<vmem>>[vector<16xi32>, vector<16xi32>], vector<16xf32>,
        %swap3A_722 = arith.constant 9 : i32
        %swap3A_723 = arith.index_cast %swap3A_722 : i32 to index
        %swap3A_724 = arith.constant 0 : index
        %swap3A_725 = tpu.vector_load %arg9[%swap3A_723, %swap3A_724] {strides = array<i32>} : memref<16x128xf32, #tpu.memory_space<vmem>>, vector<16xf32>,
        tpu.vector_store %arg9[%swap3A_723, %swap3A_724], %gather3A_721 {strides = array<i32>} : memref<16x128xf32, #tpu.memory_space<vmem>>, vector<16xf32>,
        %add3A_726 = arith.constant 16 : i32
        %add3A_727 = vector.broadcast %add3A_726 : i32 to vector<16xi32>
        %add3A_728 = arith.addi %iota3A, %add3A_727 : vector<16xi32>
        %gather3A_729 = tpu.vector_load_idx %arg7[%add3A_728, %broadcast_in_dim3A_717] : memref<128x16xf32, #tpu.memory_space<vmem>>[vector<16xi32>, vector<16xi32>], vector<16xf32>,
        %swap3A_730 = arith.constant 9 : i32
        %swap3A_731 = arith.index_cast %swap3A_730 : i32 to index
        %swap3A_732 = arith.constant 16 : index
        %swap3A_733 = tpu.vector_load %arg9[%swap3A_731, %swap3A_732] {strides = array<i32>} : memref<16x128xf32, #tpu.memory_space<vmem>>, vector<16xf32>,
        tpu.vector_store %arg9[%swap3A_731, %swap3A_732], %gather3A_729 {strides = array<i32>} : memref<16x128xf32, #tpu.memory_space<vmem>>, vector<16xf32>,
        %add3A_734 = arith.constant 32 : i32
        %add3A_735 = vector.broadcast %add3A_734 : i32 to vector<16xi32>
        %add3A_736 = arith.addi %iota3A, %add3A_735 : vector<16xi32>
        %gather3A_737 = tpu.vector_load_idx %arg7[%add3A_736, %broadcast_in_dim3A_717] : memref<128x16xf32, #tpu.memory_space<vmem>>[vector<16xi32>, vector<16xi32>], vector<16xf32>,
        %swap3A_738 = arith.constant 9 : i32
        %swap3A_739 = arith.index_cast %swap3A_738 : i32 to index
        %swap3A_740 = arith.constant 32 : index
        %swap3A_741 = tpu.vector_load %arg9[%swap3A_739, %swap3A_740] {strides = array<i32>} : memref<16x128xf32, #tpu.memory_space<vmem>>, vector<16xf32>,
        tpu.vector_store %arg9[%swap3A_739, %swap3A_740], %gather3A_737 {strides = array<i32>} : memref<16x128xf32, #tpu.memory_space<vmem>>, vector<16xf32>,
        %add3A_742 = arith.constant 48 : i32
        %add3A_743 = vector.broadcast %add3A_742 : i32 to vector<16xi32>
        %add3A_744 = arith.addi %iota3A, %add3A_743 : vector<16xi32>
        %gather3A_745 = tpu.vector_load_idx %arg7[%add3A_744, %broadcast_in_dim3A_717] : memref<128x16xf32, #tpu.memory_space<vmem>>[vector<16xi32>, vector<16xi32>], vector<16xf32>,
        %swap3A_746 = arith.constant 9 : i32
        %swap3A_747 = arith.index_cast %swap3A_746 : i32 to index
        %swap3A_748 = arith.constant 48 : index
        %swap3A_749 = tpu.vector_load %arg9[%swap3A_747, %swap3A_748] {strides = array<i32>} : memref<16x128xf32, #tpu.memory_space<vmem>>, vector<16xf32>,
        tpu.vector_store %arg9[%swap3A_747, %swap3A_748], %gather3A_745 {strides = array<i32>} : memref<16x128xf32, #tpu.memory_space<vmem>>, vector<16xf32>,
        %add3A_750 = arith.constant 64 : i32
        %add3A_751 = vector.broadcast %add3A_750 : i32 to vector<16xi32>
        %add3A_752 = arith.addi %iota3A, %add3A_751 : vector<16xi32>
        %gather3A_753 = tpu.vector_load_idx %arg7[%add3A_752, %broadcast_in_dim3A_717] : memref<128x16xf32, #tpu.memory_space<vmem>>[vector<16xi32>, vector<16xi32>], vector<16xf32>,
        %swap3A_754 = arith.constant 9 : i32
        %swap3A_755 = arith.index_cast %swap3A_754 : i32 to index
        %swap3A_756 = arith.constant 64 : index
        %swap3A_757 = tpu.vector_load %arg9[%swap3A_755, %swap3A_756] {strides = array<i32>} : memref<16x128xf32, #tpu.memory_space<vmem>>, vector<16xf32>,
        tpu.vector_store %arg9[%swap3A_755, %swap3A_756], %gather3A_753 {strides = array<i32>} : memref<16x128xf32, #tpu.memory_space<vmem>>, vector<16xf32>,
        %add3A_758 = arith.constant 80 : i32
        %add3A_759 = vector.broadcast %add3A_758 : i32 to vector<16xi32>
        %add3A_760 = arith.addi %iota3A, %add3A_759 : vector<16xi32>
        %gather3A_761 = tpu.vector_load_idx %arg7[%add3A_760, %broadcast_in_dim3A_717] : memref<128x16xf32, #tpu.memory_space<vmem>>[vector<16xi32>, vector<16xi32>], vector<16xf32>,
        %swap3A_762 = arith.constant 9 : i32
        %swap3A_763 = arith.index_cast %swap3A_762 : i32 to index
        %swap3A_764 = arith.constant 80 : index
        %swap3A_765 = tpu.vector_load %arg9[%swap3A_763, %swap3A_764] {strides = array<i32>} : memref<16x128xf32, #tpu.memory_space<vmem>>, vector<16xf32>,
        tpu.vector_store %arg9[%swap3A_763, %swap3A_764], %gather3A_761 {strides = array<i32>} : memref<16x128xf32, #tpu.memory_space<vmem>>, vector<16xf32>,
        %add3A_766 = arith.constant 96 : i32
        %add3A_767 = vector.broadcast %add3A_766 : i32 to vector<16xi32>
        %add3A_768 = arith.addi %iota3A, %add3A_767 : vector<16xi32>
        %gather3A_769 = tpu.vector_load_idx %arg7[%add3A_768, %broadcast_in_dim3A_717] : memref<128x16xf32, #tpu.memory_space<vmem>>[vector<16xi32>, vector<16xi32>], vector<16xf32>,
        %swap3A_770 = arith.constant 9 : i32
        %swap3A_771 = arith.index_cast %swap3A_770 : i32 to index
        %swap3A_772 = arith.constant 96 : index
        %swap3A_773 = tpu.vector_load %arg9[%swap3A_771, %swap3A_772] {strides = array<i32>} : memref<16x128xf32, #tpu.memory_space<vmem>>, vector<16xf32>,
        tpu.vector_store %arg9[%swap3A_771, %swap3A_772], %gather3A_769 {strides = array<i32>} : memref<16x128xf32, #tpu.memory_space<vmem>>, vector<16xf32>,
        %add3A_774 = arith.constant 112 : i32
        %add3A_775 = vector.broadcast %add3A_774 : i32 to vector<16xi32>
        %add3A_776 = arith.addi %iota3A, %add3A_775 : vector<16xi32>
        %gather3A_777 = tpu.vector_load_idx %arg7[%add3A_776, %broadcast_in_dim3A_717] : memref<128x16xf32, #tpu.memory_space<vmem>>[vector<16xi32>, vector<16xi32>], vector<16xf32>,
        %swap3A_778 = arith.constant 9 : i32
        %swap3A_779 = arith.index_cast %swap3A_778 : i32 to index
        %swap3A_780 = arith.constant 112 : index
        %swap3A_781 = tpu.vector_load %arg9[%swap3A_779, %swap3A_780] {strides = array<i32>} : memref<16x128xf32, #tpu.memory_space<vmem>>, vector<16xf32>,
        tpu.vector_store %arg9[%swap3A_779, %swap3A_780], %gather3A_777 {strides = array<i32>} : memref<16x128xf32, #tpu.memory_space<vmem>>, vector<16xf32>,
        %broadcast_in_dim3A_782 = arith.constant 10 : i32
        %broadcast_in_dim3A_783 = vector.broadcast %broadcast_in_dim3A_782 : i32 to vector<16xi32>
        %add3A_784 = arith.constant 0 : i32
        %add3A_785 = vector.broadcast %add3A_784 : i32 to vector<16xi32>
        %add3A_786 = arith.addi %iota3A, %add3A_785 : vector<16xi32>
        %gather3A_787 = tpu.vector_load_idx %arg7[%add3A_786, %broadcast_in_dim3A_783] : memref<128x16xf32, #tpu.memory_space<vmem>>[vector<16xi32>, vector<16xi32>], vector<16xf32>,
        %swap3A_788 = arith.constant 10 : i32
        %swap3A_789 = arith.index_cast %swap3A_788 : i32 to index
        %swap3A_790 = arith.constant 0 : index
        %swap3A_791 = tpu.vector_load %arg9[%swap3A_789, %swap3A_790] {strides = array<i32>} : memref<16x128xf32, #tpu.memory_space<vmem>>, vector<16xf32>,
        tpu.vector_store %arg9[%swap3A_789, %swap3A_790], %gather3A_787 {strides = array<i32>} : memref<16x128xf32, #tpu.memory_space<vmem>>, vector<16xf32>,
        %add3A_792 = arith.constant 16 : i32
        %add3A_793 = vector.broadcast %add3A_792 : i32 to vector<16xi32>
        %add3A_794 = arith.addi %iota3A, %add3A_793 : vector<16xi32>
        %gather3A_795 = tpu.vector_load_idx %arg7[%add3A_794, %broadcast_in_dim3A_783] : memref<128x16xf32, #tpu.memory_space<vmem>>[vector<16xi32>, vector<16xi32>], vector<16xf32>,
        %swap3A_796 = arith.constant 10 : i32
        %swap3A_797 = arith.index_cast %swap3A_796 : i32 to index
        %swap3A_798 = arith.constant 16 : index
        %swap3A_799 = tpu.vector_load %arg9[%swap3A_797, %swap3A_798] {strides = array<i32>} : memref<16x128xf32, #tpu.memory_space<vmem>>, vector<16xf32>,
        tpu.vector_store %arg9[%swap3A_797, %swap3A_798], %gather3A_795 {strides = array<i32>} : memref<16x128xf32, #tpu.memory_space<vmem>>, vector<16xf32>,
        %add3A_800 = arith.constant 32 : i32
        %add3A_801 = vector.broadcast %add3A_800 : i32 to vector<16xi32>
        %add3A_802 = arith.addi %iota3A, %add3A_801 : vector<16xi32>
        %gather3A_803 = tpu.vector_load_idx %arg7[%add3A_802, %broadcast_in_dim3A_783] : memref<128x16xf32, #tpu.memory_space<vmem>>[vector<16xi32>, vector<16xi32>], vector<16xf32>,
        %swap3A_804 = arith.constant 10 : i32
        %swap3A_805 = arith.index_cast %swap3A_804 : i32 to index
        %swap3A_806 = arith.constant 32 : index
        %swap3A_807 = tpu.vector_load %arg9[%swap3A_805, %swap3A_806] {strides = array<i32>} : memref<16x128xf32, #tpu.memory_space<vmem>>, vector<16xf32>,
        tpu.vector_store %arg9[%swap3A_805, %swap3A_806], %gather3A_803 {strides = array<i32>} : memref<16x128xf32, #tpu.memory_space<vmem>>, vector<16xf32>,
        %add3A_808 = arith.constant 48 : i32
        %add3A_809 = vector.broadcast %add3A_808 : i32 to vector<16xi32>
        %add3A_810 = arith.addi %iota3A, %add3A_809 : vector<16xi32>
        %gather3A_811 = tpu.vector_load_idx %arg7[%add3A_810, %broadcast_in_dim3A_783] : memref<128x16xf32, #tpu.memory_space<vmem>>[vector<16xi32>, vector<16xi32>], vector<16xf32>,
        %swap3A_812 = arith.constant 10 : i32
        %swap3A_813 = arith.index_cast %swap3A_812 : i32 to index
        %swap3A_814 = arith.constant 48 : index
        %swap3A_815 = tpu.vector_load %arg9[%swap3A_813, %swap3A_814] {strides = array<i32>} : memref<16x128xf32, #tpu.memory_space<vmem>>, vector<16xf32>,
        tpu.vector_store %arg9[%swap3A_813, %swap3A_814], %gather3A_811 {strides = array<i32>} : memref<16x128xf32, #tpu.memory_space<vmem>>, vector<16xf32>,
        %add3A_816 = arith.constant 64 : i32
        %add3A_817 = vector.broadcast %add3A_816 : i32 to vector<16xi32>
        %add3A_818 = arith.addi %iota3A, %add3A_817 : vector<16xi32>
        %gather3A_819 = tpu.vector_load_idx %arg7[%add3A_818, %broadcast_in_dim3A_783] : memref<128x16xf32, #tpu.memory_space<vmem>>[vector<16xi32>, vector<16xi32>], vector<16xf32>,
        %swap3A_820 = arith.constant 10 : i32
        %swap3A_821 = arith.index_cast %swap3A_820 : i32 to index
        %swap3A_822 = arith.constant 64 : index
        %swap3A_823 = tpu.vector_load %arg9[%swap3A_821, %swap3A_822] {strides = array<i32>} : memref<16x128xf32, #tpu.memory_space<vmem>>, vector<16xf32>,
        tpu.vector_store %arg9[%swap3A_821, %swap3A_822], %gather3A_819 {strides = array<i32>} : memref<16x128xf32, #tpu.memory_space<vmem>>, vector<16xf32>,
        %add3A_824 = arith.constant 80 : i32
        %add3A_825 = vector.broadcast %add3A_824 : i32 to vector<16xi32>
        %add3A_826 = arith.addi %iota3A, %add3A_825 : vector<16xi32>
        %gather3A_827 = tpu.vector_load_idx %arg7[%add3A_826, %broadcast_in_dim3A_783] : memref<128x16xf32, #tpu.memory_space<vmem>>[vector<16xi32>, vector<16xi32>], vector<16xf32>,
        %swap3A_828 = arith.constant 10 : i32
        %swap3A_829 = arith.index_cast %swap3A_828 : i32 to index
        %swap3A_830 = arith.constant 80 : index
        %swap3A_831 = tpu.vector_load %arg9[%swap3A_829, %swap3A_830] {strides = array<i32>} : memref<16x128xf32, #tpu.memory_space<vmem>>, vector<16xf32>,
        tpu.vector_store %arg9[%swap3A_829, %swap3A_830], %gather3A_827 {strides = array<i32>} : memref<16x128xf32, #tpu.memory_space<vmem>>, vector<16xf32>,
        %add3A_832 = arith.constant 96 : i32
        %add3A_833 = vector.broadcast %add3A_832 : i32 to vector<16xi32>
        %add3A_834 = arith.addi %iota3A, %add3A_833 : vector<16xi32>
        %gather3A_835 = tpu.vector_load_idx %arg7[%add3A_834, %broadcast_in_dim3A_783] : memref<128x16xf32, #tpu.memory_space<vmem>>[vector<16xi32>, vector<16xi32>], vector<16xf32>,
        %swap3A_836 = arith.constant 10 : i32
        %swap3A_837 = arith.index_cast %swap3A_836 : i32 to index
        %swap3A_838 = arith.constant 96 : index
        %swap3A_839 = tpu.vector_load %arg9[%swap3A_837, %swap3A_838] {strides = array<i32>} : memref<16x128xf32, #tpu.memory_space<vmem>>, vector<16xf32>,
        tpu.vector_store %arg9[%swap3A_837, %swap3A_838], %gather3A_835 {strides = array<i32>} : memref<16x128xf32, #tpu.memory_space<vmem>>, vector<16xf32>,
        %add3A_840 = arith.constant 112 : i32
        %add3A_841 = vector.broadcast %add3A_840 : i32 to vector<16xi32>
        %add3A_842 = arith.addi %iota3A, %add3A_841 : vector<16xi32>
        %gather3A_843 = tpu.vector_load_idx %arg7[%add3A_842, %broadcast_in_dim3A_783] : memref<128x16xf32, #tpu.memory_space<vmem>>[vector<16xi32>, vector<16xi32>], vector<16xf32>,
        %swap3A_844 = arith.constant 10 : i32
        %swap3A_845 = arith.index_cast %swap3A_844 : i32 to index
        %swap3A_846 = arith.constant 112 : index
        %swap3A_847 = tpu.vector_load %arg9[%swap3A_845, %swap3A_846] {strides = array<i32>} : memref<16x128xf32, #tpu.memory_space<vmem>>, vector<16xf32>,
        tpu.vector_store %arg9[%swap3A_845, %swap3A_846], %gather3A_843 {strides = array<i32>} : memref<16x128xf32, #tpu.memory_space<vmem>>, vector<16xf32>,
        %broadcast_in_dim3A_848 = arith.constant 11 : i32
        %broadcast_in_dim3A_849 = vector.broadcast %broadcast_in_dim3A_848 : i32 to vector<16xi32>
        %add3A_850 = arith.constant 0 : i32
        %add3A_851 = vector.broadcast %add3A_850 : i32 to vector<16xi32>
        %add3A_852 = arith.addi %iota3A, %add3A_851 : vector<16xi32>
        %gather3A_853 = tpu.vector_load_idx %arg7[%add3A_852, %broadcast_in_dim3A_849] : memref<128x16xf32, #tpu.memory_space<vmem>>[vector<16xi32>, vector<16xi32>], vector<16xf32>,
        %swap3A_854 = arith.constant 11 : i32
        %swap3A_855 = arith.index_cast %swap3A_854 : i32 to index
        %swap3A_856 = arith.constant 0 : index
        %swap3A_857 = tpu.vector_load %arg9[%swap3A_855, %swap3A_856] {strides = array<i32>} : memref<16x128xf32, #tpu.memory_space<vmem>>, vector<16xf32>,
        tpu.vector_store %arg9[%swap3A_855, %swap3A_856], %gather3A_853 {strides = array<i32>} : memref<16x128xf32, #tpu.memory_space<vmem>>, vector<16xf32>,
        %add3A_858 = arith.constant 16 : i32
        %add3A_859 = vector.broadcast %add3A_858 : i32 to vector<16xi32>
        %add3A_860 = arith.addi %iota3A, %add3A_859 : vector<16xi32>
        %gather3A_861 = tpu.vector_load_idx %arg7[%add3A_860, %broadcast_in_dim3A_849] : memref<128x16xf32, #tpu.memory_space<vmem>>[vector<16xi32>, vector<16xi32>], vector<16xf32>,
        %swap3A_862 = arith.constant 11 : i32
        %swap3A_863 = arith.index_cast %swap3A_862 : i32 to index
        %swap3A_864 = arith.constant 16 : index
        %swap3A_865 = tpu.vector_load %arg9[%swap3A_863, %swap3A_864] {strides = array<i32>} : memref<16x128xf32, #tpu.memory_space<vmem>>, vector<16xf32>,
        tpu.vector_store %arg9[%swap3A_863, %swap3A_864], %gather3A_861 {strides = array<i32>} : memref<16x128xf32, #tpu.memory_space<vmem>>, vector<16xf32>,
        %add3A_866 = arith.constant 32 : i32
        %add3A_867 = vector.broadcast %add3A_866 : i32 to vector<16xi32>
        %add3A_868 = arith.addi %iota3A, %add3A_867 : vector<16xi32>
        %gather3A_869 = tpu.vector_load_idx %arg7[%add3A_868, %broadcast_in_dim3A_849] : memref<128x16xf32, #tpu.memory_space<vmem>>[vector<16xi32>, vector<16xi32>], vector<16xf32>,
        %swap3A_870 = arith.constant 11 : i32
        %swap3A_871 = arith.index_cast %swap3A_870 : i32 to index
        %swap3A_872 = arith.constant 32 : index
        %swap3A_873 = tpu.vector_load %arg9[%swap3A_871, %swap3A_872] {strides = array<i32>} : memref<16x128xf32, #tpu.memory_space<vmem>>, vector<16xf32>,
        tpu.vector_store %arg9[%swap3A_871, %swap3A_872], %gather3A_869 {strides = array<i32>} : memref<16x128xf32, #tpu.memory_space<vmem>>, vector<16xf32>,
        %add3A_874 = arith.constant 48 : i32
        %add3A_875 = vector.broadcast %add3A_874 : i32 to vector<16xi32>
        %add3A_876 = arith.addi %iota3A, %add3A_875 : vector<16xi32>
        %gather3A_877 = tpu.vector_load_idx %arg7[%add3A_876, %broadcast_in_dim3A_849] : memref<128x16xf32, #tpu.memory_space<vmem>>[vector<16xi32>, vector<16xi32>], vector<16xf32>,
        %swap3A_878 = arith.constant 11 : i32
        %swap3A_879 = arith.index_cast %swap3A_878 : i32 to index
        %swap3A_880 = arith.constant 48 : index
        %swap3A_881 = tpu.vector_load %arg9[%swap3A_879, %swap3A_880] {strides = array<i32>} : memref<16x128xf32, #tpu.memory_space<vmem>>, vector<16xf32>,
        tpu.vector_store %arg9[%swap3A_879, %swap3A_880], %gather3A_877 {strides = array<i32>} : memref<16x128xf32, #tpu.memory_space<vmem>>, vector<16xf32>,
        %add3A_882 = arith.constant 64 : i32
        %add3A_883 = vector.broadcast %add3A_882 : i32 to vector<16xi32>
        %add3A_884 = arith.addi %iota3A, %add3A_883 : vector<16xi32>
        %gather3A_885 = tpu.vector_load_idx %arg7[%add3A_884, %broadcast_in_dim3A_849] : memref<128x16xf32, #tpu.memory_space<vmem>>[vector<16xi32>, vector<16xi32>], vector<16xf32>,
        %swap3A_886 = arith.constant 11 : i32
        %swap3A_887 = arith.index_cast %swap3A_886 : i32 to index
        %swap3A_888 = arith.constant 64 : index
        %swap3A_889 = tpu.vector_load %arg9[%swap3A_887, %swap3A_888] {strides = array<i32>} : memref<16x128xf32, #tpu.memory_space<vmem>>, vector<16xf32>,
        tpu.vector_store %arg9[%swap3A_887, %swap3A_888], %gather3A_885 {strides = array<i32>} : memref<16x128xf32, #tpu.memory_space<vmem>>, vector<16xf32>,
        %add3A_890 = arith.constant 80 : i32
        %add3A_891 = vector.broadcast %add3A_890 : i32 to vector<16xi32>
        %add3A_892 = arith.addi %iota3A, %add3A_891 : vector<16xi32>
        %gather3A_893 = tpu.vector_load_idx %arg7[%add3A_892, %broadcast_in_dim3A_849] : memref<128x16xf32, #tpu.memory_space<vmem>>[vector<16xi32>, vector<16xi32>], vector<16xf32>,
        %swap3A_894 = arith.constant 11 : i32
        %swap3A_895 = arith.index_cast %swap3A_894 : i32 to index
        %swap3A_896 = arith.constant 80 : index
        %swap3A_897 = tpu.vector_load %arg9[%swap3A_895, %swap3A_896] {strides = array<i32>} : memref<16x128xf32, #tpu.memory_space<vmem>>, vector<16xf32>,
        tpu.vector_store %arg9[%swap3A_895, %swap3A_896], %gather3A_893 {strides = array<i32>} : memref<16x128xf32, #tpu.memory_space<vmem>>, vector<16xf32>,
        %add3A_898 = arith.constant 96 : i32
        %add3A_899 = vector.broadcast %add3A_898 : i32 to vector<16xi32>
        %add3A_900 = arith.addi %iota3A, %add3A_899 : vector<16xi32>
        %gather3A_901 = tpu.vector_load_idx %arg7[%add3A_900, %broadcast_in_dim3A_849] : memref<128x16xf32, #tpu.memory_space<vmem>>[vector<16xi32>, vector<16xi32>], vector<16xf32>,
        %swap3A_902 = arith.constant 11 : i32
        %swap3A_903 = arith.index_cast %swap3A_902 : i32 to index
        %swap3A_904 = arith.constant 96 : index
        %swap3A_905 = tpu.vector_load %arg9[%swap3A_903, %swap3A_904] {strides = array<i32>} : memref<16x128xf32, #tpu.memory_space<vmem>>, vector<16xf32>,
        tpu.vector_store %arg9[%swap3A_903, %swap3A_904], %gather3A_901 {strides = array<i32>} : memref<16x128xf32, #tpu.memory_space<vmem>>, vector<16xf32>,
        %add3A_906 = arith.constant 112 : i32
        %add3A_907 = vector.broadcast %add3A_906 : i32 to vector<16xi32>
        %add3A_908 = arith.addi %iota3A, %add3A_907 : vector<16xi32>
        %gather3A_909 = tpu.vector_load_idx %arg7[%add3A_908, %broadcast_in_dim3A_849] : memref<128x16xf32, #tpu.memory_space<vmem>>[vector<16xi32>, vector<16xi32>], vector<16xf32>,
        %swap3A_910 = arith.constant 11 : i32
        %swap3A_911 = arith.index_cast %swap3A_910 : i32 to index
        %swap3A_912 = arith.constant 112 : index
        %swap3A_913 = tpu.vector_load %arg9[%swap3A_911, %swap3A_912] {strides = array<i32>} : memref<16x128xf32, #tpu.memory_space<vmem>>, vector<16xf32>,
        tpu.vector_store %arg9[%swap3A_911, %swap3A_912], %gather3A_909 {strides = array<i32>} : memref<16x128xf32, #tpu.memory_space<vmem>>, vector<16xf32>,
        %broadcast_in_dim3A_914 = arith.constant 12 : i32
        %broadcast_in_dim3A_915 = vector.broadcast %broadcast_in_dim3A_914 : i32 to vector<16xi32>
        %add3A_916 = arith.constant 0 : i32
        %add3A_917 = vector.broadcast %add3A_916 : i32 to vector<16xi32>
        %add3A_918 = arith.addi %iota3A, %add3A_917 : vector<16xi32>
        %gather3A_919 = tpu.vector_load_idx %arg7[%add3A_918, %broadcast_in_dim3A_915] : memref<128x16xf32, #tpu.memory_space<vmem>>[vector<16xi32>, vector<16xi32>], vector<16xf32>,
        %swap3A_920 = arith.constant 12 : i32
        %swap3A_921 = arith.index_cast %swap3A_920 : i32 to index
        %swap3A_922 = arith.constant 0 : index
        %swap3A_923 = tpu.vector_load %arg9[%swap3A_921, %swap3A_922] {strides = array<i32>} : memref<16x128xf32, #tpu.memory_space<vmem>>, vector<16xf32>,
        tpu.vector_store %arg9[%swap3A_921, %swap3A_922], %gather3A_919 {strides = array<i32>} : memref<16x128xf32, #tpu.memory_space<vmem>>, vector<16xf32>,
        %add3A_924 = arith.constant 16 : i32
        %add3A_925 = vector.broadcast %add3A_924 : i32 to vector<16xi32>
        %add3A_926 = arith.addi %iota3A, %add3A_925 : vector<16xi32>
        %gather3A_927 = tpu.vector_load_idx %arg7[%add3A_926, %broadcast_in_dim3A_915] : memref<128x16xf32, #tpu.memory_space<vmem>>[vector<16xi32>, vector<16xi32>], vector<16xf32>,
        %swap3A_928 = arith.constant 12 : i32
        %swap3A_929 = arith.index_cast %swap3A_928 : i32 to index
        %swap3A_930 = arith.constant 16 : index
        %swap3A_931 = tpu.vector_load %arg9[%swap3A_929, %swap3A_930] {strides = array<i32>} : memref<16x128xf32, #tpu.memory_space<vmem>>, vector<16xf32>,
        tpu.vector_store %arg9[%swap3A_929, %swap3A_930], %gather3A_927 {strides = array<i32>} : memref<16x128xf32, #tpu.memory_space<vmem>>, vector<16xf32>,
        %add3A_932 = arith.constant 32 : i32
        %add3A_933 = vector.broadcast %add3A_932 : i32 to vector<16xi32>
        %add3A_934 = arith.addi %iota3A, %add3A_933 : vector<16xi32>
        %gather3A_935 = tpu.vector_load_idx %arg7[%add3A_934, %broadcast_in_dim3A_915] : memref<128x16xf32, #tpu.memory_space<vmem>>[vector<16xi32>, vector<16xi32>], vector<16xf32>,
        %swap3A_936 = arith.constant 12 : i32
        %swap3A_937 = arith.index_cast %swap3A_936 : i32 to index
        %swap3A_938 = arith.constant 32 : index
        %swap3A_939 = tpu.vector_load %arg9[%swap3A_937, %swap3A_938] {strides = array<i32>} : memref<16x128xf32, #tpu.memory_space<vmem>>, vector<16xf32>,
        tpu.vector_store %arg9[%swap3A_937, %swap3A_938], %gather3A_935 {strides = array<i32>} : memref<16x128xf32, #tpu.memory_space<vmem>>, vector<16xf32>,
        %add3A_940 = arith.constant 48 : i32
        %add3A_941 = vector.broadcast %add3A_940 : i32 to vector<16xi32>
        %add3A_942 = arith.addi %iota3A, %add3A_941 : vector<16xi32>
        %gather3A_943 = tpu.vector_load_idx %arg7[%add3A_942, %broadcast_in_dim3A_915] : memref<128x16xf32, #tpu.memory_space<vmem>>[vector<16xi32>, vector<16xi32>], vector<16xf32>,
        %swap3A_944 = arith.constant 12 : i32
        %swap3A_945 = arith.index_cast %swap3A_944 : i32 to index
        %swap3A_946 = arith.constant 48 : index
        %swap3A_947 = tpu.vector_load %arg9[%swap3A_945, %swap3A_946] {strides = array<i32>} : memref<16x128xf32, #tpu.memory_space<vmem>>, vector<16xf32>,
        tpu.vector_store %arg9[%swap3A_945, %swap3A_946], %gather3A_943 {strides = array<i32>} : memref<16x128xf32, #tpu.memory_space<vmem>>, vector<16xf32>,
        %add3A_948 = arith.constant 64 : i32
        %add3A_949 = vector.broadcast %add3A_948 : i32 to vector<16xi32>
        %add3A_950 = arith.addi %iota3A, %add3A_949 : vector<16xi32>
        %gather3A_951 = tpu.vector_load_idx %arg7[%add3A_950, %broadcast_in_dim3A_915] : memref<128x16xf32, #tpu.memory_space<vmem>>[vector<16xi32>, vector<16xi32>], vector<16xf32>,
        %swap3A_952 = arith.constant 12 : i32
        %swap3A_953 = arith.index_cast %swap3A_952 : i32 to index
        %swap3A_954 = arith.constant 64 : index
        %swap3A_955 = tpu.vector_load %arg9[%swap3A_953, %swap3A_954] {strides = array<i32>} : memref<16x128xf32, #tpu.memory_space<vmem>>, vector<16xf32>,
        tpu.vector_store %arg9[%swap3A_953, %swap3A_954], %gather3A_951 {strides = array<i32>} : memref<16x128xf32, #tpu.memory_space<vmem>>, vector<16xf32>,
        %add3A_956 = arith.constant 80 : i32
        %add3A_957 = vector.broadcast %add3A_956 : i32 to vector<16xi32>
        %add3A_958 = arith.addi %iota3A, %add3A_957 : vector<16xi32>
        %gather3A_959 = tpu.vector_load_idx %arg7[%add3A_958, %broadcast_in_dim3A_915] : memref<128x16xf32, #tpu.memory_space<vmem>>[vector<16xi32>, vector<16xi32>], vector<16xf32>,
        %swap3A_960 = arith.constant 12 : i32
        %swap3A_961 = arith.index_cast %swap3A_960 : i32 to index
        %swap3A_962 = arith.constant 80 : index
        %swap3A_963 = tpu.vector_load %arg9[%swap3A_961, %swap3A_962] {strides = array<i32>} : memref<16x128xf32, #tpu.memory_space<vmem>>, vector<16xf32>,
        tpu.vector_store %arg9[%swap3A_961, %swap3A_962], %gather3A_959 {strides = array<i32>} : memref<16x128xf32, #tpu.memory_space<vmem>>, vector<16xf32>,
        %add3A_964 = arith.constant 96 : i32
        %add3A_965 = vector.broadcast %add3A_964 : i32 to vector<16xi32>
        %add3A_966 = arith.addi %iota3A, %add3A_965 : vector<16xi32>
        %gather3A_967 = tpu.vector_load_idx %arg7[%add3A_966, %broadcast_in_dim3A_915] : memref<128x16xf32, #tpu.memory_space<vmem>>[vector<16xi32>, vector<16xi32>], vector<16xf32>,
        %swap3A_968 = arith.constant 12 : i32
        %swap3A_969 = arith.index_cast %swap3A_968 : i32 to index
        %swap3A_970 = arith.constant 96 : index
        %swap3A_971 = tpu.vector_load %arg9[%swap3A_969, %swap3A_970] {strides = array<i32>} : memref<16x128xf32, #tpu.memory_space<vmem>>, vector<16xf32>,
        tpu.vector_store %arg9[%swap3A_969, %swap3A_970], %gather3A_967 {strides = array<i32>} : memref<16x128xf32, #tpu.memory_space<vmem>>, vector<16xf32>,
        %add3A_972 = arith.constant 112 : i32
        %add3A_973 = vector.broadcast %add3A_972 : i32 to vector<16xi32>
        %add3A_974 = arith.addi %iota3A, %add3A_973 : vector<16xi32>
        %gather3A_975 = tpu.vector_load_idx %arg7[%add3A_974, %broadcast_in_dim3A_915] : memref<128x16xf32, #tpu.memory_space<vmem>>[vector<16xi32>, vector<16xi32>], vector<16xf32>,
        %swap3A_976 = arith.constant 12 : i32
        %swap3A_977 = arith.index_cast %swap3A_976 : i32 to index
        %swap3A_978 = arith.constant 112 : index
        %swap3A_979 = tpu.vector_load %arg9[%swap3A_977, %swap3A_978] {strides = array<i32>} : memref<16x128xf32, #tpu.memory_space<vmem>>, vector<16xf32>,
        tpu.vector_store %arg9[%swap3A_977, %swap3A_978], %gather3A_975 {strides = array<i32>} : memref<16x128xf32, #tpu.memory_space<vmem>>, vector<16xf32>,
        %broadcast_in_dim3A_980 = arith.constant 13 : i32
        %broadcast_in_dim3A_981 = vector.broadcast %broadcast_in_dim3A_980 : i32 to vector<16xi32>
        %add3A_982 = arith.constant 0 : i32
        %add3A_983 = vector.broadcast %add3A_982 : i32 to vector<16xi32>
        %add3A_984 = arith.addi %iota3A, %add3A_983 : vector<16xi32>
        %gather3A_985 = tpu.vector_load_idx %arg7[%add3A_984, %broadcast_in_dim3A_981] : memref<128x16xf32, #tpu.memory_space<vmem>>[vector<16xi32>, vector<16xi32>], vector<16xf32>,
        %swap3A_986 = arith.constant 13 : i32
        %swap3A_987 = arith.index_cast %swap3A_986 : i32 to index
        %swap3A_988 = arith.constant 0 : index
        %swap3A_989 = tpu.vector_load %arg9[%swap3A_987, %swap3A_988] {strides = array<i32>} : memref<16x128xf32, #tpu.memory_space<vmem>>, vector<16xf32>,
        tpu.vector_store %arg9[%swap3A_987, %swap3A_988], %gather3A_985 {strides = array<i32>} : memref<16x128xf32, #tpu.memory_space<vmem>>, vector<16xf32>,
        %add3A_990 = arith.constant 16 : i32
        %add3A_991 = vector.broadcast %add3A_990 : i32 to vector<16xi32>
        %add3A_992 = arith.addi %iota3A, %add3A_991 : vector<16xi32>
        %gather3A_993 = tpu.vector_load_idx %arg7[%add3A_992, %broadcast_in_dim3A_981] : memref<128x16xf32, #tpu.memory_space<vmem>>[vector<16xi32>, vector<16xi32>], vector<16xf32>,
        %swap3A_994 = arith.constant 13 : i32
        %swap3A_995 = arith.index_cast %swap3A_994 : i32 to index
        %swap3A_996 = arith.constant 16 : index
        %swap3A_997 = tpu.vector_load %arg9[%swap3A_995, %swap3A_996] {strides = array<i32>} : memref<16x128xf32, #tpu.memory_space<vmem>>, vector<16xf32>,
        tpu.vector_store %arg9[%swap3A_995, %swap3A_996], %gather3A_993 {strides = array<i32>} : memref<16x128xf32, #tpu.memory_space<vmem>>, vector<16xf32>,
        %add3A_998 = arith.constant 32 : i32
        %add3A_999 = vector.broadcast %add3A_998 : i32 to vector<16xi32>
        %add3A_1000 = arith.addi %iota3A, %add3A_999 : vector<16xi32>
        %gather3A_1001 = tpu.vector_load_idx %arg7[%add3A_1000, %broadcast_in_dim3A_981] : memref<128x16xf32, #tpu.memory_space<vmem>>[vector<16xi32>, vector<16xi32>], vector<16xf32>,
        %swap3A_1002 = arith.constant 13 : i32
        %swap3A_1003 = arith.index_cast %swap3A_1002 : i32 to index
        %swap3A_1004 = arith.constant 32 : index
        %swap3A_1005 = tpu.vector_load %arg9[%swap3A_1003, %swap3A_1004] {strides = array<i32>} : memref<16x128xf32, #tpu.memory_space<vmem>>, vector<16xf32>,
        tpu.vector_store %arg9[%swap3A_1003, %swap3A_1004], %gather3A_1001 {strides = array<i32>} : memref<16x128xf32, #tpu.memory_space<vmem>>, vector<16xf32>,
        %add3A_1006 = arith.constant 48 : i32
        %add3A_1007 = vector.broadcast %add3A_1006 : i32 to vector<16xi32>
        %add3A_1008 = arith.addi %iota3A, %add3A_1007 : vector<16xi32>
        %gather3A_1009 = tpu.vector_load_idx %arg7[%add3A_1008, %broadcast_in_dim3A_981] : memref<128x16xf32, #tpu.memory_space<vmem>>[vector<16xi32>, vector<16xi32>], vector<16xf32>,
        %swap3A_1010 = arith.constant 13 : i32
        %swap3A_1011 = arith.index_cast %swap3A_1010 : i32 to index
        %swap3A_1012 = arith.constant 48 : index
        %swap3A_1013 = tpu.vector_load %arg9[%swap3A_1011, %swap3A_1012] {strides = array<i32>} : memref<16x128xf32, #tpu.memory_space<vmem>>, vector<16xf32>,
        tpu.vector_store %arg9[%swap3A_1011, %swap3A_1012], %gather3A_1009 {strides = array<i32>} : memref<16x128xf32, #tpu.memory_space<vmem>>, vector<16xf32>,
        %add3A_1014 = arith.constant 64 : i32
        %add3A_1015 = vector.broadcast %add3A_1014 : i32 to vector<16xi32>
        %add3A_1016 = arith.addi %iota3A, %add3A_1015 : vector<16xi32>
        %gather3A_1017 = tpu.vector_load_idx %arg7[%add3A_1016, %broadcast_in_dim3A_981] : memref<128x16xf32, #tpu.memory_space<vmem>>[vector<16xi32>, vector<16xi32>], vector<16xf32>,
        %swap3A_1018 = arith.constant 13 : i32
        %swap3A_1019 = arith.index_cast %swap3A_1018 : i32 to index
        %swap3A_1020 = arith.constant 64 : index
        %swap3A_1021 = tpu.vector_load %arg9[%swap3A_1019, %swap3A_1020] {strides = array<i32>} : memref<16x128xf32, #tpu.memory_space<vmem>>, vector<16xf32>,
        tpu.vector_store %arg9[%swap3A_1019, %swap3A_1020], %gather3A_1017 {strides = array<i32>} : memref<16x128xf32, #tpu.memory_space<vmem>>, vector<16xf32>,
        %add3A_1022 = arith.constant 80 : i32
        %add3A_1023 = vector.broadcast %add3A_1022 : i32 to vector<16xi32>
        %add3A_1024 = arith.addi %iota3A, %add3A_1023 : vector<16xi32>
        %gather3A_1025 = tpu.vector_load_idx %arg7[%add3A_1024, %broadcast_in_dim3A_981] : memref<128x16xf32, #tpu.memory_space<vmem>>[vector<16xi32>, vector<16xi32>], vector<16xf32>,
        %swap3A_1026 = arith.constant 13 : i32
        %swap3A_1027 = arith.index_cast %swap3A_1026 : i32 to index
        %swap3A_1028 = arith.constant 80 : index
        %swap3A_1029 = tpu.vector_load %arg9[%swap3A_1027, %swap3A_1028] {strides = array<i32>} : memref<16x128xf32, #tpu.memory_space<vmem>>, vector<16xf32>,
        tpu.vector_store %arg9[%swap3A_1027, %swap3A_1028], %gather3A_1025 {strides = array<i32>} : memref<16x128xf32, #tpu.memory_space<vmem>>, vector<16xf32>,
        %add3A_1030 = arith.constant 96 : i32
        %add3A_1031 = vector.broadcast %add3A_1030 : i32 to vector<16xi32>
        %add3A_1032 = arith.addi %iota3A, %add3A_1031 : vector<16xi32>
        %gather3A_1033 = tpu.vector_load_idx %arg7[%add3A_1032, %broadcast_in_dim3A_981] : memref<128x16xf32, #tpu.memory_space<vmem>>[vector<16xi32>, vector<16xi32>], vector<16xf32>,
        %swap3A_1034 = arith.constant 13 : i32
        %swap3A_1035 = arith.index_cast %swap3A_1034 : i32 to index
        %swap3A_1036 = arith.constant 96 : index
        %swap3A_1037 = tpu.vector_load %arg9[%swap3A_1035, %swap3A_1036] {strides = array<i32>} : memref<16x128xf32, #tpu.memory_space<vmem>>, vector<16xf32>,
        tpu.vector_store %arg9[%swap3A_1035, %swap3A_1036], %gather3A_1033 {strides = array<i32>} : memref<16x128xf32, #tpu.memory_space<vmem>>, vector<16xf32>,
        %add3A_1038 = arith.constant 112 : i32
        %add3A_1039 = vector.broadcast %add3A_1038 : i32 to vector<16xi32>
        %add3A_1040 = arith.addi %iota3A, %add3A_1039 : vector<16xi32>
        %gather3A_1041 = tpu.vector_load_idx %arg7[%add3A_1040, %broadcast_in_dim3A_981] : memref<128x16xf32, #tpu.memory_space<vmem>>[vector<16xi32>, vector<16xi32>], vector<16xf32>,
        %swap3A_1042 = arith.constant 13 : i32
        %swap3A_1043 = arith.index_cast %swap3A_1042 : i32 to index
        %swap3A_1044 = arith.constant 112 : index
        %swap3A_1045 = tpu.vector_load %arg9[%swap3A_1043, %swap3A_1044] {strides = array<i32>} : memref<16x128xf32, #tpu.memory_space<vmem>>, vector<16xf32>,
        tpu.vector_store %arg9[%swap3A_1043, %swap3A_1044], %gather3A_1041 {strides = array<i32>} : memref<16x128xf32, #tpu.memory_space<vmem>>, vector<16xf32>,
        %broadcast_in_dim3A_1046 = arith.constant 14 : i32
        %broadcast_in_dim3A_1047 = vector.broadcast %broadcast_in_dim3A_1046 : i32 to vector<16xi32>
        %add3A_1048 = arith.constant 0 : i32
        %add3A_1049 = vector.broadcast %add3A_1048 : i32 to vector<16xi32>
        %add3A_1050 = arith.addi %iota3A, %add3A_1049 : vector<16xi32>
        %gather3A_1051 = tpu.vector_load_idx %arg7[%add3A_1050, %broadcast_in_dim3A_1047] : memref<128x16xf32, #tpu.memory_space<vmem>>[vector<16xi32>, vector<16xi32>], vector<16xf32>,
        %swap3A_1052 = arith.constant 14 : i32
        %swap3A_1053 = arith.index_cast %swap3A_1052 : i32 to index
        %swap3A_1054 = arith.constant 0 : index
        %swap3A_1055 = tpu.vector_load %arg9[%swap3A_1053, %swap3A_1054] {strides = array<i32>} : memref<16x128xf32, #tpu.memory_space<vmem>>, vector<16xf32>,
        tpu.vector_store %arg9[%swap3A_1053, %swap3A_1054], %gather3A_1051 {strides = array<i32>} : memref<16x128xf32, #tpu.memory_space<vmem>>, vector<16xf32>,
        %add3A_1056 = arith.constant 16 : i32
        %add3A_1057 = vector.broadcast %add3A_1056 : i32 to vector<16xi32>
        %add3A_1058 = arith.addi %iota3A, %add3A_1057 : vector<16xi32>
        %gather3A_1059 = tpu.vector_load_idx %arg7[%add3A_1058, %broadcast_in_dim3A_1047] : memref<128x16xf32, #tpu.memory_space<vmem>>[vector<16xi32>, vector<16xi32>], vector<16xf32>,
        %swap3A_1060 = arith.constant 14 : i32
        %swap3A_1061 = arith.index_cast %swap3A_1060 : i32 to index
        %swap3A_1062 = arith.constant 16 : index
        %swap3A_1063 = tpu.vector_load %arg9[%swap3A_1061, %swap3A_1062] {strides = array<i32>} : memref<16x128xf32, #tpu.memory_space<vmem>>, vector<16xf32>,
        tpu.vector_store %arg9[%swap3A_1061, %swap3A_1062], %gather3A_1059 {strides = array<i32>} : memref<16x128xf32, #tpu.memory_space<vmem>>, vector<16xf32>,
        %add3A_1064 = arith.constant 32 : i32
        %add3A_1065 = vector.broadcast %add3A_1064 : i32 to vector<16xi32>
        %add3A_1066 = arith.addi %iota3A, %add3A_1065 : vector<16xi32>
        %gather3A_1067 = tpu.vector_load_idx %arg7[%add3A_1066, %broadcast_in_dim3A_1047] : memref<128x16xf32, #tpu.memory_space<vmem>>[vector<16xi32>, vector<16xi32>], vector<16xf32>,
        %swap3A_1068 = arith.constant 14 : i32
        %swap3A_1069 = arith.index_cast %swap3A_1068 : i32 to index
        %swap3A_1070 = arith.constant 32 : index
        %swap3A_1071 = tpu.vector_load %arg9[%swap3A_1069, %swap3A_1070] {strides = array<i32>} : memref<16x128xf32, #tpu.memory_space<vmem>>, vector<16xf32>,
        tpu.vector_store %arg9[%swap3A_1069, %swap3A_1070], %gather3A_1067 {strides = array<i32>} : memref<16x128xf32, #tpu.memory_space<vmem>>, vector<16xf32>,
        %add3A_1072 = arith.constant 48 : i32
        %add3A_1073 = vector.broadcast %add3A_1072 : i32 to vector<16xi32>
        %add3A_1074 = arith.addi %iota3A, %add3A_1073 : vector<16xi32>
        %gather3A_1075 = tpu.vector_load_idx %arg7[%add3A_1074, %broadcast_in_dim3A_1047] : memref<128x16xf32, #tpu.memory_space<vmem>>[vector<16xi32>, vector<16xi32>], vector<16xf32>,
        %swap3A_1076 = arith.constant 14 : i32
        %swap3A_1077 = arith.index_cast %swap3A_1076 : i32 to index
        %swap3A_1078 = arith.constant 48 : index
        %swap3A_1079 = tpu.vector_load %arg9[%swap3A_1077, %swap3A_1078] {strides = array<i32>} : memref<16x128xf32, #tpu.memory_space<vmem>>, vector<16xf32>,
        tpu.vector_store %arg9[%swap3A_1077, %swap3A_1078], %gather3A_1075 {strides = array<i32>} : memref<16x128xf32, #tpu.memory_space<vmem>>, vector<16xf32>,
        %add3A_1080 = arith.constant 64 : i32
        %add3A_1081 = vector.broadcast %add3A_1080 : i32 to vector<16xi32>
        %add3A_1082 = arith.addi %iota3A, %add3A_1081 : vector<16xi32>
        %gather3A_1083 = tpu.vector_load_idx %arg7[%add3A_1082, %broadcast_in_dim3A_1047] : memref<128x16xf32, #tpu.memory_space<vmem>>[vector<16xi32>, vector<16xi32>], vector<16xf32>,
        %swap3A_1084 = arith.constant 14 : i32
        %swap3A_1085 = arith.index_cast %swap3A_1084 : i32 to index
        %swap3A_1086 = arith.constant 64 : index
        %swap3A_1087 = tpu.vector_load %arg9[%swap3A_1085, %swap3A_1086] {strides = array<i32>} : memref<16x128xf32, #tpu.memory_space<vmem>>, vector<16xf32>,
        tpu.vector_store %arg9[%swap3A_1085, %swap3A_1086], %gather3A_1083 {strides = array<i32>} : memref<16x128xf32, #tpu.memory_space<vmem>>, vector<16xf32>,
        %add3A_1088 = arith.constant 80 : i32
        %add3A_1089 = vector.broadcast %add3A_1088 : i32 to vector<16xi32>
        %add3A_1090 = arith.addi %iota3A, %add3A_1089 : vector<16xi32>
        %gather3A_1091 = tpu.vector_load_idx %arg7[%add3A_1090, %broadcast_in_dim3A_1047] : memref<128x16xf32, #tpu.memory_space<vmem>>[vector<16xi32>, vector<16xi32>], vector<16xf32>,
        %swap3A_1092 = arith.constant 14 : i32
        %swap3A_1093 = arith.index_cast %swap3A_1092 : i32 to index
        %swap3A_1094 = arith.constant 80 : index
        %swap3A_1095 = tpu.vector_load %arg9[%swap3A_1093, %swap3A_1094] {strides = array<i32>} : memref<16x128xf32, #tpu.memory_space<vmem>>, vector<16xf32>,
        tpu.vector_store %arg9[%swap3A_1093, %swap3A_1094], %gather3A_1091 {strides = array<i32>} : memref<16x128xf32, #tpu.memory_space<vmem>>, vector<16xf32>,
        %add3A_1096 = arith.constant 96 : i32
        %add3A_1097 = vector.broadcast %add3A_1096 : i32 to vector<16xi32>
        %add3A_1098 = arith.addi %iota3A, %add3A_1097 : vector<16xi32>
        %gather3A_1099 = tpu.vector_load_idx %arg7[%add3A_1098, %broadcast_in_dim3A_1047] : memref<128x16xf32, #tpu.memory_space<vmem>>[vector<16xi32>, vector<16xi32>], vector<16xf32>,
        %swap3A_1100 = arith.constant 14 : i32
        %swap3A_1101 = arith.index_cast %swap3A_1100 : i32 to index
        %swap3A_1102 = arith.constant 96 : index
        %swap3A_1103 = tpu.vector_load %arg9[%swap3A_1101, %swap3A_1102] {strides = array<i32>} : memref<16x128xf32, #tpu.memory_space<vmem>>, vector<16xf32>,
        tpu.vector_store %arg9[%swap3A_1101, %swap3A_1102], %gather3A_1099 {strides = array<i32>} : memref<16x128xf32, #tpu.memory_space<vmem>>, vector<16xf32>,
        %add3A_1104 = arith.constant 112 : i32
        %add3A_1105 = vector.broadcast %add3A_1104 : i32 to vector<16xi32>
        %add3A_1106 = arith.addi %iota3A, %add3A_1105 : vector<16xi32>
        %gather3A_1107 = tpu.vector_load_idx %arg7[%add3A_1106, %broadcast_in_dim3A_1047] : memref<128x16xf32, #tpu.memory_space<vmem>>[vector<16xi32>, vector<16xi32>], vector<16xf32>,
        %swap3A_1108 = arith.constant 14 : i32
        %swap3A_1109 = arith.index_cast %swap3A_1108 : i32 to index
        %swap3A_1110 = arith.constant 112 : index
        %swap3A_1111 = tpu.vector_load %arg9[%swap3A_1109, %swap3A_1110] {strides = array<i32>} : memref<16x128xf32, #tpu.memory_space<vmem>>, vector<16xf32>,
        tpu.vector_store %arg9[%swap3A_1109, %swap3A_1110], %gather3A_1107 {strides = array<i32>} : memref<16x128xf32, #tpu.memory_space<vmem>>, vector<16xf32>,
        %broadcast_in_dim3A_1112 = arith.constant 15 : i32
        %broadcast_in_dim3A_1113 = vector.broadcast %broadcast_in_dim3A_1112 : i32 to vector<16xi32>
        %add3A_1114 = arith.constant 0 : i32
        %add3A_1115 = vector.broadcast %add3A_1114 : i32 to vector<16xi32>
        %add3A_1116 = arith.addi %iota3A, %add3A_1115 : vector<16xi32>
        %gather3A_1117 = tpu.vector_load_idx %arg7[%add3A_1116, %broadcast_in_dim3A_1113] : memref<128x16xf32, #tpu.memory_space<vmem>>[vector<16xi32>, vector<16xi32>], vector<16xf32>,
        %swap3A_1118 = arith.constant 15 : i32
        %swap3A_1119 = arith.index_cast %swap3A_1118 : i32 to index
        %swap3A_1120 = arith.constant 0 : index
        %swap3A_1121 = tpu.vector_load %arg9[%swap3A_1119, %swap3A_1120] {strides = array<i32>} : memref<16x128xf32, #tpu.memory_space<vmem>>, vector<16xf32>,
        tpu.vector_store %arg9[%swap3A_1119, %swap3A_1120], %gather3A_1117 {strides = array<i32>} : memref<16x128xf32, #tpu.memory_space<vmem>>, vector<16xf32>,
        %add3A_1122 = arith.constant 16 : i32
        %add3A_1123 = vector.broadcast %add3A_1122 : i32 to vector<16xi32>
        %add3A_1124 = arith.addi %iota3A, %add3A_1123 : vector<16xi32>
        %gather3A_1125 = tpu.vector_load_idx %arg7[%add3A_1124, %broadcast_in_dim3A_1113] : memref<128x16xf32, #tpu.memory_space<vmem>>[vector<16xi32>, vector<16xi32>], vector<16xf32>,
        %swap3A_1126 = arith.constant 15 : i32
        %swap3A_1127 = arith.index_cast %swap3A_1126 : i32 to index
        %swap3A_1128 = arith.constant 16 : index
        %swap3A_1129 = tpu.vector_load %arg9[%swap3A_1127, %swap3A_1128] {strides = array<i32>} : memref<16x128xf32, #tpu.memory_space<vmem>>, vector<16xf32>,
        tpu.vector_store %arg9[%swap3A_1127, %swap3A_1128], %gather3A_1125 {strides = array<i32>} : memref<16x128xf32, #tpu.memory_space<vmem>>, vector<16xf32>,
        %add3A_1130 = arith.constant 32 : i32
        %add3A_1131 = vector.broadcast %add3A_1130 : i32 to vector<16xi32>
        %add3A_1132 = arith.addi %iota3A, %add3A_1131 : vector<16xi32>
        %gather3A_1133 = tpu.vector_load_idx %arg7[%add3A_1132, %broadcast_in_dim3A_1113] : memref<128x16xf32, #tpu.memory_space<vmem>>[vector<16xi32>, vector<16xi32>], vector<16xf32>,
        %swap3A_1134 = arith.constant 15 : i32
        %swap3A_1135 = arith.index_cast %swap3A_1134 : i32 to index
        %swap3A_1136 = arith.constant 32 : index
        %swap3A_1137 = tpu.vector_load %arg9[%swap3A_1135, %swap3A_1136] {strides = array<i32>} : memref<16x128xf32, #tpu.memory_space<vmem>>, vector<16xf32>,
        tpu.vector_store %arg9[%swap3A_1135, %swap3A_1136], %gather3A_1133 {strides = array<i32>} : memref<16x128xf32, #tpu.memory_space<vmem>>, vector<16xf32>,
        %add3A_1138 = arith.constant 48 : i32
        %add3A_1139 = vector.broadcast %add3A_1138 : i32 to vector<16xi32>
        %add3A_1140 = arith.addi %iota3A, %add3A_1139 : vector<16xi32>
        %gather3A_1141 = tpu.vector_load_idx %arg7[%add3A_1140, %broadcast_in_dim3A_1113] : memref<128x16xf32, #tpu.memory_space<vmem>>[vector<16xi32>, vector<16xi32>], vector<16xf32>,
        %swap3A_1142 = arith.constant 15 : i32
        %swap3A_1143 = arith.index_cast %swap3A_1142 : i32 to index
        %swap3A_1144 = arith.constant 48 : index
        %swap3A_1145 = tpu.vector_load %arg9[%swap3A_1143, %swap3A_1144] {strides = array<i32>} : memref<16x128xf32, #tpu.memory_space<vmem>>, vector<16xf32>,
        tpu.vector_store %arg9[%swap3A_1143, %swap3A_1144], %gather3A_1141 {strides = array<i32>} : memref<16x128xf32, #tpu.memory_space<vmem>>, vector<16xf32>,
        %add3A_1146 = arith.constant 64 : i32
        %add3A_1147 = vector.broadcast %add3A_1146 : i32 to vector<16xi32>
        %add3A_1148 = arith.addi %iota3A, %add3A_1147 : vector<16xi32>
        %gather3A_1149 = tpu.vector_load_idx %arg7[%add3A_1148, %broadcast_in_dim3A_1113] : memref<128x16xf32, #tpu.memory_space<vmem>>[vector<16xi32>, vector<16xi32>], vector<16xf32>,
        %swap3A_1150 = arith.constant 15 : i32
        %swap3A_1151 = arith.index_cast %swap3A_1150 : i32 to index
        %swap3A_1152 = arith.constant 64 : index
        %swap3A_1153 = tpu.vector_load %arg9[%swap3A_1151, %swap3A_1152] {strides = array<i32>} : memref<16x128xf32, #tpu.memory_space<vmem>>, vector<16xf32>,
        tpu.vector_store %arg9[%swap3A_1151, %swap3A_1152], %gather3A_1149 {strides = array<i32>} : memref<16x128xf32, #tpu.memory_space<vmem>>, vector<16xf32>,
        %add3A_1154 = arith.constant 80 : i32
        %add3A_1155 = vector.broadcast %add3A_1154 : i32 to vector<16xi32>
        %add3A_1156 = arith.addi %iota3A, %add3A_1155 : vector<16xi32>
        %gather3A_1157 = tpu.vector_load_idx %arg7[%add3A_1156, %broadcast_in_dim3A_1113] : memref<128x16xf32, #tpu.memory_space<vmem>>[vector<16xi32>, vector<16xi32>], vector<16xf32>,
        %swap3A_1158 = arith.constant 15 : i32
        %swap3A_1159 = arith.index_cast %swap3A_1158 : i32 to index
        %swap3A_1160 = arith.constant 80 : index
        %swap3A_1161 = tpu.vector_load %arg9[%swap3A_1159, %swap3A_1160] {strides = array<i32>} : memref<16x128xf32, #tpu.memory_space<vmem>>, vector<16xf32>,
        tpu.vector_store %arg9[%swap3A_1159, %swap3A_1160], %gather3A_1157 {strides = array<i32>} : memref<16x128xf32, #tpu.memory_space<vmem>>, vector<16xf32>,
        %add3A_1162 = arith.constant 96 : i32
        %add3A_1163 = vector.broadcast %add3A_1162 : i32 to vector<16xi32>
        %add3A_1164 = arith.addi %iota3A, %add3A_1163 : vector<16xi32>
        %gather3A_1165 = tpu.vector_load_idx %arg7[%add3A_1164, %broadcast_in_dim3A_1113] : memref<128x16xf32, #tpu.memory_space<vmem>>[vector<16xi32>, vector<16xi32>], vector<16xf32>,
        %swap3A_1166 = arith.constant 15 : i32
        %swap3A_1167 = arith.index_cast %swap3A_1166 : i32 to index
        %swap3A_1168 = arith.constant 96 : index
        %swap3A_1169 = tpu.vector_load %arg9[%swap3A_1167, %swap3A_1168] {strides = array<i32>} : memref<16x128xf32, #tpu.memory_space<vmem>>, vector<16xf32>,
        tpu.vector_store %arg9[%swap3A_1167, %swap3A_1168], %gather3A_1165 {strides = array<i32>} : memref<16x128xf32, #tpu.memory_space<vmem>>, vector<16xf32>,
        %add3A_1170 = arith.constant 112 : i32
        %add3A_1171 = vector.broadcast %add3A_1170 : i32 to vector<16xi32>
        %add3A_1172 = arith.addi %iota3A, %add3A_1171 : vector<16xi32>
        %gather3A_1173 = tpu.vector_load_idx %arg7[%add3A_1172, %broadcast_in_dim3A_1113] : memref<128x16xf32, #tpu.memory_space<vmem>>[vector<16xi32>, vector<16xi32>], vector<16xf32>,
        %swap3A_1174 = arith.constant 15 : i32
        %swap3A_1175 = arith.index_cast %swap3A_1174 : i32 to index
        %swap3A_1176 = arith.constant 112 : index
        %swap3A_1177 = tpu.vector_load %arg9[%swap3A_1175, %swap3A_1176] {strides = array<i32>} : memref<16x128xf32, #tpu.memory_space<vmem>>, vector<16xf32>,
        tpu.vector_store %arg9[%swap3A_1175, %swap3A_1176], %gather3A_1173 {strides = array<i32>} : memref<16x128xf32, #tpu.memory_space<vmem>>, vector<16xf32>,
        %dma_start3A = arith.constant 0 : i32
        %dma_start3A_1178 = arith.constant 0 : i32
        %dma_start3A_1179 = tpu.memref_slice %arg4[%add3A_63, %dma_start3A, %dma_start3A_1178] : memref<2500x16x128xf32, #tpu.memory_space<hbm>> -> memref<1x16x128xf32, #tpu.memory_space<hbm>>
        %dma_start3A_1180 = tpu.memref_squeeze %dma_start3A_1179 : memref<1x16x128xf32, #tpu.memory_space<hbm>> -> memref<16x128xf32, #tpu.memory_space<hbm>>
        %dma_start3A_1181 = arith.constant 0 : i32
        %dma_start3A_1182 = arith.constant 0 : i32
        %dma_start3A_1183 = tpu.memref_slice %arg4[%add3A_63, %dma_start3A_1181, %dma_start3A_1182] : memref<2500x16x128xf32, #tpu.memory_space<hbm>> -> memref<1x16x128xf32, #tpu.memory_space<hbm>>
        %dma_start3A_1184 = tpu.memref_squeeze %dma_start3A_1183 : memref<1x16x128xf32, #tpu.memory_space<hbm>> -> memref<16x128xf32, #tpu.memory_space<hbm>>
        tpu.enqueue_dma source(%arg9 : memref<16x128xf32, #tpu.memory_space<vmem>>) target(%dma_start3A_1184 : memref<16x128xf32, #tpu.memory_space<hbm>>) target_semaphore(%arg13 : memref<!tpu.dma_semaphore, #tpu.memory_space<semaphore_mem>>)
      } else {
      }
      %add3A_72 = arith.constant 2 : i32
      %add3A_73 = arith.addi %add3A_38, %add3A_72 : i32
      %lt3A_74 = arith.constant 79 : i32
      %lt3A_75 = arith.cmpi slt, %add3A_73, %lt3A_74 : i32
      %convert_element_type3A_76 = arith.extui %lt3A_75 : i1 to i32
      %cond3A_77 = arith.constant 0 : i32
      %cond3A_78 = arith.cmpi ne, %convert_element_type3A_76, %cond3A_77 : i32
      scf.if %cond3A_78 {
        %mul3A_125 = arith.constant 32 : i32
        %mul3A_126 = arith.muli %mul3A_125, %add3A_73 : i32
        %add3A_127 = arith.addi %add3A, %mul3A_126 : i32
        %lt3A_128 = arith.constant 2500 : i32
        %lt3A_129 = arith.cmpi slt, %add3A_127, %lt3A_128 : i32
        %convert_element_type3A_130 = arith.extui %lt3A_129 : i1 to i32
        %cond3A_131 = arith.constant 0 : i32
        %cond3A_132 = arith.cmpi ne, %convert_element_type3A_130, %cond3A_131 : i32
        scf.if %cond3A_132 {
          "tpu.region"() ({
            %run_scoped3A = tpu.sem_alloc : memref<!tpu.dma_semaphore, #tpu.memory_space<semaphore_mem>>
            %dma_start3A_135 = arith.constant 0 : i32
            %dma_start3A_136 = tpu.memref_slice %arg3[%add3A_127, %dma_start3A_135] : memref<2500x128xi32, #tpu.memory_space<hbm>> -> memref<1x128xi32, #tpu.memory_space<hbm>>
            %dma_start3A_137 = tpu.memref_squeeze %dma_start3A_136 : memref<1x128xi32, #tpu.memory_space<hbm>> -> memref<128xi32, #tpu.memory_space<hbm>>
            %dma_start3A_138 = arith.constant 0 : i32
            %dma_start3A_139 = tpu.memref_slice %arg3[%add3A_127, %dma_start3A_138] : memref<2500x128xi32, #tpu.memory_space<hbm>> -> memref<1x128xi32, #tpu.memory_space<hbm>>
            %dma_start3A_140 = tpu.memref_squeeze %dma_start3A_139 : memref<1x128xi32, #tpu.memory_space<hbm>> -> memref<128xi32, #tpu.memory_space<hbm>>
            tpu.enqueue_dma source(%dma_start3A_140 : memref<128xi32, #tpu.memory_space<hbm>>) target(%arg5 : memref<128xi32, #tpu.memory_space<vmem>>) target_semaphore(%run_scoped3A : memref<!tpu.dma_semaphore, #tpu.memory_space<semaphore_mem>>)
            %dma_wait3A = arith.constant 0 : i32
            %dma_wait3A_141 = tpu.memref_slice %arg3[%add3A_127, %dma_wait3A] : memref<2500x128xi32, #tpu.memory_space<hbm>> -> memref<1x128xi32, #tpu.memory_space<hbm>>
            %dma_wait3A_142 = tpu.memref_squeeze %dma_wait3A_141 : memref<1x128xi32, #tpu.memory_space<hbm>> -> memref<128xi32, #tpu.memory_space<hbm>>
            %dma_wait3A_143 = arith.constant 0 : i32
            %dma_wait3A_144 = tpu.memref_slice %arg3[%add3A_127, %dma_wait3A_143] : memref<2500x128xi32, #tpu.memory_space<hbm>> -> memref<1x128xi32, #tpu.memory_space<hbm>>
            %dma_wait3A_145 = tpu.memref_squeeze %dma_wait3A_144 : memref<1x128xi32, #tpu.memory_space<hbm>> -> memref<128xi32, #tpu.memory_space<hbm>>
            tpu.wait_dma2 semaphore(%run_scoped3A : memref<!tpu.dma_semaphore, #tpu.memory_space<semaphore_mem>>) src(%dma_wait3A_145 : memref<128xi32, #tpu.memory_space<hbm>>) dst(%arg5 : memref<128xi32, #tpu.memory_space<vmem>>)
            tpu.yield
          }) : () -> ()
          %dma_start3A = arith.constant 0 : i32
          %dma_start3A_133 = arith.constant 0 : i32
          %dma_start3A_134 = tpu.memref_slice %arg2[%dma_start3A, %dma_start3A_133] : memref<10000x16xf32, #tpu.memory_space<hbm>> -> memref<10000x16xf32, #tpu.memory_space<hbm>>
          tpu.enqueue_indirect_dma source(%dma_start3A_134 : memref<10000x16xf32, #tpu.memory_space<hbm>>) target(%arg7 : memref<128x16xf32, #tpu.memory_space<vmem>>) offsets(%arg5 : memref<128xi32, #tpu.memory_space<vmem>>) semaphore(%arg11 : memref<!tpu.dma_semaphore, #tpu.memory_space<semaphore_mem>>)
        } else {
        }
      } else {
      }
      %mul3A_79 = arith.constant 2 : i32
      %mul3A_80 = arith.muli %mul3A_79, %scan3A_34 : i32
      %add3A_81 = arith.constant 1 : i32
      %add3A_82 = arith.addi %mul3A_80, %add3A_81 : i32
      %lt3A_83 = arith.constant 79 : i32
      %lt3A_84 = arith.cmpi slt, %add3A_82, %lt3A_83 : i32
      %mul3A_85 = arith.constant 32 : i32
      %mul3A_86 = arith.muli %mul3A_85, %add3A_82 : i32
      %add3A_87 = arith.addi %add3A, %mul3A_86 : i32
      %lt3A_88 = arith.constant 2500 : i32
      %lt3A_89 = arith.cmpi slt, %add3A_87, %lt3A_88 : i32
      %and3A_90 = arith.andi %lt3A_84, %lt3A_89 : i1
      %convert_element_type3A_91 = arith.extui %and3A_90 : i1 to i32
      %cond3A_92 = arith.constant 0 : i32
      %cond3A_93 = arith.cmpi ne, %convert_element_type3A_91, %cond3A_92 : i32
      scf.if %cond3A_93 {
        %dma_wait3A = arith.constant 0 : i32
        %dma_wait3A_125 = arith.constant 0 : i32
        %dma_wait3A_126 = tpu.memref_slice %arg2[%dma_wait3A, %dma_wait3A_125] : memref<10000x16xf32, #tpu.memory_space<hbm>> -> memref<10000x16xf32, #tpu.memory_space<hbm>>
        tpu.wait_indirect_dma semaphore(%arg12 : memref<!tpu.dma_semaphore, #tpu.memory_space<semaphore_mem>>) src(%dma_wait3A_126 : memref<10000x16xf32, #tpu.memory_space<hbm>>) dst(%arg8 : memref<128x16xf32, #tpu.memory_space<vmem>>)
      } else {
      }
      %sub3A_94 = arith.constant 2 : i32
      %sub3A_95 = arith.subi %add3A_82, %sub3A_94 : i32
      %ge3A_96 = arith.constant 0 : i32
      %ge3A_97 = arith.cmpi sge, %sub3A_95, %ge3A_96 : i32
      %mul3A_98 = arith.constant 32 : i32
      %mul3A_99 = arith.muli %mul3A_98, %sub3A_95 : i32
      %add3A_100 = arith.addi %add3A, %mul3A_99 : i32
      %lt3A_101 = arith.constant 2500 : i32
      %lt3A_102 = arith.cmpi slt, %add3A_100, %lt3A_101 : i32
      %and3A_103 = arith.andi %ge3A_97, %lt3A_102 : i1
      %convert_element_type3A_104 = arith.extui %and3A_103 : i1 to i32
      %cond3A_105 = arith.constant 0 : i32
      %cond3A_106 = arith.cmpi ne, %convert_element_type3A_104, %cond3A_105 : i32
      scf.if %cond3A_106 {
        %dma_wait3A = arith.constant 0 : i32
        %dma_wait3A_125 = arith.constant 0 : i32
        %dma_wait3A_126 = arith.constant 0 : i32
        %dma_wait3A_127 = tpu.memref_slice %arg4[%dma_wait3A, %dma_wait3A_125, %dma_wait3A_126] : memref<2500x16x128xf32, #tpu.memory_space<hbm>> -> memref<1x16x128xf32, #tpu.memory_space<hbm>>
        %dma_wait3A_128 = tpu.memref_squeeze %dma_wait3A_127 : memref<1x16x128xf32, #tpu.memory_space<hbm>> -> memref<16x128xf32, #tpu.memory_space<hbm>>
        %dma_wait3A_129 = arith.constant 0 : i32
        %dma_wait3A_130 = arith.constant 0 : i32
        %dma_wait3A_131 = tpu.memref_slice %arg4[%dma_wait3A, %dma_wait3A_129, %dma_wait3A_130] : memref<2500x16x128xf32, #tpu.memory_space<hbm>> -> memref<1x16x128xf32, #tpu.memory_space<hbm>>
        %dma_wait3A_132 = tpu.memref_squeeze %dma_wait3A_131 : memref<1x16x128xf32, #tpu.memory_space<hbm>> -> memref<16x128xf32, #tpu.memory_space<hbm>>
        tpu.wait_dma2 semaphore(%arg14 : memref<!tpu.dma_semaphore, #tpu.memory_space<semaphore_mem>>) src(%arg10 : memref<16x128xf32, #tpu.memory_space<vmem>>) dst(%dma_wait3A_132 : memref<16x128xf32, #tpu.memory_space<hbm>>)
      } else {
      }
      %mul3A_107 = arith.constant 32 : i32
      %mul3A_108 = arith.muli %mul3A_107, %add3A_82 : i32
      %add3A_109 = arith.addi %add3A, %mul3A_108 : i32
      %lt3A_110 = arith.constant 79 : i32
      %lt3A_111 = arith.cmpi slt, %add3A_82, %lt3A_110 : i32
      %lt3A_112 = arith.constant 2500 : i32
      %lt3A_113 = arith.cmpi slt, %add3A_109, %lt3A_112 : i32
      %and3A_114 = arith.andi %lt3A_111, %lt3A_113 : i1
      %convert_element_type3A_115 = arith.extui %and3A_114 : i1 to i32
      %cond3A_116 = arith.constant 0 : i32
      %cond3A_117 = arith.cmpi ne, %convert_element_type3A_115, %cond3A_116 : i32
      scf.if %cond3A_117 {
        %broadcast_in_dim3A = arith.constant 0 : i32
        %broadcast_in_dim3A_125 = vector.broadcast %broadcast_in_dim3A : i32 to vector<16xi32>
        %add3A_126 = arith.constant 0 : i32
        %add3A_127 = vector.broadcast %add3A_126 : i32 to vector<16xi32>
        %add3A_128 = arith.addi %iota3A, %add3A_127 : vector<16xi32>
        %gather3A = tpu.vector_load_idx %arg8[%add3A_128, %broadcast_in_dim3A_125] : memref<128x16xf32, #tpu.memory_space<vmem>>[vector<16xi32>, vector<16xi32>], vector<16xf32>,
        %swap3A = arith.constant 0 : i32
        %swap3A_129 = arith.index_cast %swap3A : i32 to index
        %swap3A_130 = arith.constant 0 : index
        %swap3A_131 = tpu.vector_load %arg10[%swap3A_129, %swap3A_130] {strides = array<i32>} : memref<16x128xf32, #tpu.memory_space<vmem>>, vector<16xf32>,
        tpu.vector_store %arg10[%swap3A_129, %swap3A_130], %gather3A {strides = array<i32>} : memref<16x128xf32, #tpu.memory_space<vmem>>, vector<16xf32>,
        %add3A_132 = arith.constant 16 : i32
        %add3A_133 = vector.broadcast %add3A_132 : i32 to vector<16xi32>
        %add3A_134 = arith.addi %iota3A, %add3A_133 : vector<16xi32>
        %gather3A_135 = tpu.vector_load_idx %arg8[%add3A_134, %broadcast_in_dim3A_125] : memref<128x16xf32, #tpu.memory_space<vmem>>[vector<16xi32>, vector<16xi32>], vector<16xf32>,
        %swap3A_136 = arith.constant 0 : i32
        %swap3A_137 = arith.index_cast %swap3A_136 : i32 to index
        %swap3A_138 = arith.constant 16 : index
        %swap3A_139 = tpu.vector_load %arg10[%swap3A_137, %swap3A_138] {strides = array<i32>} : memref<16x128xf32, #tpu.memory_space<vmem>>, vector<16xf32>,
        tpu.vector_store %arg10[%swap3A_137, %swap3A_138], %gather3A_135 {strides = array<i32>} : memref<16x128xf32, #tpu.memory_space<vmem>>, vector<16xf32>,
        %add3A_140 = arith.constant 32 : i32
        %add3A_141 = vector.broadcast %add3A_140 : i32 to vector<16xi32>
        %add3A_142 = arith.addi %iota3A, %add3A_141 : vector<16xi32>
        %gather3A_143 = tpu.vector_load_idx %arg8[%add3A_142, %broadcast_in_dim3A_125] : memref<128x16xf32, #tpu.memory_space<vmem>>[vector<16xi32>, vector<16xi32>], vector<16xf32>,
        %swap3A_144 = arith.constant 0 : i32
        %swap3A_145 = arith.index_cast %swap3A_144 : i32 to index
        %swap3A_146 = arith.constant 32 : index
        %swap3A_147 = tpu.vector_load %arg10[%swap3A_145, %swap3A_146] {strides = array<i32>} : memref<16x128xf32, #tpu.memory_space<vmem>>, vector<16xf32>,
        tpu.vector_store %arg10[%swap3A_145, %swap3A_146], %gather3A_143 {strides = array<i32>} : memref<16x128xf32, #tpu.memory_space<vmem>>, vector<16xf32>,
        %add3A_148 = arith.constant 48 : i32
        %add3A_149 = vector.broadcast %add3A_148 : i32 to vector<16xi32>
        %add3A_150 = arith.addi %iota3A, %add3A_149 : vector<16xi32>
        %gather3A_151 = tpu.vector_load_idx %arg8[%add3A_150, %broadcast_in_dim3A_125] : memref<128x16xf32, #tpu.memory_space<vmem>>[vector<16xi32>, vector<16xi32>], vector<16xf32>,
        %swap3A_152 = arith.constant 0 : i32
        %swap3A_153 = arith.index_cast %swap3A_152 : i32 to index
        %swap3A_154 = arith.constant 48 : index
        %swap3A_155 = tpu.vector_load %arg10[%swap3A_153, %swap3A_154] {strides = array<i32>} : memref<16x128xf32, #tpu.memory_space<vmem>>, vector<16xf32>,
        tpu.vector_store %arg10[%swap3A_153, %swap3A_154], %gather3A_151 {strides = array<i32>} : memref<16x128xf32, #tpu.memory_space<vmem>>, vector<16xf32>,
        %add3A_156 = arith.constant 64 : i32
        %add3A_157 = vector.broadcast %add3A_156 : i32 to vector<16xi32>
        %add3A_158 = arith.addi %iota3A, %add3A_157 : vector<16xi32>
        %gather3A_159 = tpu.vector_load_idx %arg8[%add3A_158, %broadcast_in_dim3A_125] : memref<128x16xf32, #tpu.memory_space<vmem>>[vector<16xi32>, vector<16xi32>], vector<16xf32>,
        %swap3A_160 = arith.constant 0 : i32
        %swap3A_161 = arith.index_cast %swap3A_160 : i32 to index
        %swap3A_162 = arith.constant 64 : index
        %swap3A_163 = tpu.vector_load %arg10[%swap3A_161, %swap3A_162] {strides = array<i32>} : memref<16x128xf32, #tpu.memory_space<vmem>>, vector<16xf32>,
        tpu.vector_store %arg10[%swap3A_161, %swap3A_162], %gather3A_159 {strides = array<i32>} : memref<16x128xf32, #tpu.memory_space<vmem>>, vector<16xf32>,
        %add3A_164 = arith.constant 80 : i32
        %add3A_165 = vector.broadcast %add3A_164 : i32 to vector<16xi32>
        %add3A_166 = arith.addi %iota3A, %add3A_165 : vector<16xi32>
        %gather3A_167 = tpu.vector_load_idx %arg8[%add3A_166, %broadcast_in_dim3A_125] : memref<128x16xf32, #tpu.memory_space<vmem>>[vector<16xi32>, vector<16xi32>], vector<16xf32>,
        %swap3A_168 = arith.constant 0 : i32
        %swap3A_169 = arith.index_cast %swap3A_168 : i32 to index
        %swap3A_170 = arith.constant 80 : index
        %swap3A_171 = tpu.vector_load %arg10[%swap3A_169, %swap3A_170] {strides = array<i32>} : memref<16x128xf32, #tpu.memory_space<vmem>>, vector<16xf32>,
        tpu.vector_store %arg10[%swap3A_169, %swap3A_170], %gather3A_167 {strides = array<i32>} : memref<16x128xf32, #tpu.memory_space<vmem>>, vector<16xf32>,
        %add3A_172 = arith.constant 96 : i32
        %add3A_173 = vector.broadcast %add3A_172 : i32 to vector<16xi32>
        %add3A_174 = arith.addi %iota3A, %add3A_173 : vector<16xi32>
        %gather3A_175 = tpu.vector_load_idx %arg8[%add3A_174, %broadcast_in_dim3A_125] : memref<128x16xf32, #tpu.memory_space<vmem>>[vector<16xi32>, vector<16xi32>], vector<16xf32>,
        %swap3A_176 = arith.constant 0 : i32
        %swap3A_177 = arith.index_cast %swap3A_176 : i32 to index
        %swap3A_178 = arith.constant 96 : index
        %swap3A_179 = tpu.vector_load %arg10[%swap3A_177, %swap3A_178] {strides = array<i32>} : memref<16x128xf32, #tpu.memory_space<vmem>>, vector<16xf32>,
        tpu.vector_store %arg10[%swap3A_177, %swap3A_178], %gather3A_175 {strides = array<i32>} : memref<16x128xf32, #tpu.memory_space<vmem>>, vector<16xf32>,
        %add3A_180 = arith.constant 112 : i32
        %add3A_181 = vector.broadcast %add3A_180 : i32 to vector<16xi32>
        %add3A_182 = arith.addi %iota3A, %add3A_181 : vector<16xi32>
        %gather3A_183 = tpu.vector_load_idx %arg8[%add3A_182, %broadcast_in_dim3A_125] : memref<128x16xf32, #tpu.memory_space<vmem>>[vector<16xi32>, vector<16xi32>], vector<16xf32>,
        %swap3A_184 = arith.constant 0 : i32
        %swap3A_185 = arith.index_cast %swap3A_184 : i32 to index
        %swap3A_186 = arith.constant 112 : index
        %swap3A_187 = tpu.vector_load %arg10[%swap3A_185, %swap3A_186] {strides = array<i32>} : memref<16x128xf32, #tpu.memory_space<vmem>>, vector<16xf32>,
        tpu.vector_store %arg10[%swap3A_185, %swap3A_186], %gather3A_183 {strides = array<i32>} : memref<16x128xf32, #tpu.memory_space<vmem>>, vector<16xf32>,
        %broadcast_in_dim3A_188 = arith.constant 1 : i32
        %broadcast_in_dim3A_189 = vector.broadcast %broadcast_in_dim3A_188 : i32 to vector<16xi32>
        %add3A_190 = arith.constant 0 : i32
        %add3A_191 = vector.broadcast %add3A_190 : i32 to vector<16xi32>
        %add3A_192 = arith.addi %iota3A, %add3A_191 : vector<16xi32>
        %gather3A_193 = tpu.vector_load_idx %arg8[%add3A_192, %broadcast_in_dim3A_189] : memref<128x16xf32, #tpu.memory_space<vmem>>[vector<16xi32>, vector<16xi32>], vector<16xf32>,
        %swap3A_194 = arith.constant 1 : i32
        %swap3A_195 = arith.index_cast %swap3A_194 : i32 to index
        %swap3A_196 = arith.constant 0 : index
        %swap3A_197 = tpu.vector_load %arg10[%swap3A_195, %swap3A_196] {strides = array<i32>} : memref<16x128xf32, #tpu.memory_space<vmem>>, vector<16xf32>,
        tpu.vector_store %arg10[%swap3A_195, %swap3A_196], %gather3A_193 {strides = array<i32>} : memref<16x128xf32, #tpu.memory_space<vmem>>, vector<16xf32>,
        %add3A_198 = arith.constant 16 : i32
        %add3A_199 = vector.broadcast %add3A_198 : i32 to vector<16xi32>
        %add3A_200 = arith.addi %iota3A, %add3A_199 : vector<16xi32>
        %gather3A_201 = tpu.vector_load_idx %arg8[%add3A_200, %broadcast_in_dim3A_189] : memref<128x16xf32, #tpu.memory_space<vmem>>[vector<16xi32>, vector<16xi32>], vector<16xf32>,
        %swap3A_202 = arith.constant 1 : i32
        %swap3A_203 = arith.index_cast %swap3A_202 : i32 to index
        %swap3A_204 = arith.constant 16 : index
        %swap3A_205 = tpu.vector_load %arg10[%swap3A_203, %swap3A_204] {strides = array<i32>} : memref<16x128xf32, #tpu.memory_space<vmem>>, vector<16xf32>,
        tpu.vector_store %arg10[%swap3A_203, %swap3A_204], %gather3A_201 {strides = array<i32>} : memref<16x128xf32, #tpu.memory_space<vmem>>, vector<16xf32>,
        %add3A_206 = arith.constant 32 : i32
        %add3A_207 = vector.broadcast %add3A_206 : i32 to vector<16xi32>
        %add3A_208 = arith.addi %iota3A, %add3A_207 : vector<16xi32>
        %gather3A_209 = tpu.vector_load_idx %arg8[%add3A_208, %broadcast_in_dim3A_189] : memref<128x16xf32, #tpu.memory_space<vmem>>[vector<16xi32>, vector<16xi32>], vector<16xf32>,
        %swap3A_210 = arith.constant 1 : i32
        %swap3A_211 = arith.index_cast %swap3A_210 : i32 to index
        %swap3A_212 = arith.constant 32 : index
        %swap3A_213 = tpu.vector_load %arg10[%swap3A_211, %swap3A_212] {strides = array<i32>} : memref<16x128xf32, #tpu.memory_space<vmem>>, vector<16xf32>,
        tpu.vector_store %arg10[%swap3A_211, %swap3A_212], %gather3A_209 {strides = array<i32>} : memref<16x128xf32, #tpu.memory_space<vmem>>, vector<16xf32>,
        %add3A_214 = arith.constant 48 : i32
        %add3A_215 = vector.broadcast %add3A_214 : i32 to vector<16xi32>
        %add3A_216 = arith.addi %iota3A, %add3A_215 : vector<16xi32>
        %gather3A_217 = tpu.vector_load_idx %arg8[%add3A_216, %broadcast_in_dim3A_189] : memref<128x16xf32, #tpu.memory_space<vmem>>[vector<16xi32>, vector<16xi32>], vector<16xf32>,
        %swap3A_218 = arith.constant 1 : i32
        %swap3A_219 = arith.index_cast %swap3A_218 : i32 to index
        %swap3A_220 = arith.constant 48 : index
        %swap3A_221 = tpu.vector_load %arg10[%swap3A_219, %swap3A_220] {strides = array<i32>} : memref<16x128xf32, #tpu.memory_space<vmem>>, vector<16xf32>,
        tpu.vector_store %arg10[%swap3A_219, %swap3A_220], %gather3A_217 {strides = array<i32>} : memref<16x128xf32, #tpu.memory_space<vmem>>, vector<16xf32>,
        %add3A_222 = arith.constant 64 : i32
        %add3A_223 = vector.broadcast %add3A_222 : i32 to vector<16xi32>
        %add3A_224 = arith.addi %iota3A, %add3A_223 : vector<16xi32>
        %gather3A_225 = tpu.vector_load_idx %arg8[%add3A_224, %broadcast_in_dim3A_189] : memref<128x16xf32, #tpu.memory_space<vmem>>[vector<16xi32>, vector<16xi32>], vector<16xf32>,
        %swap3A_226 = arith.constant 1 : i32
        %swap3A_227 = arith.index_cast %swap3A_226 : i32 to index
        %swap3A_228 = arith.constant 64 : index
        %swap3A_229 = tpu.vector_load %arg10[%swap3A_227, %swap3A_228] {strides = array<i32>} : memref<16x128xf32, #tpu.memory_space<vmem>>, vector<16xf32>,
        tpu.vector_store %arg10[%swap3A_227, %swap3A_228], %gather3A_225 {strides = array<i32>} : memref<16x128xf32, #tpu.memory_space<vmem>>, vector<16xf32>,
        %add3A_230 = arith.constant 80 : i32
        %add3A_231 = vector.broadcast %add3A_230 : i32 to vector<16xi32>
        %add3A_232 = arith.addi %iota3A, %add3A_231 : vector<16xi32>
        %gather3A_233 = tpu.vector_load_idx %arg8[%add3A_232, %broadcast_in_dim3A_189] : memref<128x16xf32, #tpu.memory_space<vmem>>[vector<16xi32>, vector<16xi32>], vector<16xf32>,
        %swap3A_234 = arith.constant 1 : i32
        %swap3A_235 = arith.index_cast %swap3A_234 : i32 to index
        %swap3A_236 = arith.constant 80 : index
        %swap3A_237 = tpu.vector_load %arg10[%swap3A_235, %swap3A_236] {strides = array<i32>} : memref<16x128xf32, #tpu.memory_space<vmem>>, vector<16xf32>,
        tpu.vector_store %arg10[%swap3A_235, %swap3A_236], %gather3A_233 {strides = array<i32>} : memref<16x128xf32, #tpu.memory_space<vmem>>, vector<16xf32>,
        %add3A_238 = arith.constant 96 : i32
        %add3A_239 = vector.broadcast %add3A_238 : i32 to vector<16xi32>
        %add3A_240 = arith.addi %iota3A, %add3A_239 : vector<16xi32>
        %gather3A_241 = tpu.vector_load_idx %arg8[%add3A_240, %broadcast_in_dim3A_189] : memref<128x16xf32, #tpu.memory_space<vmem>>[vector<16xi32>, vector<16xi32>], vector<16xf32>,
        %swap3A_242 = arith.constant 1 : i32
        %swap3A_243 = arith.index_cast %swap3A_242 : i32 to index
        %swap3A_244 = arith.constant 96 : index
        %swap3A_245 = tpu.vector_load %arg10[%swap3A_243, %swap3A_244] {strides = array<i32>} : memref<16x128xf32, #tpu.memory_space<vmem>>, vector<16xf32>,
        tpu.vector_store %arg10[%swap3A_243, %swap3A_244], %gather3A_241 {strides = array<i32>} : memref<16x128xf32, #tpu.memory_space<vmem>>, vector<16xf32>,
        %add3A_246 = arith.constant 112 : i32
        %add3A_247 = vector.broadcast %add3A_246 : i32 to vector<16xi32>
        %add3A_248 = arith.addi %iota3A, %add3A_247 : vector<16xi32>
        %gather3A_249 = tpu.vector_load_idx %arg8[%add3A_248, %broadcast_in_dim3A_189] : memref<128x16xf32, #tpu.memory_space<vmem>>[vector<16xi32>, vector<16xi32>], vector<16xf32>,
        %swap3A_250 = arith.constant 1 : i32
        %swap3A_251 = arith.index_cast %swap3A_250 : i32 to index
        %swap3A_252 = arith.constant 112 : index
        %swap3A_253 = tpu.vector_load %arg10[%swap3A_251, %swap3A_252] {strides = array<i32>} : memref<16x128xf32, #tpu.memory_space<vmem>>, vector<16xf32>,
        tpu.vector_store %arg10[%swap3A_251, %swap3A_252], %gather3A_249 {strides = array<i32>} : memref<16x128xf32, #tpu.memory_space<vmem>>, vector<16xf32>,
        %broadcast_in_dim3A_254 = arith.constant 2 : i32
        %broadcast_in_dim3A_255 = vector.broadcast %broadcast_in_dim3A_254 : i32 to vector<16xi32>
        %add3A_256 = arith.constant 0 : i32
        %add3A_257 = vector.broadcast %add3A_256 : i32 to vector<16xi32>
        %add3A_258 = arith.addi %iota3A, %add3A_257 : vector<16xi32>
        %gather3A_259 = tpu.vector_load_idx %arg8[%add3A_258, %broadcast_in_dim3A_255] : memref<128x16xf32, #tpu.memory_space<vmem>>[vector<16xi32>, vector<16xi32>], vector<16xf32>,
        %swap3A_260 = arith.constant 2 : i32
        %swap3A_261 = arith.index_cast %swap3A_260 : i32 to index
        %swap3A_262 = arith.constant 0 : index
        %swap3A_263 = tpu.vector_load %arg10[%swap3A_261, %swap3A_262] {strides = array<i32>} : memref<16x128xf32, #tpu.memory_space<vmem>>, vector<16xf32>,
        tpu.vector_store %arg10[%swap3A_261, %swap3A_262], %gather3A_259 {strides = array<i32>} : memref<16x128xf32, #tpu.memory_space<vmem>>, vector<16xf32>,
        %add3A_264 = arith.constant 16 : i32
        %add3A_265 = vector.broadcast %add3A_264 : i32 to vector<16xi32>
        %add3A_266 = arith.addi %iota3A, %add3A_265 : vector<16xi32>
        %gather3A_267 = tpu.vector_load_idx %arg8[%add3A_266, %broadcast_in_dim3A_255] : memref<128x16xf32, #tpu.memory_space<vmem>>[vector<16xi32>, vector<16xi32>], vector<16xf32>,
        %swap3A_268 = arith.constant 2 : i32
        %swap3A_269 = arith.index_cast %swap3A_268 : i32 to index
        %swap3A_270 = arith.constant 16 : index
        %swap3A_271 = tpu.vector_load %arg10[%swap3A_269, %swap3A_270] {strides = array<i32>} : memref<16x128xf32, #tpu.memory_space<vmem>>, vector<16xf32>,
        tpu.vector_store %arg10[%swap3A_269, %swap3A_270], %gather3A_267 {strides = array<i32>} : memref<16x128xf32, #tpu.memory_space<vmem>>, vector<16xf32>,
        %add3A_272 = arith.constant 32 : i32
        %add3A_273 = vector.broadcast %add3A_272 : i32 to vector<16xi32>
        %add3A_274 = arith.addi %iota3A, %add3A_273 : vector<16xi32>
        %gather3A_275 = tpu.vector_load_idx %arg8[%add3A_274, %broadcast_in_dim3A_255] : memref<128x16xf32, #tpu.memory_space<vmem>>[vector<16xi32>, vector<16xi32>], vector<16xf32>,
        %swap3A_276 = arith.constant 2 : i32
        %swap3A_277 = arith.index_cast %swap3A_276 : i32 to index
        %swap3A_278 = arith.constant 32 : index
        %swap3A_279 = tpu.vector_load %arg10[%swap3A_277, %swap3A_278] {strides = array<i32>} : memref<16x128xf32, #tpu.memory_space<vmem>>, vector<16xf32>,
        tpu.vector_store %arg10[%swap3A_277, %swap3A_278], %gather3A_275 {strides = array<i32>} : memref<16x128xf32, #tpu.memory_space<vmem>>, vector<16xf32>,
        %add3A_280 = arith.constant 48 : i32
        %add3A_281 = vector.broadcast %add3A_280 : i32 to vector<16xi32>
        %add3A_282 = arith.addi %iota3A, %add3A_281 : vector<16xi32>
        %gather3A_283 = tpu.vector_load_idx %arg8[%add3A_282, %broadcast_in_dim3A_255] : memref<128x16xf32, #tpu.memory_space<vmem>>[vector<16xi32>, vector<16xi32>], vector<16xf32>,
        %swap3A_284 = arith.constant 2 : i32
        %swap3A_285 = arith.index_cast %swap3A_284 : i32 to index
        %swap3A_286 = arith.constant 48 : index
        %swap3A_287 = tpu.vector_load %arg10[%swap3A_285, %swap3A_286] {strides = array<i32>} : memref<16x128xf32, #tpu.memory_space<vmem>>, vector<16xf32>,
        tpu.vector_store %arg10[%swap3A_285, %swap3A_286], %gather3A_283 {strides = array<i32>} : memref<16x128xf32, #tpu.memory_space<vmem>>, vector<16xf32>,
        %add3A_288 = arith.constant 64 : i32
        %add3A_289 = vector.broadcast %add3A_288 : i32 to vector<16xi32>
        %add3A_290 = arith.addi %iota3A, %add3A_289 : vector<16xi32>
        %gather3A_291 = tpu.vector_load_idx %arg8[%add3A_290, %broadcast_in_dim3A_255] : memref<128x16xf32, #tpu.memory_space<vmem>>[vector<16xi32>, vector<16xi32>], vector<16xf32>,
        %swap3A_292 = arith.constant 2 : i32
        %swap3A_293 = arith.index_cast %swap3A_292 : i32 to index
        %swap3A_294 = arith.constant 64 : index
        %swap3A_295 = tpu.vector_load %arg10[%swap3A_293, %swap3A_294] {strides = array<i32>} : memref<16x128xf32, #tpu.memory_space<vmem>>, vector<16xf32>,
        tpu.vector_store %arg10[%swap3A_293, %swap3A_294], %gather3A_291 {strides = array<i32>} : memref<16x128xf32, #tpu.memory_space<vmem>>, vector<16xf32>,
        %add3A_296 = arith.constant 80 : i32
        %add3A_297 = vector.broadcast %add3A_296 : i32 to vector<16xi32>
        %add3A_298 = arith.addi %iota3A, %add3A_297 : vector<16xi32>
        %gather3A_299 = tpu.vector_load_idx %arg8[%add3A_298, %broadcast_in_dim3A_255] : memref<128x16xf32, #tpu.memory_space<vmem>>[vector<16xi32>, vector<16xi32>], vector<16xf32>,
        %swap3A_300 = arith.constant 2 : i32
        %swap3A_301 = arith.index_cast %swap3A_300 : i32 to index
        %swap3A_302 = arith.constant 80 : index
        %swap3A_303 = tpu.vector_load %arg10[%swap3A_301, %swap3A_302] {strides = array<i32>} : memref<16x128xf32, #tpu.memory_space<vmem>>, vector<16xf32>,
        tpu.vector_store %arg10[%swap3A_301, %swap3A_302], %gather3A_299 {strides = array<i32>} : memref<16x128xf32, #tpu.memory_space<vmem>>, vector<16xf32>,
        %add3A_304 = arith.constant 96 : i32
        %add3A_305 = vector.broadcast %add3A_304 : i32 to vector<16xi32>
        %add3A_306 = arith.addi %iota3A, %add3A_305 : vector<16xi32>
        %gather3A_307 = tpu.vector_load_idx %arg8[%add3A_306, %broadcast_in_dim3A_255] : memref<128x16xf32, #tpu.memory_space<vmem>>[vector<16xi32>, vector<16xi32>], vector<16xf32>,
        %swap3A_308 = arith.constant 2 : i32
        %swap3A_309 = arith.index_cast %swap3A_308 : i32 to index
        %swap3A_310 = arith.constant 96 : index
        %swap3A_311 = tpu.vector_load %arg10[%swap3A_309, %swap3A_310] {strides = array<i32>} : memref<16x128xf32, #tpu.memory_space<vmem>>, vector<16xf32>,
        tpu.vector_store %arg10[%swap3A_309, %swap3A_310], %gather3A_307 {strides = array<i32>} : memref<16x128xf32, #tpu.memory_space<vmem>>, vector<16xf32>,
        %add3A_312 = arith.constant 112 : i32
        %add3A_313 = vector.broadcast %add3A_312 : i32 to vector<16xi32>
        %add3A_314 = arith.addi %iota3A, %add3A_313 : vector<16xi32>
        %gather3A_315 = tpu.vector_load_idx %arg8[%add3A_314, %broadcast_in_dim3A_255] : memref<128x16xf32, #tpu.memory_space<vmem>>[vector<16xi32>, vector<16xi32>], vector<16xf32>,
        %swap3A_316 = arith.constant 2 : i32
        %swap3A_317 = arith.index_cast %swap3A_316 : i32 to index
        %swap3A_318 = arith.constant 112 : index
        %swap3A_319 = tpu.vector_load %arg10[%swap3A_317, %swap3A_318] {strides = array<i32>} : memref<16x128xf32, #tpu.memory_space<vmem>>, vector<16xf32>,
        tpu.vector_store %arg10[%swap3A_317, %swap3A_318], %gather3A_315 {strides = array<i32>} : memref<16x128xf32, #tpu.memory_space<vmem>>, vector<16xf32>,
        %broadcast_in_dim3A_320 = arith.constant 3 : i32
        %broadcast_in_dim3A_321 = vector.broadcast %broadcast_in_dim3A_320 : i32 to vector<16xi32>
        %add3A_322 = arith.constant 0 : i32
        %add3A_323 = vector.broadcast %add3A_322 : i32 to vector<16xi32>
        %add3A_324 = arith.addi %iota3A, %add3A_323 : vector<16xi32>
        %gather3A_325 = tpu.vector_load_idx %arg8[%add3A_324, %broadcast_in_dim3A_321] : memref<128x16xf32, #tpu.memory_space<vmem>>[vector<16xi32>, vector<16xi32>], vector<16xf32>,
        %swap3A_326 = arith.constant 3 : i32
        %swap3A_327 = arith.index_cast %swap3A_326 : i32 to index
        %swap3A_328 = arith.constant 0 : index
        %swap3A_329 = tpu.vector_load %arg10[%swap3A_327, %swap3A_328] {strides = array<i32>} : memref<16x128xf32, #tpu.memory_space<vmem>>, vector<16xf32>,
        tpu.vector_store %arg10[%swap3A_327, %swap3A_328], %gather3A_325 {strides = array<i32>} : memref<16x128xf32, #tpu.memory_space<vmem>>, vector<16xf32>,
        %add3A_330 = arith.constant 16 : i32
        %add3A_331 = vector.broadcast %add3A_330 : i32 to vector<16xi32>
        %add3A_332 = arith.addi %iota3A, %add3A_331 : vector<16xi32>
        %gather3A_333 = tpu.vector_load_idx %arg8[%add3A_332, %broadcast_in_dim3A_321] : memref<128x16xf32, #tpu.memory_space<vmem>>[vector<16xi32>, vector<16xi32>], vector<16xf32>,
        %swap3A_334 = arith.constant 3 : i32
        %swap3A_335 = arith.index_cast %swap3A_334 : i32 to index
        %swap3A_336 = arith.constant 16 : index
        %swap3A_337 = tpu.vector_load %arg10[%swap3A_335, %swap3A_336] {strides = array<i32>} : memref<16x128xf32, #tpu.memory_space<vmem>>, vector<16xf32>,
        tpu.vector_store %arg10[%swap3A_335, %swap3A_336], %gather3A_333 {strides = array<i32>} : memref<16x128xf32, #tpu.memory_space<vmem>>, vector<16xf32>,
        %add3A_338 = arith.constant 32 : i32
        %add3A_339 = vector.broadcast %add3A_338 : i32 to vector<16xi32>
        %add3A_340 = arith.addi %iota3A, %add3A_339 : vector<16xi32>
        %gather3A_341 = tpu.vector_load_idx %arg8[%add3A_340, %broadcast_in_dim3A_321] : memref<128x16xf32, #tpu.memory_space<vmem>>[vector<16xi32>, vector<16xi32>], vector<16xf32>,
        %swap3A_342 = arith.constant 3 : i32
        %swap3A_343 = arith.index_cast %swap3A_342 : i32 to index
        %swap3A_344 = arith.constant 32 : index
        %swap3A_345 = tpu.vector_load %arg10[%swap3A_343, %swap3A_344] {strides = array<i32>} : memref<16x128xf32, #tpu.memory_space<vmem>>, vector<16xf32>,
        tpu.vector_store %arg10[%swap3A_343, %swap3A_344], %gather3A_341 {strides = array<i32>} : memref<16x128xf32, #tpu.memory_space<vmem>>, vector<16xf32>,
        %add3A_346 = arith.constant 48 : i32
        %add3A_347 = vector.broadcast %add3A_346 : i32 to vector<16xi32>
        %add3A_348 = arith.addi %iota3A, %add3A_347 : vector<16xi32>
        %gather3A_349 = tpu.vector_load_idx %arg8[%add3A_348, %broadcast_in_dim3A_321] : memref<128x16xf32, #tpu.memory_space<vmem>>[vector<16xi32>, vector<16xi32>], vector<16xf32>,
        %swap3A_350 = arith.constant 3 : i32
        %swap3A_351 = arith.index_cast %swap3A_350 : i32 to index
        %swap3A_352 = arith.constant 48 : index
        %swap3A_353 = tpu.vector_load %arg10[%swap3A_351, %swap3A_352] {strides = array<i32>} : memref<16x128xf32, #tpu.memory_space<vmem>>, vector<16xf32>,
        tpu.vector_store %arg10[%swap3A_351, %swap3A_352], %gather3A_349 {strides = array<i32>} : memref<16x128xf32, #tpu.memory_space<vmem>>, vector<16xf32>,
        %add3A_354 = arith.constant 64 : i32
        %add3A_355 = vector.broadcast %add3A_354 : i32 to vector<16xi32>
        %add3A_356 = arith.addi %iota3A, %add3A_355 : vector<16xi32>
        %gather3A_357 = tpu.vector_load_idx %arg8[%add3A_356, %broadcast_in_dim3A_321] : memref<128x16xf32, #tpu.memory_space<vmem>>[vector<16xi32>, vector<16xi32>], vector<16xf32>,
        %swap3A_358 = arith.constant 3 : i32
        %swap3A_359 = arith.index_cast %swap3A_358 : i32 to index
        %swap3A_360 = arith.constant 64 : index
        %swap3A_361 = tpu.vector_load %arg10[%swap3A_359, %swap3A_360] {strides = array<i32>} : memref<16x128xf32, #tpu.memory_space<vmem>>, vector<16xf32>,
        tpu.vector_store %arg10[%swap3A_359, %swap3A_360], %gather3A_357 {strides = array<i32>} : memref<16x128xf32, #tpu.memory_space<vmem>>, vector<16xf32>,
        %add3A_362 = arith.constant 80 : i32
        %add3A_363 = vector.broadcast %add3A_362 : i32 to vector<16xi32>
        %add3A_364 = arith.addi %iota3A, %add3A_363 : vector<16xi32>
        %gather3A_365 = tpu.vector_load_idx %arg8[%add3A_364, %broadcast_in_dim3A_321] : memref<128x16xf32, #tpu.memory_space<vmem>>[vector<16xi32>, vector<16xi32>], vector<16xf32>,
        %swap3A_366 = arith.constant 3 : i32
        %swap3A_367 = arith.index_cast %swap3A_366 : i32 to index
        %swap3A_368 = arith.constant 80 : index
        %swap3A_369 = tpu.vector_load %arg10[%swap3A_367, %swap3A_368] {strides = array<i32>} : memref<16x128xf32, #tpu.memory_space<vmem>>, vector<16xf32>,
        tpu.vector_store %arg10[%swap3A_367, %swap3A_368], %gather3A_365 {strides = array<i32>} : memref<16x128xf32, #tpu.memory_space<vmem>>, vector<16xf32>,
        %add3A_370 = arith.constant 96 : i32
        %add3A_371 = vector.broadcast %add3A_370 : i32 to vector<16xi32>
        %add3A_372 = arith.addi %iota3A, %add3A_371 : vector<16xi32>
        %gather3A_373 = tpu.vector_load_idx %arg8[%add3A_372, %broadcast_in_dim3A_321] : memref<128x16xf32, #tpu.memory_space<vmem>>[vector<16xi32>, vector<16xi32>], vector<16xf32>,
        %swap3A_374 = arith.constant 3 : i32
        %swap3A_375 = arith.index_cast %swap3A_374 : i32 to index
        %swap3A_376 = arith.constant 96 : index
        %swap3A_377 = tpu.vector_load %arg10[%swap3A_375, %swap3A_376] {strides = array<i32>} : memref<16x128xf32, #tpu.memory_space<vmem>>, vector<16xf32>,
        tpu.vector_store %arg10[%swap3A_375, %swap3A_376], %gather3A_373 {strides = array<i32>} : memref<16x128xf32, #tpu.memory_space<vmem>>, vector<16xf32>,
        %add3A_378 = arith.constant 112 : i32
        %add3A_379 = vector.broadcast %add3A_378 : i32 to vector<16xi32>
        %add3A_380 = arith.addi %iota3A, %add3A_379 : vector<16xi32>
        %gather3A_381 = tpu.vector_load_idx %arg8[%add3A_380, %broadcast_in_dim3A_321] : memref<128x16xf32, #tpu.memory_space<vmem>>[vector<16xi32>, vector<16xi32>], vector<16xf32>,
        %swap3A_382 = arith.constant 3 : i32
        %swap3A_383 = arith.index_cast %swap3A_382 : i32 to index
        %swap3A_384 = arith.constant 112 : index
        %swap3A_385 = tpu.vector_load %arg10[%swap3A_383, %swap3A_384] {strides = array<i32>} : memref<16x128xf32, #tpu.memory_space<vmem>>, vector<16xf32>,
        tpu.vector_store %arg10[%swap3A_383, %swap3A_384], %gather3A_381 {strides = array<i32>} : memref<16x128xf32, #tpu.memory_space<vmem>>, vector<16xf32>,
        %broadcast_in_dim3A_386 = arith.constant 4 : i32
        %broadcast_in_dim3A_387 = vector.broadcast %broadcast_in_dim3A_386 : i32 to vector<16xi32>
        %add3A_388 = arith.constant 0 : i32
        %add3A_389 = vector.broadcast %add3A_388 : i32 to vector<16xi32>
        %add3A_390 = arith.addi %iota3A, %add3A_389 : vector<16xi32>
        %gather3A_391 = tpu.vector_load_idx %arg8[%add3A_390, %broadcast_in_dim3A_387] : memref<128x16xf32, #tpu.memory_space<vmem>>[vector<16xi32>, vector<16xi32>], vector<16xf32>,
        %swap3A_392 = arith.constant 4 : i32
        %swap3A_393 = arith.index_cast %swap3A_392 : i32 to index
        %swap3A_394 = arith.constant 0 : index
        %swap3A_395 = tpu.vector_load %arg10[%swap3A_393, %swap3A_394] {strides = array<i32>} : memref<16x128xf32, #tpu.memory_space<vmem>>, vector<16xf32>,
        tpu.vector_store %arg10[%swap3A_393, %swap3A_394], %gather3A_391 {strides = array<i32>} : memref<16x128xf32, #tpu.memory_space<vmem>>, vector<16xf32>,
        %add3A_396 = arith.constant 16 : i32
        %add3A_397 = vector.broadcast %add3A_396 : i32 to vector<16xi32>
        %add3A_398 = arith.addi %iota3A, %add3A_397 : vector<16xi32>
        %gather3A_399 = tpu.vector_load_idx %arg8[%add3A_398, %broadcast_in_dim3A_387] : memref<128x16xf32, #tpu.memory_space<vmem>>[vector<16xi32>, vector<16xi32>], vector<16xf32>,
        %swap3A_400 = arith.constant 4 : i32
        %swap3A_401 = arith.index_cast %swap3A_400 : i32 to index
        %swap3A_402 = arith.constant 16 : index
        %swap3A_403 = tpu.vector_load %arg10[%swap3A_401, %swap3A_402] {strides = array<i32>} : memref<16x128xf32, #tpu.memory_space<vmem>>, vector<16xf32>,
        tpu.vector_store %arg10[%swap3A_401, %swap3A_402], %gather3A_399 {strides = array<i32>} : memref<16x128xf32, #tpu.memory_space<vmem>>, vector<16xf32>,
        %add3A_404 = arith.constant 32 : i32
        %add3A_405 = vector.broadcast %add3A_404 : i32 to vector<16xi32>
        %add3A_406 = arith.addi %iota3A, %add3A_405 : vector<16xi32>
        %gather3A_407 = tpu.vector_load_idx %arg8[%add3A_406, %broadcast_in_dim3A_387] : memref<128x16xf32, #tpu.memory_space<vmem>>[vector<16xi32>, vector<16xi32>], vector<16xf32>,
        %swap3A_408 = arith.constant 4 : i32
        %swap3A_409 = arith.index_cast %swap3A_408 : i32 to index
        %swap3A_410 = arith.constant 32 : index
        %swap3A_411 = tpu.vector_load %arg10[%swap3A_409, %swap3A_410] {strides = array<i32>} : memref<16x128xf32, #tpu.memory_space<vmem>>, vector<16xf32>,
        tpu.vector_store %arg10[%swap3A_409, %swap3A_410], %gather3A_407 {strides = array<i32>} : memref<16x128xf32, #tpu.memory_space<vmem>>, vector<16xf32>,
        %add3A_412 = arith.constant 48 : i32
        %add3A_413 = vector.broadcast %add3A_412 : i32 to vector<16xi32>
        %add3A_414 = arith.addi %iota3A, %add3A_413 : vector<16xi32>
        %gather3A_415 = tpu.vector_load_idx %arg8[%add3A_414, %broadcast_in_dim3A_387] : memref<128x16xf32, #tpu.memory_space<vmem>>[vector<16xi32>, vector<16xi32>], vector<16xf32>,
        %swap3A_416 = arith.constant 4 : i32
        %swap3A_417 = arith.index_cast %swap3A_416 : i32 to index
        %swap3A_418 = arith.constant 48 : index
        %swap3A_419 = tpu.vector_load %arg10[%swap3A_417, %swap3A_418] {strides = array<i32>} : memref<16x128xf32, #tpu.memory_space<vmem>>, vector<16xf32>,
        tpu.vector_store %arg10[%swap3A_417, %swap3A_418], %gather3A_415 {strides = array<i32>} : memref<16x128xf32, #tpu.memory_space<vmem>>, vector<16xf32>,
        %add3A_420 = arith.constant 64 : i32
        %add3A_421 = vector.broadcast %add3A_420 : i32 to vector<16xi32>
        %add3A_422 = arith.addi %iota3A, %add3A_421 : vector<16xi32>
        %gather3A_423 = tpu.vector_load_idx %arg8[%add3A_422, %broadcast_in_dim3A_387] : memref<128x16xf32, #tpu.memory_space<vmem>>[vector<16xi32>, vector<16xi32>], vector<16xf32>,
        %swap3A_424 = arith.constant 4 : i32
        %swap3A_425 = arith.index_cast %swap3A_424 : i32 to index
        %swap3A_426 = arith.constant 64 : index
        %swap3A_427 = tpu.vector_load %arg10[%swap3A_425, %swap3A_426] {strides = array<i32>} : memref<16x128xf32, #tpu.memory_space<vmem>>, vector<16xf32>,
        tpu.vector_store %arg10[%swap3A_425, %swap3A_426], %gather3A_423 {strides = array<i32>} : memref<16x128xf32, #tpu.memory_space<vmem>>, vector<16xf32>,
        %add3A_428 = arith.constant 80 : i32
        %add3A_429 = vector.broadcast %add3A_428 : i32 to vector<16xi32>
        %add3A_430 = arith.addi %iota3A, %add3A_429 : vector<16xi32>
        %gather3A_431 = tpu.vector_load_idx %arg8[%add3A_430, %broadcast_in_dim3A_387] : memref<128x16xf32, #tpu.memory_space<vmem>>[vector<16xi32>, vector<16xi32>], vector<16xf32>,
        %swap3A_432 = arith.constant 4 : i32
        %swap3A_433 = arith.index_cast %swap3A_432 : i32 to index
        %swap3A_434 = arith.constant 80 : index
        %swap3A_435 = tpu.vector_load %arg10[%swap3A_433, %swap3A_434] {strides = array<i32>} : memref<16x128xf32, #tpu.memory_space<vmem>>, vector<16xf32>,
        tpu.vector_store %arg10[%swap3A_433, %swap3A_434], %gather3A_431 {strides = array<i32>} : memref<16x128xf32, #tpu.memory_space<vmem>>, vector<16xf32>,
        %add3A_436 = arith.constant 96 : i32
        %add3A_437 = vector.broadcast %add3A_436 : i32 to vector<16xi32>
        %add3A_438 = arith.addi %iota3A, %add3A_437 : vector<16xi32>
        %gather3A_439 = tpu.vector_load_idx %arg8[%add3A_438, %broadcast_in_dim3A_387] : memref<128x16xf32, #tpu.memory_space<vmem>>[vector<16xi32>, vector<16xi32>], vector<16xf32>,
        %swap3A_440 = arith.constant 4 : i32
        %swap3A_441 = arith.index_cast %swap3A_440 : i32 to index
        %swap3A_442 = arith.constant 96 : index
        %swap3A_443 = tpu.vector_load %arg10[%swap3A_441, %swap3A_442] {strides = array<i32>} : memref<16x128xf32, #tpu.memory_space<vmem>>, vector<16xf32>,
        tpu.vector_store %arg10[%swap3A_441, %swap3A_442], %gather3A_439 {strides = array<i32>} : memref<16x128xf32, #tpu.memory_space<vmem>>, vector<16xf32>,
        %add3A_444 = arith.constant 112 : i32
        %add3A_445 = vector.broadcast %add3A_444 : i32 to vector<16xi32>
        %add3A_446 = arith.addi %iota3A, %add3A_445 : vector<16xi32>
        %gather3A_447 = tpu.vector_load_idx %arg8[%add3A_446, %broadcast_in_dim3A_387] : memref<128x16xf32, #tpu.memory_space<vmem>>[vector<16xi32>, vector<16xi32>], vector<16xf32>,
        %swap3A_448 = arith.constant 4 : i32
        %swap3A_449 = arith.index_cast %swap3A_448 : i32 to index
        %swap3A_450 = arith.constant 112 : index
        %swap3A_451 = tpu.vector_load %arg10[%swap3A_449, %swap3A_450] {strides = array<i32>} : memref<16x128xf32, #tpu.memory_space<vmem>>, vector<16xf32>,
        tpu.vector_store %arg10[%swap3A_449, %swap3A_450], %gather3A_447 {strides = array<i32>} : memref<16x128xf32, #tpu.memory_space<vmem>>, vector<16xf32>,
        %broadcast_in_dim3A_452 = arith.constant 5 : i32
        %broadcast_in_dim3A_453 = vector.broadcast %broadcast_in_dim3A_452 : i32 to vector<16xi32>
        %add3A_454 = arith.constant 0 : i32
        %add3A_455 = vector.broadcast %add3A_454 : i32 to vector<16xi32>
        %add3A_456 = arith.addi %iota3A, %add3A_455 : vector<16xi32>
        %gather3A_457 = tpu.vector_load_idx %arg8[%add3A_456, %broadcast_in_dim3A_453] : memref<128x16xf32, #tpu.memory_space<vmem>>[vector<16xi32>, vector<16xi32>], vector<16xf32>,
        %swap3A_458 = arith.constant 5 : i32
        %swap3A_459 = arith.index_cast %swap3A_458 : i32 to index
        %swap3A_460 = arith.constant 0 : index
        %swap3A_461 = tpu.vector_load %arg10[%swap3A_459, %swap3A_460] {strides = array<i32>} : memref<16x128xf32, #tpu.memory_space<vmem>>, vector<16xf32>,
        tpu.vector_store %arg10[%swap3A_459, %swap3A_460], %gather3A_457 {strides = array<i32>} : memref<16x128xf32, #tpu.memory_space<vmem>>, vector<16xf32>,
        %add3A_462 = arith.constant 16 : i32
        %add3A_463 = vector.broadcast %add3A_462 : i32 to vector<16xi32>
        %add3A_464 = arith.addi %iota3A, %add3A_463 : vector<16xi32>
        %gather3A_465 = tpu.vector_load_idx %arg8[%add3A_464, %broadcast_in_dim3A_453] : memref<128x16xf32, #tpu.memory_space<vmem>>[vector<16xi32>, vector<16xi32>], vector<16xf32>,
        %swap3A_466 = arith.constant 5 : i32
        %swap3A_467 = arith.index_cast %swap3A_466 : i32 to index
        %swap3A_468 = arith.constant 16 : index
        %swap3A_469 = tpu.vector_load %arg10[%swap3A_467, %swap3A_468] {strides = array<i32>} : memref<16x128xf32, #tpu.memory_space<vmem>>, vector<16xf32>,
        tpu.vector_store %arg10[%swap3A_467, %swap3A_468], %gather3A_465 {strides = array<i32>} : memref<16x128xf32, #tpu.memory_space<vmem>>, vector<16xf32>,
        %add3A_470 = arith.constant 32 : i32
        %add3A_471 = vector.broadcast %add3A_470 : i32 to vector<16xi32>
        %add3A_472 = arith.addi %iota3A, %add3A_471 : vector<16xi32>
        %gather3A_473 = tpu.vector_load_idx %arg8[%add3A_472, %broadcast_in_dim3A_453] : memref<128x16xf32, #tpu.memory_space<vmem>>[vector<16xi32>, vector<16xi32>], vector<16xf32>,
        %swap3A_474 = arith.constant 5 : i32
        %swap3A_475 = arith.index_cast %swap3A_474 : i32 to index
        %swap3A_476 = arith.constant 32 : index
        %swap3A_477 = tpu.vector_load %arg10[%swap3A_475, %swap3A_476] {strides = array<i32>} : memref<16x128xf32, #tpu.memory_space<vmem>>, vector<16xf32>,
        tpu.vector_store %arg10[%swap3A_475, %swap3A_476], %gather3A_473 {strides = array<i32>} : memref<16x128xf32, #tpu.memory_space<vmem>>, vector<16xf32>,
        %add3A_478 = arith.constant 48 : i32
        %add3A_479 = vector.broadcast %add3A_478 : i32 to vector<16xi32>
        %add3A_480 = arith.addi %iota3A, %add3A_479 : vector<16xi32>
        %gather3A_481 = tpu.vector_load_idx %arg8[%add3A_480, %broadcast_in_dim3A_453] : memref<128x16xf32, #tpu.memory_space<vmem>>[vector<16xi32>, vector<16xi32>], vector<16xf32>,
        %swap3A_482 = arith.constant 5 : i32
        %swap3A_483 = arith.index_cast %swap3A_482 : i32 to index
        %swap3A_484 = arith.constant 48 : index
        %swap3A_485 = tpu.vector_load %arg10[%swap3A_483, %swap3A_484] {strides = array<i32>} : memref<16x128xf32, #tpu.memory_space<vmem>>, vector<16xf32>,
        tpu.vector_store %arg10[%swap3A_483, %swap3A_484], %gather3A_481 {strides = array<i32>} : memref<16x128xf32, #tpu.memory_space<vmem>>, vector<16xf32>,
        %add3A_486 = arith.constant 64 : i32
        %add3A_487 = vector.broadcast %add3A_486 : i32 to vector<16xi32>
        %add3A_488 = arith.addi %iota3A, %add3A_487 : vector<16xi32>
        %gather3A_489 = tpu.vector_load_idx %arg8[%add3A_488, %broadcast_in_dim3A_453] : memref<128x16xf32, #tpu.memory_space<vmem>>[vector<16xi32>, vector<16xi32>], vector<16xf32>,
        %swap3A_490 = arith.constant 5 : i32
        %swap3A_491 = arith.index_cast %swap3A_490 : i32 to index
        %swap3A_492 = arith.constant 64 : index
        %swap3A_493 = tpu.vector_load %arg10[%swap3A_491, %swap3A_492] {strides = array<i32>} : memref<16x128xf32, #tpu.memory_space<vmem>>, vector<16xf32>,
        tpu.vector_store %arg10[%swap3A_491, %swap3A_492], %gather3A_489 {strides = array<i32>} : memref<16x128xf32, #tpu.memory_space<vmem>>, vector<16xf32>,
        %add3A_494 = arith.constant 80 : i32
        %add3A_495 = vector.broadcast %add3A_494 : i32 to vector<16xi32>
        %add3A_496 = arith.addi %iota3A, %add3A_495 : vector<16xi32>
        %gather3A_497 = tpu.vector_load_idx %arg8[%add3A_496, %broadcast_in_dim3A_453] : memref<128x16xf32, #tpu.memory_space<vmem>>[vector<16xi32>, vector<16xi32>], vector<16xf32>,
        %swap3A_498 = arith.constant 5 : i32
        %swap3A_499 = arith.index_cast %swap3A_498 : i32 to index
        %swap3A_500 = arith.constant 80 : index
        %swap3A_501 = tpu.vector_load %arg10[%swap3A_499, %swap3A_500] {strides = array<i32>} : memref<16x128xf32, #tpu.memory_space<vmem>>, vector<16xf32>,
        tpu.vector_store %arg10[%swap3A_499, %swap3A_500], %gather3A_497 {strides = array<i32>} : memref<16x128xf32, #tpu.memory_space<vmem>>, vector<16xf32>,
        %add3A_502 = arith.constant 96 : i32
        %add3A_503 = vector.broadcast %add3A_502 : i32 to vector<16xi32>
        %add3A_504 = arith.addi %iota3A, %add3A_503 : vector<16xi32>
        %gather3A_505 = tpu.vector_load_idx %arg8[%add3A_504, %broadcast_in_dim3A_453] : memref<128x16xf32, #tpu.memory_space<vmem>>[vector<16xi32>, vector<16xi32>], vector<16xf32>,
        %swap3A_506 = arith.constant 5 : i32
        %swap3A_507 = arith.index_cast %swap3A_506 : i32 to index
        %swap3A_508 = arith.constant 96 : index
        %swap3A_509 = tpu.vector_load %arg10[%swap3A_507, %swap3A_508] {strides = array<i32>} : memref<16x128xf32, #tpu.memory_space<vmem>>, vector<16xf32>,
        tpu.vector_store %arg10[%swap3A_507, %swap3A_508], %gather3A_505 {strides = array<i32>} : memref<16x128xf32, #tpu.memory_space<vmem>>, vector<16xf32>,
        %add3A_510 = arith.constant 112 : i32
        %add3A_511 = vector.broadcast %add3A_510 : i32 to vector<16xi32>
        %add3A_512 = arith.addi %iota3A, %add3A_511 : vector<16xi32>
        %gather3A_513 = tpu.vector_load_idx %arg8[%add3A_512, %broadcast_in_dim3A_453] : memref<128x16xf32, #tpu.memory_space<vmem>>[vector<16xi32>, vector<16xi32>], vector<16xf32>,
        %swap3A_514 = arith.constant 5 : i32
        %swap3A_515 = arith.index_cast %swap3A_514 : i32 to index
        %swap3A_516 = arith.constant 112 : index
        %swap3A_517 = tpu.vector_load %arg10[%swap3A_515, %swap3A_516] {strides = array<i32>} : memref<16x128xf32, #tpu.memory_space<vmem>>, vector<16xf32>,
        tpu.vector_store %arg10[%swap3A_515, %swap3A_516], %gather3A_513 {strides = array<i32>} : memref<16x128xf32, #tpu.memory_space<vmem>>, vector<16xf32>,
        %broadcast_in_dim3A_518 = arith.constant 6 : i32
        %broadcast_in_dim3A_519 = vector.broadcast %broadcast_in_dim3A_518 : i32 to vector<16xi32>
        %add3A_520 = arith.constant 0 : i32
        %add3A_521 = vector.broadcast %add3A_520 : i32 to vector<16xi32>
        %add3A_522 = arith.addi %iota3A, %add3A_521 : vector<16xi32>
        %gather3A_523 = tpu.vector_load_idx %arg8[%add3A_522, %broadcast_in_dim3A_519] : memref<128x16xf32, #tpu.memory_space<vmem>>[vector<16xi32>, vector<16xi32>], vector<16xf32>,
        %swap3A_524 = arith.constant 6 : i32
        %swap3A_525 = arith.index_cast %swap3A_524 : i32 to index
        %swap3A_526 = arith.constant 0 : index
        %swap3A_527 = tpu.vector_load %arg10[%swap3A_525, %swap3A_526] {strides = array<i32>} : memref<16x128xf32, #tpu.memory_space<vmem>>, vector<16xf32>,
        tpu.vector_store %arg10[%swap3A_525, %swap3A_526], %gather3A_523 {strides = array<i32>} : memref<16x128xf32, #tpu.memory_space<vmem>>, vector<16xf32>,
        %add3A_528 = arith.constant 16 : i32
        %add3A_529 = vector.broadcast %add3A_528 : i32 to vector<16xi32>
        %add3A_530 = arith.addi %iota3A, %add3A_529 : vector<16xi32>
        %gather3A_531 = tpu.vector_load_idx %arg8[%add3A_530, %broadcast_in_dim3A_519] : memref<128x16xf32, #tpu.memory_space<vmem>>[vector<16xi32>, vector<16xi32>], vector<16xf32>,
        %swap3A_532 = arith.constant 6 : i32
        %swap3A_533 = arith.index_cast %swap3A_532 : i32 to index
        %swap3A_534 = arith.constant 16 : index
        %swap3A_535 = tpu.vector_load %arg10[%swap3A_533, %swap3A_534] {strides = array<i32>} : memref<16x128xf32, #tpu.memory_space<vmem>>, vector<16xf32>,
        tpu.vector_store %arg10[%swap3A_533, %swap3A_534], %gather3A_531 {strides = array<i32>} : memref<16x128xf32, #tpu.memory_space<vmem>>, vector<16xf32>,
        %add3A_536 = arith.constant 32 : i32
        %add3A_537 = vector.broadcast %add3A_536 : i32 to vector<16xi32>
        %add3A_538 = arith.addi %iota3A, %add3A_537 : vector<16xi32>
        %gather3A_539 = tpu.vector_load_idx %arg8[%add3A_538, %broadcast_in_dim3A_519] : memref<128x16xf32, #tpu.memory_space<vmem>>[vector<16xi32>, vector<16xi32>], vector<16xf32>,
        %swap3A_540 = arith.constant 6 : i32
        %swap3A_541 = arith.index_cast %swap3A_540 : i32 to index
        %swap3A_542 = arith.constant 32 : index
        %swap3A_543 = tpu.vector_load %arg10[%swap3A_541, %swap3A_542] {strides = array<i32>} : memref<16x128xf32, #tpu.memory_space<vmem>>, vector<16xf32>,
        tpu.vector_store %arg10[%swap3A_541, %swap3A_542], %gather3A_539 {strides = array<i32>} : memref<16x128xf32, #tpu.memory_space<vmem>>, vector<16xf32>,
        %add3A_544 = arith.constant 48 : i32
        %add3A_545 = vector.broadcast %add3A_544 : i32 to vector<16xi32>
        %add3A_546 = arith.addi %iota3A, %add3A_545 : vector<16xi32>
        %gather3A_547 = tpu.vector_load_idx %arg8[%add3A_546, %broadcast_in_dim3A_519] : memref<128x16xf32, #tpu.memory_space<vmem>>[vector<16xi32>, vector<16xi32>], vector<16xf32>,
        %swap3A_548 = arith.constant 6 : i32
        %swap3A_549 = arith.index_cast %swap3A_548 : i32 to index
        %swap3A_550 = arith.constant 48 : index
        %swap3A_551 = tpu.vector_load %arg10[%swap3A_549, %swap3A_550] {strides = array<i32>} : memref<16x128xf32, #tpu.memory_space<vmem>>, vector<16xf32>,
        tpu.vector_store %arg10[%swap3A_549, %swap3A_550], %gather3A_547 {strides = array<i32>} : memref<16x128xf32, #tpu.memory_space<vmem>>, vector<16xf32>,
        %add3A_552 = arith.constant 64 : i32
        %add3A_553 = vector.broadcast %add3A_552 : i32 to vector<16xi32>
        %add3A_554 = arith.addi %iota3A, %add3A_553 : vector<16xi32>
        %gather3A_555 = tpu.vector_load_idx %arg8[%add3A_554, %broadcast_in_dim3A_519] : memref<128x16xf32, #tpu.memory_space<vmem>>[vector<16xi32>, vector<16xi32>], vector<16xf32>,
        %swap3A_556 = arith.constant 6 : i32
        %swap3A_557 = arith.index_cast %swap3A_556 : i32 to index
        %swap3A_558 = arith.constant 64 : index
        %swap3A_559 = tpu.vector_load %arg10[%swap3A_557, %swap3A_558] {strides = array<i32>} : memref<16x128xf32, #tpu.memory_space<vmem>>, vector<16xf32>,
        tpu.vector_store %arg10[%swap3A_557, %swap3A_558], %gather3A_555 {strides = array<i32>} : memref<16x128xf32, #tpu.memory_space<vmem>>, vector<16xf32>,
        %add3A_560 = arith.constant 80 : i32
        %add3A_561 = vector.broadcast %add3A_560 : i32 to vector<16xi32>
        %add3A_562 = arith.addi %iota3A, %add3A_561 : vector<16xi32>
        %gather3A_563 = tpu.vector_load_idx %arg8[%add3A_562, %broadcast_in_dim3A_519] : memref<128x16xf32, #tpu.memory_space<vmem>>[vector<16xi32>, vector<16xi32>], vector<16xf32>,
        %swap3A_564 = arith.constant 6 : i32
        %swap3A_565 = arith.index_cast %swap3A_564 : i32 to index
        %swap3A_566 = arith.constant 80 : index
        %swap3A_567 = tpu.vector_load %arg10[%swap3A_565, %swap3A_566] {strides = array<i32>} : memref<16x128xf32, #tpu.memory_space<vmem>>, vector<16xf32>,
        tpu.vector_store %arg10[%swap3A_565, %swap3A_566], %gather3A_563 {strides = array<i32>} : memref<16x128xf32, #tpu.memory_space<vmem>>, vector<16xf32>,
        %add3A_568 = arith.constant 96 : i32
        %add3A_569 = vector.broadcast %add3A_568 : i32 to vector<16xi32>
        %add3A_570 = arith.addi %iota3A, %add3A_569 : vector<16xi32>
        %gather3A_571 = tpu.vector_load_idx %arg8[%add3A_570, %broadcast_in_dim3A_519] : memref<128x16xf32, #tpu.memory_space<vmem>>[vector<16xi32>, vector<16xi32>], vector<16xf32>,
        %swap3A_572 = arith.constant 6 : i32
        %swap3A_573 = arith.index_cast %swap3A_572 : i32 to index
        %swap3A_574 = arith.constant 96 : index
        %swap3A_575 = tpu.vector_load %arg10[%swap3A_573, %swap3A_574] {strides = array<i32>} : memref<16x128xf32, #tpu.memory_space<vmem>>, vector<16xf32>,
        tpu.vector_store %arg10[%swap3A_573, %swap3A_574], %gather3A_571 {strides = array<i32>} : memref<16x128xf32, #tpu.memory_space<vmem>>, vector<16xf32>,
        %add3A_576 = arith.constant 112 : i32
        %add3A_577 = vector.broadcast %add3A_576 : i32 to vector<16xi32>
        %add3A_578 = arith.addi %iota3A, %add3A_577 : vector<16xi32>
        %gather3A_579 = tpu.vector_load_idx %arg8[%add3A_578, %broadcast_in_dim3A_519] : memref<128x16xf32, #tpu.memory_space<vmem>>[vector<16xi32>, vector<16xi32>], vector<16xf32>,
        %swap3A_580 = arith.constant 6 : i32
        %swap3A_581 = arith.index_cast %swap3A_580 : i32 to index
        %swap3A_582 = arith.constant 112 : index
        %swap3A_583 = tpu.vector_load %arg10[%swap3A_581, %swap3A_582] {strides = array<i32>} : memref<16x128xf32, #tpu.memory_space<vmem>>, vector<16xf32>,
        tpu.vector_store %arg10[%swap3A_581, %swap3A_582], %gather3A_579 {strides = array<i32>} : memref<16x128xf32, #tpu.memory_space<vmem>>, vector<16xf32>,
        %broadcast_in_dim3A_584 = arith.constant 7 : i32
        %broadcast_in_dim3A_585 = vector.broadcast %broadcast_in_dim3A_584 : i32 to vector<16xi32>
        %add3A_586 = arith.constant 0 : i32
        %add3A_587 = vector.broadcast %add3A_586 : i32 to vector<16xi32>
        %add3A_588 = arith.addi %iota3A, %add3A_587 : vector<16xi32>
        %gather3A_589 = tpu.vector_load_idx %arg8[%add3A_588, %broadcast_in_dim3A_585] : memref<128x16xf32, #tpu.memory_space<vmem>>[vector<16xi32>, vector<16xi32>], vector<16xf32>,
        %swap3A_590 = arith.constant 7 : i32
        %swap3A_591 = arith.index_cast %swap3A_590 : i32 to index
        %swap3A_592 = arith.constant 0 : index
        %swap3A_593 = tpu.vector_load %arg10[%swap3A_591, %swap3A_592] {strides = array<i32>} : memref<16x128xf32, #tpu.memory_space<vmem>>, vector<16xf32>,
        tpu.vector_store %arg10[%swap3A_591, %swap3A_592], %gather3A_589 {strides = array<i32>} : memref<16x128xf32, #tpu.memory_space<vmem>>, vector<16xf32>,
        %add3A_594 = arith.constant 16 : i32
        %add3A_595 = vector.broadcast %add3A_594 : i32 to vector<16xi32>
        %add3A_596 = arith.addi %iota3A, %add3A_595 : vector<16xi32>
        %gather3A_597 = tpu.vector_load_idx %arg8[%add3A_596, %broadcast_in_dim3A_585] : memref<128x16xf32, #tpu.memory_space<vmem>>[vector<16xi32>, vector<16xi32>], vector<16xf32>,
        %swap3A_598 = arith.constant 7 : i32
        %swap3A_599 = arith.index_cast %swap3A_598 : i32 to index
        %swap3A_600 = arith.constant 16 : index
        %swap3A_601 = tpu.vector_load %arg10[%swap3A_599, %swap3A_600] {strides = array<i32>} : memref<16x128xf32, #tpu.memory_space<vmem>>, vector<16xf32>,
        tpu.vector_store %arg10[%swap3A_599, %swap3A_600], %gather3A_597 {strides = array<i32>} : memref<16x128xf32, #tpu.memory_space<vmem>>, vector<16xf32>,
        %add3A_602 = arith.constant 32 : i32
        %add3A_603 = vector.broadcast %add3A_602 : i32 to vector<16xi32>
        %add3A_604 = arith.addi %iota3A, %add3A_603 : vector<16xi32>
        %gather3A_605 = tpu.vector_load_idx %arg8[%add3A_604, %broadcast_in_dim3A_585] : memref<128x16xf32, #tpu.memory_space<vmem>>[vector<16xi32>, vector<16xi32>], vector<16xf32>,
        %swap3A_606 = arith.constant 7 : i32
        %swap3A_607 = arith.index_cast %swap3A_606 : i32 to index
        %swap3A_608 = arith.constant 32 : index
        %swap3A_609 = tpu.vector_load %arg10[%swap3A_607, %swap3A_608] {strides = array<i32>} : memref<16x128xf32, #tpu.memory_space<vmem>>, vector<16xf32>,
        tpu.vector_store %arg10[%swap3A_607, %swap3A_608], %gather3A_605 {strides = array<i32>} : memref<16x128xf32, #tpu.memory_space<vmem>>, vector<16xf32>,
        %add3A_610 = arith.constant 48 : i32
        %add3A_611 = vector.broadcast %add3A_610 : i32 to vector<16xi32>
        %add3A_612 = arith.addi %iota3A, %add3A_611 : vector<16xi32>
        %gather3A_613 = tpu.vector_load_idx %arg8[%add3A_612, %broadcast_in_dim3A_585] : memref<128x16xf32, #tpu.memory_space<vmem>>[vector<16xi32>, vector<16xi32>], vector<16xf32>,
        %swap3A_614 = arith.constant 7 : i32
        %swap3A_615 = arith.index_cast %swap3A_614 : i32 to index
        %swap3A_616 = arith.constant 48 : index
        %swap3A_617 = tpu.vector_load %arg10[%swap3A_615, %swap3A_616] {strides = array<i32>} : memref<16x128xf32, #tpu.memory_space<vmem>>, vector<16xf32>,
        tpu.vector_store %arg10[%swap3A_615, %swap3A_616], %gather3A_613 {strides = array<i32>} : memref<16x128xf32, #tpu.memory_space<vmem>>, vector<16xf32>,
        %add3A_618 = arith.constant 64 : i32
        %add3A_619 = vector.broadcast %add3A_618 : i32 to vector<16xi32>
        %add3A_620 = arith.addi %iota3A, %add3A_619 : vector<16xi32>
        %gather3A_621 = tpu.vector_load_idx %arg8[%add3A_620, %broadcast_in_dim3A_585] : memref<128x16xf32, #tpu.memory_space<vmem>>[vector<16xi32>, vector<16xi32>], vector<16xf32>,
        %swap3A_622 = arith.constant 7 : i32
        %swap3A_623 = arith.index_cast %swap3A_622 : i32 to index
        %swap3A_624 = arith.constant 64 : index
        %swap3A_625 = tpu.vector_load %arg10[%swap3A_623, %swap3A_624] {strides = array<i32>} : memref<16x128xf32, #tpu.memory_space<vmem>>, vector<16xf32>,
        tpu.vector_store %arg10[%swap3A_623, %swap3A_624], %gather3A_621 {strides = array<i32>} : memref<16x128xf32, #tpu.memory_space<vmem>>, vector<16xf32>,
        %add3A_626 = arith.constant 80 : i32
        %add3A_627 = vector.broadcast %add3A_626 : i32 to vector<16xi32>
        %add3A_628 = arith.addi %iota3A, %add3A_627 : vector<16xi32>
        %gather3A_629 = tpu.vector_load_idx %arg8[%add3A_628, %broadcast_in_dim3A_585] : memref<128x16xf32, #tpu.memory_space<vmem>>[vector<16xi32>, vector<16xi32>], vector<16xf32>,
        %swap3A_630 = arith.constant 7 : i32
        %swap3A_631 = arith.index_cast %swap3A_630 : i32 to index
        %swap3A_632 = arith.constant 80 : index
        %swap3A_633 = tpu.vector_load %arg10[%swap3A_631, %swap3A_632] {strides = array<i32>} : memref<16x128xf32, #tpu.memory_space<vmem>>, vector<16xf32>,
        tpu.vector_store %arg10[%swap3A_631, %swap3A_632], %gather3A_629 {strides = array<i32>} : memref<16x128xf32, #tpu.memory_space<vmem>>, vector<16xf32>,
        %add3A_634 = arith.constant 96 : i32
        %add3A_635 = vector.broadcast %add3A_634 : i32 to vector<16xi32>
        %add3A_636 = arith.addi %iota3A, %add3A_635 : vector<16xi32>
        %gather3A_637 = tpu.vector_load_idx %arg8[%add3A_636, %broadcast_in_dim3A_585] : memref<128x16xf32, #tpu.memory_space<vmem>>[vector<16xi32>, vector<16xi32>], vector<16xf32>,
        %swap3A_638 = arith.constant 7 : i32
        %swap3A_639 = arith.index_cast %swap3A_638 : i32 to index
        %swap3A_640 = arith.constant 96 : index
        %swap3A_641 = tpu.vector_load %arg10[%swap3A_639, %swap3A_640] {strides = array<i32>} : memref<16x128xf32, #tpu.memory_space<vmem>>, vector<16xf32>,
        tpu.vector_store %arg10[%swap3A_639, %swap3A_640], %gather3A_637 {strides = array<i32>} : memref<16x128xf32, #tpu.memory_space<vmem>>, vector<16xf32>,
        %add3A_642 = arith.constant 112 : i32
        %add3A_643 = vector.broadcast %add3A_642 : i32 to vector<16xi32>
        %add3A_644 = arith.addi %iota3A, %add3A_643 : vector<16xi32>
        %gather3A_645 = tpu.vector_load_idx %arg8[%add3A_644, %broadcast_in_dim3A_585] : memref<128x16xf32, #tpu.memory_space<vmem>>[vector<16xi32>, vector<16xi32>], vector<16xf32>,
        %swap3A_646 = arith.constant 7 : i32
        %swap3A_647 = arith.index_cast %swap3A_646 : i32 to index
        %swap3A_648 = arith.constant 112 : index
        %swap3A_649 = tpu.vector_load %arg10[%swap3A_647, %swap3A_648] {strides = array<i32>} : memref<16x128xf32, #tpu.memory_space<vmem>>, vector<16xf32>,
        tpu.vector_store %arg10[%swap3A_647, %swap3A_648], %gather3A_645 {strides = array<i32>} : memref<16x128xf32, #tpu.memory_space<vmem>>, vector<16xf32>,
        %broadcast_in_dim3A_650 = arith.constant 8 : i32
        %broadcast_in_dim3A_651 = vector.broadcast %broadcast_in_dim3A_650 : i32 to vector<16xi32>
        %add3A_652 = arith.constant 0 : i32
        %add3A_653 = vector.broadcast %add3A_652 : i32 to vector<16xi32>
        %add3A_654 = arith.addi %iota3A, %add3A_653 : vector<16xi32>
        %gather3A_655 = tpu.vector_load_idx %arg8[%add3A_654, %broadcast_in_dim3A_651] : memref<128x16xf32, #tpu.memory_space<vmem>>[vector<16xi32>, vector<16xi32>], vector<16xf32>,
        %swap3A_656 = arith.constant 8 : i32
        %swap3A_657 = arith.index_cast %swap3A_656 : i32 to index
        %swap3A_658 = arith.constant 0 : index
        %swap3A_659 = tpu.vector_load %arg10[%swap3A_657, %swap3A_658] {strides = array<i32>} : memref<16x128xf32, #tpu.memory_space<vmem>>, vector<16xf32>,
        tpu.vector_store %arg10[%swap3A_657, %swap3A_658], %gather3A_655 {strides = array<i32>} : memref<16x128xf32, #tpu.memory_space<vmem>>, vector<16xf32>,
        %add3A_660 = arith.constant 16 : i32
        %add3A_661 = vector.broadcast %add3A_660 : i32 to vector<16xi32>
        %add3A_662 = arith.addi %iota3A, %add3A_661 : vector<16xi32>
        %gather3A_663 = tpu.vector_load_idx %arg8[%add3A_662, %broadcast_in_dim3A_651] : memref<128x16xf32, #tpu.memory_space<vmem>>[vector<16xi32>, vector<16xi32>], vector<16xf32>,
        %swap3A_664 = arith.constant 8 : i32
        %swap3A_665 = arith.index_cast %swap3A_664 : i32 to index
        %swap3A_666 = arith.constant 16 : index
        %swap3A_667 = tpu.vector_load %arg10[%swap3A_665, %swap3A_666] {strides = array<i32>} : memref<16x128xf32, #tpu.memory_space<vmem>>, vector<16xf32>,
        tpu.vector_store %arg10[%swap3A_665, %swap3A_666], %gather3A_663 {strides = array<i32>} : memref<16x128xf32, #tpu.memory_space<vmem>>, vector<16xf32>,
        %add3A_668 = arith.constant 32 : i32
        %add3A_669 = vector.broadcast %add3A_668 : i32 to vector<16xi32>
        %add3A_670 = arith.addi %iota3A, %add3A_669 : vector<16xi32>
        %gather3A_671 = tpu.vector_load_idx %arg8[%add3A_670, %broadcast_in_dim3A_651] : memref<128x16xf32, #tpu.memory_space<vmem>>[vector<16xi32>, vector<16xi32>], vector<16xf32>,
        %swap3A_672 = arith.constant 8 : i32
        %swap3A_673 = arith.index_cast %swap3A_672 : i32 to index
        %swap3A_674 = arith.constant 32 : index
        %swap3A_675 = tpu.vector_load %arg10[%swap3A_673, %swap3A_674] {strides = array<i32>} : memref<16x128xf32, #tpu.memory_space<vmem>>, vector<16xf32>,
        tpu.vector_store %arg10[%swap3A_673, %swap3A_674], %gather3A_671 {strides = array<i32>} : memref<16x128xf32, #tpu.memory_space<vmem>>, vector<16xf32>,
        %add3A_676 = arith.constant 48 : i32
        %add3A_677 = vector.broadcast %add3A_676 : i32 to vector<16xi32>
        %add3A_678 = arith.addi %iota3A, %add3A_677 : vector<16xi32>
        %gather3A_679 = tpu.vector_load_idx %arg8[%add3A_678, %broadcast_in_dim3A_651] : memref<128x16xf32, #tpu.memory_space<vmem>>[vector<16xi32>, vector<16xi32>], vector<16xf32>,
        %swap3A_680 = arith.constant 8 : i32
        %swap3A_681 = arith.index_cast %swap3A_680 : i32 to index
        %swap3A_682 = arith.constant 48 : index
        %swap3A_683 = tpu.vector_load %arg10[%swap3A_681, %swap3A_682] {strides = array<i32>} : memref<16x128xf32, #tpu.memory_space<vmem>>, vector<16xf32>,
        tpu.vector_store %arg10[%swap3A_681, %swap3A_682], %gather3A_679 {strides = array<i32>} : memref<16x128xf32, #tpu.memory_space<vmem>>, vector<16xf32>,
        %add3A_684 = arith.constant 64 : i32
        %add3A_685 = vector.broadcast %add3A_684 : i32 to vector<16xi32>
        %add3A_686 = arith.addi %iota3A, %add3A_685 : vector<16xi32>
        %gather3A_687 = tpu.vector_load_idx %arg8[%add3A_686, %broadcast_in_dim3A_651] : memref<128x16xf32, #tpu.memory_space<vmem>>[vector<16xi32>, vector<16xi32>], vector<16xf32>,
        %swap3A_688 = arith.constant 8 : i32
        %swap3A_689 = arith.index_cast %swap3A_688 : i32 to index
        %swap3A_690 = arith.constant 64 : index
        %swap3A_691 = tpu.vector_load %arg10[%swap3A_689, %swap3A_690] {strides = array<i32>} : memref<16x128xf32, #tpu.memory_space<vmem>>, vector<16xf32>,
        tpu.vector_store %arg10[%swap3A_689, %swap3A_690], %gather3A_687 {strides = array<i32>} : memref<16x128xf32, #tpu.memory_space<vmem>>, vector<16xf32>,
        %add3A_692 = arith.constant 80 : i32
        %add3A_693 = vector.broadcast %add3A_692 : i32 to vector<16xi32>
        %add3A_694 = arith.addi %iota3A, %add3A_693 : vector<16xi32>
        %gather3A_695 = tpu.vector_load_idx %arg8[%add3A_694, %broadcast_in_dim3A_651] : memref<128x16xf32, #tpu.memory_space<vmem>>[vector<16xi32>, vector<16xi32>], vector<16xf32>,
        %swap3A_696 = arith.constant 8 : i32
        %swap3A_697 = arith.index_cast %swap3A_696 : i32 to index
        %swap3A_698 = arith.constant 80 : index
        %swap3A_699 = tpu.vector_load %arg10[%swap3A_697, %swap3A_698] {strides = array<i32>} : memref<16x128xf32, #tpu.memory_space<vmem>>, vector<16xf32>,
        tpu.vector_store %arg10[%swap3A_697, %swap3A_698], %gather3A_695 {strides = array<i32>} : memref<16x128xf32, #tpu.memory_space<vmem>>, vector<16xf32>,
        %add3A_700 = arith.constant 96 : i32
        %add3A_701 = vector.broadcast %add3A_700 : i32 to vector<16xi32>
        %add3A_702 = arith.addi %iota3A, %add3A_701 : vector<16xi32>
        %gather3A_703 = tpu.vector_load_idx %arg8[%add3A_702, %broadcast_in_dim3A_651] : memref<128x16xf32, #tpu.memory_space<vmem>>[vector<16xi32>, vector<16xi32>], vector<16xf32>,
        %swap3A_704 = arith.constant 8 : i32
        %swap3A_705 = arith.index_cast %swap3A_704 : i32 to index
        %swap3A_706 = arith.constant 96 : index
        %swap3A_707 = tpu.vector_load %arg10[%swap3A_705, %swap3A_706] {strides = array<i32>} : memref<16x128xf32, #tpu.memory_space<vmem>>, vector<16xf32>,
        tpu.vector_store %arg10[%swap3A_705, %swap3A_706], %gather3A_703 {strides = array<i32>} : memref<16x128xf32, #tpu.memory_space<vmem>>, vector<16xf32>,
        %add3A_708 = arith.constant 112 : i32
        %add3A_709 = vector.broadcast %add3A_708 : i32 to vector<16xi32>
        %add3A_710 = arith.addi %iota3A, %add3A_709 : vector<16xi32>
        %gather3A_711 = tpu.vector_load_idx %arg8[%add3A_710, %broadcast_in_dim3A_651] : memref<128x16xf32, #tpu.memory_space<vmem>>[vector<16xi32>, vector<16xi32>], vector<16xf32>,
        %swap3A_712 = arith.constant 8 : i32
        %swap3A_713 = arith.index_cast %swap3A_712 : i32 to index
        %swap3A_714 = arith.constant 112 : index
        %swap3A_715 = tpu.vector_load %arg10[%swap3A_713, %swap3A_714] {strides = array<i32>} : memref<16x128xf32, #tpu.memory_space<vmem>>, vector<16xf32>,
        tpu.vector_store %arg10[%swap3A_713, %swap3A_714], %gather3A_711 {strides = array<i32>} : memref<16x128xf32, #tpu.memory_space<vmem>>, vector<16xf32>,
        %broadcast_in_dim3A_716 = arith.constant 9 : i32
        %broadcast_in_dim3A_717 = vector.broadcast %broadcast_in_dim3A_716 : i32 to vector<16xi32>
        %add3A_718 = arith.constant 0 : i32
        %add3A_719 = vector.broadcast %add3A_718 : i32 to vector<16xi32>
        %add3A_720 = arith.addi %iota3A, %add3A_719 : vector<16xi32>
        %gather3A_721 = tpu.vector_load_idx %arg8[%add3A_720, %broadcast_in_dim3A_717] : memref<128x16xf32, #tpu.memory_space<vmem>>[vector<16xi32>, vector<16xi32>], vector<16xf32>,
        %swap3A_722 = arith.constant 9 : i32
        %swap3A_723 = arith.index_cast %swap3A_722 : i32 to index
        %swap3A_724 = arith.constant 0 : index
        %swap3A_725 = tpu.vector_load %arg10[%swap3A_723, %swap3A_724] {strides = array<i32>} : memref<16x128xf32, #tpu.memory_space<vmem>>, vector<16xf32>,
        tpu.vector_store %arg10[%swap3A_723, %swap3A_724], %gather3A_721 {strides = array<i32>} : memref<16x128xf32, #tpu.memory_space<vmem>>, vector<16xf32>,
        %add3A_726 = arith.constant 16 : i32
        %add3A_727 = vector.broadcast %add3A_726 : i32 to vector<16xi32>
        %add3A_728 = arith.addi %iota3A, %add3A_727 : vector<16xi32>
        %gather3A_729 = tpu.vector_load_idx %arg8[%add3A_728, %broadcast_in_dim3A_717] : memref<128x16xf32, #tpu.memory_space<vmem>>[vector<16xi32>, vector<16xi32>], vector<16xf32>,
        %swap3A_730 = arith.constant 9 : i32
        %swap3A_731 = arith.index_cast %swap3A_730 : i32 to index
        %swap3A_732 = arith.constant 16 : index
        %swap3A_733 = tpu.vector_load %arg10[%swap3A_731, %swap3A_732] {strides = array<i32>} : memref<16x128xf32, #tpu.memory_space<vmem>>, vector<16xf32>,
        tpu.vector_store %arg10[%swap3A_731, %swap3A_732], %gather3A_729 {strides = array<i32>} : memref<16x128xf32, #tpu.memory_space<vmem>>, vector<16xf32>,
        %add3A_734 = arith.constant 32 : i32
        %add3A_735 = vector.broadcast %add3A_734 : i32 to vector<16xi32>
        %add3A_736 = arith.addi %iota3A, %add3A_735 : vector<16xi32>
        %gather3A_737 = tpu.vector_load_idx %arg8[%add3A_736, %broadcast_in_dim3A_717] : memref<128x16xf32, #tpu.memory_space<vmem>>[vector<16xi32>, vector<16xi32>], vector<16xf32>,
        %swap3A_738 = arith.constant 9 : i32
        %swap3A_739 = arith.index_cast %swap3A_738 : i32 to index
        %swap3A_740 = arith.constant 32 : index
        %swap3A_741 = tpu.vector_load %arg10[%swap3A_739, %swap3A_740] {strides = array<i32>} : memref<16x128xf32, #tpu.memory_space<vmem>>, vector<16xf32>,
        tpu.vector_store %arg10[%swap3A_739, %swap3A_740], %gather3A_737 {strides = array<i32>} : memref<16x128xf32, #tpu.memory_space<vmem>>, vector<16xf32>,
        %add3A_742 = arith.constant 48 : i32
        %add3A_743 = vector.broadcast %add3A_742 : i32 to vector<16xi32>
        %add3A_744 = arith.addi %iota3A, %add3A_743 : vector<16xi32>
        %gather3A_745 = tpu.vector_load_idx %arg8[%add3A_744, %broadcast_in_dim3A_717] : memref<128x16xf32, #tpu.memory_space<vmem>>[vector<16xi32>, vector<16xi32>], vector<16xf32>,
        %swap3A_746 = arith.constant 9 : i32
        %swap3A_747 = arith.index_cast %swap3A_746 : i32 to index
        %swap3A_748 = arith.constant 48 : index
        %swap3A_749 = tpu.vector_load %arg10[%swap3A_747, %swap3A_748] {strides = array<i32>} : memref<16x128xf32, #tpu.memory_space<vmem>>, vector<16xf32>,
        tpu.vector_store %arg10[%swap3A_747, %swap3A_748], %gather3A_745 {strides = array<i32>} : memref<16x128xf32, #tpu.memory_space<vmem>>, vector<16xf32>,
        %add3A_750 = arith.constant 64 : i32
        %add3A_751 = vector.broadcast %add3A_750 : i32 to vector<16xi32>
        %add3A_752 = arith.addi %iota3A, %add3A_751 : vector<16xi32>
        %gather3A_753 = tpu.vector_load_idx %arg8[%add3A_752, %broadcast_in_dim3A_717] : memref<128x16xf32, #tpu.memory_space<vmem>>[vector<16xi32>, vector<16xi32>], vector<16xf32>,
        %swap3A_754 = arith.constant 9 : i32
        %swap3A_755 = arith.index_cast %swap3A_754 : i32 to index
        %swap3A_756 = arith.constant 64 : index
        %swap3A_757 = tpu.vector_load %arg10[%swap3A_755, %swap3A_756] {strides = array<i32>} : memref<16x128xf32, #tpu.memory_space<vmem>>, vector<16xf32>,
        tpu.vector_store %arg10[%swap3A_755, %swap3A_756], %gather3A_753 {strides = array<i32>} : memref<16x128xf32, #tpu.memory_space<vmem>>, vector<16xf32>,
        %add3A_758 = arith.constant 80 : i32
        %add3A_759 = vector.broadcast %add3A_758 : i32 to vector<16xi32>
        %add3A_760 = arith.addi %iota3A, %add3A_759 : vector<16xi32>
        %gather3A_761 = tpu.vector_load_idx %arg8[%add3A_760, %broadcast_in_dim3A_717] : memref<128x16xf32, #tpu.memory_space<vmem>>[vector<16xi32>, vector<16xi32>], vector<16xf32>,
        %swap3A_762 = arith.constant 9 : i32
        %swap3A_763 = arith.index_cast %swap3A_762 : i32 to index
        %swap3A_764 = arith.constant 80 : index
        %swap3A_765 = tpu.vector_load %arg10[%swap3A_763, %swap3A_764] {strides = array<i32>} : memref<16x128xf32, #tpu.memory_space<vmem>>, vector<16xf32>,
        tpu.vector_store %arg10[%swap3A_763, %swap3A_764], %gather3A_761 {strides = array<i32>} : memref<16x128xf32, #tpu.memory_space<vmem>>, vector<16xf32>,
        %add3A_766 = arith.constant 96 : i32
        %add3A_767 = vector.broadcast %add3A_766 : i32 to vector<16xi32>
        %add3A_768 = arith.addi %iota3A, %add3A_767 : vector<16xi32>
        %gather3A_769 = tpu.vector_load_idx %arg8[%add3A_768, %broadcast_in_dim3A_717] : memref<128x16xf32, #tpu.memory_space<vmem>>[vector<16xi32>, vector<16xi32>], vector<16xf32>,
        %swap3A_770 = arith.constant 9 : i32
        %swap3A_771 = arith.index_cast %swap3A_770 : i32 to index
        %swap3A_772 = arith.constant 96 : index
        %swap3A_773 = tpu.vector_load %arg10[%swap3A_771, %swap3A_772] {strides = array<i32>} : memref<16x128xf32, #tpu.memory_space<vmem>>, vector<16xf32>,
        tpu.vector_store %arg10[%swap3A_771, %swap3A_772], %gather3A_769 {strides = array<i32>} : memref<16x128xf32, #tpu.memory_space<vmem>>, vector<16xf32>,
        %add3A_774 = arith.constant 112 : i32
        %add3A_775 = vector.broadcast %add3A_774 : i32 to vector<16xi32>
        %add3A_776 = arith.addi %iota3A, %add3A_775 : vector<16xi32>
        %gather3A_777 = tpu.vector_load_idx %arg8[%add3A_776, %broadcast_in_dim3A_717] : memref<128x16xf32, #tpu.memory_space<vmem>>[vector<16xi32>, vector<16xi32>], vector<16xf32>,
        %swap3A_778 = arith.constant 9 : i32
        %swap3A_779 = arith.index_cast %swap3A_778 : i32 to index
        %swap3A_780 = arith.constant 112 : index
        %swap3A_781 = tpu.vector_load %arg10[%swap3A_779, %swap3A_780] {strides = array<i32>} : memref<16x128xf32, #tpu.memory_space<vmem>>, vector<16xf32>,
        tpu.vector_store %arg10[%swap3A_779, %swap3A_780], %gather3A_777 {strides = array<i32>} : memref<16x128xf32, #tpu.memory_space<vmem>>, vector<16xf32>,
        %broadcast_in_dim3A_782 = arith.constant 10 : i32
        %broadcast_in_dim3A_783 = vector.broadcast %broadcast_in_dim3A_782 : i32 to vector<16xi32>
        %add3A_784 = arith.constant 0 : i32
        %add3A_785 = vector.broadcast %add3A_784 : i32 to vector<16xi32>
        %add3A_786 = arith.addi %iota3A, %add3A_785 : vector<16xi32>
        %gather3A_787 = tpu.vector_load_idx %arg8[%add3A_786, %broadcast_in_dim3A_783] : memref<128x16xf32, #tpu.memory_space<vmem>>[vector<16xi32>, vector<16xi32>], vector<16xf32>,
        %swap3A_788 = arith.constant 10 : i32
        %swap3A_789 = arith.index_cast %swap3A_788 : i32 to index
        %swap3A_790 = arith.constant 0 : index
        %swap3A_791 = tpu.vector_load %arg10[%swap3A_789, %swap3A_790] {strides = array<i32>} : memref<16x128xf32, #tpu.memory_space<vmem>>, vector<16xf32>,
        tpu.vector_store %arg10[%swap3A_789, %swap3A_790], %gather3A_787 {strides = array<i32>} : memref<16x128xf32, #tpu.memory_space<vmem>>, vector<16xf32>,
        %add3A_792 = arith.constant 16 : i32
        %add3A_793 = vector.broadcast %add3A_792 : i32 to vector<16xi32>
        %add3A_794 = arith.addi %iota3A, %add3A_793 : vector<16xi32>
        %gather3A_795 = tpu.vector_load_idx %arg8[%add3A_794, %broadcast_in_dim3A_783] : memref<128x16xf32, #tpu.memory_space<vmem>>[vector<16xi32>, vector<16xi32>], vector<16xf32>,
        %swap3A_796 = arith.constant 10 : i32
        %swap3A_797 = arith.index_cast %swap3A_796 : i32 to index
        %swap3A_798 = arith.constant 16 : index
        %swap3A_799 = tpu.vector_load %arg10[%swap3A_797, %swap3A_798] {strides = array<i32>} : memref<16x128xf32, #tpu.memory_space<vmem>>, vector<16xf32>,
        tpu.vector_store %arg10[%swap3A_797, %swap3A_798], %gather3A_795 {strides = array<i32>} : memref<16x128xf32, #tpu.memory_space<vmem>>, vector<16xf32>,
        %add3A_800 = arith.constant 32 : i32
        %add3A_801 = vector.broadcast %add3A_800 : i32 to vector<16xi32>
        %add3A_802 = arith.addi %iota3A, %add3A_801 : vector<16xi32>
        %gather3A_803 = tpu.vector_load_idx %arg8[%add3A_802, %broadcast_in_dim3A_783] : memref<128x16xf32, #tpu.memory_space<vmem>>[vector<16xi32>, vector<16xi32>], vector<16xf32>,
        %swap3A_804 = arith.constant 10 : i32
        %swap3A_805 = arith.index_cast %swap3A_804 : i32 to index
        %swap3A_806 = arith.constant 32 : index
        %swap3A_807 = tpu.vector_load %arg10[%swap3A_805, %swap3A_806] {strides = array<i32>} : memref<16x128xf32, #tpu.memory_space<vmem>>, vector<16xf32>,
        tpu.vector_store %arg10[%swap3A_805, %swap3A_806], %gather3A_803 {strides = array<i32>} : memref<16x128xf32, #tpu.memory_space<vmem>>, vector<16xf32>,
        %add3A_808 = arith.constant 48 : i32
        %add3A_809 = vector.broadcast %add3A_808 : i32 to vector<16xi32>
        %add3A_810 = arith.addi %iota3A, %add3A_809 : vector<16xi32>
        %gather3A_811 = tpu.vector_load_idx %arg8[%add3A_810, %broadcast_in_dim3A_783] : memref<128x16xf32, #tpu.memory_space<vmem>>[vector<16xi32>, vector<16xi32>], vector<16xf32>,
        %swap3A_812 = arith.constant 10 : i32
        %swap3A_813 = arith.index_cast %swap3A_812 : i32 to index
        %swap3A_814 = arith.constant 48 : index
        %swap3A_815 = tpu.vector_load %arg10[%swap3A_813, %swap3A_814] {strides = array<i32>} : memref<16x128xf32, #tpu.memory_space<vmem>>, vector<16xf32>,
        tpu.vector_store %arg10[%swap3A_813, %swap3A_814], %gather3A_811 {strides = array<i32>} : memref<16x128xf32, #tpu.memory_space<vmem>>, vector<16xf32>,
        %add3A_816 = arith.constant 64 : i32
        %add3A_817 = vector.broadcast %add3A_816 : i32 to vector<16xi32>
        %add3A_818 = arith.addi %iota3A, %add3A_817 : vector<16xi32>
        %gather3A_819 = tpu.vector_load_idx %arg8[%add3A_818, %broadcast_in_dim3A_783] : memref<128x16xf32, #tpu.memory_space<vmem>>[vector<16xi32>, vector<16xi32>], vector<16xf32>,
        %swap3A_820 = arith.constant 10 : i32
        %swap3A_821 = arith.index_cast %swap3A_820 : i32 to index
        %swap3A_822 = arith.constant 64 : index
        %swap3A_823 = tpu.vector_load %arg10[%swap3A_821, %swap3A_822] {strides = array<i32>} : memref<16x128xf32, #tpu.memory_space<vmem>>, vector<16xf32>,
        tpu.vector_store %arg10[%swap3A_821, %swap3A_822], %gather3A_819 {strides = array<i32>} : memref<16x128xf32, #tpu.memory_space<vmem>>, vector<16xf32>,
        %add3A_824 = arith.constant 80 : i32
        %add3A_825 = vector.broadcast %add3A_824 : i32 to vector<16xi32>
        %add3A_826 = arith.addi %iota3A, %add3A_825 : vector<16xi32>
        %gather3A_827 = tpu.vector_load_idx %arg8[%add3A_826, %broadcast_in_dim3A_783] : memref<128x16xf32, #tpu.memory_space<vmem>>[vector<16xi32>, vector<16xi32>], vector<16xf32>,
        %swap3A_828 = arith.constant 10 : i32
        %swap3A_829 = arith.index_cast %swap3A_828 : i32 to index
        %swap3A_830 = arith.constant 80 : index
        %swap3A_831 = tpu.vector_load %arg10[%swap3A_829, %swap3A_830] {strides = array<i32>} : memref<16x128xf32, #tpu.memory_space<vmem>>, vector<16xf32>,
        tpu.vector_store %arg10[%swap3A_829, %swap3A_830], %gather3A_827 {strides = array<i32>} : memref<16x128xf32, #tpu.memory_space<vmem>>, vector<16xf32>,
        %add3A_832 = arith.constant 96 : i32
        %add3A_833 = vector.broadcast %add3A_832 : i32 to vector<16xi32>
        %add3A_834 = arith.addi %iota3A, %add3A_833 : vector<16xi32>
        %gather3A_835 = tpu.vector_load_idx %arg8[%add3A_834, %broadcast_in_dim3A_783] : memref<128x16xf32, #tpu.memory_space<vmem>>[vector<16xi32>, vector<16xi32>], vector<16xf32>,
        %swap3A_836 = arith.constant 10 : i32
        %swap3A_837 = arith.index_cast %swap3A_836 : i32 to index
        %swap3A_838 = arith.constant 96 : index
        %swap3A_839 = tpu.vector_load %arg10[%swap3A_837, %swap3A_838] {strides = array<i32>} : memref<16x128xf32, #tpu.memory_space<vmem>>, vector<16xf32>,
        tpu.vector_store %arg10[%swap3A_837, %swap3A_838], %gather3A_835 {strides = array<i32>} : memref<16x128xf32, #tpu.memory_space<vmem>>, vector<16xf32>,
        %add3A_840 = arith.constant 112 : i32
        %add3A_841 = vector.broadcast %add3A_840 : i32 to vector<16xi32>
        %add3A_842 = arith.addi %iota3A, %add3A_841 : vector<16xi32>
        %gather3A_843 = tpu.vector_load_idx %arg8[%add3A_842, %broadcast_in_dim3A_783] : memref<128x16xf32, #tpu.memory_space<vmem>>[vector<16xi32>, vector<16xi32>], vector<16xf32>,
        %swap3A_844 = arith.constant 10 : i32
        %swap3A_845 = arith.index_cast %swap3A_844 : i32 to index
        %swap3A_846 = arith.constant 112 : index
        %swap3A_847 = tpu.vector_load %arg10[%swap3A_845, %swap3A_846] {strides = array<i32>} : memref<16x128xf32, #tpu.memory_space<vmem>>, vector<16xf32>,
        tpu.vector_store %arg10[%swap3A_845, %swap3A_846], %gather3A_843 {strides = array<i32>} : memref<16x128xf32, #tpu.memory_space<vmem>>, vector<16xf32>,
        %broadcast_in_dim3A_848 = arith.constant 11 : i32
        %broadcast_in_dim3A_849 = vector.broadcast %broadcast_in_dim3A_848 : i32 to vector<16xi32>
        %add3A_850 = arith.constant 0 : i32
        %add3A_851 = vector.broadcast %add3A_850 : i32 to vector<16xi32>
        %add3A_852 = arith.addi %iota3A, %add3A_851 : vector<16xi32>
        %gather3A_853 = tpu.vector_load_idx %arg8[%add3A_852, %broadcast_in_dim3A_849] : memref<128x16xf32, #tpu.memory_space<vmem>>[vector<16xi32>, vector<16xi32>], vector<16xf32>,
        %swap3A_854 = arith.constant 11 : i32
        %swap3A_855 = arith.index_cast %swap3A_854 : i32 to index
        %swap3A_856 = arith.constant 0 : index
        %swap3A_857 = tpu.vector_load %arg10[%swap3A_855, %swap3A_856] {strides = array<i32>} : memref<16x128xf32, #tpu.memory_space<vmem>>, vector<16xf32>,
        tpu.vector_store %arg10[%swap3A_855, %swap3A_856], %gather3A_853 {strides = array<i32>} : memref<16x128xf32, #tpu.memory_space<vmem>>, vector<16xf32>,
        %add3A_858 = arith.constant 16 : i32
        %add3A_859 = vector.broadcast %add3A_858 : i32 to vector<16xi32>
        %add3A_860 = arith.addi %iota3A, %add3A_859 : vector<16xi32>
        %gather3A_861 = tpu.vector_load_idx %arg8[%add3A_860, %broadcast_in_dim3A_849] : memref<128x16xf32, #tpu.memory_space<vmem>>[vector<16xi32>, vector<16xi32>], vector<16xf32>,
        %swap3A_862 = arith.constant 11 : i32
        %swap3A_863 = arith.index_cast %swap3A_862 : i32 to index
        %swap3A_864 = arith.constant 16 : index
        %swap3A_865 = tpu.vector_load %arg10[%swap3A_863, %swap3A_864] {strides = array<i32>} : memref<16x128xf32, #tpu.memory_space<vmem>>, vector<16xf32>,
        tpu.vector_store %arg10[%swap3A_863, %swap3A_864], %gather3A_861 {strides = array<i32>} : memref<16x128xf32, #tpu.memory_space<vmem>>, vector<16xf32>,
        %add3A_866 = arith.constant 32 : i32
        %add3A_867 = vector.broadcast %add3A_866 : i32 to vector<16xi32>
        %add3A_868 = arith.addi %iota3A, %add3A_867 : vector<16xi32>
        %gather3A_869 = tpu.vector_load_idx %arg8[%add3A_868, %broadcast_in_dim3A_849] : memref<128x16xf32, #tpu.memory_space<vmem>>[vector<16xi32>, vector<16xi32>], vector<16xf32>,
        %swap3A_870 = arith.constant 11 : i32
        %swap3A_871 = arith.index_cast %swap3A_870 : i32 to index
        %swap3A_872 = arith.constant 32 : index
        %swap3A_873 = tpu.vector_load %arg10[%swap3A_871, %swap3A_872] {strides = array<i32>} : memref<16x128xf32, #tpu.memory_space<vmem>>, vector<16xf32>,
        tpu.vector_store %arg10[%swap3A_871, %swap3A_872], %gather3A_869 {strides = array<i32>} : memref<16x128xf32, #tpu.memory_space<vmem>>, vector<16xf32>,
        %add3A_874 = arith.constant 48 : i32
        %add3A_875 = vector.broadcast %add3A_874 : i32 to vector<16xi32>
        %add3A_876 = arith.addi %iota3A, %add3A_875 : vector<16xi32>
        %gather3A_877 = tpu.vector_load_idx %arg8[%add3A_876, %broadcast_in_dim3A_849] : memref<128x16xf32, #tpu.memory_space<vmem>>[vector<16xi32>, vector<16xi32>], vector<16xf32>,
        %swap3A_878 = arith.constant 11 : i32
        %swap3A_879 = arith.index_cast %swap3A_878 : i32 to index
        %swap3A_880 = arith.constant 48 : index
        %swap3A_881 = tpu.vector_load %arg10[%swap3A_879, %swap3A_880] {strides = array<i32>} : memref<16x128xf32, #tpu.memory_space<vmem>>, vector<16xf32>,
        tpu.vector_store %arg10[%swap3A_879, %swap3A_880], %gather3A_877 {strides = array<i32>} : memref<16x128xf32, #tpu.memory_space<vmem>>, vector<16xf32>,
        %add3A_882 = arith.constant 64 : i32
        %add3A_883 = vector.broadcast %add3A_882 : i32 to vector<16xi32>
        %add3A_884 = arith.addi %iota3A, %add3A_883 : vector<16xi32>
        %gather3A_885 = tpu.vector_load_idx %arg8[%add3A_884, %broadcast_in_dim3A_849] : memref<128x16xf32, #tpu.memory_space<vmem>>[vector<16xi32>, vector<16xi32>], vector<16xf32>,
        %swap3A_886 = arith.constant 11 : i32
        %swap3A_887 = arith.index_cast %swap3A_886 : i32 to index
        %swap3A_888 = arith.constant 64 : index
        %swap3A_889 = tpu.vector_load %arg10[%swap3A_887, %swap3A_888] {strides = array<i32>} : memref<16x128xf32, #tpu.memory_space<vmem>>, vector<16xf32>,
        tpu.vector_store %arg10[%swap3A_887, %swap3A_888], %gather3A_885 {strides = array<i32>} : memref<16x128xf32, #tpu.memory_space<vmem>>, vector<16xf32>,
        %add3A_890 = arith.constant 80 : i32
        %add3A_891 = vector.broadcast %add3A_890 : i32 to vector<16xi32>
        %add3A_892 = arith.addi %iota3A, %add3A_891 : vector<16xi32>
        %gather3A_893 = tpu.vector_load_idx %arg8[%add3A_892, %broadcast_in_dim3A_849] : memref<128x16xf32, #tpu.memory_space<vmem>>[vector<16xi32>, vector<16xi32>], vector<16xf32>,
        %swap3A_894 = arith.constant 11 : i32
        %swap3A_895 = arith.index_cast %swap3A_894 : i32 to index
        %swap3A_896 = arith.constant 80 : index
        %swap3A_897 = tpu.vector_load %arg10[%swap3A_895, %swap3A_896] {strides = array<i32>} : memref<16x128xf32, #tpu.memory_space<vmem>>, vector<16xf32>,
        tpu.vector_store %arg10[%swap3A_895, %swap3A_896], %gather3A_893 {strides = array<i32>} : memref<16x128xf32, #tpu.memory_space<vmem>>, vector<16xf32>,
        %add3A_898 = arith.constant 96 : i32
        %add3A_899 = vector.broadcast %add3A_898 : i32 to vector<16xi32>
        %add3A_900 = arith.addi %iota3A, %add3A_899 : vector<16xi32>
        %gather3A_901 = tpu.vector_load_idx %arg8[%add3A_900, %broadcast_in_dim3A_849] : memref<128x16xf32, #tpu.memory_space<vmem>>[vector<16xi32>, vector<16xi32>], vector<16xf32>,
        %swap3A_902 = arith.constant 11 : i32
        %swap3A_903 = arith.index_cast %swap3A_902 : i32 to index
        %swap3A_904 = arith.constant 96 : index
        %swap3A_905 = tpu.vector_load %arg10[%swap3A_903, %swap3A_904] {strides = array<i32>} : memref<16x128xf32, #tpu.memory_space<vmem>>, vector<16xf32>,
        tpu.vector_store %arg10[%swap3A_903, %swap3A_904], %gather3A_901 {strides = array<i32>} : memref<16x128xf32, #tpu.memory_space<vmem>>, vector<16xf32>,
        %add3A_906 = arith.constant 112 : i32
        %add3A_907 = vector.broadcast %add3A_906 : i32 to vector<16xi32>
        %add3A_908 = arith.addi %iota3A, %add3A_907 : vector<16xi32>
        %gather3A_909 = tpu.vector_load_idx %arg8[%add3A_908, %broadcast_in_dim3A_849] : memref<128x16xf32, #tpu.memory_space<vmem>>[vector<16xi32>, vector<16xi32>], vector<16xf32>,
        %swap3A_910 = arith.constant 11 : i32
        %swap3A_911 = arith.index_cast %swap3A_910 : i32 to index
        %swap3A_912 = arith.constant 112 : index
        %swap3A_913 = tpu.vector_load %arg10[%swap3A_911, %swap3A_912] {strides = array<i32>} : memref<16x128xf32, #tpu.memory_space<vmem>>, vector<16xf32>,
        tpu.vector_store %arg10[%swap3A_911, %swap3A_912], %gather3A_909 {strides = array<i32>} : memref<16x128xf32, #tpu.memory_space<vmem>>, vector<16xf32>,
        %broadcast_in_dim3A_914 = arith.constant 12 : i32
        %broadcast_in_dim3A_915 = vector.broadcast %broadcast_in_dim3A_914 : i32 to vector<16xi32>
        %add3A_916 = arith.constant 0 : i32
        %add3A_917 = vector.broadcast %add3A_916 : i32 to vector<16xi32>
        %add3A_918 = arith.addi %iota3A, %add3A_917 : vector<16xi32>
        %gather3A_919 = tpu.vector_load_idx %arg8[%add3A_918, %broadcast_in_dim3A_915] : memref<128x16xf32, #tpu.memory_space<vmem>>[vector<16xi32>, vector<16xi32>], vector<16xf32>,
        %swap3A_920 = arith.constant 12 : i32
        %swap3A_921 = arith.index_cast %swap3A_920 : i32 to index
        %swap3A_922 = arith.constant 0 : index
        %swap3A_923 = tpu.vector_load %arg10[%swap3A_921, %swap3A_922] {strides = array<i32>} : memref<16x128xf32, #tpu.memory_space<vmem>>, vector<16xf32>,
        tpu.vector_store %arg10[%swap3A_921, %swap3A_922], %gather3A_919 {strides = array<i32>} : memref<16x128xf32, #tpu.memory_space<vmem>>, vector<16xf32>,
        %add3A_924 = arith.constant 16 : i32
        %add3A_925 = vector.broadcast %add3A_924 : i32 to vector<16xi32>
        %add3A_926 = arith.addi %iota3A, %add3A_925 : vector<16xi32>
        %gather3A_927 = tpu.vector_load_idx %arg8[%add3A_926, %broadcast_in_dim3A_915] : memref<128x16xf32, #tpu.memory_space<vmem>>[vector<16xi32>, vector<16xi32>], vector<16xf32>,
        %swap3A_928 = arith.constant 12 : i32
        %swap3A_929 = arith.index_cast %swap3A_928 : i32 to index
        %swap3A_930 = arith.constant 16 : index
        %swap3A_931 = tpu.vector_load %arg10[%swap3A_929, %swap3A_930] {strides = array<i32>} : memref<16x128xf32, #tpu.memory_space<vmem>>, vector<16xf32>,
        tpu.vector_store %arg10[%swap3A_929, %swap3A_930], %gather3A_927 {strides = array<i32>} : memref<16x128xf32, #tpu.memory_space<vmem>>, vector<16xf32>,
        %add3A_932 = arith.constant 32 : i32
        %add3A_933 = vector.broadcast %add3A_932 : i32 to vector<16xi32>
        %add3A_934 = arith.addi %iota3A, %add3A_933 : vector<16xi32>
        %gather3A_935 = tpu.vector_load_idx %arg8[%add3A_934, %broadcast_in_dim3A_915] : memref<128x16xf32, #tpu.memory_space<vmem>>[vector<16xi32>, vector<16xi32>], vector<16xf32>,
        %swap3A_936 = arith.constant 12 : i32
        %swap3A_937 = arith.index_cast %swap3A_936 : i32 to index
        %swap3A_938 = arith.constant 32 : index
        %swap3A_939 = tpu.vector_load %arg10[%swap3A_937, %swap3A_938] {strides = array<i32>} : memref<16x128xf32, #tpu.memory_space<vmem>>, vector<16xf32>,
        tpu.vector_store %arg10[%swap3A_937, %swap3A_938], %gather3A_935 {strides = array<i32>} : memref<16x128xf32, #tpu.memory_space<vmem>>, vector<16xf32>,
        %add3A_940 = arith.constant 48 : i32
        %add3A_941 = vector.broadcast %add3A_940 : i32 to vector<16xi32>
        %add3A_942 = arith.addi %iota3A, %add3A_941 : vector<16xi32>
        %gather3A_943 = tpu.vector_load_idx %arg8[%add3A_942, %broadcast_in_dim3A_915] : memref<128x16xf32, #tpu.memory_space<vmem>>[vector<16xi32>, vector<16xi32>], vector<16xf32>,
        %swap3A_944 = arith.constant 12 : i32
        %swap3A_945 = arith.index_cast %swap3A_944 : i32 to index
        %swap3A_946 = arith.constant 48 : index
        %swap3A_947 = tpu.vector_load %arg10[%swap3A_945, %swap3A_946] {strides = array<i32>} : memref<16x128xf32, #tpu.memory_space<vmem>>, vector<16xf32>,
        tpu.vector_store %arg10[%swap3A_945, %swap3A_946], %gather3A_943 {strides = array<i32>} : memref<16x128xf32, #tpu.memory_space<vmem>>, vector<16xf32>,
        %add3A_948 = arith.constant 64 : i32
        %add3A_949 = vector.broadcast %add3A_948 : i32 to vector<16xi32>
        %add3A_950 = arith.addi %iota3A, %add3A_949 : vector<16xi32>
        %gather3A_951 = tpu.vector_load_idx %arg8[%add3A_950, %broadcast_in_dim3A_915] : memref<128x16xf32, #tpu.memory_space<vmem>>[vector<16xi32>, vector<16xi32>], vector<16xf32>,
        %swap3A_952 = arith.constant 12 : i32
        %swap3A_953 = arith.index_cast %swap3A_952 : i32 to index
        %swap3A_954 = arith.constant 64 : index
        %swap3A_955 = tpu.vector_load %arg10[%swap3A_953, %swap3A_954] {strides = array<i32>} : memref<16x128xf32, #tpu.memory_space<vmem>>, vector<16xf32>,
        tpu.vector_store %arg10[%swap3A_953, %swap3A_954], %gather3A_951 {strides = array<i32>} : memref<16x128xf32, #tpu.memory_space<vmem>>, vector<16xf32>,
        %add3A_956 = arith.constant 80 : i32
        %add3A_957 = vector.broadcast %add3A_956 : i32 to vector<16xi32>
        %add3A_958 = arith.addi %iota3A, %add3A_957 : vector<16xi32>
        %gather3A_959 = tpu.vector_load_idx %arg8[%add3A_958, %broadcast_in_dim3A_915] : memref<128x16xf32, #tpu.memory_space<vmem>>[vector<16xi32>, vector<16xi32>], vector<16xf32>,
        %swap3A_960 = arith.constant 12 : i32
        %swap3A_961 = arith.index_cast %swap3A_960 : i32 to index
        %swap3A_962 = arith.constant 80 : index
        %swap3A_963 = tpu.vector_load %arg10[%swap3A_961, %swap3A_962] {strides = array<i32>} : memref<16x128xf32, #tpu.memory_space<vmem>>, vector<16xf32>,
        tpu.vector_store %arg10[%swap3A_961, %swap3A_962], %gather3A_959 {strides = array<i32>} : memref<16x128xf32, #tpu.memory_space<vmem>>, vector<16xf32>,
        %add3A_964 = arith.constant 96 : i32
        %add3A_965 = vector.broadcast %add3A_964 : i32 to vector<16xi32>
        %add3A_966 = arith.addi %iota3A, %add3A_965 : vector<16xi32>
        %gather3A_967 = tpu.vector_load_idx %arg8[%add3A_966, %broadcast_in_dim3A_915] : memref<128x16xf32, #tpu.memory_space<vmem>>[vector<16xi32>, vector<16xi32>], vector<16xf32>,
        %swap3A_968 = arith.constant 12 : i32
        %swap3A_969 = arith.index_cast %swap3A_968 : i32 to index
        %swap3A_970 = arith.constant 96 : index
        %swap3A_971 = tpu.vector_load %arg10[%swap3A_969, %swap3A_970] {strides = array<i32>} : memref<16x128xf32, #tpu.memory_space<vmem>>, vector<16xf32>,
        tpu.vector_store %arg10[%swap3A_969, %swap3A_970], %gather3A_967 {strides = array<i32>} : memref<16x128xf32, #tpu.memory_space<vmem>>, vector<16xf32>,
        %add3A_972 = arith.constant 112 : i32
        %add3A_973 = vector.broadcast %add3A_972 : i32 to vector<16xi32>
        %add3A_974 = arith.addi %iota3A, %add3A_973 : vector<16xi32>
        %gather3A_975 = tpu.vector_load_idx %arg8[%add3A_974, %broadcast_in_dim3A_915] : memref<128x16xf32, #tpu.memory_space<vmem>>[vector<16xi32>, vector<16xi32>], vector<16xf32>,
        %swap3A_976 = arith.constant 12 : i32
        %swap3A_977 = arith.index_cast %swap3A_976 : i32 to index
        %swap3A_978 = arith.constant 112 : index
        %swap3A_979 = tpu.vector_load %arg10[%swap3A_977, %swap3A_978] {strides = array<i32>} : memref<16x128xf32, #tpu.memory_space<vmem>>, vector<16xf32>,
        tpu.vector_store %arg10[%swap3A_977, %swap3A_978], %gather3A_975 {strides = array<i32>} : memref<16x128xf32, #tpu.memory_space<vmem>>, vector<16xf32>,
        %broadcast_in_dim3A_980 = arith.constant 13 : i32
        %broadcast_in_dim3A_981 = vector.broadcast %broadcast_in_dim3A_980 : i32 to vector<16xi32>
        %add3A_982 = arith.constant 0 : i32
        %add3A_983 = vector.broadcast %add3A_982 : i32 to vector<16xi32>
        %add3A_984 = arith.addi %iota3A, %add3A_983 : vector<16xi32>
        %gather3A_985 = tpu.vector_load_idx %arg8[%add3A_984, %broadcast_in_dim3A_981] : memref<128x16xf32, #tpu.memory_space<vmem>>[vector<16xi32>, vector<16xi32>], vector<16xf32>,
        %swap3A_986 = arith.constant 13 : i32
        %swap3A_987 = arith.index_cast %swap3A_986 : i32 to index
        %swap3A_988 = arith.constant 0 : index
        %swap3A_989 = tpu.vector_load %arg10[%swap3A_987, %swap3A_988] {strides = array<i32>} : memref<16x128xf32, #tpu.memory_space<vmem>>, vector<16xf32>,
        tpu.vector_store %arg10[%swap3A_987, %swap3A_988], %gather3A_985 {strides = array<i32>} : memref<16x128xf32, #tpu.memory_space<vmem>>, vector<16xf32>,
        %add3A_990 = arith.constant 16 : i32
        %add3A_991 = vector.broadcast %add3A_990 : i32 to vector<16xi32>
        %add3A_992 = arith.addi %iota3A, %add3A_991 : vector<16xi32>
        %gather3A_993 = tpu.vector_load_idx %arg8[%add3A_992, %broadcast_in_dim3A_981] : memref<128x16xf32, #tpu.memory_space<vmem>>[vector<16xi32>, vector<16xi32>], vector<16xf32>,
        %swap3A_994 = arith.constant 13 : i32
        %swap3A_995 = arith.index_cast %swap3A_994 : i32 to index
        %swap3A_996 = arith.constant 16 : index
        %swap3A_997 = tpu.vector_load %arg10[%swap3A_995, %swap3A_996] {strides = array<i32>} : memref<16x128xf32, #tpu.memory_space<vmem>>, vector<16xf32>,
        tpu.vector_store %arg10[%swap3A_995, %swap3A_996], %gather3A_993 {strides = array<i32>} : memref<16x128xf32, #tpu.memory_space<vmem>>, vector<16xf32>,
        %add3A_998 = arith.constant 32 : i32
        %add3A_999 = vector.broadcast %add3A_998 : i32 to vector<16xi32>
        %add3A_1000 = arith.addi %iota3A, %add3A_999 : vector<16xi32>
        %gather3A_1001 = tpu.vector_load_idx %arg8[%add3A_1000, %broadcast_in_dim3A_981] : memref<128x16xf32, #tpu.memory_space<vmem>>[vector<16xi32>, vector<16xi32>], vector<16xf32>,
        %swap3A_1002 = arith.constant 13 : i32
        %swap3A_1003 = arith.index_cast %swap3A_1002 : i32 to index
        %swap3A_1004 = arith.constant 32 : index
        %swap3A_1005 = tpu.vector_load %arg10[%swap3A_1003, %swap3A_1004] {strides = array<i32>} : memref<16x128xf32, #tpu.memory_space<vmem>>, vector<16xf32>,
        tpu.vector_store %arg10[%swap3A_1003, %swap3A_1004], %gather3A_1001 {strides = array<i32>} : memref<16x128xf32, #tpu.memory_space<vmem>>, vector<16xf32>,
        %add3A_1006 = arith.constant 48 : i32
        %add3A_1007 = vector.broadcast %add3A_1006 : i32 to vector<16xi32>
        %add3A_1008 = arith.addi %iota3A, %add3A_1007 : vector<16xi32>
        %gather3A_1009 = tpu.vector_load_idx %arg8[%add3A_1008, %broadcast_in_dim3A_981] : memref<128x16xf32, #tpu.memory_space<vmem>>[vector<16xi32>, vector<16xi32>], vector<16xf32>,
        %swap3A_1010 = arith.constant 13 : i32
        %swap3A_1011 = arith.index_cast %swap3A_1010 : i32 to index
        %swap3A_1012 = arith.constant 48 : index
        %swap3A_1013 = tpu.vector_load %arg10[%swap3A_1011, %swap3A_1012] {strides = array<i32>} : memref<16x128xf32, #tpu.memory_space<vmem>>, vector<16xf32>,
        tpu.vector_store %arg10[%swap3A_1011, %swap3A_1012], %gather3A_1009 {strides = array<i32>} : memref<16x128xf32, #tpu.memory_space<vmem>>, vector<16xf32>,
        %add3A_1014 = arith.constant 64 : i32
        %add3A_1015 = vector.broadcast %add3A_1014 : i32 to vector<16xi32>
        %add3A_1016 = arith.addi %iota3A, %add3A_1015 : vector<16xi32>
        %gather3A_1017 = tpu.vector_load_idx %arg8[%add3A_1016, %broadcast_in_dim3A_981] : memref<128x16xf32, #tpu.memory_space<vmem>>[vector<16xi32>, vector<16xi32>], vector<16xf32>,
        %swap3A_1018 = arith.constant 13 : i32
        %swap3A_1019 = arith.index_cast %swap3A_1018 : i32 to index
        %swap3A_1020 = arith.constant 64 : index
        %swap3A_1021 = tpu.vector_load %arg10[%swap3A_1019, %swap3A_1020] {strides = array<i32>} : memref<16x128xf32, #tpu.memory_space<vmem>>, vector<16xf32>,
        tpu.vector_store %arg10[%swap3A_1019, %swap3A_1020], %gather3A_1017 {strides = array<i32>} : memref<16x128xf32, #tpu.memory_space<vmem>>, vector<16xf32>,
        %add3A_1022 = arith.constant 80 : i32
        %add3A_1023 = vector.broadcast %add3A_1022 : i32 to vector<16xi32>
        %add3A_1024 = arith.addi %iota3A, %add3A_1023 : vector<16xi32>
        %gather3A_1025 = tpu.vector_load_idx %arg8[%add3A_1024, %broadcast_in_dim3A_981] : memref<128x16xf32, #tpu.memory_space<vmem>>[vector<16xi32>, vector<16xi32>], vector<16xf32>,
        %swap3A_1026 = arith.constant 13 : i32
        %swap3A_1027 = arith.index_cast %swap3A_1026 : i32 to index
        %swap3A_1028 = arith.constant 80 : index
        %swap3A_1029 = tpu.vector_load %arg10[%swap3A_1027, %swap3A_1028] {strides = array<i32>} : memref<16x128xf32, #tpu.memory_space<vmem>>, vector<16xf32>,
        tpu.vector_store %arg10[%swap3A_1027, %swap3A_1028], %gather3A_1025 {strides = array<i32>} : memref<16x128xf32, #tpu.memory_space<vmem>>, vector<16xf32>,
        %add3A_1030 = arith.constant 96 : i32
        %add3A_1031 = vector.broadcast %add3A_1030 : i32 to vector<16xi32>
        %add3A_1032 = arith.addi %iota3A, %add3A_1031 : vector<16xi32>
        %gather3A_1033 = tpu.vector_load_idx %arg8[%add3A_1032, %broadcast_in_dim3A_981] : memref<128x16xf32, #tpu.memory_space<vmem>>[vector<16xi32>, vector<16xi32>], vector<16xf32>,
        %swap3A_1034 = arith.constant 13 : i32
        %swap3A_1035 = arith.index_cast %swap3A_1034 : i32 to index
        %swap3A_1036 = arith.constant 96 : index
        %swap3A_1037 = tpu.vector_load %arg10[%swap3A_1035, %swap3A_1036] {strides = array<i32>} : memref<16x128xf32, #tpu.memory_space<vmem>>, vector<16xf32>,
        tpu.vector_store %arg10[%swap3A_1035, %swap3A_1036], %gather3A_1033 {strides = array<i32>} : memref<16x128xf32, #tpu.memory_space<vmem>>, vector<16xf32>,
        %add3A_1038 = arith.constant 112 : i32
        %add3A_1039 = vector.broadcast %add3A_1038 : i32 to vector<16xi32>
        %add3A_1040 = arith.addi %iota3A, %add3A_1039 : vector<16xi32>
        %gather3A_1041 = tpu.vector_load_idx %arg8[%add3A_1040, %broadcast_in_dim3A_981] : memref<128x16xf32, #tpu.memory_space<vmem>>[vector<16xi32>, vector<16xi32>], vector<16xf32>,
        %swap3A_1042 = arith.constant 13 : i32
        %swap3A_1043 = arith.index_cast %swap3A_1042 : i32 to index
        %swap3A_1044 = arith.constant 112 : index
        %swap3A_1045 = tpu.vector_load %arg10[%swap3A_1043, %swap3A_1044] {strides = array<i32>} : memref<16x128xf32, #tpu.memory_space<vmem>>, vector<16xf32>,
        tpu.vector_store %arg10[%swap3A_1043, %swap3A_1044], %gather3A_1041 {strides = array<i32>} : memref<16x128xf32, #tpu.memory_space<vmem>>, vector<16xf32>,
        %broadcast_in_dim3A_1046 = arith.constant 14 : i32
        %broadcast_in_dim3A_1047 = vector.broadcast %broadcast_in_dim3A_1046 : i32 to vector<16xi32>
        %add3A_1048 = arith.constant 0 : i32
        %add3A_1049 = vector.broadcast %add3A_1048 : i32 to vector<16xi32>
        %add3A_1050 = arith.addi %iota3A, %add3A_1049 : vector<16xi32>
        %gather3A_1051 = tpu.vector_load_idx %arg8[%add3A_1050, %broadcast_in_dim3A_1047] : memref<128x16xf32, #tpu.memory_space<vmem>>[vector<16xi32>, vector<16xi32>], vector<16xf32>,
        %swap3A_1052 = arith.constant 14 : i32
        %swap3A_1053 = arith.index_cast %swap3A_1052 : i32 to index
        %swap3A_1054 = arith.constant 0 : index
        %swap3A_1055 = tpu.vector_load %arg10[%swap3A_1053, %swap3A_1054] {strides = array<i32>} : memref<16x128xf32, #tpu.memory_space<vmem>>, vector<16xf32>,
        tpu.vector_store %arg10[%swap3A_1053, %swap3A_1054], %gather3A_1051 {strides = array<i32>} : memref<16x128xf32, #tpu.memory_space<vmem>>, vector<16xf32>,
        %add3A_1056 = arith.constant 16 : i32
        %add3A_1057 = vector.broadcast %add3A_1056 : i32 to vector<16xi32>
        %add3A_1058 = arith.addi %iota3A, %add3A_1057 : vector<16xi32>
        %gather3A_1059 = tpu.vector_load_idx %arg8[%add3A_1058, %broadcast_in_dim3A_1047] : memref<128x16xf32, #tpu.memory_space<vmem>>[vector<16xi32>, vector<16xi32>], vector<16xf32>,
        %swap3A_1060 = arith.constant 14 : i32
        %swap3A_1061 = arith.index_cast %swap3A_1060 : i32 to index
        %swap3A_1062 = arith.constant 16 : index
        %swap3A_1063 = tpu.vector_load %arg10[%swap3A_1061, %swap3A_1062] {strides = array<i32>} : memref<16x128xf32, #tpu.memory_space<vmem>>, vector<16xf32>,
        tpu.vector_store %arg10[%swap3A_1061, %swap3A_1062], %gather3A_1059 {strides = array<i32>} : memref<16x128xf32, #tpu.memory_space<vmem>>, vector<16xf32>,
        %add3A_1064 = arith.constant 32 : i32
        %add3A_1065 = vector.broadcast %add3A_1064 : i32 to vector<16xi32>
        %add3A_1066 = arith.addi %iota3A, %add3A_1065 : vector<16xi32>
        %gather3A_1067 = tpu.vector_load_idx %arg8[%add3A_1066, %broadcast_in_dim3A_1047] : memref<128x16xf32, #tpu.memory_space<vmem>>[vector<16xi32>, vector<16xi32>], vector<16xf32>,
        %swap3A_1068 = arith.constant 14 : i32
        %swap3A_1069 = arith.index_cast %swap3A_1068 : i32 to index
        %swap3A_1070 = arith.constant 32 : index
        %swap3A_1071 = tpu.vector_load %arg10[%swap3A_1069, %swap3A_1070] {strides = array<i32>} : memref<16x128xf32, #tpu.memory_space<vmem>>, vector<16xf32>,
        tpu.vector_store %arg10[%swap3A_1069, %swap3A_1070], %gather3A_1067 {strides = array<i32>} : memref<16x128xf32, #tpu.memory_space<vmem>>, vector<16xf32>,
        %add3A_1072 = arith.constant 48 : i32
        %add3A_1073 = vector.broadcast %add3A_1072 : i32 to vector<16xi32>
        %add3A_1074 = arith.addi %iota3A, %add3A_1073 : vector<16xi32>
        %gather3A_1075 = tpu.vector_load_idx %arg8[%add3A_1074, %broadcast_in_dim3A_1047] : memref<128x16xf32, #tpu.memory_space<vmem>>[vector<16xi32>, vector<16xi32>], vector<16xf32>,
        %swap3A_1076 = arith.constant 14 : i32
        %swap3A_1077 = arith.index_cast %swap3A_1076 : i32 to index
        %swap3A_1078 = arith.constant 48 : index
        %swap3A_1079 = tpu.vector_load %arg10[%swap3A_1077, %swap3A_1078] {strides = array<i32>} : memref<16x128xf32, #tpu.memory_space<vmem>>, vector<16xf32>,
        tpu.vector_store %arg10[%swap3A_1077, %swap3A_1078], %gather3A_1075 {strides = array<i32>} : memref<16x128xf32, #tpu.memory_space<vmem>>, vector<16xf32>,
        %add3A_1080 = arith.constant 64 : i32
        %add3A_1081 = vector.broadcast %add3A_1080 : i32 to vector<16xi32>
        %add3A_1082 = arith.addi %iota3A, %add3A_1081 : vector<16xi32>
        %gather3A_1083 = tpu.vector_load_idx %arg8[%add3A_1082, %broadcast_in_dim3A_1047] : memref<128x16xf32, #tpu.memory_space<vmem>>[vector<16xi32>, vector<16xi32>], vector<16xf32>,
        %swap3A_1084 = arith.constant 14 : i32
        %swap3A_1085 = arith.index_cast %swap3A_1084 : i32 to index
        %swap3A_1086 = arith.constant 64 : index
        %swap3A_1087 = tpu.vector_load %arg10[%swap3A_1085, %swap3A_1086] {strides = array<i32>} : memref<16x128xf32, #tpu.memory_space<vmem>>, vector<16xf32>,
        tpu.vector_store %arg10[%swap3A_1085, %swap3A_1086], %gather3A_1083 {strides = array<i32>} : memref<16x128xf32, #tpu.memory_space<vmem>>, vector<16xf32>,
        %add3A_1088 = arith.constant 80 : i32
        %add3A_1089 = vector.broadcast %add3A_1088 : i32 to vector<16xi32>
        %add3A_1090 = arith.addi %iota3A, %add3A_1089 : vector<16xi32>
        %gather3A_1091 = tpu.vector_load_idx %arg8[%add3A_1090, %broadcast_in_dim3A_1047] : memref<128x16xf32, #tpu.memory_space<vmem>>[vector<16xi32>, vector<16xi32>], vector<16xf32>,
        %swap3A_1092 = arith.constant 14 : i32
        %swap3A_1093 = arith.index_cast %swap3A_1092 : i32 to index
        %swap3A_1094 = arith.constant 80 : index
        %swap3A_1095 = tpu.vector_load %arg10[%swap3A_1093, %swap3A_1094] {strides = array<i32>} : memref<16x128xf32, #tpu.memory_space<vmem>>, vector<16xf32>,
        tpu.vector_store %arg10[%swap3A_1093, %swap3A_1094], %gather3A_1091 {strides = array<i32>} : memref<16x128xf32, #tpu.memory_space<vmem>>, vector<16xf32>,
        %add3A_1096 = arith.constant 96 : i32
        %add3A_1097 = vector.broadcast %add3A_1096 : i32 to vector<16xi32>
        %add3A_1098 = arith.addi %iota3A, %add3A_1097 : vector<16xi32>
        %gather3A_1099 = tpu.vector_load_idx %arg8[%add3A_1098, %broadcast_in_dim3A_1047] : memref<128x16xf32, #tpu.memory_space<vmem>>[vector<16xi32>, vector<16xi32>], vector<16xf32>,
        %swap3A_1100 = arith.constant 14 : i32
        %swap3A_1101 = arith.index_cast %swap3A_1100 : i32 to index
        %swap3A_1102 = arith.constant 96 : index
        %swap3A_1103 = tpu.vector_load %arg10[%swap3A_1101, %swap3A_1102] {strides = array<i32>} : memref<16x128xf32, #tpu.memory_space<vmem>>, vector<16xf32>,
        tpu.vector_store %arg10[%swap3A_1101, %swap3A_1102], %gather3A_1099 {strides = array<i32>} : memref<16x128xf32, #tpu.memory_space<vmem>>, vector<16xf32>,
        %add3A_1104 = arith.constant 112 : i32
        %add3A_1105 = vector.broadcast %add3A_1104 : i32 to vector<16xi32>
        %add3A_1106 = arith.addi %iota3A, %add3A_1105 : vector<16xi32>
        %gather3A_1107 = tpu.vector_load_idx %arg8[%add3A_1106, %broadcast_in_dim3A_1047] : memref<128x16xf32, #tpu.memory_space<vmem>>[vector<16xi32>, vector<16xi32>], vector<16xf32>,
        %swap3A_1108 = arith.constant 14 : i32
        %swap3A_1109 = arith.index_cast %swap3A_1108 : i32 to index
        %swap3A_1110 = arith.constant 112 : index
        %swap3A_1111 = tpu.vector_load %arg10[%swap3A_1109, %swap3A_1110] {strides = array<i32>} : memref<16x128xf32, #tpu.memory_space<vmem>>, vector<16xf32>,
        tpu.vector_store %arg10[%swap3A_1109, %swap3A_1110], %gather3A_1107 {strides = array<i32>} : memref<16x128xf32, #tpu.memory_space<vmem>>, vector<16xf32>,
        %broadcast_in_dim3A_1112 = arith.constant 15 : i32
        %broadcast_in_dim3A_1113 = vector.broadcast %broadcast_in_dim3A_1112 : i32 to vector<16xi32>
        %add3A_1114 = arith.constant 0 : i32
        %add3A_1115 = vector.broadcast %add3A_1114 : i32 to vector<16xi32>
        %add3A_1116 = arith.addi %iota3A, %add3A_1115 : vector<16xi32>
        %gather3A_1117 = tpu.vector_load_idx %arg8[%add3A_1116, %broadcast_in_dim3A_1113] : memref<128x16xf32, #tpu.memory_space<vmem>>[vector<16xi32>, vector<16xi32>], vector<16xf32>,
        %swap3A_1118 = arith.constant 15 : i32
        %swap3A_1119 = arith.index_cast %swap3A_1118 : i32 to index
        %swap3A_1120 = arith.constant 0 : index
        %swap3A_1121 = tpu.vector_load %arg10[%swap3A_1119, %swap3A_1120] {strides = array<i32>} : memref<16x128xf32, #tpu.memory_space<vmem>>, vector<16xf32>,
        tpu.vector_store %arg10[%swap3A_1119, %swap3A_1120], %gather3A_1117 {strides = array<i32>} : memref<16x128xf32, #tpu.memory_space<vmem>>, vector<16xf32>,
        %add3A_1122 = arith.constant 16 : i32
        %add3A_1123 = vector.broadcast %add3A_1122 : i32 to vector<16xi32>
        %add3A_1124 = arith.addi %iota3A, %add3A_1123 : vector<16xi32>
        %gather3A_1125 = tpu.vector_load_idx %arg8[%add3A_1124, %broadcast_in_dim3A_1113] : memref<128x16xf32, #tpu.memory_space<vmem>>[vector<16xi32>, vector<16xi32>], vector<16xf32>,
        %swap3A_1126 = arith.constant 15 : i32
        %swap3A_1127 = arith.index_cast %swap3A_1126 : i32 to index
        %swap3A_1128 = arith.constant 16 : index
        %swap3A_1129 = tpu.vector_load %arg10[%swap3A_1127, %swap3A_1128] {strides = array<i32>} : memref<16x128xf32, #tpu.memory_space<vmem>>, vector<16xf32>,
        tpu.vector_store %arg10[%swap3A_1127, %swap3A_1128], %gather3A_1125 {strides = array<i32>} : memref<16x128xf32, #tpu.memory_space<vmem>>, vector<16xf32>,
        %add3A_1130 = arith.constant 32 : i32
        %add3A_1131 = vector.broadcast %add3A_1130 : i32 to vector<16xi32>
        %add3A_1132 = arith.addi %iota3A, %add3A_1131 : vector<16xi32>
        %gather3A_1133 = tpu.vector_load_idx %arg8[%add3A_1132, %broadcast_in_dim3A_1113] : memref<128x16xf32, #tpu.memory_space<vmem>>[vector<16xi32>, vector<16xi32>], vector<16xf32>,
        %swap3A_1134 = arith.constant 15 : i32
        %swap3A_1135 = arith.index_cast %swap3A_1134 : i32 to index
        %swap3A_1136 = arith.constant 32 : index
        %swap3A_1137 = tpu.vector_load %arg10[%swap3A_1135, %swap3A_1136] {strides = array<i32>} : memref<16x128xf32, #tpu.memory_space<vmem>>, vector<16xf32>,
        tpu.vector_store %arg10[%swap3A_1135, %swap3A_1136], %gather3A_1133 {strides = array<i32>} : memref<16x128xf32, #tpu.memory_space<vmem>>, vector<16xf32>,
        %add3A_1138 = arith.constant 48 : i32
        %add3A_1139 = vector.broadcast %add3A_1138 : i32 to vector<16xi32>
        %add3A_1140 = arith.addi %iota3A, %add3A_1139 : vector<16xi32>
        %gather3A_1141 = tpu.vector_load_idx %arg8[%add3A_1140, %broadcast_in_dim3A_1113] : memref<128x16xf32, #tpu.memory_space<vmem>>[vector<16xi32>, vector<16xi32>], vector<16xf32>,
        %swap3A_1142 = arith.constant 15 : i32
        %swap3A_1143 = arith.index_cast %swap3A_1142 : i32 to index
        %swap3A_1144 = arith.constant 48 : index
        %swap3A_1145 = tpu.vector_load %arg10[%swap3A_1143, %swap3A_1144] {strides = array<i32>} : memref<16x128xf32, #tpu.memory_space<vmem>>, vector<16xf32>,
        tpu.vector_store %arg10[%swap3A_1143, %swap3A_1144], %gather3A_1141 {strides = array<i32>} : memref<16x128xf32, #tpu.memory_space<vmem>>, vector<16xf32>,
        %add3A_1146 = arith.constant 64 : i32
        %add3A_1147 = vector.broadcast %add3A_1146 : i32 to vector<16xi32>
        %add3A_1148 = arith.addi %iota3A, %add3A_1147 : vector<16xi32>
        %gather3A_1149 = tpu.vector_load_idx %arg8[%add3A_1148, %broadcast_in_dim3A_1113] : memref<128x16xf32, #tpu.memory_space<vmem>>[vector<16xi32>, vector<16xi32>], vector<16xf32>,
        %swap3A_1150 = arith.constant 15 : i32
        %swap3A_1151 = arith.index_cast %swap3A_1150 : i32 to index
        %swap3A_1152 = arith.constant 64 : index
        %swap3A_1153 = tpu.vector_load %arg10[%swap3A_1151, %swap3A_1152] {strides = array<i32>} : memref<16x128xf32, #tpu.memory_space<vmem>>, vector<16xf32>,
        tpu.vector_store %arg10[%swap3A_1151, %swap3A_1152], %gather3A_1149 {strides = array<i32>} : memref<16x128xf32, #tpu.memory_space<vmem>>, vector<16xf32>,
        %add3A_1154 = arith.constant 80 : i32
        %add3A_1155 = vector.broadcast %add3A_1154 : i32 to vector<16xi32>
        %add3A_1156 = arith.addi %iota3A, %add3A_1155 : vector<16xi32>
        %gather3A_1157 = tpu.vector_load_idx %arg8[%add3A_1156, %broadcast_in_dim3A_1113] : memref<128x16xf32, #tpu.memory_space<vmem>>[vector<16xi32>, vector<16xi32>], vector<16xf32>,
        %swap3A_1158 = arith.constant 15 : i32
        %swap3A_1159 = arith.index_cast %swap3A_1158 : i32 to index
        %swap3A_1160 = arith.constant 80 : index
        %swap3A_1161 = tpu.vector_load %arg10[%swap3A_1159, %swap3A_1160] {strides = array<i32>} : memref<16x128xf32, #tpu.memory_space<vmem>>, vector<16xf32>,
        tpu.vector_store %arg10[%swap3A_1159, %swap3A_1160], %gather3A_1157 {strides = array<i32>} : memref<16x128xf32, #tpu.memory_space<vmem>>, vector<16xf32>,
        %add3A_1162 = arith.constant 96 : i32
        %add3A_1163 = vector.broadcast %add3A_1162 : i32 to vector<16xi32>
        %add3A_1164 = arith.addi %iota3A, %add3A_1163 : vector<16xi32>
        %gather3A_1165 = tpu.vector_load_idx %arg8[%add3A_1164, %broadcast_in_dim3A_1113] : memref<128x16xf32, #tpu.memory_space<vmem>>[vector<16xi32>, vector<16xi32>], vector<16xf32>,
        %swap3A_1166 = arith.constant 15 : i32
        %swap3A_1167 = arith.index_cast %swap3A_1166 : i32 to index
        %swap3A_1168 = arith.constant 96 : index
        %swap3A_1169 = tpu.vector_load %arg10[%swap3A_1167, %swap3A_1168] {strides = array<i32>} : memref<16x128xf32, #tpu.memory_space<vmem>>, vector<16xf32>,
        tpu.vector_store %arg10[%swap3A_1167, %swap3A_1168], %gather3A_1165 {strides = array<i32>} : memref<16x128xf32, #tpu.memory_space<vmem>>, vector<16xf32>,
        %add3A_1170 = arith.constant 112 : i32
        %add3A_1171 = vector.broadcast %add3A_1170 : i32 to vector<16xi32>
        %add3A_1172 = arith.addi %iota3A, %add3A_1171 : vector<16xi32>
        %gather3A_1173 = tpu.vector_load_idx %arg8[%add3A_1172, %broadcast_in_dim3A_1113] : memref<128x16xf32, #tpu.memory_space<vmem>>[vector<16xi32>, vector<16xi32>], vector<16xf32>,
        %swap3A_1174 = arith.constant 15 : i32
        %swap3A_1175 = arith.index_cast %swap3A_1174 : i32 to index
        %swap3A_1176 = arith.constant 112 : index
        %swap3A_1177 = tpu.vector_load %arg10[%swap3A_1175, %swap3A_1176] {strides = array<i32>} : memref<16x128xf32, #tpu.memory_space<vmem>>, vector<16xf32>,
        tpu.vector_store %arg10[%swap3A_1175, %swap3A_1176], %gather3A_1173 {strides = array<i32>} : memref<16x128xf32, #tpu.memory_space<vmem>>, vector<16xf32>,
        %dma_start3A = arith.constant 0 : i32
        %dma_start3A_1178 = arith.constant 0 : i32
        %dma_start3A_1179 = tpu.memref_slice %arg4[%add3A_109, %dma_start3A, %dma_start3A_1178] : memref<2500x16x128xf32, #tpu.memory_space<hbm>> -> memref<1x16x128xf32, #tpu.memory_space<hbm>>
        %dma_start3A_1180 = tpu.memref_squeeze %dma_start3A_1179 : memref<1x16x128xf32, #tpu.memory_space<hbm>> -> memref<16x128xf32, #tpu.memory_space<hbm>>
        %dma_start3A_1181 = arith.constant 0 : i32
        %dma_start3A_1182 = arith.constant 0 : i32
        %dma_start3A_1183 = tpu.memref_slice %arg4[%add3A_109, %dma_start3A_1181, %dma_start3A_1182] : memref<2500x16x128xf32, #tpu.memory_space<hbm>> -> memref<1x16x128xf32, #tpu.memory_space<hbm>>
        %dma_start3A_1184 = tpu.memref_squeeze %dma_start3A_1183 : memref<1x16x128xf32, #tpu.memory_space<hbm>> -> memref<16x128xf32, #tpu.memory_space<hbm>>
        tpu.enqueue_dma source(%arg10 : memref<16x128xf32, #tpu.memory_space<vmem>>) target(%dma_start3A_1184 : memref<16x128xf32, #tpu.memory_space<hbm>>) target_semaphore(%arg14 : memref<!tpu.dma_semaphore, #tpu.memory_space<semaphore_mem>>)
      } else {
      }
      %add3A_118 = arith.constant 2 : i32
      %add3A_119 = arith.addi %add3A_82, %add3A_118 : i32
      %lt3A_120 = arith.constant 79 : i32
      %lt3A_121 = arith.cmpi slt, %add3A_119, %lt3A_120 : i32
      %convert_element_type3A_122 = arith.extui %lt3A_121 : i1 to i32
      %cond3A_123 = arith.constant 0 : i32
      %cond3A_124 = arith.cmpi ne, %convert_element_type3A_122, %cond3A_123 : i32
      scf.if %cond3A_124 {
        %mul3A_125 = arith.constant 32 : i32
        %mul3A_126 = arith.muli %mul3A_125, %add3A_119 : i32
        %add3A_127 = arith.addi %add3A, %mul3A_126 : i32
        %lt3A_128 = arith.constant 2500 : i32
        %lt3A_129 = arith.cmpi slt, %add3A_127, %lt3A_128 : i32
        %convert_element_type3A_130 = arith.extui %lt3A_129 : i1 to i32
        %cond3A_131 = arith.constant 0 : i32
        %cond3A_132 = arith.cmpi ne, %convert_element_type3A_130, %cond3A_131 : i32
        scf.if %cond3A_132 {
          "tpu.region"() ({
            %run_scoped3A = tpu.sem_alloc : memref<!tpu.dma_semaphore, #tpu.memory_space<semaphore_mem>>
            %dma_start3A_135 = arith.constant 0 : i32
            %dma_start3A_136 = tpu.memref_slice %arg3[%add3A_127, %dma_start3A_135] : memref<2500x128xi32, #tpu.memory_space<hbm>> -> memref<1x128xi32, #tpu.memory_space<hbm>>
            %dma_start3A_137 = tpu.memref_squeeze %dma_start3A_136 : memref<1x128xi32, #tpu.memory_space<hbm>> -> memref<128xi32, #tpu.memory_space<hbm>>
            %dma_start3A_138 = arith.constant 0 : i32
            %dma_start3A_139 = tpu.memref_slice %arg3[%add3A_127, %dma_start3A_138] : memref<2500x128xi32, #tpu.memory_space<hbm>> -> memref<1x128xi32, #tpu.memory_space<hbm>>
            %dma_start3A_140 = tpu.memref_squeeze %dma_start3A_139 : memref<1x128xi32, #tpu.memory_space<hbm>> -> memref<128xi32, #tpu.memory_space<hbm>>
            tpu.enqueue_dma source(%dma_start3A_140 : memref<128xi32, #tpu.memory_space<hbm>>) target(%arg6 : memref<128xi32, #tpu.memory_space<vmem>>) target_semaphore(%run_scoped3A : memref<!tpu.dma_semaphore, #tpu.memory_space<semaphore_mem>>)
            %dma_wait3A = arith.constant 0 : i32
            %dma_wait3A_141 = tpu.memref_slice %arg3[%add3A_127, %dma_wait3A] : memref<2500x128xi32, #tpu.memory_space<hbm>> -> memref<1x128xi32, #tpu.memory_space<hbm>>
            %dma_wait3A_142 = tpu.memref_squeeze %dma_wait3A_141 : memref<1x128xi32, #tpu.memory_space<hbm>> -> memref<128xi32, #tpu.memory_space<hbm>>
            %dma_wait3A_143 = arith.constant 0 : i32
            %dma_wait3A_144 = tpu.memref_slice %arg3[%add3A_127, %dma_wait3A_143] : memref<2500x128xi32, #tpu.memory_space<hbm>> -> memref<1x128xi32, #tpu.memory_space<hbm>>
            %dma_wait3A_145 = tpu.memref_squeeze %dma_wait3A_144 : memref<1x128xi32, #tpu.memory_space<hbm>> -> memref<128xi32, #tpu.memory_space<hbm>>
            tpu.wait_dma2 semaphore(%run_scoped3A : memref<!tpu.dma_semaphore, #tpu.memory_space<semaphore_mem>>) src(%dma_wait3A_145 : memref<128xi32, #tpu.memory_space<hbm>>) dst(%arg6 : memref<128xi32, #tpu.memory_space<vmem>>)
            tpu.yield
          }) : () -> ()
          %dma_start3A = arith.constant 0 : i32
          %dma_start3A_133 = arith.constant 0 : i32
          %dma_start3A_134 = tpu.memref_slice %arg2[%dma_start3A, %dma_start3A_133] : memref<10000x16xf32, #tpu.memory_space<hbm>> -> memref<10000x16xf32, #tpu.memory_space<hbm>>
          tpu.enqueue_indirect_dma source(%dma_start3A_134 : memref<10000x16xf32, #tpu.memory_space<hbm>>) target(%arg8 : memref<128x16xf32, #tpu.memory_space<vmem>>) offsets(%arg6 : memref<128xi32, #tpu.memory_space<vmem>>) semaphore(%arg12 : memref<!tpu.dma_semaphore, #tpu.memory_space<semaphore_mem>>)
        } else {
        }
      } else {
      }
    }
    %scan3A_16 = arith.constant 40 : i32
    %add3A_17 = arith.constant 2496 : i32
    %add3A_18 = arith.addi %add3A, %add3A_17 : i32
    %lt3A_19 = arith.constant 2500 : i32
    %lt3A_20 = arith.cmpi slt, %add3A_18, %lt3A_19 : i32
    %and3A = arith.constant true
    %and3A_21 = arith.andi %and3A, %lt3A_20 : i1
    %convert_element_type3A_22 = arith.extui %and3A_21 : i1 to i32
    %cond3A_23 = arith.constant 0 : i32
    %cond3A_24 = arith.cmpi ne, %convert_element_type3A_22, %cond3A_23 : i32
    scf.if %cond3A_24 {
      %dma_wait3A = arith.constant 0 : i32
      %dma_wait3A_34 = arith.constant 0 : i32
      %dma_wait3A_35 = arith.constant 0 : i32
      %dma_wait3A_36 = tpu.memref_slice %arg4[%dma_wait3A, %dma_wait3A_34, %dma_wait3A_35] : memref<2500x16x128xf32, #tpu.memory_space<hbm>> -> memref<1x16x128xf32, #tpu.memory_space<hbm>>
      %dma_wait3A_37 = tpu.memref_squeeze %dma_wait3A_36 : memref<1x16x128xf32, #tpu.memory_space<hbm>> -> memref<16x128xf32, #tpu.memory_space<hbm>>
      %dma_wait3A_38 = arith.constant 0 : i32
      %dma_wait3A_39 = arith.constant 0 : i32
      %dma_wait3A_40 = tpu.memref_slice %arg4[%dma_wait3A, %dma_wait3A_38, %dma_wait3A_39] : memref<2500x16x128xf32, #tpu.memory_space<hbm>> -> memref<1x16x128xf32, #tpu.memory_space<hbm>>
      %dma_wait3A_41 = tpu.memref_squeeze %dma_wait3A_40 : memref<1x16x128xf32, #tpu.memory_space<hbm>> -> memref<16x128xf32, #tpu.memory_space<hbm>>
      tpu.wait_dma2 semaphore(%arg13 : memref<!tpu.dma_semaphore, #tpu.memory_space<semaphore_mem>>) src(%arg9 : memref<16x128xf32, #tpu.memory_space<vmem>>) dst(%dma_wait3A_41 : memref<16x128xf32, #tpu.memory_space<hbm>>)
    } else {
    }
    %add3A_25 = arith.constant 2528 : i32
    %add3A_26 = arith.addi %add3A, %add3A_25 : i32
    %lt3A_27 = arith.constant 2500 : i32
    %lt3A_28 = arith.cmpi slt, %add3A_26, %lt3A_27 : i32
    %and3A_29 = arith.constant true
    %and3A_30 = arith.andi %and3A_29, %lt3A_28 : i1
    %convert_element_type3A_31 = arith.extui %and3A_30 : i1 to i32
    %cond3A_32 = arith.constant 0 : i32
    %cond3A_33 = arith.cmpi ne, %convert_element_type3A_31, %cond3A_32 : i32
    scf.if %cond3A_33 {
      %dma_wait3A = arith.constant 0 : i32
      %dma_wait3A_34 = arith.constant 0 : i32
      %dma_wait3A_35 = arith.constant 0 : i32
      %dma_wait3A_36 = tpu.memref_slice %arg4[%dma_wait3A, %dma_wait3A_34, %dma_wait3A_35] : memref<2500x16x128xf32, #tpu.memory_space<hbm>> -> memref<1x16x128xf32, #tpu.memory_space<hbm>>
      %dma_wait3A_37 = tpu.memref_squeeze %dma_wait3A_36 : memref<1x16x128xf32, #tpu.memory_space<hbm>> -> memref<16x128xf32, #tpu.memory_space<hbm>>
      %dma_wait3A_38 = arith.constant 0 : i32
      %dma_wait3A_39 = arith.constant 0 : i32
      %dma_wait3A_40 = tpu.memref_slice %arg4[%dma_wait3A, %dma_wait3A_38, %dma_wait3A_39] : memref<2500x16x128xf32, #tpu.memory_space<hbm>> -> memref<1x16x128xf32, #tpu.memory_space<hbm>>
      %dma_wait3A_41 = tpu.memref_squeeze %dma_wait3A_40 : memref<1x16x128xf32, #tpu.memory_space<hbm>> -> memref<16x128xf32, #tpu.memory_space<hbm>>
      tpu.wait_dma2 semaphore(%arg14 : memref<!tpu.dma_semaphore, #tpu.memory_space<semaphore_mem>>) src(%arg10 : memref<16x128xf32, #tpu.memory_space<vmem>>) dst(%dma_wait3A_41 : memref<16x128xf32, #tpu.memory_space<hbm>>)
    } else {
    }
    return
  }
}

#map = affine_map<(d0, d1) -> (0, 0)>
#map1 = affine_map<(d0, d1) -> (0, 0, 0)>
module attributes {stable_mosaic.version = 14 : i64} {
  func.func @_scatter_body(%arg0: i32, %arg1: i32, %arg2: memref<160000x128xf32, #tpu.memory_space<hbm>>, %arg3: memref<160000x128xf32, #tpu.memory_space<hbm>>, %arg4: memref<160000x128xf32, #tpu.memory_space<hbm>>, %arg5: memref<1250x128xi32, #tpu.memory_space<hbm>>, %arg6: memref<625x160xf32, #tpu.memory_space<hbm>>, %arg7: memref<2x10000x160xf32, #tpu.memory_space<hbm>>, %arg8: memref<128xi32, #tpu.memory_space<vmem>>, %arg9: memref<128x160xf32, #tpu.memory_space<vmem>>, %arg10: memref<10000x160xf32, #tpu.memory_space<vmem_shared>>) attributes {dimension_semantics = [#tpu.dimension_semantics<core_parallel>, #tpu.dimension_semantics<subcore_parallel>], iteration_bounds = array<i64: 2, 16>, scalar_prefetch = 0 : i64, scratch_operands = 3 : i64, tpu.core_type = #tpu.core_type<sc_vector_subcore>, window_params = [{transform_indices = #map}, {transform_indices = #map}, {transform_indices = #map}, {transform_indices = #map}, {transform_indices = #map}, {transform_indices = #map1}]} {
    %mul3A = arith.constant 625 : i32
    %mul3A_0 = arith.muli %arg1, %mul3A : i32
    "tpu.region"() ({
      %run_scoped3A = tpu.sem_alloc : memref<!tpu.dma_semaphore, #tpu.memory_space<semaphore_mem>>
      %dma_start3A = arith.constant 0 : i32
      %dma_start3A_11 = tpu.memref_slice %arg10[%mul3A_0, %dma_start3A] : memref<10000x160xf32, #tpu.memory_space<vmem_shared>> -> memref<625x160xf32, #tpu.memory_space<vmem_shared>>
      tpu.enqueue_dma source(%arg6 : memref<625x160xf32, #tpu.memory_space<hbm>>) target(%dma_start3A_11 : memref<625x160xf32, #tpu.memory_space<vmem_shared>>) target_semaphore(%run_scoped3A : memref<!tpu.dma_semaphore, #tpu.memory_space<semaphore_mem>>)
      %dma_wait3A = arith.constant 0 : i32
      %dma_wait3A_12 = tpu.memref_slice %arg10[%mul3A_0, %dma_wait3A] : memref<10000x160xf32, #tpu.memory_space<vmem_shared>> -> memref<625x160xf32, #tpu.memory_space<vmem_shared>>
      tpu.wait_dma2 semaphore(%run_scoped3A : memref<!tpu.dma_semaphore, #tpu.memory_space<semaphore_mem>>) src(%arg6 : memref<625x160xf32, #tpu.memory_space<hbm>>) dst(%dma_wait3A_12 : memref<625x160xf32, #tpu.memory_space<vmem_shared>>)
      tpu.yield
    }) : () -> ()
    %barrier3A = arith.constant 0 : index
    tpu.barrier barrier_id(%barrier3A)
    %scan3A = arith.constant 0 : i32
    %scan3A_1 = arith.constant 0 : i32
    %scan3A_2 = arith.constant 79 : i32
    %scan3A_3 = arith.addi %scan3A_1, %scan3A_2 : i32
    %scan3A_4 = arith.constant 1 : i32
    scf.for %scan3A_11 = %scan3A_1 to %scan3A_3 step %scan3A_4  : i32 {
      %mul3A_12 = arith.constant 16 : i32
      %mul3A_13 = arith.muli %mul3A_12, %scan3A_11 : i32
      %add3A = arith.addi %arg1, %mul3A_13 : i32
      %lt3A = arith.constant 1250 : i32
      %lt3A_14 = arith.cmpi slt, %add3A, %lt3A : i32
      %convert_element_type3A = arith.extui %lt3A_14 : i1 to i32
      %cond3A = arith.constant 0 : i32
      %cond3A_15 = arith.cmpi ne, %convert_element_type3A, %cond3A : i32
      scf.if %cond3A_15 {
        %mul3A_16 = arith.constant 128 : i32
        %mul3A_17 = arith.muli %add3A, %mul3A_16 : i32
        "tpu.region"() ({
          %run_scoped3A = tpu.sem_alloc : memref<!tpu.dma_semaphore, #tpu.memory_space<semaphore_mem>>
          %dma_start3A = arith.constant 0 : i32
          %dma_start3A_27 = tpu.memref_slice %arg5[%add3A, %dma_start3A] : memref<1250x128xi32, #tpu.memory_space<hbm>> -> memref<1x128xi32, #tpu.memory_space<hbm>>
          %dma_start3A_28 = tpu.memref_squeeze %dma_start3A_27 : memref<1x128xi32, #tpu.memory_space<hbm>> -> memref<128xi32, #tpu.memory_space<hbm>>
          %dma_start3A_29 = arith.constant 0 : i32
          %dma_start3A_30 = tpu.memref_slice %arg5[%add3A, %dma_start3A_29] : memref<1250x128xi32, #tpu.memory_space<hbm>> -> memref<1x128xi32, #tpu.memory_space<hbm>>
          %dma_start3A_31 = tpu.memref_squeeze %dma_start3A_30 : memref<1x128xi32, #tpu.memory_space<hbm>> -> memref<128xi32, #tpu.memory_space<hbm>>
          tpu.enqueue_dma source(%dma_start3A_31 : memref<128xi32, #tpu.memory_space<hbm>>) target(%arg8 : memref<128xi32, #tpu.memory_space<vmem>>) target_semaphore(%run_scoped3A : memref<!tpu.dma_semaphore, #tpu.memory_space<semaphore_mem>>)
          %dma_wait3A = arith.constant 0 : i32
          %dma_wait3A_32 = tpu.memref_slice %arg5[%add3A, %dma_wait3A] : memref<1250x128xi32, #tpu.memory_space<hbm>> -> memref<1x128xi32, #tpu.memory_space<hbm>>
          %dma_wait3A_33 = tpu.memref_squeeze %dma_wait3A_32 : memref<1x128xi32, #tpu.memory_space<hbm>> -> memref<128xi32, #tpu.memory_space<hbm>>
          %dma_wait3A_34 = arith.constant 0 : i32
          %dma_wait3A_35 = tpu.memref_slice %arg5[%add3A, %dma_wait3A_34] : memref<1250x128xi32, #tpu.memory_space<hbm>> -> memref<1x128xi32, #tpu.memory_space<hbm>>
          %dma_wait3A_36 = tpu.memref_squeeze %dma_wait3A_35 : memref<1x128xi32, #tpu.memory_space<hbm>> -> memref<128xi32, #tpu.memory_space<hbm>>
          tpu.wait_dma2 semaphore(%run_scoped3A : memref<!tpu.dma_semaphore, #tpu.memory_space<semaphore_mem>>) src(%dma_wait3A_36 : memref<128xi32, #tpu.memory_space<hbm>>) dst(%arg8 : memref<128xi32, #tpu.memory_space<vmem>>)
          tpu.yield
        }) : () -> ()
        %eq3A = arith.constant 0 : i32
        %eq3A_18 = arith.cmpi eq, %arg0, %eq3A : i32
        %convert_element_type3A_19 = arith.extui %eq3A_18 : i1 to i32
        %cond3A_20 = arith.constant 0 : i32
        %cond3A_21 = arith.cmpi ne, %convert_element_type3A_19, %cond3A_20 : i32
        scf.if %cond3A_21 {
          "tpu.region"() ({
            %run_scoped3A = tpu.sem_alloc : memref<!tpu.dma_semaphore, #tpu.memory_space<semaphore_mem>>
            %dma_start3A = arith.constant 0 : i32
            %dma_start3A_27 = arith.constant 0 : i32
            %dma_start3A_28 = tpu.memref_slice %arg9[%dma_start3A, %dma_start3A_27] : memref<128x160xf32, #tpu.memory_space<vmem>> -> memref<128x128xf32, #tpu.memory_space<vmem>>
            %dma_start3A_29 = arith.constant 0 : i32
            %dma_start3A_30 = tpu.memref_slice %arg2[%mul3A_17, %dma_start3A_29] : memref<160000x128xf32, #tpu.memory_space<hbm>> -> memref<128x128xf32, #tpu.memory_space<hbm>>
            %dma_start3A_31 = arith.constant 0 : i32
            %dma_start3A_32 = arith.constant 0 : i32
            %dma_start3A_33 = tpu.memref_slice %arg9[%dma_start3A_31, %dma_start3A_32] : memref<128x160xf32, #tpu.memory_space<vmem>> -> memref<128x128xf32, #tpu.memory_space<vmem>>
            %dma_start3A_34 = arith.constant 0 : i32
            %dma_start3A_35 = tpu.memref_slice %arg2[%mul3A_17, %dma_start3A_34] : memref<160000x128xf32, #tpu.memory_space<hbm>> -> memref<128x128xf32, #tpu.memory_space<hbm>>
            tpu.enqueue_dma source(%dma_start3A_35 : memref<128x128xf32, #tpu.memory_space<hbm>>) target(%dma_start3A_33 : memref<128x128xf32, #tpu.memory_space<vmem>>) target_semaphore(%run_scoped3A : memref<!tpu.dma_semaphore, #tpu.memory_space<semaphore_mem>>)
            %dma_wait3A = arith.constant 0 : i32
            %dma_wait3A_36 = arith.constant 0 : i32
            %dma_wait3A_37 = tpu.memref_slice %arg9[%dma_wait3A, %dma_wait3A_36] : memref<128x160xf32, #tpu.memory_space<vmem>> -> memref<128x128xf32, #tpu.memory_space<vmem>>
            %dma_wait3A_38 = arith.constant 0 : i32
            %dma_wait3A_39 = tpu.memref_slice %arg2[%mul3A_17, %dma_wait3A_38] : memref<160000x128xf32, #tpu.memory_space<hbm>> -> memref<128x128xf32, #tpu.memory_space<hbm>>
            %dma_wait3A_40 = arith.constant 0 : i32
            %dma_wait3A_41 = arith.constant 0 : i32
            %dma_wait3A_42 = tpu.memref_slice %arg9[%dma_wait3A_40, %dma_wait3A_41] : memref<128x160xf32, #tpu.memory_space<vmem>> -> memref<128x128xf32, #tpu.memory_space<vmem>>
            %dma_wait3A_43 = arith.constant 0 : i32
            %dma_wait3A_44 = tpu.memref_slice %arg2[%mul3A_17, %dma_wait3A_43] : memref<160000x128xf32, #tpu.memory_space<hbm>> -> memref<128x128xf32, #tpu.memory_space<hbm>>
            tpu.wait_dma2 semaphore(%run_scoped3A : memref<!tpu.dma_semaphore, #tpu.memory_space<semaphore_mem>>) src(%dma_wait3A_44 : memref<128x128xf32, #tpu.memory_space<hbm>>) dst(%dma_wait3A_42 : memref<128x128xf32, #tpu.memory_space<vmem>>)
            tpu.yield
          }) : () -> ()
          "tpu.region"() ({
            %run_scoped3A = tpu.sem_alloc : memref<!tpu.dma_semaphore, #tpu.memory_space<semaphore_mem>>
            %dma_start3A = arith.constant 0 : i32
            %dma_start3A_27 = arith.constant 128 : i32
            %dma_start3A_28 = tpu.memref_slice %arg9[%dma_start3A, %dma_start3A_27] : memref<128x160xf32, #tpu.memory_space<vmem>> -> memref<128x32xf32, #tpu.memory_space<vmem>>
            %dma_start3A_29 = arith.constant 0 : i32
            %dma_start3A_30 = tpu.memref_slice %arg3[%mul3A_17, %dma_start3A_29] : memref<160000x128xf32, #tpu.memory_space<hbm>> -> memref<128x32xf32, #tpu.memory_space<hbm>>
            %dma_start3A_31 = arith.constant 0 : i32
            %dma_start3A_32 = arith.constant 128 : i32
            %dma_start3A_33 = tpu.memref_slice %arg9[%dma_start3A_31, %dma_start3A_32] : memref<128x160xf32, #tpu.memory_space<vmem>> -> memref<128x32xf32, #tpu.memory_space<vmem>>
            %dma_start3A_34 = arith.constant 0 : i32
            %dma_start3A_35 = tpu.memref_slice %arg3[%mul3A_17, %dma_start3A_34] : memref<160000x128xf32, #tpu.memory_space<hbm>> -> memref<128x32xf32, #tpu.memory_space<hbm>>
            tpu.enqueue_dma source(%dma_start3A_35 : memref<128x32xf32, #tpu.memory_space<hbm>>) target(%dma_start3A_33 : memref<128x32xf32, #tpu.memory_space<vmem>>) target_semaphore(%run_scoped3A : memref<!tpu.dma_semaphore, #tpu.memory_space<semaphore_mem>>)
            %dma_wait3A = arith.constant 0 : i32
            %dma_wait3A_36 = arith.constant 128 : i32
            %dma_wait3A_37 = tpu.memref_slice %arg9[%dma_wait3A, %dma_wait3A_36] : memref<128x160xf32, #tpu.memory_space<vmem>> -> memref<128x32xf32, #tpu.memory_space<vmem>>
            %dma_wait3A_38 = arith.constant 0 : i32
            %dma_wait3A_39 = tpu.memref_slice %arg3[%mul3A_17, %dma_wait3A_38] : memref<160000x128xf32, #tpu.memory_space<hbm>> -> memref<128x32xf32, #tpu.memory_space<hbm>>
            %dma_wait3A_40 = arith.constant 0 : i32
            %dma_wait3A_41 = arith.constant 128 : i32
            %dma_wait3A_42 = tpu.memref_slice %arg9[%dma_wait3A_40, %dma_wait3A_41] : memref<128x160xf32, #tpu.memory_space<vmem>> -> memref<128x32xf32, #tpu.memory_space<vmem>>
            %dma_wait3A_43 = arith.constant 0 : i32
            %dma_wait3A_44 = tpu.memref_slice %arg3[%mul3A_17, %dma_wait3A_43] : memref<160000x128xf32, #tpu.memory_space<hbm>> -> memref<128x32xf32, #tpu.memory_space<hbm>>
            tpu.wait_dma2 semaphore(%run_scoped3A : memref<!tpu.dma_semaphore, #tpu.memory_space<semaphore_mem>>) src(%dma_wait3A_44 : memref<128x32xf32, #tpu.memory_space<hbm>>) dst(%dma_wait3A_42 : memref<128x32xf32, #tpu.memory_space<vmem>>)
            tpu.yield
          }) : () -> ()
        } else {
        }
        %eq3A_22 = arith.constant 1 : i32
        %eq3A_23 = arith.cmpi eq, %arg0, %eq3A_22 : i32
        %convert_element_type3A_24 = arith.extui %eq3A_23 : i1 to i32
        %cond3A_25 = arith.constant 0 : i32
        %cond3A_26 = arith.cmpi ne, %convert_element_type3A_24, %cond3A_25 : i32
        scf.if %cond3A_26 {
          "tpu.region"() ({
            %run_scoped3A = tpu.sem_alloc : memref<!tpu.dma_semaphore, #tpu.memory_space<semaphore_mem>>
            %dma_start3A = arith.constant 0 : i32
            %dma_start3A_27 = arith.constant 0 : i32
            %dma_start3A_28 = tpu.memref_slice %arg9[%dma_start3A, %dma_start3A_27] : memref<128x160xf32, #tpu.memory_space<vmem>> -> memref<128x96xf32, #tpu.memory_space<vmem>>
            %dma_start3A_29 = arith.constant 32 : i32
            %dma_start3A_30 = tpu.memref_slice %arg3[%mul3A_17, %dma_start3A_29] : memref<160000x128xf32, #tpu.memory_space<hbm>> -> memref<128x96xf32, #tpu.memory_space<hbm>>
            %dma_start3A_31 = arith.constant 0 : i32
            %dma_start3A_32 = arith.constant 0 : i32
            %dma_start3A_33 = tpu.memref_slice %arg9[%dma_start3A_31, %dma_start3A_32] : memref<128x160xf32, #tpu.memory_space<vmem>> -> memref<128x96xf32, #tpu.memory_space<vmem>>
            %dma_start3A_34 = arith.constant 32 : i32
            %dma_start3A_35 = tpu.memref_slice %arg3[%mul3A_17, %dma_start3A_34] : memref<160000x128xf32, #tpu.memory_space<hbm>> -> memref<128x96xf32, #tpu.memory_space<hbm>>
            tpu.enqueue_dma source(%dma_start3A_35 : memref<128x96xf32, #tpu.memory_space<hbm>>) target(%dma_start3A_33 : memref<128x96xf32, #tpu.memory_space<vmem>>) target_semaphore(%run_scoped3A : memref<!tpu.dma_semaphore, #tpu.memory_space<semaphore_mem>>)
            %dma_wait3A = arith.constant 0 : i32
            %dma_wait3A_36 = arith.constant 0 : i32
            %dma_wait3A_37 = tpu.memref_slice %arg9[%dma_wait3A, %dma_wait3A_36] : memref<128x160xf32, #tpu.memory_space<vmem>> -> memref<128x96xf32, #tpu.memory_space<vmem>>
            %dma_wait3A_38 = arith.constant 32 : i32
            %dma_wait3A_39 = tpu.memref_slice %arg3[%mul3A_17, %dma_wait3A_38] : memref<160000x128xf32, #tpu.memory_space<hbm>> -> memref<128x96xf32, #tpu.memory_space<hbm>>
            %dma_wait3A_40 = arith.constant 0 : i32
            %dma_wait3A_41 = arith.constant 0 : i32
            %dma_wait3A_42 = tpu.memref_slice %arg9[%dma_wait3A_40, %dma_wait3A_41] : memref<128x160xf32, #tpu.memory_space<vmem>> -> memref<128x96xf32, #tpu.memory_space<vmem>>
            %dma_wait3A_43 = arith.constant 32 : i32
            %dma_wait3A_44 = tpu.memref_slice %arg3[%mul3A_17, %dma_wait3A_43] : memref<160000x128xf32, #tpu.memory_space<hbm>> -> memref<128x96xf32, #tpu.memory_space<hbm>>
            tpu.wait_dma2 semaphore(%run_scoped3A : memref<!tpu.dma_semaphore, #tpu.memory_space<semaphore_mem>>) src(%dma_wait3A_44 : memref<128x96xf32, #tpu.memory_space<hbm>>) dst(%dma_wait3A_42 : memref<128x96xf32, #tpu.memory_space<vmem>>)
            tpu.yield
          }) : () -> ()
          "tpu.region"() ({
            %run_scoped3A = tpu.sem_alloc : memref<!tpu.dma_semaphore, #tpu.memory_space<semaphore_mem>>
            %dma_start3A = arith.constant 0 : i32
            %dma_start3A_27 = arith.constant 96 : i32
            %dma_start3A_28 = tpu.memref_slice %arg9[%dma_start3A, %dma_start3A_27] : memref<128x160xf32, #tpu.memory_space<vmem>> -> memref<128x64xf32, #tpu.memory_space<vmem>>
            %dma_start3A_29 = arith.constant 0 : i32
            %dma_start3A_30 = tpu.memref_slice %arg4[%mul3A_17, %dma_start3A_29] : memref<160000x128xf32, #tpu.memory_space<hbm>> -> memref<128x64xf32, #tpu.memory_space<hbm>>
            %dma_start3A_31 = arith.constant 0 : i32
            %dma_start3A_32 = arith.constant 96 : i32
            %dma_start3A_33 = tpu.memref_slice %arg9[%dma_start3A_31, %dma_start3A_32] : memref<128x160xf32, #tpu.memory_space<vmem>> -> memref<128x64xf32, #tpu.memory_space<vmem>>
            %dma_start3A_34 = arith.constant 0 : i32
            %dma_start3A_35 = tpu.memref_slice %arg4[%mul3A_17, %dma_start3A_34] : memref<160000x128xf32, #tpu.memory_space<hbm>> -> memref<128x64xf32, #tpu.memory_space<hbm>>
            tpu.enqueue_dma source(%dma_start3A_35 : memref<128x64xf32, #tpu.memory_space<hbm>>) target(%dma_start3A_33 : memref<128x64xf32, #tpu.memory_space<vmem>>) target_semaphore(%run_scoped3A : memref<!tpu.dma_semaphore, #tpu.memory_space<semaphore_mem>>)
            %dma_wait3A = arith.constant 0 : i32
            %dma_wait3A_36 = arith.constant 96 : i32
            %dma_wait3A_37 = tpu.memref_slice %arg9[%dma_wait3A, %dma_wait3A_36] : memref<128x160xf32, #tpu.memory_space<vmem>> -> memref<128x64xf32, #tpu.memory_space<vmem>>
            %dma_wait3A_38 = arith.constant 0 : i32
            %dma_wait3A_39 = tpu.memref_slice %arg4[%mul3A_17, %dma_wait3A_38] : memref<160000x128xf32, #tpu.memory_space<hbm>> -> memref<128x64xf32, #tpu.memory_space<hbm>>
            %dma_wait3A_40 = arith.constant 0 : i32
            %dma_wait3A_41 = arith.constant 96 : i32
            %dma_wait3A_42 = tpu.memref_slice %arg9[%dma_wait3A_40, %dma_wait3A_41] : memref<128x160xf32, #tpu.memory_space<vmem>> -> memref<128x64xf32, #tpu.memory_space<vmem>>
            %dma_wait3A_43 = arith.constant 0 : i32
            %dma_wait3A_44 = tpu.memref_slice %arg4[%mul3A_17, %dma_wait3A_43] : memref<160000x128xf32, #tpu.memory_space<hbm>> -> memref<128x64xf32, #tpu.memory_space<hbm>>
            tpu.wait_dma2 semaphore(%run_scoped3A : memref<!tpu.dma_semaphore, #tpu.memory_space<semaphore_mem>>) src(%dma_wait3A_44 : memref<128x64xf32, #tpu.memory_space<hbm>>) dst(%dma_wait3A_42 : memref<128x64xf32, #tpu.memory_space<vmem>>)
            tpu.yield
          }) : () -> ()
        } else {
        }
        "tpu.region"() ({
          %run_scoped3A = tpu.sem_alloc : memref<!tpu.dma_semaphore, #tpu.memory_space<semaphore_mem>>
          %dma_start3A = arith.constant 0 : i32
          %dma_start3A_27 = arith.constant 0 : i32
          %dma_start3A_28 = tpu.memref_slice %arg10[%dma_start3A, %dma_start3A_27] : memref<10000x160xf32, #tpu.memory_space<vmem_shared>> -> memref<10000x160xf32, #tpu.memory_space<vmem_shared>>
          tpu.enqueue_indirect_dma source(%arg9 : memref<128x160xf32, #tpu.memory_space<vmem>>) target(%dma_start3A_28 : memref<10000x160xf32, #tpu.memory_space<vmem_shared>>) offsets(%arg8 : memref<128xi32, #tpu.memory_space<vmem>>) semaphore(%run_scoped3A : memref<!tpu.dma_semaphore, #tpu.memory_space<semaphore_mem>>) {add = true}
          %dma_wait3A = arith.constant 0 : i32
          %dma_wait3A_29 = arith.constant 0 : i32
          %dma_wait3A_30 = tpu.memref_slice %arg10[%dma_wait3A, %dma_wait3A_29] : memref<10000x160xf32, #tpu.memory_space<vmem_shared>> -> memref<10000x160xf32, #tpu.memory_space<vmem_shared>>
          tpu.wait_indirect_dma semaphore(%run_scoped3A : memref<!tpu.dma_semaphore, #tpu.memory_space<semaphore_mem>>) src(%arg9 : memref<128x160xf32, #tpu.memory_space<vmem>>) dst(%dma_wait3A_30 : memref<10000x160xf32, #tpu.memory_space<vmem_shared>>)
          tpu.yield
        }) : () -> ()
      } else {
      }
    }
    %scan3A_5 = arith.constant 79 : i32
    %barrier3A_6 = arith.constant 0 : index
    tpu.barrier barrier_id(%barrier3A_6)
    %mul3A_7 = arith.constant 625 : i32
    %mul3A_8 = arith.muli %arg1, %mul3A_7 : i32
    %mul3A_9 = arith.constant 625 : i32
    %mul3A_10 = arith.muli %arg1, %mul3A_9 : i32
    "tpu.region"() ({
      %run_scoped3A = tpu.sem_alloc : memref<!tpu.dma_semaphore, #tpu.memory_space<semaphore_mem>>
      %dma_start3A = arith.constant 0 : i32
      %dma_start3A_11 = tpu.memref_slice %arg7[%arg0, %mul3A_10, %dma_start3A] : memref<2x10000x160xf32, #tpu.memory_space<hbm>> -> memref<1x625x160xf32, #tpu.memory_space<hbm>>
      %dma_start3A_12 = tpu.memref_squeeze %dma_start3A_11 : memref<1x625x160xf32, #tpu.memory_space<hbm>> -> memref<625x160xf32, #tpu.memory_space<hbm>>
      %dma_start3A_13 = arith.constant 0 : i32
      %dma_start3A_14 = tpu.memref_slice %arg10[%mul3A_8, %dma_start3A_13] : memref<10000x160xf32, #tpu.memory_space<vmem_shared>> -> memref<625x160xf32, #tpu.memory_space<vmem_shared>>
      tpu.enqueue_dma source(%dma_start3A_14 : memref<625x160xf32, #tpu.memory_space<vmem_shared>>) target(%dma_start3A_12 : memref<625x160xf32, #tpu.memory_space<hbm>>) target_semaphore(%run_scoped3A : memref<!tpu.dma_semaphore, #tpu.memory_space<semaphore_mem>>)
      %dma_wait3A = arith.constant 0 : i32
      %dma_wait3A_15 = tpu.memref_slice %arg7[%arg0, %mul3A_10, %dma_wait3A] : memref<2x10000x160xf32, #tpu.memory_space<hbm>> -> memref<1x625x160xf32, #tpu.memory_space<hbm>>
      %dma_wait3A_16 = tpu.memref_squeeze %dma_wait3A_15 : memref<1x625x160xf32, #tpu.memory_space<hbm>> -> memref<625x160xf32, #tpu.memory_space<hbm>>
      %dma_wait3A_17 = arith.constant 0 : i32
      %dma_wait3A_18 = tpu.memref_slice %arg10[%mul3A_8, %dma_wait3A_17] : memref<10000x160xf32, #tpu.memory_space<vmem_shared>> -> memref<625x160xf32, #tpu.memory_space<vmem_shared>>
      tpu.wait_dma2 semaphore(%run_scoped3A : memref<!tpu.dma_semaphore, #tpu.memory_space<semaphore_mem>>) src(%dma_wait3A_18 : memref<625x160xf32, #tpu.memory_space<vmem_shared>>) dst(%dma_wait3A_16 : memref<625x160xf32, #tpu.memory_space<hbm>>)
      tpu.yield
    }) : () -> ()
    return
  }
}

module attributes {stable_mosaic.version = 14 : i64} {
  func.func @_table_body(%arg0: memref<10000x3xf32, #tpu.memory_space<vmem>>, %arg1: memref<10000x1xi32, #tpu.memory_space<vmem>>, %arg2: memref<4x2xf32, #tpu.memory_space<vmem>>, %arg3: memref<10000x16xf32, #tpu.memory_space<vmem>>) attributes {dimension_semantics = [], scalar_prefetch = 0 : i64, scratch_operands = 0 : i64, tpu.core_type = #tpu.core_type<tc>} {
    %get3A = arith.constant 0 : index
    %get3A_0 = arith.constant 0 : index
    %get3A_1 = vector.load %arg1[%get3A, %get3A_0] : memref<10000x1xi32, #tpu.memory_space<vmem>>, vector<10000x1xi32>
    %iota3A = tpu.iota {dimensions = array<i32: 1>} : vector<1x4xi32>
    %eq3A = arith.constant 0 : i32
    %eq3A_2 = vector.broadcast %eq3A : i32 to vector<1x4xi32>
    %eq3A_3 = arith.cmpi eq, %iota3A, %eq3A_2 : vector<1x4xi32>
    %convert_element_type3A = arith.extui %eq3A_3 : vector<1x4xi1> to vector<1x4xi32>
    %mul3A = arith.constant 1 : i32
    %mul3A_4 = vector.broadcast %mul3A : i32 to vector<1x4xi32>
    %mul3A_5 = arith.muli %convert_element_type3A, %mul3A_4 : vector<1x4xi32>
    %eq3A_6 = arith.constant 1 : i32
    %eq3A_7 = vector.broadcast %eq3A_6 : i32 to vector<1x4xi32>
    %eq3A_8 = arith.cmpi eq, %iota3A, %eq3A_7 : vector<1x4xi32>
    %convert_element_type3A_9 = arith.extui %eq3A_8 : vector<1x4xi1> to vector<1x4xi32>
    %mul3A_10 = arith.constant 6 : i32
    %mul3A_11 = vector.broadcast %mul3A_10 : i32 to vector<1x4xi32>
    %mul3A_12 = arith.muli %convert_element_type3A_9, %mul3A_11 : vector<1x4xi32>
    %add3A = arith.addi %mul3A_5, %mul3A_12 : vector<1x4xi32>
    %eq3A_13 = arith.constant 2 : i32
    %eq3A_14 = vector.broadcast %eq3A_13 : i32 to vector<1x4xi32>
    %eq3A_15 = arith.cmpi eq, %iota3A, %eq3A_14 : vector<1x4xi32>
    %convert_element_type3A_16 = arith.extui %eq3A_15 : vector<1x4xi1> to vector<1x4xi32>
    %mul3A_17 = arith.constant 7 : i32
    %mul3A_18 = vector.broadcast %mul3A_17 : i32 to vector<1x4xi32>
    %mul3A_19 = arith.muli %convert_element_type3A_16, %mul3A_18 : vector<1x4xi32>
    %add3A_20 = arith.addi %add3A, %mul3A_19 : vector<1x4xi32>
    %eq3A_21 = arith.constant 3 : i32
    %eq3A_22 = vector.broadcast %eq3A_21 : i32 to vector<1x4xi32>
    %eq3A_23 = arith.cmpi eq, %iota3A, %eq3A_22 : vector<1x4xi32>
    %convert_element_type3A_24 = arith.extui %eq3A_23 : vector<1x4xi1> to vector<1x4xi32>
    %mul3A_25 = arith.constant 8 : i32
    %mul3A_26 = vector.broadcast %mul3A_25 : i32 to vector<1x4xi32>
    %mul3A_27 = arith.muli %convert_element_type3A_24, %mul3A_26 : vector<1x4xi32>
    %add3A_28 = arith.addi %add3A_20, %mul3A_27 : vector<1x4xi32>
    %eq3A_29 = vector.broadcast %get3A_1 : vector<10000x1xi32> to vector<10000x4xi32>
    %eq3A_30 = vector.broadcast %add3A_28 : vector<1x4xi32> to vector<10000x4xi32>
    %eq3A_31 = arith.cmpi eq, %eq3A_29, %eq3A_30 : vector<10000x4xi32>
    %convert_element_type3A_32 = arith.extui %eq3A_31 : vector<10000x4xi1> to vector<10000x4xi32>
    %convert_element_type3A_33 = arith.sitofp %convert_element_type3A_32 : vector<10000x4xi32> to vector<10000x4xf32>
    %get3A_34 = arith.constant 0 : index
    %get3A_35 = arith.constant 0 : index
    %get3A_36 = vector.load %arg2[%get3A_34, %get3A_35] : memref<4x2xf32, #tpu.memory_space<vmem>>, vector<4x2xf32>
    %dot_general3A = arith.constant dense<0.000000e+00> : vector<10000x2xf32>
    %dot_general3A_37 = tpu.matmul %convert_element_type3A_33, %get3A_36, %dot_general3A {dimension_numbers = #tpu.dot_dimension_numbers<[1], [0], [0], [1], [0, 0, 1, 1], [], []>, precision = #tpu.contract_precision<fp32>, transpose_lhs_hint = false} : vector<10000x4xf32>, vector<4x2xf32>, vector<10000x2xf32> -> vector<10000x2xf32>
    %get3A_38 = arith.constant 0 : index
    %get3A_39 = arith.constant 0 : index
    %get3A_40 = vector.load %arg0[%get3A_38, %get3A_39] : memref<10000x3xf32, #tpu.memory_space<vmem>>, vector<10000x3xf32>
    %swap3A = arith.constant 0 : index
    %swap3A_41 = arith.constant 0 : index
    %swap3A_42 = vector.load %arg3[%swap3A, %swap3A_41] : memref<10000x16xf32, #tpu.memory_space<vmem>>, vector<10000x3xf32>
    tpu.vector_store %arg3[%swap3A, %swap3A_41], %get3A_40 {strides = array<i32>} : memref<10000x16xf32, #tpu.memory_space<vmem>>, vector<10000x3xf32>,
    %swap3A_43 = arith.constant 0 : index
    %swap3A_44 = arith.constant 3 : index
    %swap3A_45 = vector.load %arg3[%swap3A_43, %swap3A_44] : memref<10000x16xf32, #tpu.memory_space<vmem>>, vector<10000x2xf32>
    tpu.vector_store %arg3[%swap3A_43, %swap3A_44], %dot_general3A_37 {strides = array<i32>} : memref<10000x16xf32, #tpu.memory_space<vmem>>, vector<10000x2xf32>,
    %broadcast_in_dim3A = arith.constant 0.000000e+00 : f32
    %broadcast_in_dim3A_46 = vector.broadcast %broadcast_in_dim3A : f32 to vector<10000x11xf32>
    %swap3A_47 = arith.constant 0 : index
    %swap3A_48 = arith.constant 5 : index
    %swap3A_49 = vector.load %arg3[%swap3A_47, %swap3A_48] : memref<10000x16xf32, #tpu.memory_space<vmem>>, vector<10000x11xf32>
    tpu.vector_store %arg3[%swap3A_47, %swap3A_48], %broadcast_in_dim3A_46 {strides = array<i32>} : memref<10000x16xf32, #tpu.memory_space<vmem>>, vector<10000x11xf32>,
    return
  }
}

module attributes {stable_mosaic.version = 14 : i64} {
  func.func @_edge_body(%arg0: i32, %arg1: memref<10x16x128xf32, #tpu.memory_space<vmem>>, %arg2: memref<10x16x128xf32, #tpu.memory_space<vmem>>, %arg3: memref<3x1280xf32, #tpu.memory_space<vmem>>, %arg4: memref<3x8x8xf32, #tpu.memory_space<vmem>>, %arg5: memref<24x320xf32, #tpu.memory_space<vmem>>, %arg6: memref<40x320xf32, #tpu.memory_space<vmem>>, %arg7: memref<1280x128xf32, #tpu.memory_space<vmem>>, %arg8: memref<1280x128xf32, #tpu.memory_space<vmem>>, %arg9: memref<1280x128xf32, #tpu.memory_space<vmem>>) attributes {dimension_semantics = [#tpu.dimension_semantics<arbitrary>], iteration_bounds = array<i64: 125>, scalar_prefetch = 0 : i64, scratch_operands = 0 : i64, tpu.core_type = #tpu.core_type<tc>, window_params = [{transform_indices = @transform_0, window_bounds = array<i64: 10, 16, 128>}, {transform_indices = @transform_1, window_bounds = array<i64: 10, 16, 128>}, {transform_indices = @transform_2, window_bounds = array<i64: 3, 1280>}, {pipeline_mode = #tpu.pipeline_mode<synchronous>, transform_indices = @transform_3, window_bounds = array<i64: 3, 8, 8>}, {pipeline_mode = #tpu.pipeline_mode<synchronous>, transform_indices = @transform_4, window_bounds = array<i64: 24, 320>}, {pipeline_mode = #tpu.pipeline_mode<synchronous>, transform_indices = @transform_5, window_bounds = array<i64: 40, 320>}, {transform_indices = @transform_6, window_bounds = array<i64: 1280, 128>}, {transform_indices = @transform_7, window_bounds = array<i64: 1280, 128>}, {transform_indices = @transform_8, window_bounds = array<i64: 1280, 128>}]} {
    %get3A = arith.constant 0 : index
    %get3A_0 = arith.constant 0 : index
    %get3A_1 = arith.constant 0 : index
    %get3A_2 = vector.load %arg1[%get3A, %get3A_0, %get3A_1] : memref<10x16x128xf32, #tpu.memory_space<vmem>>, vector<1x16x128xf32>
    %get3A_3 = vector.shape_cast %get3A_2 : vector<1x16x128xf32> to vector<16x128xf32>
    %get3A_4 = arith.constant 1 : index
    %get3A_5 = arith.constant 0 : index
    %get3A_6 = arith.constant 0 : index
    %get3A_7 = vector.load %arg1[%get3A_4, %get3A_5, %get3A_6] : memref<10x16x128xf32, #tpu.memory_space<vmem>>, vector<1x16x128xf32>
    %get3A_8 = vector.shape_cast %get3A_7 : vector<1x16x128xf32> to vector<16x128xf32>
    %get3A_9 = arith.constant 2 : index
    %get3A_10 = arith.constant 0 : index
    %get3A_11 = arith.constant 0 : index
    %get3A_12 = vector.load %arg1[%get3A_9, %get3A_10, %get3A_11] : memref<10x16x128xf32, #tpu.memory_space<vmem>>, vector<1x16x128xf32>
    %get3A_13 = vector.shape_cast %get3A_12 : vector<1x16x128xf32> to vector<16x128xf32>
    %get3A_14 = arith.constant 3 : index
    %get3A_15 = arith.constant 0 : index
    %get3A_16 = arith.constant 0 : index
    %get3A_17 = vector.load %arg1[%get3A_14, %get3A_15, %get3A_16] : memref<10x16x128xf32, #tpu.memory_space<vmem>>, vector<1x16x128xf32>
    %get3A_18 = vector.shape_cast %get3A_17 : vector<1x16x128xf32> to vector<16x128xf32>
    %get3A_19 = arith.constant 4 : index
    %get3A_20 = arith.constant 0 : index
    %get3A_21 = arith.constant 0 : index
    %get3A_22 = vector.load %arg1[%get3A_19, %get3A_20, %get3A_21] : memref<10x16x128xf32, #tpu.memory_space<vmem>>, vector<1x16x128xf32>
    %get3A_23 = vector.shape_cast %get3A_22 : vector<1x16x128xf32> to vector<16x128xf32>
    %get3A_24 = arith.constant 5 : index
    %get3A_25 = arith.constant 0 : index
    %get3A_26 = arith.constant 0 : index
    %get3A_27 = vector.load %arg1[%get3A_24, %get3A_25, %get3A_26] : memref<10x16x128xf32, #tpu.memory_space<vmem>>, vector<1x16x128xf32>
    %get3A_28 = vector.shape_cast %get3A_27 : vector<1x16x128xf32> to vector<16x128xf32>
    %get3A_29 = arith.constant 6 : index
    %get3A_30 = arith.constant 0 : index
    %get3A_31 = arith.constant 0 : index
    %get3A_32 = vector.load %arg1[%get3A_29, %get3A_30, %get3A_31] : memref<10x16x128xf32, #tpu.memory_space<vmem>>, vector<1x16x128xf32>
    %get3A_33 = vector.shape_cast %get3A_32 : vector<1x16x128xf32> to vector<16x128xf32>
    %get3A_34 = arith.constant 7 : index
    %get3A_35 = arith.constant 0 : index
    %get3A_36 = arith.constant 0 : index
    %get3A_37 = vector.load %arg1[%get3A_34, %get3A_35, %get3A_36] : memref<10x16x128xf32, #tpu.memory_space<vmem>>, vector<1x16x128xf32>
    %get3A_38 = vector.shape_cast %get3A_37 : vector<1x16x128xf32> to vector<16x128xf32>
    %get3A_39 = arith.constant 8 : index
    %get3A_40 = arith.constant 0 : index
    %get3A_41 = arith.constant 0 : index
    %get3A_42 = vector.load %arg1[%get3A_39, %get3A_40, %get3A_41] : memref<10x16x128xf32, #tpu.memory_space<vmem>>, vector<1x16x128xf32>
    %get3A_43 = vector.shape_cast %get3A_42 : vector<1x16x128xf32> to vector<16x128xf32>
    %get3A_44 = arith.constant 9 : index
    %get3A_45 = arith.constant 0 : index
    %get3A_46 = arith.constant 0 : index
    %get3A_47 = vector.load %arg1[%get3A_44, %get3A_45, %get3A_46] : memref<10x16x128xf32, #tpu.memory_space<vmem>>, vector<1x16x128xf32>
    %get3A_48 = vector.shape_cast %get3A_47 : vector<1x16x128xf32> to vector<16x128xf32>
    %concatenate3A = tpu.concatenate %get3A_3, %get3A_8, %get3A_13, %get3A_18, %get3A_23, %get3A_28, %get3A_33, %get3A_38, %get3A_43, %get3A_48 in 1 : vector<16x128xf32>, vector<16x128xf32>, vector<16x128xf32>, vector<16x128xf32>, vector<16x128xf32>, vector<16x128xf32>, vector<16x128xf32>, vector<16x128xf32>, vector<16x128xf32>, vector<16x128xf32> -> vector<16x1280xf32>
    %get3A_49 = arith.constant 0 : index
    %get3A_50 = arith.constant 0 : index
    %get3A_51 = arith.constant 0 : index
    %get3A_52 = vector.load %arg2[%get3A_49, %get3A_50, %get3A_51] : memref<10x16x128xf32, #tpu.memory_space<vmem>>, vector<1x16x128xf32>
    %get3A_53 = vector.shape_cast %get3A_52 : vector<1x16x128xf32> to vector<16x128xf32>
    %get3A_54 = arith.constant 1 : index
    %get3A_55 = arith.constant 0 : index
    %get3A_56 = arith.constant 0 : index
    %get3A_57 = vector.load %arg2[%get3A_54, %get3A_55, %get3A_56] : memref<10x16x128xf32, #tpu.memory_space<vmem>>, vector<1x16x128xf32>
    %get3A_58 = vector.shape_cast %get3A_57 : vector<1x16x128xf32> to vector<16x128xf32>
    %get3A_59 = arith.constant 2 : index
    %get3A_60 = arith.constant 0 : index
    %get3A_61 = arith.constant 0 : index
    %get3A_62 = vector.load %arg2[%get3A_59, %get3A_60, %get3A_61] : memref<10x16x128xf32, #tpu.memory_space<vmem>>, vector<1x16x128xf32>
    %get3A_63 = vector.shape_cast %get3A_62 : vector<1x16x128xf32> to vector<16x128xf32>
    %get3A_64 = arith.constant 3 : index
    %get3A_65 = arith.constant 0 : index
    %get3A_66 = arith.constant 0 : index
    %get3A_67 = vector.load %arg2[%get3A_64, %get3A_65, %get3A_66] : memref<10x16x128xf32, #tpu.memory_space<vmem>>, vector<1x16x128xf32>
    %get3A_68 = vector.shape_cast %get3A_67 : vector<1x16x128xf32> to vector<16x128xf32>
    %get3A_69 = arith.constant 4 : index
    %get3A_70 = arith.constant 0 : index
    %get3A_71 = arith.constant 0 : index
    %get3A_72 = vector.load %arg2[%get3A_69, %get3A_70, %get3A_71] : memref<10x16x128xf32, #tpu.memory_space<vmem>>, vector<1x16x128xf32>
    %get3A_73 = vector.shape_cast %get3A_72 : vector<1x16x128xf32> to vector<16x128xf32>
    %get3A_74 = arith.constant 5 : index
    %get3A_75 = arith.constant 0 : index
    %get3A_76 = arith.constant 0 : index
    %get3A_77 = vector.load %arg2[%get3A_74, %get3A_75, %get3A_76] : memref<10x16x128xf32, #tpu.memory_space<vmem>>, vector<1x16x128xf32>
    %get3A_78 = vector.shape_cast %get3A_77 : vector<1x16x128xf32> to vector<16x128xf32>
    %get3A_79 = arith.constant 6 : index
    %get3A_80 = arith.constant 0 : index
    %get3A_81 = arith.constant 0 : index
    %get3A_82 = vector.load %arg2[%get3A_79, %get3A_80, %get3A_81] : memref<10x16x128xf32, #tpu.memory_space<vmem>>, vector<1x16x128xf32>
    %get3A_83 = vector.shape_cast %get3A_82 : vector<1x16x128xf32> to vector<16x128xf32>
    %get3A_84 = arith.constant 7 : index
    %get3A_85 = arith.constant 0 : index
    %get3A_86 = arith.constant 0 : index
    %get3A_87 = vector.load %arg2[%get3A_84, %get3A_85, %get3A_86] : memref<10x16x128xf32, #tpu.memory_space<vmem>>, vector<1x16x128xf32>
    %get3A_88 = vector.shape_cast %get3A_87 : vector<1x16x128xf32> to vector<16x128xf32>
    %get3A_89 = arith.constant 8 : index
    %get3A_90 = arith.constant 0 : index
    %get3A_91 = arith.constant 0 : index
    %get3A_92 = vector.load %arg2[%get3A_89, %get3A_90, %get3A_91] : memref<10x16x128xf32, #tpu.memory_space<vmem>>, vector<1x16x128xf32>
    %get3A_93 = vector.shape_cast %get3A_92 : vector<1x16x128xf32> to vector<16x128xf32>
    %get3A_94 = arith.constant 9 : index
    %get3A_95 = arith.constant 0 : index
    %get3A_96 = arith.constant 0 : index
    %get3A_97 = vector.load %arg2[%get3A_94, %get3A_95, %get3A_96] : memref<10x16x128xf32, #tpu.memory_space<vmem>>, vector<1x16x128xf32>
    %get3A_98 = vector.shape_cast %get3A_97 : vector<1x16x128xf32> to vector<16x128xf32>
    %concatenate3A_99 = tpu.concatenate %get3A_53, %get3A_58, %get3A_63, %get3A_68, %get3A_73, %get3A_78, %get3A_83, %get3A_88, %get3A_93, %get3A_98 in 1 : vector<16x128xf32>, vector<16x128xf32>, vector<16x128xf32>, vector<16x128xf32>, vector<16x128xf32>, vector<16x128xf32>, vector<16x128xf32>, vector<16x128xf32>, vector<16x128xf32>, vector<16x128xf32> -> vector<16x1280xf32>
    %slice3A = vector.extract_strided_slice %concatenate3A_99 {offsets = [0, 0], sizes = [3, 1280], strides = [1, 1]} : vector<16x1280xf32> to vector<3x1280xf32>
    %slice3A_100 = vector.extract_strided_slice %concatenate3A {offsets = [0, 0], sizes = [3, 1280], strides = [1, 1]} : vector<16x1280xf32> to vector<3x1280xf32>
    %sub3A = arith.subf %slice3A, %slice3A_100 : vector<3x1280xf32>
    %get3A_101 = arith.constant 0 : index
    %get3A_102 = arith.constant 0 : index
    %get3A_103 = vector.load %arg3[%get3A_101, %get3A_102] : memref<3x1280xf32, #tpu.memory_space<vmem>>, vector<3x1280xf32>
    %add3A = arith.addf %sub3A, %get3A_103 : vector<3x1280xf32>
    %mul3A = arith.mulf %add3A, %add3A : vector<3x1280xf32>
    %reduce_sum3A = arith.constant dense<0.000000e+00> : vector<1280xf32>
    %reduce_sum3A_104 = vector.multi_reduction <add>, %mul3A, %reduce_sum3A [0] : vector<3x1280xf32> to vector<1280xf32>
    %broadcast_in_dim3A = vector.shape_cast %reduce_sum3A_104 : vector<1280xf32> to vector<1x1280xf32>
    %add3A_105 = arith.constant 9.99999996E-13 : f32
    %add3A_106 = vector.broadcast %add3A_105 : f32 to vector<1x1280xf32>
    %add3A_107 = arith.addf %broadcast_in_dim3A, %add3A_106 : vector<1x1280xf32>
    %sqrt3A = math.sqrt %add3A_107 : vector<1x1280xf32>
    %div3A = arith.constant 1.000000e+00 : f32
    %div3A_108 = vector.broadcast %div3A : f32 to vector<1x1280xf32>
    %div3A_109 = arith.divf %div3A_108, %sqrt3A : vector<1x1280xf32>
    %mul3A_110 = vector.broadcast %div3A_109 : vector<1x1280xf32> to vector<3x1280xf32>
    %mul3A_111 = arith.mulf %add3A, %mul3A_110 : vector<3x1280xf32>
    %mul3A_112 = arith.constant 0.181818187 : f32
    %mul3A_113 = vector.broadcast %mul3A_112 : f32 to vector<1x1280xf32>
    %mul3A_114 = arith.mulf %sqrt3A, %mul3A_113 : vector<1x1280xf32>
    %mul3A_115 = arith.mulf %mul3A_114, %mul3A_114 : vector<1x1280xf32>
    %mul3A_116 = arith.mulf %mul3A_115, %mul3A_115 : vector<1x1280xf32>
    %mul3A_117 = arith.mulf %mul3A_116, %mul3A_115 : vector<1x1280xf32>
    %mul3A_118 = arith.mulf %mul3A_117, %mul3A_114 : vector<1x1280xf32>
    %mul3A_119 = arith.mulf %mul3A_118, %mul3A_114 : vector<1x1280xf32>
    %mul3A_120 = arith.constant 2.800000e+01 : f32
    %mul3A_121 = vector.broadcast %mul3A_120 : f32 to vector<1x1280xf32>
    %mul3A_122 = arith.mulf %mul3A_121, %mul3A_117 : vector<1x1280xf32>
    %sub3A_123 = arith.constant 1.000000e+00 : f32
    %sub3A_124 = vector.broadcast %sub3A_123 : f32 to vector<1x1280xf32>
    %sub3A_125 = arith.subf %sub3A_124, %mul3A_122 : vector<1x1280xf32>
    %mul3A_126 = arith.constant 4.800000e+01 : f32
    %mul3A_127 = vector.broadcast %mul3A_126 : f32 to vector<1x1280xf32>
    %mul3A_128 = arith.mulf %mul3A_127, %mul3A_118 : vector<1x1280xf32>
    %add3A_129 = arith.addf %sub3A_125, %mul3A_128 : vector<1x1280xf32>
    %mul3A_130 = arith.constant 2.100000e+01 : f32
    %mul3A_131 = vector.broadcast %mul3A_130 : f32 to vector<1x1280xf32>
    %mul3A_132 = arith.mulf %mul3A_131, %mul3A_119 : vector<1x1280xf32>
    %sub3A_133 = arith.subf %add3A_129, %mul3A_132 : vector<1x1280xf32>
    %lt3A = arith.constant 5.500000e+00 : f32
    %lt3A_134 = vector.broadcast %lt3A : f32 to vector<1x1280xf32>
    %lt3A_135 = arith.cmpf olt, %sqrt3A, %lt3A_134 : vector<1x1280xf32>
    %jit3A = arith.constant 0.000000e+00 : f32
    %broadcast_in_dim3A_136 = vector.broadcast %jit3A : f32 to vector<1x1280xf32>
    %select_n3A = arith.select %lt3A_135, %sub3A_133, %broadcast_in_dim3A_136 : vector<1x1280xi1>, vector<1x1280xf32>
    %mul3A_137 = arith.constant 0.603022695 : f32
    %mul3A_138 = vector.broadcast %mul3A_137 : f32 to vector<1x1280xf32>
    %mul3A_139 = arith.mulf %select_n3A, %mul3A_138 : vector<1x1280xf32>
    %mul3A_140 = arith.mulf %mul3A_139, %div3A_109 : vector<1x1280xf32>
    %iota3A = tpu.iota {dimensions = array<i32: 0>} : vector<8x1xi32>
    %add3A_141 = arith.constant 1 : i32
    %add3A_142 = vector.broadcast %add3A_141 : i32 to vector<8x1xi32>
    %add3A_143 = arith.addi %iota3A, %add3A_142 : vector<8x1xi32>
    %convert_element_type3A = arith.sitofp %add3A_143 : vector<8x1xi32> to vector<8x1xf32>
    %mul3A_144 = arith.constant 0.571198642 : f32
    %mul3A_145 = vector.broadcast %mul3A_144 : f32 to vector<1x1280xf32>
    %mul3A_146 = arith.mulf %sqrt3A, %mul3A_145 : vector<1x1280xf32>
    %dot_general3A = arith.constant dense<0.000000e+00> : vector<8x1280xf32>
    %dot_general3A_147 = tpu.matmul %convert_element_type3A, %mul3A_146, %dot_general3A {dimension_numbers = #tpu.dot_dimension_numbers<[1], [0], [0], [1], [0, 0, 1, 1], [], []>, precision = #tpu.contract_precision<fp32>, transpose_lhs_hint = false} : vector<8x1xf32>, vector<1x1280xf32>, vector<8x1280xf32> -> vector<8x1280xf32>
    %sin3A = math.sin %dot_general3A_147 : vector<8x1280xf32>
    %slice3A_148 = vector.extract_strided_slice %mul3A_111 {offsets = [0, 0], sizes = [1, 1280], strides = [1, 1]} : vector<3x1280xf32> to vector<1x1280xf32>
    %slice3A_149 = vector.extract_strided_slice %mul3A_111 {offsets = [1, 0], sizes = [1, 1280], strides = [1, 1]} : vector<3x1280xf32> to vector<1x1280xf32>
    %slice3A_150 = vector.extract_strided_slice %mul3A_111 {offsets = [2, 0], sizes = [1, 1280], strides = [1, 1]} : vector<3x1280xf32> to vector<1x1280xf32>
    %broadcast_in_dim3A_151 = arith.constant 1.000000e+00 : f32
    %broadcast_in_dim3A_152 = vector.broadcast %broadcast_in_dim3A_151 : f32 to vector<1x1280xf32>
    %slice3A_153 = vector.extract_strided_slice %concatenate3A {offsets = [3, 0], sizes = [1, 1280], strides = [1, 1]} : vector<16x1280xf32> to vector<1x1280xf32>
    %slice3A_154 = vector.extract_strided_slice %concatenate3A {offsets = [4, 0], sizes = [1, 1280], strides = [1, 1]} : vector<16x1280xf32> to vector<1x1280xf32>
    %slice3A_155 = vector.extract_strided_slice %concatenate3A_99 {offsets = [3, 0], sizes = [1, 1280], strides = [1, 1]} : vector<16x1280xf32> to vector<1x1280xf32>
    %slice3A_156 = vector.extract_strided_slice %concatenate3A_99 {offsets = [4, 0], sizes = [1, 1280], strides = [1, 1]} : vector<16x1280xf32> to vector<1x1280xf32>
    %mul3A_157 = arith.mulf %slice3A_153, %slice3A_155 : vector<1x1280xf32>
    %mul3A_158 = arith.mulf %slice3A_153, %slice3A_156 : vector<1x1280xf32>
    %mul3A_159 = arith.mulf %slice3A_154, %slice3A_155 : vector<1x1280xf32>
    %mul3A_160 = arith.mulf %slice3A_154, %slice3A_156 : vector<1x1280xf32>
    %concatenate3A_161 = tpu.concatenate %mul3A_157, %mul3A_158, %mul3A_159, %mul3A_160 in 0 : vector<1x1280xf32>, vector<1x1280xf32>, vector<1x1280xf32>, vector<1x1280xf32> -> vector<4x1280xf32>
    %mul3A_162 = vector.broadcast %mul3A_140 : vector<1x1280xf32> to vector<4x1280xf32>
    %mul3A_163 = arith.mulf %concatenate3A_161, %mul3A_162 : vector<4x1280xf32>
    %mul3A_164 = arith.mulf %slice3A_148, %slice3A_148 : vector<1x1280xf32>
    %mul3A_165 = arith.mulf %slice3A_148, %slice3A_149 : vector<1x1280xf32>
    %mul3A_166 = arith.mulf %slice3A_148, %slice3A_150 : vector<1x1280xf32>
    %mul3A_167 = arith.mulf %slice3A_149, %slice3A_149 : vector<1x1280xf32>
    %mul3A_168 = arith.mulf %slice3A_149, %slice3A_150 : vector<1x1280xf32>
    %mul3A_169 = arith.mulf %slice3A_150, %slice3A_150 : vector<1x1280xf32>
    %mul3A_170 = vector.broadcast %broadcast_in_dim3A_152 : vector<1x1280xf32> to vector<4x1280xf32>
    %mul3A_171 = arith.mulf %mul3A_170, %mul3A_163 : vector<4x1280xf32>
    %mul3A_172 = vector.broadcast %slice3A_148 : vector<1x1280xf32> to vector<4x1280xf32>
    %mul3A_173 = arith.mulf %mul3A_172, %mul3A_163 : vector<4x1280xf32>
    %mul3A_174 = vector.broadcast %slice3A_149 : vector<1x1280xf32> to vector<4x1280xf32>
    %mul3A_175 = arith.mulf %mul3A_174, %mul3A_163 : vector<4x1280xf32>
    %mul3A_176 = vector.broadcast %slice3A_150 : vector<1x1280xf32> to vector<4x1280xf32>
    %mul3A_177 = arith.mulf %mul3A_176, %mul3A_163 : vector<4x1280xf32>
    %mul3A_178 = vector.broadcast %mul3A_164 : vector<1x1280xf32> to vector<4x1280xf32>
    %mul3A_179 = arith.mulf %mul3A_178, %mul3A_163 : vector<4x1280xf32>
    %mul3A_180 = vector.broadcast %mul3A_165 : vector<1x1280xf32> to vector<4x1280xf32>
    %mul3A_181 = arith.mulf %mul3A_180, %mul3A_163 : vector<4x1280xf32>
    %mul3A_182 = vector.broadcast %mul3A_166 : vector<1x1280xf32> to vector<4x1280xf32>
    %mul3A_183 = arith.mulf %mul3A_182, %mul3A_163 : vector<4x1280xf32>
    %mul3A_184 = vector.broadcast %mul3A_167 : vector<1x1280xf32> to vector<4x1280xf32>
    %mul3A_185 = arith.mulf %mul3A_184, %mul3A_163 : vector<4x1280xf32>
    %mul3A_186 = vector.broadcast %mul3A_168 : vector<1x1280xf32> to vector<4x1280xf32>
    %mul3A_187 = arith.mulf %mul3A_186, %mul3A_163 : vector<4x1280xf32>
    %mul3A_188 = vector.broadcast %mul3A_169 : vector<1x1280xf32> to vector<4x1280xf32>
    %mul3A_189 = arith.mulf %mul3A_188, %mul3A_163 : vector<4x1280xf32>
    %concatenate3A_190 = tpu.concatenate %mul3A_171, %mul3A_173, %mul3A_175, %mul3A_177, %mul3A_179, %mul3A_181, %mul3A_183, %mul3A_185, %mul3A_187, %mul3A_189 in 0 : vector<4x1280xf32>, vector<4x1280xf32>, vector<4x1280xf32>, vector<4x1280xf32>, vector<4x1280xf32>, vector<4x1280xf32>, vector<4x1280xf32>, vector<4x1280xf32>, vector<4x1280xf32>, vector<4x1280xf32> -> vector<40x1280xf32>
    %get3A_191 = arith.constant 0 : index
    %get3A_192 = arith.constant 0 : index
    %get3A_193 = arith.constant 0 : index
    %get3A_194 = vector.load %arg4[%get3A_191, %get3A_192, %get3A_193] : memref<3x8x8xf32, #tpu.memory_space<vmem>>, vector<1x8x8xf32>
    %get3A_195 = vector.shape_cast %get3A_194 : vector<1x8x8xf32> to vector<8x8xf32>
    %get3A_196 = arith.constant 1 : index
    %get3A_197 = arith.constant 0 : index
    %get3A_198 = arith.constant 0 : index
    %get3A_199 = vector.load %arg4[%get3A_196, %get3A_197, %get3A_198] : memref<3x8x8xf32, #tpu.memory_space<vmem>>, vector<1x8x8xf32>
    %get3A_200 = vector.shape_cast %get3A_199 : vector<1x8x8xf32> to vector<8x8xf32>
    %get3A_201 = arith.constant 2 : index
    %get3A_202 = arith.constant 0 : index
    %get3A_203 = arith.constant 0 : index
    %get3A_204 = vector.load %arg4[%get3A_201, %get3A_202, %get3A_203] : memref<3x8x8xf32, #tpu.memory_space<vmem>>, vector<1x8x8xf32>
    %get3A_205 = vector.shape_cast %get3A_204 : vector<1x8x8xf32> to vector<8x8xf32>
    %concatenate3A_206 = tpu.concatenate %get3A_195, %get3A_200, %get3A_205 in 1 : vector<8x8xf32>, vector<8x8xf32>, vector<8x8xf32> -> vector<8x24xf32>
    %get3A_207 = arith.constant 0 : index
    %get3A_208 = arith.constant 0 : index
    %get3A_209 = vector.load %arg5[%get3A_207, %get3A_208] : memref<24x320xf32, #tpu.memory_space<vmem>>, vector<24x320xf32>
    %dot_general3A_210 = arith.constant dense<0.000000e+00> : vector<8x320xf32>
    %dot_general3A_211 = tpu.matmul %concatenate3A_206, %get3A_209, %dot_general3A_210 {dimension_numbers = #tpu.dot_dimension_numbers<[1], [0], [0], [1], [0, 0, 1, 1], [], []>, precision = #tpu.contract_precision<fp32>, transpose_lhs_hint = false} : vector<8x24xf32>, vector<24x320xf32>, vector<8x320xf32> -> vector<8x320xf32>
    %convert_element_type3A_212 = arith.truncf %sin3A : vector<8x1280xf32> to vector<8x1280xbf16>
    %convert_element_type3A_213 = arith.extf %convert_element_type3A_212 : vector<8x1280xbf16> to vector<8x1280xf32>
    %sub3A_214 = arith.subf %sin3A, %convert_element_type3A_213 : vector<8x1280xf32>
    %convert_element_type3A_215 = arith.truncf %dot_general3A_211 : vector<8x320xf32> to vector<8x320xbf16>
    %convert_element_type3A_216 = arith.extf %convert_element_type3A_215 : vector<8x320xbf16> to vector<8x320xf32>
    %sub3A_217 = arith.subf %dot_general3A_211, %convert_element_type3A_216 : vector<8x320xf32>
    %dot_general3A_218 = arith.constant dense<0.000000e+00> : vector<1280x320xf32>
    %dot_general3A_219 = tpu.matmul %convert_element_type3A_213, %convert_element_type3A_216, %dot_general3A_218 {dimension_numbers = #tpu.dot_dimension_numbers<[0], [0], [1], [1], [0, 1, 1, 1], [], []>, transpose_lhs_hint = false} : vector<8x1280xf32>, vector<8x320xf32>, vector<1280x320xf32> -> vector<1280x320xf32>
    %dot_general3A_220 = arith.constant dense<0.000000e+00> : vector<1280x320xf32>
    %dot_general3A_221 = tpu.matmul %convert_element_type3A_213, %sub3A_217, %dot_general3A_220 {dimension_numbers = #tpu.dot_dimension_numbers<[0], [0], [1], [1], [0, 1, 1, 1], [], []>, transpose_lhs_hint = false} : vector<8x1280xf32>, vector<8x320xf32>, vector<1280x320xf32> -> vector<1280x320xf32>
    %add3A_222 = arith.addf %dot_general3A_219, %dot_general3A_221 : vector<1280x320xf32>
    %dot_general3A_223 = arith.constant dense<0.000000e+00> : vector<1280x320xf32>
    %dot_general3A_224 = tpu.matmul %sub3A_214, %convert_element_type3A_216, %dot_general3A_223 {dimension_numbers = #tpu.dot_dimension_numbers<[0], [0], [1], [1], [0, 1, 1, 1], [], []>, transpose_lhs_hint = false} : vector<8x1280xf32>, vector<8x320xf32>, vector<1280x320xf32> -> vector<1280x320xf32>
    %add3A_225 = arith.addf %add3A_222, %dot_general3A_224 : vector<1280x320xf32>
    %convert_element_type3A_226 = arith.truncf %concatenate3A_190 : vector<40x1280xf32> to vector<40x1280xbf16>
    %convert_element_type3A_227 = arith.extf %convert_element_type3A_226 : vector<40x1280xbf16> to vector<40x1280xf32>
    %sub3A_228 = arith.subf %concatenate3A_190, %convert_element_type3A_227 : vector<40x1280xf32>
    %get3A_229 = arith.constant 0 : index
    %get3A_230 = arith.constant 0 : index
    %get3A_231 = vector.load %arg6[%get3A_229, %get3A_230] : memref<40x320xf32, #tpu.memory_space<vmem>>, vector<40x320xf32>
    %dot_general3A_232 = arith.constant dense<0.000000e+00> : vector<1280x320xf32>
    %dot_general3A_233 = tpu.matmul %convert_element_type3A_227, %get3A_231, %dot_general3A_232 {dimension_numbers = #tpu.dot_dimension_numbers<[0], [0], [1], [1], [0, 1, 1, 1], [], []>, transpose_lhs_hint = false} : vector<40x1280xf32>, vector<40x320xf32>, vector<1280x320xf32> -> vector<1280x320xf32>
    %get3A_234 = arith.constant 0 : index
    %get3A_235 = arith.constant 0 : index
    %get3A_236 = vector.load %arg6[%get3A_234, %get3A_235] : memref<40x320xf32, #tpu.memory_space<vmem>>, vector<40x320xf32>
    %dot_general3A_237 = arith.constant dense<0.000000e+00> : vector<1280x320xf32>
    %dot_general3A_238 = tpu.matmul %sub3A_228, %get3A_236, %dot_general3A_237 {dimension_numbers = #tpu.dot_dimension_numbers<[0], [0], [1], [1], [0, 1, 1, 1], [], []>, transpose_lhs_hint = false} : vector<40x1280xf32>, vector<40x320xf32>, vector<1280x320xf32> -> vector<1280x320xf32>
    %add3A_239 = arith.addf %dot_general3A_233, %dot_general3A_238 : vector<1280x320xf32>
    %mul3A_240 = arith.mulf %add3A_225, %add3A_239 : vector<1280x320xf32>
    %slice3A_241 = vector.extract_strided_slice %mul3A_240 {offsets = [0, 0], sizes = [1280, 128], strides = [1, 1]} : vector<1280x320xf32> to vector<1280x128xf32>
    %swap3A = arith.constant 0 : index
    %swap3A_242 = arith.constant 0 : index
    %swap3A_243 = vector.load %arg7[%swap3A, %swap3A_242] : memref<1280x128xf32, #tpu.memory_space<vmem>>, vector<1280x128xf32>
    tpu.vector_store %arg7[%swap3A, %swap3A_242], %slice3A_241 {strides = array<i32>} : memref<1280x128xf32, #tpu.memory_space<vmem>>, vector<1280x128xf32>,
    %slice3A_244 = vector.extract_strided_slice %mul3A_240 {offsets = [0, 128], sizes = [1280, 128], strides = [1, 1]} : vector<1280x320xf32> to vector<1280x128xf32>
    %swap3A_245 = arith.constant 0 : index
    %swap3A_246 = arith.constant 0 : index
    %swap3A_247 = vector.load %arg8[%swap3A_245, %swap3A_246] : memref<1280x128xf32, #tpu.memory_space<vmem>>, vector<1280x128xf32>
    tpu.vector_store %arg8[%swap3A_245, %swap3A_246], %slice3A_244 {strides = array<i32>} : memref<1280x128xf32, #tpu.memory_space<vmem>>, vector<1280x128xf32>,
    %slice3A_248 = vector.extract_strided_slice %mul3A_240 {offsets = [0, 256], sizes = [1280, 64], strides = [1, 1]} : vector<1280x320xf32> to vector<1280x64xf32>
    %swap3A_249 = arith.constant 0 : index
    %swap3A_250 = arith.constant 0 : index
    %swap3A_251 = vector.load %arg9[%swap3A_249, %swap3A_250] : memref<1280x128xf32, #tpu.memory_space<vmem>>, vector<1280x64xf32>
    tpu.vector_store %arg9[%swap3A_249, %swap3A_250], %slice3A_248 {strides = array<i32>} : memref<1280x128xf32, #tpu.memory_space<vmem>>, vector<1280x64xf32>,
    return
  }
  func.func @transform_0(%arg0: i32) -> (i32, i32, i32) {
    %c0_i32 = arith.constant 0 : i32
    %c0_i32_0 = arith.constant 0 : i32
    %c0_i32_1 = arith.constant 0 : i32
    return %arg0, %c0_i32, %c0_i32_0 : i32, i32, i32
  }
  func.func @transform_1(%arg0: i32) -> (i32, i32, i32) {
    %add3A = arith.constant 125 : i32
    %add3A_0 = arith.addi %add3A, %arg0 : i32
    %c0_i32 = arith.constant 0 : i32
    %c0_i32_1 = arith.constant 0 : i32
    %c0_i32_2 = arith.constant 0 : i32
    return %add3A_0, %c0_i32, %c0_i32_1 : i32, i32, i32
  }
  func.func @transform_2(%arg0: i32) -> (i32, i32) {
    %c0_i32 = arith.constant 0 : i32
    %c0_i32_0 = arith.constant 0 : i32
    return %c0_i32, %arg0 : i32, i32
  }
  func.func @transform_3(%arg0: i32) -> (i32, i32, i32) {
    %c0_i32 = arith.constant 0 : i32
    %c0_i32_0 = arith.constant 0 : i32
    %c0_i32_1 = arith.constant 0 : i32
    %c0_i32_2 = arith.constant 0 : i32
    return %c0_i32, %c0_i32_0, %c0_i32_1 : i32, i32, i32
  }
  func.func @transform_4(%arg0: i32) -> (i32, i32) {
    %c0_i32 = arith.constant 0 : i32
    %c0_i32_0 = arith.constant 0 : i32
    %c0_i32_1 = arith.constant 0 : i32
    return %c0_i32, %c0_i32_0 : i32, i32
  }
  func.func @transform_5(%arg0: i32) -> (i32, i32) {
    %c0_i32 = arith.constant 0 : i32
    %c0_i32_0 = arith.constant 0 : i32
    %c0_i32_1 = arith.constant 0 : i32
    return %c0_i32, %c0_i32_0 : i32, i32
  }
  func.func @transform_6(%arg0: i32) -> (i32, i32) {
    %c0_i32 = arith.constant 0 : i32
    %c0_i32_0 = arith.constant 0 : i32
    return %arg0, %c0_i32 : i32, i32
  }
  func.func @transform_7(%arg0: i32) -> (i32, i32) {
    %c0_i32 = arith.constant 0 : i32
    %c0_i32_0 = arith.constant 0 : i32
    return %arg0, %c0_i32 : i32, i32
  }
  func.func @transform_8(%arg0: i32) -> (i32, i32) {
    %c0_i32 = arith.constant 0 : i32
    %c0_i32_0 = arith.constant 0 : i32
    return %arg0, %c0_i32 : i32, i32
  }
}

module attributes {stable_mosaic.version = 14 : i64} {
  func.func @_sym_body(%arg0: i32, %arg1: memref<2x400x160xf32, #tpu.memory_space<vmem>>, %arg2: memref<400x96xf32, #tpu.memory_space<vmem>>) attributes {dimension_semantics = [#tpu.dimension_semantics<arbitrary>], iteration_bounds = array<i64: 25>, scalar_prefetch = 0 : i64, scratch_operands = 0 : i64, tpu.core_type = #tpu.core_type<tc>, window_params = [{transform_indices = @transform_0, window_bounds = array<i64: 2, 400, 160>}, {transform_indices = @transform_1, window_bounds = array<i64: 400, 96>}]} {
    %get3A = arith.constant 0 : index
    %get3A_0 = arith.constant 0 : index
    %get3A_1 = arith.constant 0 : index
    %get3A_2 = vector.load %arg1[%get3A, %get3A_0, %get3A_1] : memref<2x400x160xf32, #tpu.memory_space<vmem>>, vector<1x400x160xf32>
    %get3A_3 = vector.shape_cast %get3A_2 : vector<1x400x160xf32> to vector<400x160xf32>
    %get3A_4 = arith.constant 1 : index
    %get3A_5 = arith.constant 0 : index
    %get3A_6 = arith.constant 0 : index
    %get3A_7 = vector.load %arg1[%get3A_4, %get3A_5, %get3A_6] : memref<2x400x160xf32, #tpu.memory_space<vmem>>, vector<1x400x160xf32>
    %get3A_8 = vector.shape_cast %get3A_7 : vector<1x400x160xf32> to vector<400x160xf32>
    %slice3A = vector.extract_strided_slice %get3A_3 {offsets = [0, 0], sizes = [400, 32], strides = [1, 1]} : vector<400x160xf32> to vector<400x32xf32>
    %slice3A_9 = vector.extract_strided_slice %get3A_3 {offsets = [0, 32], sizes = [400, 32], strides = [1, 1]} : vector<400x160xf32> to vector<400x32xf32>
    %slice3A_10 = vector.extract_strided_slice %get3A_3 {offsets = [0, 32], sizes = [400, 32], strides = [1, 1]} : vector<400x160xf32> to vector<400x32xf32>
    %mul3A = arith.mulf %slice3A_9, %slice3A_10 : vector<400x32xf32>
    %slice3A_11 = vector.extract_strided_slice %get3A_3 {offsets = [0, 64], sizes = [400, 32], strides = [1, 1]} : vector<400x160xf32> to vector<400x32xf32>
    %slice3A_12 = vector.extract_strided_slice %get3A_3 {offsets = [0, 64], sizes = [400, 32], strides = [1, 1]} : vector<400x160xf32> to vector<400x32xf32>
    %mul3A_13 = arith.mulf %slice3A_11, %slice3A_12 : vector<400x32xf32>
    %add3A = arith.addf %mul3A, %mul3A_13 : vector<400x32xf32>
    %slice3A_14 = vector.extract_strided_slice %get3A_3 {offsets = [0, 96], sizes = [400, 32], strides = [1, 1]} : vector<400x160xf32> to vector<400x32xf32>
    %slice3A_15 = vector.extract_strided_slice %get3A_3 {offsets = [0, 96], sizes = [400, 32], strides = [1, 1]} : vector<400x160xf32> to vector<400x32xf32>
    %mul3A_16 = arith.mulf %slice3A_14, %slice3A_15 : vector<400x32xf32>
    %add3A_17 = arith.addf %add3A, %mul3A_16 : vector<400x32xf32>
    %slice3A_18 = vector.extract_strided_slice %get3A_3 {offsets = [0, 128], sizes = [400, 32], strides = [1, 1]} : vector<400x160xf32> to vector<400x32xf32>
    %mul3A_19 = arith.constant 1.000000e+00 : f32
    %mul3A_20 = vector.broadcast %mul3A_19 : f32 to vector<400x32xf32>
    %mul3A_21 = arith.mulf %mul3A_20, %slice3A_18 : vector<400x32xf32>
    %mul3A_22 = arith.mulf %mul3A_21, %slice3A_18 : vector<400x32xf32>
    %slice3A_23 = vector.extract_strided_slice %get3A_8 {offsets = [0, 0], sizes = [400, 32], strides = [1, 1]} : vector<400x160xf32> to vector<400x32xf32>
    %mul3A_24 = arith.constant 2.000000e+00 : f32
    %mul3A_25 = vector.broadcast %mul3A_24 : f32 to vector<400x32xf32>
    %mul3A_26 = arith.mulf %mul3A_25, %slice3A_23 : vector<400x32xf32>
    %mul3A_27 = arith.mulf %mul3A_26, %slice3A_23 : vector<400x32xf32>
    %add3A_28 = arith.addf %mul3A_22, %mul3A_27 : vector<400x32xf32>
    %slice3A_29 = vector.extract_strided_slice %get3A_8 {offsets = [0, 32], sizes = [400, 32], strides = [1, 1]} : vector<400x160xf32> to vector<400x32xf32>
    %mul3A_30 = arith.constant 2.000000e+00 : f32
    %mul3A_31 = vector.broadcast %mul3A_30 : f32 to vector<400x32xf32>
    %mul3A_32 = arith.mulf %mul3A_31, %slice3A_29 : vector<400x32xf32>
    %mul3A_33 = arith.mulf %mul3A_32, %slice3A_29 : vector<400x32xf32>
    %add3A_34 = arith.addf %add3A_28, %mul3A_33 : vector<400x32xf32>
    %slice3A_35 = vector.extract_strided_slice %get3A_8 {offsets = [0, 64], sizes = [400, 32], strides = [1, 1]} : vector<400x160xf32> to vector<400x32xf32>
    %mul3A_36 = arith.constant 1.000000e+00 : f32
    %mul3A_37 = vector.broadcast %mul3A_36 : f32 to vector<400x32xf32>
    %mul3A_38 = arith.mulf %mul3A_37, %slice3A_35 : vector<400x32xf32>
    %mul3A_39 = arith.mulf %mul3A_38, %slice3A_35 : vector<400x32xf32>
    %add3A_40 = arith.addf %add3A_34, %mul3A_39 : vector<400x32xf32>
    %slice3A_41 = vector.extract_strided_slice %get3A_8 {offsets = [0, 96], sizes = [400, 32], strides = [1, 1]} : vector<400x160xf32> to vector<400x32xf32>
    %mul3A_42 = arith.constant 2.000000e+00 : f32
    %mul3A_43 = vector.broadcast %mul3A_42 : f32 to vector<400x32xf32>
    %mul3A_44 = arith.mulf %mul3A_43, %slice3A_41 : vector<400x32xf32>
    %mul3A_45 = arith.mulf %mul3A_44, %slice3A_41 : vector<400x32xf32>
    %add3A_46 = arith.addf %add3A_40, %mul3A_45 : vector<400x32xf32>
    %slice3A_47 = vector.extract_strided_slice %get3A_8 {offsets = [0, 128], sizes = [400, 32], strides = [1, 1]} : vector<400x160xf32> to vector<400x32xf32>
    %mul3A_48 = arith.constant 1.000000e+00 : f32
    %mul3A_49 = vector.broadcast %mul3A_48 : f32 to vector<400x32xf32>
    %mul3A_50 = arith.mulf %mul3A_49, %slice3A_47 : vector<400x32xf32>
    %mul3A_51 = arith.mulf %mul3A_50, %slice3A_47 : vector<400x32xf32>
    %add3A_52 = arith.addf %add3A_46, %mul3A_51 : vector<400x32xf32>
    %slice3A_53 = vector.extract_strided_slice %slice3A {offsets = [0, 0], sizes = [400, 4], strides = [1, 1]} : vector<400x32xf32> to vector<400x4xf32>
    %slice3A_54 = vector.extract_strided_slice %add3A_17 {offsets = [0, 0], sizes = [400, 4], strides = [1, 1]} : vector<400x32xf32> to vector<400x4xf32>
    %slice3A_55 = vector.extract_strided_slice %add3A_52 {offsets = [0, 0], sizes = [400, 4], strides = [1, 1]} : vector<400x32xf32> to vector<400x4xf32>
    %slice3A_56 = vector.extract_strided_slice %slice3A {offsets = [0, 4], sizes = [400, 4], strides = [1, 1]} : vector<400x32xf32> to vector<400x4xf32>
    %slice3A_57 = vector.extract_strided_slice %add3A_17 {offsets = [0, 4], sizes = [400, 4], strides = [1, 1]} : vector<400x32xf32> to vector<400x4xf32>
    %slice3A_58 = vector.extract_strided_slice %add3A_52 {offsets = [0, 4], sizes = [400, 4], strides = [1, 1]} : vector<400x32xf32> to vector<400x4xf32>
    %slice3A_59 = vector.extract_strided_slice %slice3A {offsets = [0, 8], sizes = [400, 4], strides = [1, 1]} : vector<400x32xf32> to vector<400x4xf32>
    %slice3A_60 = vector.extract_strided_slice %add3A_17 {offsets = [0, 8], sizes = [400, 4], strides = [1, 1]} : vector<400x32xf32> to vector<400x4xf32>
    %slice3A_61 = vector.extract_strided_slice %add3A_52 {offsets = [0, 8], sizes = [400, 4], strides = [1, 1]} : vector<400x32xf32> to vector<400x4xf32>
    %slice3A_62 = vector.extract_strided_slice %slice3A {offsets = [0, 12], sizes = [400, 4], strides = [1, 1]} : vector<400x32xf32> to vector<400x4xf32>
    %slice3A_63 = vector.extract_strided_slice %add3A_17 {offsets = [0, 12], sizes = [400, 4], strides = [1, 1]} : vector<400x32xf32> to vector<400x4xf32>
    %slice3A_64 = vector.extract_strided_slice %add3A_52 {offsets = [0, 12], sizes = [400, 4], strides = [1, 1]} : vector<400x32xf32> to vector<400x4xf32>
    %slice3A_65 = vector.extract_strided_slice %slice3A {offsets = [0, 16], sizes = [400, 4], strides = [1, 1]} : vector<400x32xf32> to vector<400x4xf32>
    %slice3A_66 = vector.extract_strided_slice %add3A_17 {offsets = [0, 16], sizes = [400, 4], strides = [1, 1]} : vector<400x32xf32> to vector<400x4xf32>
    %slice3A_67 = vector.extract_strided_slice %add3A_52 {offsets = [0, 16], sizes = [400, 4], strides = [1, 1]} : vector<400x32xf32> to vector<400x4xf32>
    %slice3A_68 = vector.extract_strided_slice %slice3A {offsets = [0, 20], sizes = [400, 4], strides = [1, 1]} : vector<400x32xf32> to vector<400x4xf32>
    %slice3A_69 = vector.extract_strided_slice %add3A_17 {offsets = [0, 20], sizes = [400, 4], strides = [1, 1]} : vector<400x32xf32> to vector<400x4xf32>
    %slice3A_70 = vector.extract_strided_slice %add3A_52 {offsets = [0, 20], sizes = [400, 4], strides = [1, 1]} : vector<400x32xf32> to vector<400x4xf32>
    %slice3A_71 = vector.extract_strided_slice %slice3A {offsets = [0, 24], sizes = [400, 4], strides = [1, 1]} : vector<400x32xf32> to vector<400x4xf32>
    %slice3A_72 = vector.extract_strided_slice %add3A_17 {offsets = [0, 24], sizes = [400, 4], strides = [1, 1]} : vector<400x32xf32> to vector<400x4xf32>
    %slice3A_73 = vector.extract_strided_slice %add3A_52 {offsets = [0, 24], sizes = [400, 4], strides = [1, 1]} : vector<400x32xf32> to vector<400x4xf32>
    %slice3A_74 = vector.extract_strided_slice %slice3A {offsets = [0, 28], sizes = [400, 4], strides = [1, 1]} : vector<400x32xf32> to vector<400x4xf32>
    %slice3A_75 = vector.extract_strided_slice %add3A_17 {offsets = [0, 28], sizes = [400, 4], strides = [1, 1]} : vector<400x32xf32> to vector<400x4xf32>
    %slice3A_76 = vector.extract_strided_slice %add3A_52 {offsets = [0, 28], sizes = [400, 4], strides = [1, 1]} : vector<400x32xf32> to vector<400x4xf32>
    %concatenate3A = tpu.concatenate %slice3A_53, %slice3A_54, %slice3A_55, %slice3A_56, %slice3A_57, %slice3A_58, %slice3A_59, %slice3A_60, %slice3A_61, %slice3A_62, %slice3A_63, %slice3A_64, %slice3A_65, %slice3A_66, %slice3A_67, %slice3A_68, %slice3A_69, %slice3A_70, %slice3A_71, %slice3A_72, %slice3A_73, %slice3A_74, %slice3A_75, %slice3A_76 in 1 : vector<400x4xf32>, vector<400x4xf32>, vector<400x4xf32>, vector<400x4xf32>, vector<400x4xf32>, vector<400x4xf32>, vector<400x4xf32>, vector<400x4xf32>, vector<400x4xf32>, vector<400x4xf32>, vector<400x4xf32>, vector<400x4xf32>, vector<400x4xf32>, vector<400x4xf32>, vector<400x4xf32>, vector<400x4xf32>, vector<400x4xf32>, vector<400x4xf32>, vector<400x4xf32>, vector<400x4xf32>, vector<400x4xf32>, vector<400x4xf32>, vector<400x4xf32>, vector<400x4xf32> -> vector<400x96xf32>
    %swap3A = arith.constant 0 : index
    %swap3A_77 = arith.constant 0 : index
    %swap3A_78 = vector.load %arg2[%swap3A, %swap3A_77] : memref<400x96xf32, #tpu.memory_space<vmem>>, vector<400x96xf32>
    tpu.vector_store %arg2[%swap3A, %swap3A_77], %concatenate3A {strides = array<i32>} : memref<400x96xf32, #tpu.memory_space<vmem>>, vector<400x96xf32>,
    return
  }
  func.func @transform_0(%arg0: i32) -> (i32, i32, i32) {
    %c0_i32 = arith.constant 0 : i32
    %c0_i32_0 = arith.constant 0 : i32
    %c0_i32_1 = arith.constant 0 : i32
    return %c0_i32, %arg0, %c0_i32_0 : i32, i32, i32
  }
  func.func @transform_1(%arg0: i32) -> (i32, i32) {
    %c0_i32 = arith.constant 0 : i32
    %c0_i32_0 = arith.constant 0 : i32
    return %arg0, %c0_i32 : i32, i32
  }
}

</mosaic_0001>

<sc_bundles>
// kernel: kernel.10.cloned.1.call-start
scs
__scs_entry_jumppad:
0x0: {  	(pc) =	sbr.rel $0x88, $3  }
0x1: {  	(tag) =	ssettag $0x0;
	lr =	simm.s32 $0x1  }
0x2: {  	[smem:$0x3F9B] =	sst lr;
	_ =	strace $0xD0000000  }
0x3: {  	_ = 	snop  }
0x4: {  	_ = 	snop  }
0x5: {  	_ = 	snop  }
0x6: {  	_ = 	snop  }
0x7: {  	_ = 	snop  }
__scs_overlays_trampoline_lowered:
0x8: {  	[smem:$0x3FAA] =	sst s0  }
0x9: {  	[smem:$0x3FAB] =	sst s1  }
0xa: {  	[smem:$0x3FAC] =	sst s2  }
0xb: {  	[smem:$0x3FAD] =	sst s3  }
0xc: {  	[smem:$0x3FAE] =	sst s4  }
0xd: {  	[smem:$0x3FAF] =	sst s5  }
0xe: {  	[smem:$0x3FB0] =	sst s6  }
0xf: {  	[smem:$0x3FB1] =	sst s7  }
0x10: {  	[smem:$0x3FB2] =	sst s8  }
0x11: {  	[smem:$0x3FB3] =	sst s9;
	s0 =	simm.s32 @!p0 $0x0  }
0x12: {  	s1 =	sld [smem:$0x3F99];
	s0 =	simm.s32 @p0 $0x1  }
0x13: {  	[smem:$0x3FB4] =	sst s0;
	s0 =	simm.s32 @!p1 $0x0  }
0x14: {  	s2 =	sld [smem:$0x3F98];
	s0 =	simm.s32 @p1 $0x1  }
0x15: {  	[smem:$0x3FB5] =	sst s0;
	s0 =	simm.s32 @!p2 $0x0  }
0x16: {  	s3 =	sld [smem:$0x3FDB];
	s0 =	simm.s32 @p2 $0x1  }
0x17: {  	s4 =	simm.s32 $0x1BF5;
	[smem:$0x3FB7] =	sst s0  }
0x18: {  	s0 =	sld [smem:$0x3F9A];
	_ =	swait.ge [sflag:s4], $0x0  }
0x19: {  	s7 =	sld [smem:$0x3F9B]  }
0x1a: {  	s8 =	sadd.s32 $0xFFFFE003, lr  }
0x1b: {  	s9 =	sadd.s32 $0xFFFFFEF7, lr;
	s5 =	simm.s32 $0xFFFFFFFF;
	p2 =	slt.u32 s8, $0xFFFFF086  }
0x1c: {  	p1 =	slt.u32 s9, $0xF7A;
	s5 =	simm.s32 @!p2 $0x0  }
0x1d: {  	s5 =	simm.s32 @p1 $0x1;
	p0 =	seq.s32 s7, s2  }
0x1e: {  	s7 =	smul.u32 @!p0 $0xF7A, s2;
	p2 =	seq.s32 @!p0 s5, $0x0  }
0x1f: {  	s9 =	smul.u32 $0xF7A, s1;
	s8 =	simm.s32 @!p0 $0x1BF5;
	p2 =	por !p2, p0  }
0x20: {  	[sflag:s8] =	ssyncset.s32 @!p0 $0xFFFFF086;
	s6 =	sadd.s32 @!p0 s3, s7;
	s7 =	simm.s32 @!p0 $0x108  }
0x21: {  	s3 =	sadd.s32 s3, s9;
	s6 =	sadd.s32 @!p0 $0x88, s6;
	s7 =	simm.s32 @p2 $0x1082  }
0x22: {  	[simem:s7], [sflag:s8] =	dma.local @!p0 [hbm:s6], $0xF7A  }
0x23: {  	s9 =	sor.u32 $0xD0000000, s2;
	s6 =	simm.s32 $0x108;
	_ =	swait.ge @!p0 [sflag:s8], $0x0  }
0x24: {  	s3 =	sadd.s32 $0x88, s3;
	s6 =	simm.s32 @!p1 $0x1082;
	[sflag:s4] =	ssyncset.s32 $0xFFFFF086  }
0x25: {  	[simem:s6], [sflag:s4] =	dma.local [hbm:s3], $0xF7A  }
0x26: {  	[smem:$0x3F9B] =	sst s1;
	(tag) =	ssettag s2;
	_ =	strace s9  }
0x27: {  	s1 =	sld [smem:$0x3FAB]  }
0x28: {  	s2 =	sld [smem:$0x3FAC]  }
0x29: {  	s4 =	sld [smem:$0x3FAE]  }
0x2a: {  	p0 =	seq.s32 s5, $0x0;
	s5 =	sld [smem:$0x3FAF]  }
0x2b: {  	s6 =	sld [smem:$0x3FB0]  }
0x2c: {  	s7 =	sld [smem:$0x3FB1]  }
0x2d: {  	s3 =	simm.s32 $0x108;
	s8 =	sld [smem:$0x3FB2]  }
0x2e: {  	s3 =	simm.s32 @!p0 $0x1082;
	s9 =	sld [smem:$0x3FB3]  }
0x2f: {  	lr =	sadd.s32 s0, s3;
	s0 =	sld [smem:$0x3FAA]  }
0x30: {  	s3 =	sld [smem:$0x3FAD]  }
0x31: {  	[smem:$0x3FB6] =	sst s10  }
0x32: {  	s10 =	sld [smem:$0x3FB4];
	_ =	sdelay $0x3  }
0x33: {  	p0 =	seq.s32 s10, $0x1;
	s10 =	sld [smem:$0x3FB6];
	_ =	sdelay $0x3  }
0x34: {  	[smem:$0x3FB6] =	sst s10  }
0x35: {  	s10 =	sld [smem:$0x3FB5];
	_ =	sdelay $0x3  }
0x36: {  	p1 =	seq.s32 s10, $0x1;
	s10 =	sld [smem:$0x3FB6];
	_ =	sdelay $0x3  }
0x37: {  	[smem:$0x3FB6] =	sst s10  }
0x38: {  	s10 =	sld [smem:$0x3FB7]  }
0x39: {  	_ = 	snop;
	(pc) =	sbr.ind lr, $3  }
0x3a: {  	_ = 	snop  }
0x3b: {  	_ = 	snop  }
0x3c: {  	p2 =	seq.s32 s10, $0x1;
	s10 =	sld [smem:$0x3FB6]  }
0x3d: {  	_ =	shalt  }
0x3e: {  	_ =	shalt  }
0x3f: {  	_ =	shalt  }
0x40: {  	_ =	shalt  }
0x41: {  	_ =	shalt  }
0x42: {  	_ =	shalt  }
0x43: {  	_ =	shalt  }
0x44: {  	_ =	shalt  }
0x45: {  	_ =	shalt  }
0x46: {  	_ =	shalt  }
0x47: {  	_ =	shalt  }
0x48: {  	_ =	shalt  }
0x49: {  	_ =	shalt  }
0x4a: {  	_ =	shalt  }
0x4b: {  	_ =	shalt  }
0x4c: {  	_ =	shalt  }
0x4d: {  	_ =	shalt  }
0x4e: {  	_ =	shalt  }
0x4f: {  	_ =	shalt  }
0x50: {  	_ =	shalt  }
0x51: {  	_ =	shalt  }
0x52: {  	_ =	shalt  }
0x53: {  	_ =	shalt  }
0x54: {  	_ =	shalt  }
0x55: {  	_ =	shalt  }
0x56: {  	_ =	shalt  }
0x57: {  	_ =	shalt  }
0x58: {  	_ =	shalt  }
0x59: {  	_ =	shalt  }
0x5a: {  	_ =	shalt  }
0x5b: {  	_ =	shalt  }
0x5c: {  	_ =	shalt  }
0x5d: {  	_ =	shalt  }
0x5e: {  	_ =	shalt  }
0x5f: {  	_ =	shalt  }
0x60: {  	_ =	shalt  }
0x61: {  	_ =	shalt  }
0x62: {  	_ =	shalt  }
0x63: {  	_ =	shalt  }
0x64: {  	_ =	shalt  }
0x65: {  	_ =	shalt  }
0x66: {  	_ =	shalt  }
0x67: {  	_ =	shalt  }
0x68: {  	_ =	shalt  }
0x69: {  	_ =	shalt  }
0x6a: {  	_ =	shalt  }
0x6b: {  	_ =	shalt  }
0x6c: {  	_ =	shalt  }
0x6d: {  	_ =	shalt  }
0x6e: {  	_ =	shalt  }
0x6f: {  	_ =	shalt  }
0x70: {  	_ =	shalt  }
0x71: {  	_ =	shalt  }
0x72: {  	_ =	shalt  }
0x73: {  	_ =	shalt  }
0x74: {  	_ =	shalt  }
0x75: {  	_ =	shalt  }
0x76: {  	_ =	shalt  }
0x77: {  	_ =	shalt  }
0x78: {  	_ =	shalt  }
0x79: {  	_ =	shalt  }
0x7a: {  	_ =	shalt  }
0x7b: {  	_ =	shalt  }
0x7c: {  	_ =	shalt  }
0x7d: {  	_ =	shalt  }
0x7e: {  	_ =	shalt  }
0x7f: {  	_ =	shalt  }
0x80: {  	_ =	shalt  }
0x81: {  	_ =	shalt  }
0x82: {  	_ =	shalt  }
0x83: {  	_ =	shalt  }
0x84: {  	_ =	shalt  }
0x85: {  	_ =	shalt  }
0x86: {  	_ =	shalt  }
0x87: {  	_ =	shalt  }
.Lfunc_end0:
.L_simem_size_0:
called_computation.1_lowered:
.L_overlay_start_0:
0x88: {  	s2 =	sld [smem:$0x3FD9]  }
0x89: {  	s3 =	sld [smem:$0x3FFE];
	_ =	sdelay $0x1  }
0x8a: {  	s1 =	srdreg.scid  }
0x8b: {  	s0 =	sand.u32 $0x1, s1  }
0x8c: {  	s17 =	sshll.u32 s0, $0xA;
	s2 =	sadd.s32 s3, s2  }
0x8d: {  	s2 =	sadd.s32 s2, s17  }
0x8e: {  	[smem:$0x3FC2] =	sst s2  }
0x8f: {  	_ = 	snop  }
0x90: {  	s2 =	sld [smem:$0x3FD0];
	(tm) =	ssettm $0x1  }
0x91: {  	s18 =	sld [smem:$0x3FFB];
	_ =	sdelay $0x3  }
0x92: {  	_ =	strace s18  }
0x93: {  	s3 =	sld [smem:$0x3FFC];
	_ =	sdelay $0x3  }
0x94: {  	_ =	strace s3  }
0x95: {  	s3 =	sld [smem:$0x3FFD];
	_ =	sdelay $0x3  }
0x96: {  	_ =	strace s3  }
0x97: {  	_ =	strace $0x8FFFFFFF  }
0x98: {  	s19 =	sld [smem:$0x3FDB];
	_ =	sdelay $0x1  }
0x99: {  	s4 =	simm.s32 $_scs_section_size  }
0x9a: {  	s5 =	simm.s32 $_size__tile_overlayer_lowered;
	s6 =	simm.s32 $_tile_overlayer_lowered  }
0x9b: {  	s22 =	simm.s32 $0x1BFF;
	s21 =	sshll.u32 s6, $0x1;
	s3 =	sadd.s32 s4, s19  }
0x9c: {  	s7 =	simm.s32 $0x0;
	s20 =	sshll.u32 s5, $0x1;
	s5 =	sadd.s32 s21, s3  }
0x9d: {  	[timem:s7], [sflag:s22] =	dma.local [hbm:s5], s20  }
0x9e: {  	_ =	swait.ge [sflag:s22], s20  }
0x9f: {  	s4 =	ssub.s32 $0x0, s20;
	[sflag:s22] =	ssyncset.done $0x0  }
0xa0: {  	[sflag:s22] =	ssyncadd.s32 s4;
	_ =	sdelay $0x1  }
0xa1: {  	s23 =	simm.s32 $0x1B8B  }
0xa2: {  	_ =	swait.ge [sflag:s23], $0x1  }
0xa3: {  	[sflag:s23] =	ssyncset.done $0x0  }
0xa4: {  	s25 =	simm.s32 $0x1B8E;
	s24 =	sld [smem:$0x3FFE];
	[sflag:s23] =	ssyncadd.s32 $0xFFFFFFFF  }
0xa5: {  	s26 =	simm.s32 $execute0_lowered;
	[smem:$0x3FD2] =	sst s25  }
0xa6: {  	s5 =	sshll.u32 s26, $0x1;
	_ =	strace $0x80000049;
	[dreg:$0x1] =	wrdreg $0xFFFFFFFF  }
0xa7: {  	s28 =	simm.s32 $_size_execute0_lowered;
	s3 =	sadd.s32 s3, s5;
	[dreg:$0x0] =	wrdreg $0x0  }
0xa8: {  	s5 =	sshll.u32 s28, $0x1;
	[dreg:$0x2] =	wrdreg s3  }
0xa9: {  	[dreg:$0x3] =	wrdreg s5  }
0xaa: {  	[dreg:$0x4] =	wrdreg $0xC0  }
0xab: {  	_ =	task [dreg:s7], $0x5FFFF  }
0xac: {  	[dreg:$0x1] =	wrdreg $0xFFFFFFFF  }
0xad: {  	[dreg:$0x0] =	wrdreg $0x60  }
0xae: {  	[dreg:$0x2] =	wrdreg s24  }
0xaf: {  	[dreg:$0x3] =	wrdreg s2  }
0xb0: {  	[dreg:$0x4] =	wrdreg $0x50800  }
0xb1: {  	[dreg:$0x5] =	wrdreg $0x9  }
0xb2: {  	_ =	task.clear_ibuf [dreg:s7], $0x6FFFF;
	_ =	strace $0x90000049  }
0xb3: {  	s29 =	simm.s32 $0x9;
	_ =	strace $0x8000004B  }
0xb4: {  	_ =	swait.ge [sflag:s29], $0x1  }
0xb5: {  	[sflag:s29] =	ssyncadd.s32 $0xFFFFFFFF  }
0xb6: {  	_ =	strace $0x9000004B  }
0xb7: {  	_ =	sfence  }
0xb8: {  	s30 =	sld [smem:$0x0];
	_ =	sdelay $0x2  }
0xb9: {  	s31 =	sshll.u32 s1, $0xD;
	s1 =	sshrl.u32 s1, $0x2  }
0xba: {  	s3 =	sand.u32 $0x4000, s31;
	s1 =	sadd.s32 s1, s30  }
0xbb: {  	s0 =	sor.u32 s3, s0;
	s1 =	sshll.u32 s1, $0x11  }
0xbc: {  	s0 =	sor.u32 s1, s0  }
0xbd: {  	s0 =	sadd.s32 $0x8F2B, s0  }
0xbe: {  	[sflag:s0] =	ssyncadd.remote.s32 $0x1  }
0xbf: {  	_ =	sfence.sel $0xFFFF  }
0xc0: {  	[dreg:$0x0] =	wrdreg $0xFFFFFFFF;
	(pc) =	sbr.abs _section_cstart, $3  }
0xc1: {  	[dreg:$0x1] =	wrdreg $0xFFFFFFFF  }
0xc2: {  	_ =	task.clear_ibuf [dreg:s7], $0x2FFFF;
	_ =	strace $0x9FFFFFFF  }
0xc3: {  	(tm) =	ssettm $0x7FFFFFFF  }
tec
execute0_lowered:
.L_overlay_start_1:
0x0: {  	(tag) =	ssettag $0x1  }
0x1: {  	s10 =	rddreg [dreg:$0x0]  }
0x2: {  	s2 =	rddreg [dreg:$0x1]  }
0x3: {  	s3 =	rddreg [dreg:$0x2]  }
0x4: {  	s0 =	rddreg [dreg:$0x3];
	s5 =	srdreg.scid  }
0x5: {  	s1 =	stileid.u32;
	s4 =	simm.s32 $0x0;
	s16 =	simm.s32 $0x80  }
0x6: {  	s17 =	simm.s32 $0x0;
	s11 =	sand.u32 $0x1, s5;
	s9 =	smul.u32 $0x186A0, s1  }
0x7: {  	[smem:$0x7FF] =	sst s4;
	s5 =	sadd.s32 $0xA7800, s10;
	s6 =	sadd.s32 $0x318800, s10  }
0x8: {  	s7 =	sadd.s32 $0x589800, s10;
	s15 =	sshll.u32 s1, $0x6;
	s8 =	smul.u32 $0x186A00, s11  }
0x9: {  	_ =	strace $0x8000004A;
	s13 =	ssub.s32 $0x2, s11;
	p0 =	seq.s32 s11, $0x1  }
.Ltmp0:
0xa: {  	s14 =	sshrl.u32 s13, $0x1;
	s31 =	sadd.s32 s9, s3;
	(pc) =	sbr.rel .LBB2_1-.Ltmp0, $4  }
0xb: {  	s12 =	sadd.s32 s9, s8;
	s8 =	sadd.s32 $0xA2800, s10;
	s13 =	ssub.s32 s13, s14  }
0xc: {  	s9 =	sor.u32 $0x1C01, s15;
	s14 =	simm.s32 $0x1;
	s12 =	sshrl.u32 s12, $0x3  }
0xd: {  	s15 =	simm.s32 $0x2;
	s12 =	sadd.s32 s12, s10;
	s10 =	sadd.s32 $0x318804, s10  }
0xe: {  	s11 =	sadd.s32 $0x1400, s12;
	s12 =	smax.u32 s13, $0x1;
	s13 =	sshrl.u32 s31, $0x3  }
.LBB2_16:
0xf: {  	s17 =	sadd.s32 $0x1, s17  }
0x10: {  	p1 =	sne.s32 s17, s12  }
.Ltmp1:
0x11: {  	[bflag:$0x0] =	sbarrier.arrive $0xFFFF;
	(pc) =	sbr.rel @!p1 .LBB2_17-.Ltmp1, $4  }
0x12: {  	[hbm:s11], [sflag:s9] =	dma.local [spmem:s13], $0x30D4  }
0x13: {  	_ =	swait.ge [sflag:s14], $0x30D4  }
0x14: {  	[sflag:s14] =	ssyncset.done $0x0  }
0x15: {  	[sflag:s14] =	ssyncadd.s32 $0xFFFFCF2C  }
.LBB2_1:
0x16: {  	[spmem:s13], [sflag:s9] =	dma.local [hbm:s2], $0x30D4  }
.Ltmp2:
0x17: {  	_ =	swait.ge [sflag:s14], $0x30D4;
	(pc) =	sbr.rel .LBB2_2-.Ltmp2, $4  }
0x18: {  	[sflag:s14] =	ssyncset.done $0x0  }
0x19: {  	[sflag:s14] =	ssyncadd.s32 $0xFFFFCF2C  }
0x1a: {  	[bflag:$0x0] =	sbarrier.arrive $0xFFFF  }
0x1b: {  	s18 =	simm.s32 $0x0  }
.LBB2_8:
0x1c: {  	[tilespmem:s20], [sflag:$0x2] =	stream.linear.gather [hbm4b:s23+s4], $0x20, $0x38;
	[tilespmem:$0x1D720] =	vst v63  }
0x1d: {  	_ =	swait.ge [sflag:s15], $0x1000  }
0x1e: {  	[sflag:s15] =	ssyncset.done $0x0  }
0x1f: {  	[sflag:s15] =	ssyncadd.s32 $0xFFFFF000  }
.LBB2_14:
0x20: {  	[spmem:s3] =	stream.indirect.scatter.add.f32 [tilespmem:s16], [sflag:$0x1], $0xA0, s4, s16, $0xb8;
	[tilespmem:$0x1D720] =	vst v63  }
0x21: {  	_ =	swait.ge [sflag:s14], $0x5000  }
0x22: {  	[sflag:s14] =	ssyncset.done $0x0  }
0x23: {  	[sflag:s14] =	ssyncadd.s32 $0xFFFFB000  }
.LBB2_15:
0x24: {  	s18 =	sadd.s32 $0x1, s18  }
0x25: {  	p1 =	sne.s32 s18, $0x4F  }
.Ltmp3:
0x26: {  	_ = 	snop;
	(pc) =	sbr.rel @!p1 .LBB2_16-.Ltmp3, $1  }
0x27: {  	_ =	sdelay $0x3  }
.LBB2_2:
0x28: {  	s19 =	sshll.u32 s18, $0x4  }
0x29: {  	s19 =	sor.u32 s1, s19  }
0x2a: {  	p1 =	sgt.u32 s19, $0x4E1  }
.Ltmp4:
0x2b: {  	_ = 	snop;
	(pc) =	sbr.rel @p1 .LBB2_15-.Ltmp4, $1  }
0x2c: {  	_ =	sdelay $0x3  }
0x2d: {  	s20 =	sshll.u32 s19, $0x4  }
.Ltmp5:
0x2e: {  	s20 =	sadd.s32 s8, s20;
	(pc) =	sbr.rel @!p0 .LBB2_4-.Ltmp5, $4  }
0x2f: {  	[tilespmem:s4], [sflag:$0x2] =	stream.linear.gather [hbm4b:s20+s4], $0x80, $0x38;
	[tilespmem:$0x1D720] =	vst v63  }
0x30: {  	_ =	swait.ge [sflag:s15], $0x80  }
0x31: {  	[sflag:s15] =	ssyncset.done $0x0  }
0x32: {  	s19 =	sshll.u32 s19, $0xB;
	[sflag:s15] =	ssyncadd.s32 $0xFFFFFF80  }
0x33: {  	s20 =	sadd.s32 s19, s10;
	s21 =	simm.s32 $0x80  }
0x34: {  	s22 =	simm.s32 $0x10;
	s23 =	simm.s32 $0x120;
	s24 =	sadd.s32 $0x0, s20  }
.LBB2_10:
0x35: {  	[tilespmem:s21], [sflag:$0x2] =	stream.linear.gather [hbm4b:s24+s4], $0x60, $0x38;
	[tilespmem:$0x1D720] =	vst v63  }
0x36: {  	s24 =	smov.u32 s22;
	s21 =	smov.u32 s23;
	p1 =	sne.s32 s22, $0x7F0  }
.Ltmp6:
0x37: {  	s22 =	sadd.s32 $0x10, s22;
	(pc) =	sbr.rel @p1 .LBB2_10-.Ltmp6, $2  }
0x38: {  	_ =	sdelay $0x2  }
0x39: {  	s23 =	sadd.s32 $0xA0, s23;
	s24 =	sadd.s32 s24, s20  }
0x3a: {  	[tilespmem:s21], [sflag:$0x2] =	stream.linear.gather [hbm4b:s24+s4], $0x60, $0x38;
	[tilespmem:$0x1D720] =	vst v63  }
0x3b: {  	s19 =	sadd.s32 s7, s19;
	_ =	swait.ge [sflag:s15], $0x3000  }
0x3c: {  	s20 =	simm.s32 $0xE0;
	s21 =	simm.s32 $0x10;
	[sflag:s15] =	ssyncset.done $0x0  }
0x3d: {  	s22 =	simm.s32 $0x180;
	s23 =	sadd.s32 $0x0, s19;
	[sflag:s15] =	ssyncadd.s32 $0xFFFFD000  }
.LBB2_12:
0x3e: {  	[tilespmem:s20], [sflag:$0x2] =	stream.linear.gather [hbm4b:s23+s4], $0x40, $0x38;
	[tilespmem:$0x1D720] =	vst v63  }
0x3f: {  	s23 =	smov.u32 s21;
	s20 =	smov.u32 s22;
	p1 =	sne.s32 s21, $0x7F0  }
.Ltmp7:
0x40: {  	s21 =	sadd.s32 $0x10, s21;
	(pc) =	sbr.rel @p1 .LBB2_12-.Ltmp7, $2  }
0x41: {  	_ =	sdelay $0x2  }
0x42: {  	s22 =	sadd.s32 $0xA0, s22;
	s23 =	sadd.s32 s23, s19  }
.Ltmp8:
0x43: {  	(pc) =	sbr.rel .LBB2_14-.Ltmp8, $4  }
0x44: {  	[tilespmem:s20], [sflag:$0x2] =	stream.linear.gather [hbm4b:s23+s4], $0x40, $0x38;
	[tilespmem:$0x1D720] =	vst v63  }
0x45: {  	_ =	swait.ge [sflag:s15], $0x2000  }
0x46: {  	[sflag:s15] =	ssyncset.done $0x0  }
0x47: {  	[sflag:s15] =	ssyncadd.s32 $0xFFFFE000  }
.LBB2_4:
0x48: {  	s20 =	sadd.s32 s5, s19;
	s21 =	simm.s32 $0x80  }
0x49: {  	s22 =	simm.s32 $0x10;
	s23 =	simm.s32 $0x120;
	s24 =	sadd.s32 $0x0, s20  }
.LBB2_5:
0x4a: {  	[tilespmem:s21], [sflag:$0x2] =	stream.linear.gather [hbm4b:s24+s4], $0x80, $0x38;
	[tilespmem:$0x1D720] =	vst v63  }
0x4b: {  	s24 =	smov.u32 s22;
	s21 =	smov.u32 s23;
	p1 =	sne.s32 s22, $0x7F0  }
.Ltmp9:
0x4c: {  	s22 =	sadd.s32 $0x10, s22;
	(pc) =	sbr.rel @p1 .LBB2_5-.Ltmp9, $2  }
0x4d: {  	_ =	sdelay $0x2  }
0x4e: {  	s23 =	sadd.s32 $0xA0, s23;
	s24 =	sadd.s32 s24, s20  }
0x4f: {  	[tilespmem:s21], [sflag:$0x2] =	stream.linear.gather [hbm4b:s24+s4], $0x80, $0x38;
	[tilespmem:$0x1D720] =	vst v63  }
0x50: {  	s19 =	sadd.s32 s6, s19;
	_ =	swait.ge [sflag:s15], $0x4000  }
0x51: {  	s20 =	simm.s32 $0x100;
	s21 =	simm.s32 $0x10;
	[sflag:s15] =	ssyncset.done $0x0  }
0x52: {  	s22 =	simm.s32 $0x1A0;
	s23 =	sadd.s32 $0x0, s19;
	[sflag:s15] =	ssyncadd.s32 $0xFFFFC000  }
.LBB2_7:
0x53: {  	[tilespmem:s20], [sflag:$0x2] =	stream.linear.gather [hbm4b:s23+s4], $0x20, $0x38;
	[tilespmem:$0x1D720] =	vst v63  }
0x54: {  	s23 =	smov.u32 s21;
	s20 =	smov.u32 s22;
	p1 =	sne.s32 s21, $0x7F0  }
.Ltmp10:
0x55: {  	s21 =	sadd.s32 $0x10, s21;
	(pc) =	sbr.rel @p1 .LBB2_7-.Ltmp10, $2  }
0x56: {  	_ =	sdelay $0x2  }
0x57: {  	s22 =	sadd.s32 $0xA0, s22;
	s23 =	sadd.s32 s23, s19  }
.Ltmp11:
0x58: {  	_ = 	snop;
	(pc) =	sbr.rel .LBB2_8-.Ltmp11, $1  }
0x59: {  	_ =	sdelay $0x3  }
.LBB2_17:
0x5a: {  	_ =	sfence.sel $0x180000  }
0x5b: {  	[bflag:$0x0] =	sbarrier.arrive $0xFFFF  }
0x5c: {  	p0 =	sne.s32 s1, $0x0;
	_ =	strace $0x9000004A  }
0x5d: {  	s0 =	sadd.s32 @!p0 $0x100000, s0;
	[bflag:$0x2] =	sbarrier.arrive $0xFFFF  }
0x5e: {  	[sflag:s0] =	ssyncadd.tile.s32 @!p0 $0x1;
	_ =	shalt  }
.Lfunc_end2:
_tile_overlayer_lowered:
.L_overlay_start_2:
0x5f: {  	(tag) =	ssettag $0x2  }
0x60: {  	s0 =	rddreg [dreg:$0x0];
	s2 =	stileid.u32  }
0x61: {  	s1 =	rddreg [dreg:$0x1];
	p0 =	sne.s32 s2, $0x0  }
0x62: {  	s3 =	rddreg [dreg:$0x2];
	[bflag:$0x3] =	sbarrier.arrive $0xFFFF;
	s2 =	simm.s32 @!p0 $0x1C01  }
0x63: {  	[timem:s3], [sflag:s2] =	dma.local @!p0 [hbm:s0], s1  }
0x64: {  	s0 =	simm.s32 @!p0 $0x1  }
0x65: {  	_ =	swait.ge @!p0 [sflag:s0], s1  }
0x66: {  	s1 =	ssub.s32 @!p0 $0x0, s1;
	[sflag:s0] =	ssyncset.done @!p0 $0x0  }
0x67: {  	[sflag:s0] =	ssyncadd.s32 @!p0 s1  }
0x68: {  	[bflag:$0x3] =	sbarrier.arrive $0xFFFF  }
0x69: {  	_ =	shalt  }

// kernel: kernel.7.cloned.1.call-start
scs
__scs_entry_jumppad:
0x0: {  	(pc) =	sbr.rel $0x88, $3  }
0x1: {  	(tag) =	ssettag $0x0;
	lr =	simm.s32 $0x1  }
0x2: {  	[smem:$0x3F9B] =	sst lr;
	_ =	strace $0xD0000000  }
0x3: {  	_ = 	snop  }
0x4: {  	_ = 	snop  }
0x5: {  	_ = 	snop  }
0x6: {  	_ = 	snop  }
0x7: {  	_ = 	snop  }
__scs_overlays_trampoline_lowered:
0x8: {  	[smem:$0x3FAA] =	sst s0  }
0x9: {  	[smem:$0x3FAB] =	sst s1  }
0xa: {  	[smem:$0x3FAC] =	sst s2  }
0xb: {  	[smem:$0x3FAD] =	sst s3  }
0xc: {  	[smem:$0x3FAE] =	sst s4  }
0xd: {  	[smem:$0x3FAF] =	sst s5  }
0xe: {  	[smem:$0x3FB0] =	sst s6  }
0xf: {  	[smem:$0x3FB1] =	sst s7  }
0x10: {  	[smem:$0x3FB2] =	sst s8  }
0x11: {  	[smem:$0x3FB3] =	sst s9;
	s0 =	simm.s32 @!p0 $0x0  }
0x12: {  	s1 =	sld [smem:$0x3F99];
	s0 =	simm.s32 @p0 $0x1  }
0x13: {  	[smem:$0x3FB4] =	sst s0;
	s0 =	simm.s32 @!p1 $0x0  }
0x14: {  	s2 =	sld [smem:$0x3F98];
	s0 =	simm.s32 @p1 $0x1  }
0x15: {  	[smem:$0x3FB5] =	sst s0;
	s0 =	simm.s32 @!p2 $0x0  }
0x16: {  	s3 =	sld [smem:$0x3FDB];
	s0 =	simm.s32 @p2 $0x1  }
0x17: {  	s4 =	simm.s32 $0x1BF5;
	[smem:$0x3FB7] =	sst s0  }
0x18: {  	s0 =	sld [smem:$0x3F9A];
	_ =	swait.ge [sflag:s4], $0x0  }
0x19: {  	s7 =	sld [smem:$0x3F9B]  }
0x1a: {  	s8 =	sadd.s32 $0xFFFFE003, lr  }
0x1b: {  	s9 =	sadd.s32 $0xFFFFFEF7, lr;
	s5 =	simm.s32 $0xFFFFFFFF;
	p2 =	slt.u32 s8, $0xFFFFF086  }
0x1c: {  	p1 =	slt.u32 s9, $0xF7A;
	s5 =	simm.s32 @!p2 $0x0  }
0x1d: {  	s5 =	simm.s32 @p1 $0x1;
	p0 =	seq.s32 s7, s2  }
0x1e: {  	s7 =	smul.u32 @!p0 $0xF7A, s2;
	p2 =	seq.s32 @!p0 s5, $0x0  }
0x1f: {  	s9 =	smul.u32 $0xF7A, s1;
	s8 =	simm.s32 @!p0 $0x1BF5;
	p2 =	por !p2, p0  }
0x20: {  	[sflag:s8] =	ssyncset.s32 @!p0 $0xFFFFF086;
	s6 =	sadd.s32 @!p0 s3, s7;
	s7 =	simm.s32 @!p0 $0x108  }
0x21: {  	s3 =	sadd.s32 s3, s9;
	s6 =	sadd.s32 @!p0 $0x88, s6;
	s7 =	simm.s32 @p2 $0x1082  }
0x22: {  	[simem:s7], [sflag:s8] =	dma.local @!p0 [hbm:s6], $0xF7A  }
0x23: {  	s9 =	sor.u32 $0xD0000000, s2;
	s6 =	simm.s32 $0x108;
	_ =	swait.ge @!p0 [sflag:s8], $0x0  }
0x24: {  	s3 =	sadd.s32 $0x88, s3;
	s6 =	simm.s32 @!p1 $0x1082;
	[sflag:s4] =	ssyncset.s32 $0xFFFFF086  }
0x25: {  	[simem:s6], [sflag:s4] =	dma.local [hbm:s3], $0xF7A  }
0x26: {  	[smem:$0x3F9B] =	sst s1;
	(tag) =	ssettag s2;
	_ =	strace s9  }
0x27: {  	s1 =	sld [smem:$0x3FAB]  }
0x28: {  	s2 =	sld [smem:$0x3FAC]  }
0x29: {  	s4 =	sld [smem:$0x3FAE]  }
0x2a: {  	p0 =	seq.s32 s5, $0x0;
	s5 =	sld [smem:$0x3FAF]  }
0x2b: {  	s6 =	sld [smem:$0x3FB0]  }
0x2c: {  	s7 =	sld [smem:$0x3FB1]  }
0x2d: {  	s3 =	simm.s32 $0x108;
	s8 =	sld [smem:$0x3FB2]  }
0x2e: {  	s3 =	simm.s32 @!p0 $0x1082;
	s9 =	sld [smem:$0x3FB3]  }
0x2f: {  	lr =	sadd.s32 s0, s3;
	s0 =	sld [smem:$0x3FAA]  }
0x30: {  	s3 =	sld [smem:$0x3FAD]  }
0x31: {  	[smem:$0x3FB6] =	sst s10  }
0x32: {  	s10 =	sld [smem:$0x3FB4];
	_ =	sdelay $0x3  }
0x33: {  	p0 =	seq.s32 s10, $0x1;
	s10 =	sld [smem:$0x3FB6];
	_ =	sdelay $0x3  }
0x34: {  	[smem:$0x3FB6] =	sst s10  }
0x35: {  	s10 =	sld [smem:$0x3FB5];
	_ =	sdelay $0x3  }
0x36: {  	p1 =	seq.s32 s10, $0x1;
	s10 =	sld [smem:$0x3FB6];
	_ =	sdelay $0x3  }
0x37: {  	[smem:$0x3FB6] =	sst s10  }
0x38: {  	s10 =	sld [smem:$0x3FB7]  }
0x39: {  	_ = 	snop;
	(pc) =	sbr.ind lr, $3  }
0x3a: {  	_ = 	snop  }
0x3b: {  	_ = 	snop  }
0x3c: {  	p2 =	seq.s32 s10, $0x1;
	s10 =	sld [smem:$0x3FB6]  }
0x3d: {  	_ =	shalt  }
0x3e: {  	_ =	shalt  }
0x3f: {  	_ =	shalt  }
0x40: {  	_ =	shalt  }
0x41: {  	_ =	shalt  }
0x42: {  	_ =	shalt  }
0x43: {  	_ =	shalt  }
0x44: {  	_ =	shalt  }
0x45: {  	_ =	shalt  }
0x46: {  	_ =	shalt  }
0x47: {  	_ =	shalt  }
0x48: {  	_ =	shalt  }
0x49: {  	_ =	shalt  }
0x4a: {  	_ =	shalt  }
0x4b: {  	_ =	shalt  }
0x4c: {  	_ =	shalt  }
0x4d: {  	_ =	shalt  }
0x4e: {  	_ =	shalt  }
0x4f: {  	_ =	shalt  }
0x50: {  	_ =	shalt  }
0x51: {  	_ =	shalt  }
0x52: {  	_ =	shalt  }
0x53: {  	_ =	shalt  }
0x54: {  	_ =	shalt  }
0x55: {  	_ =	shalt  }
0x56: {  	_ =	shalt  }
0x57: {  	_ =	shalt  }
0x58: {  	_ =	shalt  }
0x59: {  	_ =	shalt  }
0x5a: {  	_ =	shalt  }
0x5b: {  	_ =	shalt  }
0x5c: {  	_ =	shalt  }
0x5d: {  	_ =	shalt  }
0x5e: {  	_ =	shalt  }
0x5f: {  	_ =	shalt  }
0x60: {  	_ =	shalt  }
0x61: {  	_ =	shalt  }
0x62: {  	_ =	shalt  }
0x63: {  	_ =	shalt  }
0x64: {  	_ =	shalt  }
0x65: {  	_ =	shalt  }
0x66: {  	_ =	shalt  }
0x67: {  	_ =	shalt  }
0x68: {  	_ =	shalt  }
0x69: {  	_ =	shalt  }
0x6a: {  	_ =	shalt  }
0x6b: {  	_ =	shalt  }
0x6c: {  	_ =	shalt  }
0x6d: {  	_ =	shalt  }
0x6e: {  	_ =	shalt  }
0x6f: {  	_ =	shalt  }
0x70: {  	_ =	shalt  }
0x71: {  	_ =	shalt  }
0x72: {  	_ =	shalt  }
0x73: {  	_ =	shalt  }
0x74: {  	_ =	shalt  }
0x75: {  	_ =	shalt  }
0x76: {  	_ =	shalt  }
0x77: {  	_ =	shalt  }
0x78: {  	_ =	shalt  }
0x79: {  	_ =	shalt  }
0x7a: {  	_ =	shalt  }
0x7b: {  	_ =	shalt  }
0x7c: {  	_ =	shalt  }
0x7d: {  	_ =	shalt  }
0x7e: {  	_ =	shalt  }
0x7f: {  	_ =	shalt  }
0x80: {  	_ =	shalt  }
0x81: {  	_ =	shalt  }
0x82: {  	_ =	shalt  }
0x83: {  	_ =	shalt  }
0x84: {  	_ =	shalt  }
0x85: {  	_ =	shalt  }
0x86: {  	_ =	shalt  }
0x87: {  	_ =	shalt  }
.Lfunc_end0:
.L_simem_size_0:
called_computation_lowered:
.L_overlay_start_0:
0x88: {  	s2 =	sld [smem:$0x3FD9]  }
0x89: {  	s3 =	sld [smem:$0x3FFE];
	_ =	sdelay $0x1  }
0x8a: {  	s1 =	srdreg.scid  }
0x8b: {  	s0 =	sand.u32 $0x1, s1  }
0x8c: {  	s17 =	sshll.u32 s0, $0xA;
	s2 =	sadd.s32 s3, s2  }
0x8d: {  	s2 =	sadd.s32 s2, s17  }
0x8e: {  	[smem:$0x3FC2] =	sst s2  }
0x8f: {  	_ = 	snop  }
0x90: {  	s2 =	sld [smem:$0x3FD0];
	(tm) =	ssettm $0x1  }
0x91: {  	s18 =	sld [smem:$0x3FFB];
	_ =	sdelay $0x3  }
0x92: {  	_ =	strace s18  }
0x93: {  	s3 =	sld [smem:$0x3FFC];
	_ =	sdelay $0x3  }
0x94: {  	_ =	strace s3  }
0x95: {  	s3 =	sld [smem:$0x3FFD];
	_ =	sdelay $0x3  }
0x96: {  	_ =	strace s3  }
0x97: {  	_ =	strace $0x8FFFFFFF  }
0x98: {  	s19 =	sld [smem:$0x3FDB];
	_ =	sdelay $0x1  }
0x99: {  	s4 =	simm.s32 $_scs_section_size  }
0x9a: {  	s5 =	simm.s32 $_size__tile_overlayer_lowered;
	s6 =	simm.s32 $_tile_overlayer_lowered  }
0x9b: {  	s22 =	simm.s32 $0x1BFF;
	s21 =	sshll.u32 s6, $0x1;
	s3 =	sadd.s32 s4, s19  }
0x9c: {  	s7 =	simm.s32 $0x0;
	s20 =	sshll.u32 s5, $0x1;
	s5 =	sadd.s32 s21, s3  }
0x9d: {  	[timem:s7], [sflag:s22] =	dma.local [hbm:s5], s20  }
0x9e: {  	_ =	swait.ge [sflag:s22], s20  }
0x9f: {  	s4 =	ssub.s32 $0x0, s20;
	[sflag:s22] =	ssyncset.done $0x0  }
0xa0: {  	[sflag:s22] =	ssyncadd.s32 s4;
	_ =	sdelay $0x1  }
0xa1: {  	s23 =	simm.s32 $0x1B8B  }
0xa2: {  	_ =	swait.ge [sflag:s23], $0x1  }
0xa3: {  	[sflag:s23] =	ssyncset.done $0x0  }
0xa4: {  	s25 =	simm.s32 $0x1B8E;
	s24 =	sld [smem:$0x3FFE];
	[sflag:s23] =	ssyncadd.s32 $0xFFFFFFFF  }
0xa5: {  	s26 =	simm.s32 $execute0_lowered;
	[smem:$0x3FD2] =	sst s25  }
0xa6: {  	s5 =	sshll.u32 s26, $0x1;
	_ =	strace $0x80000046;
	[dreg:$0x1] =	wrdreg $0xFFFFFFFF  }
0xa7: {  	s28 =	simm.s32 $_size_execute0_lowered;
	s3 =	sadd.s32 s3, s5;
	[dreg:$0x0] =	wrdreg $0x0  }
0xa8: {  	s5 =	sshll.u32 s28, $0x1;
	[dreg:$0x2] =	wrdreg s3  }
0xa9: {  	[dreg:$0x3] =	wrdreg s5  }
0xaa: {  	[dreg:$0x4] =	wrdreg $0xC0  }
0xab: {  	_ =	task [dreg:s7], $0x5FFFF  }
0xac: {  	[dreg:$0x1] =	wrdreg $0xFFFFFFFF  }
0xad: {  	[dreg:$0x0] =	wrdreg $0x60  }
0xae: {  	[dreg:$0x2] =	wrdreg s24  }
0xaf: {  	[dreg:$0x3] =	wrdreg s2  }
0xb0: {  	[dreg:$0x4] =	wrdreg $0x9  }
0xb1: {  	_ =	task.clear_ibuf [dreg:s7], $0x5FFFF;
	_ =	strace $0x90000046  }
0xb2: {  	s29 =	simm.s32 $0x9;
	_ =	strace $0x80000048  }
0xb3: {  	_ =	swait.ge [sflag:s29], $0x1  }
0xb4: {  	[sflag:s29] =	ssyncadd.s32 $0xFFFFFFFF  }
0xb5: {  	_ =	strace $0x90000048  }
0xb6: {  	_ =	sfence  }
0xb7: {  	s30 =	sld [smem:$0x0];
	_ =	sdelay $0x2  }
0xb8: {  	s31 =	sshll.u32 s1, $0xD;
	s1 =	sshrl.u32 s1, $0x2  }
0xb9: {  	s3 =	sand.u32 $0x4000, s31;
	s1 =	sadd.s32 s1, s30  }
0xba: {  	s0 =	sor.u32 s3, s0;
	s1 =	sshll.u32 s1, $0x11  }
0xbb: {  	s0 =	sor.u32 s1, s0  }
0xbc: {  	s0 =	sadd.s32 $0x8F2B, s0  }
0xbd: {  	[sflag:s0] =	ssyncadd.remote.s32 $0x1  }
0xbe: {  	_ =	sfence.sel $0xFFFF  }
0xbf: {  	[dreg:$0x0] =	wrdreg $0xFFFFFFFF;
	(pc) =	sbr.abs _section_cstart, $3  }
0xc0: {  	[dreg:$0x1] =	wrdreg $0xFFFFFFFF  }
0xc1: {  	_ =	task.clear_ibuf [dreg:s7], $0x2FFFF;
	_ =	strace $0x9FFFFFFF  }
0xc2: {  	(tm) =	ssettm $0x7FFFFFFF  }
0xc3: {  	_ =	shalt  }
tec
execute0_lowered:
.L_overlay_start_1:
0x0: {  	(tag) =	ssettag $0x1  }
0x1: {  	v0 =	vlaneseq.u32  }
0x2: {  	v0 =	vmul.u32 $0x10, v0;
	_ =	sdelay $0x1  }
0x3: {  	v1 =	vor.u32 $0x100, v0;
	v3 =	vor.u32 $0x300, v0;
	v4 =	vor.u32 $0x400, v0  }
0x4: {  	v5 =	vor.u32 $0x500, v0;
	v6 =	vor.u32 $0x600, v0;
	v7 =	vor.u32 $0x700, v0  }
0x5: {  	v8 =	vor.u32 $0x1, v0;
	v9 =	vor.u32 $0x101, v0;
	v10 =	vor.u32 $0x201, v0  }
0x6: {  	v11 =	vor.u32 $0x301, v0;
	v12 =	vor.u32 $0x401, v0;
	v13 =	vor.u32 $0x501, v0  }
0x7: {  	v14 =	vor.u32 $0x601, v0;
	v15 =	vor.u32 $0x701, v0;
	v16 =	vor.u32 $0x2, v0  }
0x8: {  	v17 =	vor.u32 $0x102, v0;
	v18 =	vor.u32 $0x202, v0;
	v19 =	vor.u32 $0x302, v0  }
0x9: {  	s5 =	rddreg [dreg:$0x0];
	v20 =	vor.u32 $0x402, v0;
	v21 =	vor.u32 $0x502, v0;
	v22 =	vor.u32 $0x602, v0  }
0xa: {  	s6 =	rddreg [dreg:$0x1];
	v23 =	vor.u32 $0x702, v0;
	v24 =	vor.u32 $0x3, v0;
	v25 =	vor.u32 $0x103, v0  }
0xb: {  	s0 =	rddreg [dreg:$0x2];
	v26 =	vor.u32 $0x203, v0;
	v27 =	vor.u32 $0x303, v0;
	v28 =	vor.u32 $0x403, v0  }
0xc: {  	s1 =	simm.s32 $0x0;
	s2 =	stileid.u32;
	s4 =	srdreg.scid;
	v29 =	vor.u32 $0x503, v0;
	v30 =	vor.u32 $0x603, v0;
	v31 =	vor.u32 $0x703, v0  }
0xd: {  	s12 =	simm.s32 $0x100;
	s13 =	simm.s32 $0x900;
	s14 =	simm.s32 $0x1100;
	v32 =	vor.u32 $0x4, v0;
	v33 =	vor.u32 $0x104, v0;
	v34 =	vor.u32 $0x204, v0  }
0xe: {  	s15 =	simm.s32 $0x4;
	s16 =	simm.s32 $0x1900;
	s17 =	simm.s32 $0x0;
	v35 =	vor.u32 $0x304, v0;
	v36 =	vor.u32 $0x404, v0;
	v37 =	vor.u32 $0x504, v0  }
0xf: {  	[smem:$0x7FF] =	sst s1;
	s3 =	sadd.s32 $0x1400, s5;
	s7 =	sand.u32 $0x1, s4;
	v38 =	vor.u32 $0x604, v0;
	v39 =	vor.u32 $0x704, v0;
	v40 =	vor.u32 $0x5, v0  }
0x10: {  	s29 =	sshll.u32 s2, $0x1;
	s8 =	sshll.u32 s2, $0x9;
	s31 =	sshll.u32 s2, $0x5;
	v41 =	vor.u32 $0x105, v0;
	v42 =	vor.u32 $0x205, v0;
	v43 =	vor.u32 $0x305, v0  }
0x11: {  	p0 =	sgt.u32 s2, $0x1;
	s9 =	ssub.s32 $0x2, s7;
	s4 =	sor.u32 s7, s29;
	v44 =	vor.u32 $0x405, v0;
	v45 =	vor.u32 $0x505, v0;
	v46 =	vor.u32 $0x605, v0  }
0x12: {  	s8 =	sadd.s32 s8, s5;
	s11 =	sshll.u32 s7, $0x8;
	s7 =	sshll.u32 s7, $0x4;
	v47 =	vor.u32 $0x705, v0;
	v48 =	vor.u32 $0x6, v0;
	v49 =	vor.u32 $0x106, v0  }
.Ltmp0:
0x13: {  	s30 =	sshrl.u32 s9, $0x1;
	s10 =	sshll.u32 s4, $0x4;
	v50 =	vor.u32 $0x206, v0;
	v51 =	vor.u32 $0x306, v0;
	v52 =	vor.u32 $0x406, v0;
	(pc) =	sbr.rel .LBB2_1-.Ltmp0, $4  }
0x14: {  	s8 =	sadd.s32 s11, s8;
	v53 =	vor.u32 $0x506, v0;
	v54 =	vor.u32 $0x606, v0;
	s11 =	simm.s32 $0x80;
	v55 =	vor.u32 $0x706, v0;
	s9 =	ssub.s32 s9, s30  }
0x15: {  	v56 =	vor.u32 $0x7, v0;
	v57 =	vor.u32 $0x107, v0;
	[tilespmem:$0x1FFE0] =	vst v1;
	v1 =	vor.u32 $0x200, v0;
	s5 =	sadd.s32 s6, s10;
	s10 =	sadd.s32 s31, s6;
	s8 =	sadd.s32 $0x6400, s8  }
0x16: {  	v58 =	vor.u32 $0x207, v0;
	v59 =	vor.u32 $0x307, v0;
	v60 =	vor.u32 $0x407, v0;
	[tilespmem:$0x1FFF0] =	vst v1;
	s6 =	sadd.s32 $0x200, s5;
	s10 =	sadd.s32 s7, s10;
	s7 =	smax.u32 s9, $0x1  }
0x17: {  	v61 =	vor.u32 $0x507, v0;
	v62 =	vor.u32 $0x607, v0;
	v63 =	vor.u32 $0x707, v0;
	_ =	strace $0x80000047;
	s9 =	sadd.s32 $0x400, s10;
	s10 =	simm.s32 $0x5  }
.LBB2_5:
0x18: {  	_ =	swait.ge [sflag:s15], $0x800  }
0x19: {  	[sflag:s15] =	ssyncset.done $0x0  }
0x1a: {  	[sflag:s15] =	ssyncadd.s32 $0xFFFFF800  }
.LBB2_13:
0x1b: {  	s17 =	sadd.s32 $0x1, s17  }
0x1c: {  	p1 =	sne.s32 s17, s7  }
.Ltmp1:
0x1d: {  	_ = 	snop;
	(pc) =	sbr.rel @!p1 .LBB2_14-.Ltmp1, $4  }
0x1e: {  	s18 =	simm.s32 @!p0 $0x3  }
0x1f: {  	_ =	swait.ge @!p0 [sflag:s18], $0x800  }
0x20: {  	[sflag:s18] =	ssyncset.done @!p0 $0x0  }
0x21: {  	[sflag:s18] =	ssyncadd.s32 @!p0 $0xFFFFF800  }
.LBB2_1:
0x22: {  	[tilespmem:s1], [sflag:$0x5] =	stream.linear.gather [hbm4b:s5+s1], $0x80, $0x38;
	[tilespmem:$0x2100] =	vst v63  }
0x23: {  	_ =	swait.ge [sflag:s10], $0x80  }
0x24: {  	[sflag:s10] =	ssyncset.done $0x0  }
0x25: {  	[sflag:s10] =	ssyncadd.s32 $0xFFFFFF80  }
0x26: {  	[tilespmem:s12], [sflag:$0x1] =	stream.indirect.gather [hbm4b:s3+s11], $0x10, s1, s11, $0xb8;
	[tilespmem:$0x2100] =	vst v63  }
0x27: {  	_ = 	snop  }
0x28: {  	[tilespmem:s11], [sflag:$0x5] =	stream.linear.gather [hbm4b:s6+s1], $0x80, $0x38;
	[tilespmem:$0x2100] =	vst v63  }
.Ltmp2:
0x29: {  	_ = 	snop;
	(pc) =	sbr.rel .LBB2_2-.Ltmp2, $4  }
0x2a: {  	_ =	swait.ge [sflag:s10], $0x80  }
0x2b: {  	s18 =	smov.u32 s9;
	s19 =	smov.u32 s8;
	[sflag:s10] =	ssyncset.done $0x0  }
0x2c: {  	s20 =	simm.s32 $0x0;
	s21 =	simm.s32 $0x0;
	[sflag:s10] =	ssyncadd.s32 $0xFFFFFF80  }
0x2d: {  	[tilespmem:s13], [sflag:$0x2] =	stream.indirect.gather [hbm4b:s3+s11], $0x10, s11, s11, $0xb8;
	[tilespmem:$0x2100] =	vst v63  }
.LBB2_11:
0x2e: {  	s22 =	sadd.s32 $0x60, s22  }
0x2f: {  	p1 =	sgt.u32 s22, $0x9C3  }
0x30: {  	s22 =	sadd.s32 @!p1 $0x200, s18;
	s23 =	simm.s32 @!p1 $0x0;
	s24 =	simm.s32 @!p1 $0x80  }
0x31: {  	[tilespmem:s24], [sflag:$0x5] =	stream.linear.gather @!p1 [hbm4b:s22+s23], $0x80, $0x38;
	[tilespmem:$0x2100] =	vst v63  }
0x32: {  	s22 =	simm.s32 @!p1 $0x5  }
0x33: {  	_ =	swait.ge @!p1 [sflag:s22], $0x80  }
0x34: {  	[sflag:s22] =	ssyncset.done @!p1 $0x0  }
0x35: {  	[sflag:s22] =	ssyncadd.s32 @!p1 $0xFFFFFF80;
	s22 =	simm.s32 @!p1 $0x900  }
0x36: {  	[tilespmem:s22], [sflag:$0x2] =	stream.indirect.gather @!p1 [hbm4b:s3+s24], $0x10, s24, s24, $0xb8;
	[tilespmem:$0x2100] =	vst v63  }
.LBB2_12:
0x37: {  	s20 =	sadd.s32 $0x40, s20  }
0x38: {  	p1 =	sne.s32 s20, $0xA00  }
.Ltmp3:
0x39: {  	_ = 	snop;
	(pc) =	sbr.rel @!p1 .LBB2_13-.Ltmp3, $2  }
0x3a: {  	_ =	sdelay $0x2  }
0x3b: {  	s21 =	sadd.s32 $0x1, s21;
	s19 =	sadd.s32 $0x4000, s19;
	s18 =	sadd.s32 $0x400, s18  }
.LBB2_2:
0x3c: {  	s22 =	sadd.s32 s20, s4  }
0x3d: {  	p2 =	sgt.u32 s22, $0x9C3  }
0x3e: {  	s23 =	simm.s32 @!p2 $0x1  }
0x3f: {  	_ =	swait.ge @!p2 [sflag:s23], $0x800  }
.Ltmp4:
0x40: {  	p1 =	seq.s32 s20, $0x0;
	[sflag:s23] =	ssyncset.done @!p2 $0x0;
	(pc) =	sbr.rel @p2 .LBB2_4-.Ltmp4, $4  }
0x41: {  	[sflag:s23] =	ssyncadd.s32 @!p2 $0xFFFFF800;
	s23 =	simm.s32 @!p1 $0x3  }
0x42: {  	_ =	swait.ge @!p1 [sflag:s23], $0x800  }
0x43: {  	[sflag:s23] =	ssyncset.done @!p1 $0x0  }
0x44: {  	[sflag:s23] =	ssyncadd.s32 @!p1 $0xFFFFF800  }
0x45: {  	_ =	sdelay $0x3  }
0x46: {  	v1 =	vld.idx.msk [tilespmem:v0+s12+$0x0], $0xffff;
	_ =	sdelay $0x4  }
0x47: {  	[tilespmem:$0x1100] =	vst v1;
	v1 =	vld [tilespmem:$0x1FFE0];
	_ =	sdelay $0x7  }
0x48: {  	v1 =	vld.idx.msk [tilespmem:v1+s12+$0x0], $0xffff;
	_ =	sdelay $0x4  }
0x49: {  	[tilespmem:$0x1110] =	vst v1;
	v1 =	vld [tilespmem:$0x1FFF0];
	_ =	sdelay $0x7  }
0x4a: {  	v1 =	vld.idx.msk [tilespmem:v1+s12+$0x0], $0xffff;
	_ =	sdelay $0x4  }
0x4b: {  	[tilespmem:$0x1120] =	vst v1  }
0x4c: {  	v1 =	vld.idx.msk [tilespmem:v3+s12+$0x0], $0xffff;
	_ =	sdelay $0x4  }
0x4d: {  	[tilespmem:$0x1130] =	vst v1  }
0x4e: {  	v1 =	vld.idx.msk [tilespmem:v4+s12+$0x0], $0xffff;
	_ =	sdelay $0x4  }
0x4f: {  	[tilespmem:$0x1140] =	vst v1  }
0x50: {  	v1 =	vld.idx.msk [tilespmem:v5+s12+$0x0], $0xffff;
	_ =	sdelay $0x4  }
0x51: {  	[tilespmem:$0x1150] =	vst v1  }
0x52: {  	v1 =	vld.idx.msk [tilespmem:v6+s12+$0x0], $0xffff;
	_ =	sdelay $0x4  }
0x53: {  	[tilespmem:$0x1160] =	vst v1  }
0x54: {  	v1 =	vld.idx.msk [tilespmem:v7+s12+$0x0], $0xffff;
	_ =	sdelay $0x4  }
0x55: {  	[tilespmem:$0x1170] =	vst v1  }
0x56: {  	v1 =	vld.idx.msk [tilespmem:v8+s12+$0x0], $0xffff;
	_ =	sdelay $0x4  }
0x57: {  	[tilespmem:$0x1180] =	vst v1  }
0x58: {  	v1 =	vld.idx.msk [tilespmem:v9+s12+$0x0], $0xffff;
	_ =	sdelay $0x4  }
0x59: {  	[tilespmem:$0x1190] =	vst v1  }
0x5a: {  	v1 =	vld.idx.msk [tilespmem:v10+s12+$0x0], $0xffff;
	_ =	sdelay $0x4  }
0x5b: {  	[tilespmem:$0x11A0] =	vst v1  }
0x5c: {  	v1 =	vld.idx.msk [tilespmem:v11+s12+$0x0], $0xffff;
	_ =	sdelay $0x4  }
0x5d: {  	[tilespmem:$0x11B0] =	vst v1  }
0x5e: {  	v1 =	vld.idx.msk [tilespmem:v12+s12+$0x0], $0xffff;
	_ =	sdelay $0x4  }
0x5f: {  	[tilespmem:$0x11C0] =	vst v1  }
0x60: {  	v1 =	vld.idx.msk [tilespmem:v13+s12+$0x0], $0xffff;
	_ =	sdelay $0x4  }
0x61: {  	[tilespmem:$0x11D0] =	vst v1  }
0x62: {  	v1 =	vld.idx.msk [tilespmem:v14+s12+$0x0], $0xffff;
	_ =	sdelay $0x4  }
0x63: {  	[tilespmem:$0x11E0] =	vst v1  }
0x64: {  	v1 =	vld.idx.msk [tilespmem:v15+s12+$0x0], $0xffff;
	_ =	sdelay $0x4  }
0x65: {  	[tilespmem:$0x11F0] =	vst v1  }
0x66: {  	v1 =	vld.idx.msk [tilespmem:v16+s12+$0x0], $0xffff;
	_ =	sdelay $0x4  }
0x67: {  	[tilespmem:$0x1200] =	vst v1  }
0x68: {  	v1 =	vld.idx.msk [tilespmem:v17+s12+$0x0], $0xffff;
	_ =	sdelay $0x4  }
0x69: {  	[tilespmem:$0x1210] =	vst v1  }
0x6a: {  	v1 =	vld.idx.msk [tilespmem:v18+s12+$0x0], $0xffff;
	_ =	sdelay $0x4  }
0x6b: {  	[tilespmem:$0x1220] =	vst v1  }
0x6c: {  	v1 =	vld.idx.msk [tilespmem:v19+s12+$0x0], $0xffff;
	_ =	sdelay $0x4  }
0x6d: {  	[tilespmem:$0x1230] =	vst v1  }
0x6e: {  	v1 =	vld.idx.msk [tilespmem:v20+s12+$0x0], $0xffff;
	_ =	sdelay $0x4  }
0x6f: {  	[tilespmem:$0x1240] =	vst v1  }
0x70: {  	v1 =	vld.idx.msk [tilespmem:v21+s12+$0x0], $0xffff;
	_ =	sdelay $0x4  }
0x71: {  	[tilespmem:$0x1250] =	vst v1  }
0x72: {  	v1 =	vld.idx.msk [tilespmem:v22+s12+$0x0], $0xffff;
	_ =	sdelay $0x4  }
0x73: {  	[tilespmem:$0x1260] =	vst v1  }
0x74: {  	v1 =	vld.idx.msk [tilespmem:v23+s12+$0x0], $0xffff;
	_ =	sdelay $0x4  }
0x75: {  	[tilespmem:$0x1270] =	vst v1  }
0x76: {  	v1 =	vld.idx.msk [tilespmem:v24+s12+$0x0], $0xffff;
	_ =	sdelay $0x4  }
0x77: {  	[tilespmem:$0x1280] =	vst v1  }
0x78: {  	v1 =	vld.idx.msk [tilespmem:v25+s12+$0x0], $0xffff;
	_ =	sdelay $0x4  }
0x79: {  	[tilespmem:$0x1290] =	vst v1  }
0x7a: {  	v1 =	vld.idx.msk [tilespmem:v26+s12+$0x0], $0xffff;
	_ =	sdelay $0x4  }
0x7b: {  	[tilespmem:$0x12A0] =	vst v1  }
0x7c: {  	v1 =	vld.idx.msk [tilespmem:v27+s12+$0x0], $0xffff;
	_ =	sdelay $0x4  }
0x7d: {  	[tilespmem:$0x12B0] =	vst v1  }
0x7e: {  	v1 =	vld.idx.msk [tilespmem:v28+s12+$0x0], $0xffff;
	_ =	sdelay $0x4  }
0x7f: {  	[tilespmem:$0x12C0] =	vst v1  }
0x80: {  	v1 =	vld.idx.msk [tilespmem:v29+s12+$0x0], $0xffff;
	_ =	sdelay $0x4  }
0x81: {  	[tilespmem:$0x12D0] =	vst v1  }
0x82: {  	v1 =	vld.idx.msk [tilespmem:v30+s12+$0x0], $0xffff;
	_ =	sdelay $0x4  }
0x83: {  	[tilespmem:$0x12E0] =	vst v1  }
0x84: {  	v1 =	vld.idx.msk [tilespmem:v31+s12+$0x0], $0xffff;
	_ =	sdelay $0x4  }
0x85: {  	[tilespmem:$0x12F0] =	vst v1  }
0x86: {  	v1 =	vld.idx.msk [tilespmem:v32+s12+$0x0], $0xffff;
	_ =	sdelay $0x4  }
0x87: {  	[tilespmem:$0x1300] =	vst v1  }
0x88: {  	v1 =	vld.idx.msk [tilespmem:v33+s12+$0x0], $0xffff;
	_ =	sdelay $0x4  }
0x89: {  	[tilespmem:$0x1310] =	vst v1  }
0x8a: {  	v1 =	vld.idx.msk [tilespmem:v34+s12+$0x0], $0xffff;
	_ =	sdelay $0x4  }
0x8b: {  	[tilespmem:$0x1320] =	vst v1  }
0x8c: {  	v1 =	vld.idx.msk [tilespmem:v35+s12+$0x0], $0xffff;
	_ =	sdelay $0x4  }
0x8d: {  	[tilespmem:$0x1330] =	vst v1  }
0x8e: {  	v1 =	vld.idx.msk [tilespmem:v36+s12+$0x0], $0xffff;
	_ =	sdelay $0x4  }
0x8f: {  	[tilespmem:$0x1340] =	vst v1  }
0x90: {  	v1 =	vld.idx.msk [tilespmem:v37+s12+$0x0], $0xffff;
	_ =	sdelay $0x4  }
0x91: {  	[tilespmem:$0x1350] =	vst v1  }
0x92: {  	v1 =	vld.idx.msk [tilespmem:v38+s12+$0x0], $0xffff;
	_ =	sdelay $0x4  }
0x93: {  	[tilespmem:$0x1360] =	vst v1  }
0x94: {  	v1 =	vld.idx.msk [tilespmem:v39+s12+$0x0], $0xffff;
	_ =	sdelay $0x4  }
0x95: {  	[tilespmem:$0x1370] =	vst v1  }
0x96: {  	v1 =	vld.idx.msk [tilespmem:v40+s12+$0x0], $0xffff;
	_ =	sdelay $0x4  }
0x97: {  	[tilespmem:$0x1380] =	vst v1  }
0x98: {  	v1 =	vld.idx.msk [tilespmem:v41+s12+$0x0], $0xffff;
	_ =	sdelay $0x4  }
0x99: {  	[tilespmem:$0x1390] =	vst v1  }
0x9a: {  	v1 =	vld.idx.msk [tilespmem:v42+s12+$0x0], $0xffff;
	_ =	sdelay $0x4  }
0x9b: {  	[tilespmem:$0x13A0] =	vst v1  }
0x9c: {  	v1 =	vld.idx.msk [tilespmem:v43+s12+$0x0], $0xffff;
	_ =	sdelay $0x4  }
0x9d: {  	[tilespmem:$0x13B0] =	vst v1  }
0x9e: {  	v1 =	vld.idx.msk [tilespmem:v44+s12+$0x0], $0xffff;
	_ =	sdelay $0x4  }
0x9f: {  	[tilespmem:$0x13C0] =	vst v1  }
0xa0: {  	v1 =	vld.idx.msk [tilespmem:v45+s12+$0x0], $0xffff;
	_ =	sdelay $0x4  }
0xa1: {  	[tilespmem:$0x13D0] =	vst v1  }
0xa2: {  	v1 =	vld.idx.msk [tilespmem:v46+s12+$0x0], $0xffff;
	_ =	sdelay $0x4  }
0xa3: {  	[tilespmem:$0x13E0] =	vst v1  }
0xa4: {  	v1 =	vld.idx.msk [tilespmem:v47+s12+$0x0], $0xffff;
	_ =	sdelay $0x4  }
0xa5: {  	[tilespmem:$0x13F0] =	vst v1  }
0xa6: {  	v1 =	vld.idx.msk [tilespmem:v48+s12+$0x0], $0xffff;
	_ =	sdelay $0x4  }
0xa7: {  	[tilespmem:$0x1400] =	vst v1  }
0xa8: {  	v1 =	vld.idx.msk [tilespmem:v49+s12+$0x0], $0xffff;
	_ =	sdelay $0x4  }
0xa9: {  	[tilespmem:$0x1410] =	vst v1  }
0xaa: {  	v1 =	vld.idx.msk [tilespmem:v50+s12+$0x0], $0xffff;
	_ =	sdelay $0x4  }
0xab: {  	[tilespmem:$0x1420] =	vst v1  }
0xac: {  	v1 =	vld.idx.msk [tilespmem:v51+s12+$0x0], $0xffff;
	_ =	sdelay $0x4  }
0xad: {  	[tilespmem:$0x1430] =	vst v1  }
0xae: {  	v1 =	vld.idx.msk [tilespmem:v52+s12+$0x0], $0xffff;
	_ =	sdelay $0x4  }
0xaf: {  	[tilespmem:$0x1440] =	vst v1  }
0xb0: {  	v1 =	vld.idx.msk [tilespmem:v53+s12+$0x0], $0xffff;
	_ =	sdelay $0x4  }
0xb1: {  	[tilespmem:$0x1450] =	vst v1  }
0xb2: {  	v1 =	vld.idx.msk [tilespmem:v54+s12+$0x0], $0xffff;
	_ =	sdelay $0x4  }
0xb3: {  	[tilespmem:$0x1460] =	vst v1  }
0xb4: {  	v1 =	vld.idx.msk [tilespmem:v55+s12+$0x0], $0xffff;
	_ =	sdelay $0x4  }
0xb5: {  	[tilespmem:$0x1470] =	vst v1  }
0xb6: {  	v1 =	vld.idx.msk [tilespmem:v56+s12+$0x0], $0xffff;
	_ =	sdelay $0x4  }
0xb7: {  	[tilespmem:$0x1480] =	vst v1  }
0xb8: {  	v1 =	vld.idx.msk [tilespmem:v57+s12+$0x0], $0xffff;
	_ =	sdelay $0x4  }
0xb9: {  	[tilespmem:$0x1490] =	vst v1  }
0xba: {  	v1 =	vld.idx.msk [tilespmem:v58+s12+$0x0], $0xffff;
	_ =	sdelay $0x4  }
0xbb: {  	[tilespmem:$0x14A0] =	vst v1  }
0xbc: {  	v1 =	vld.idx.msk [tilespmem:v59+s12+$0x0], $0xffff;
	_ =	sdelay $0x4  }
0xbd: {  	[tilespmem:$0x14B0] =	vst v1  }
0xbe: {  	v1 =	vld.idx.msk [tilespmem:v60+s12+$0x0], $0xffff;
	_ =	sdelay $0x4  }
0xbf: {  	[tilespmem:$0x14C0] =	vst v1  }
0xc0: {  	v1 =	vld.idx.msk [tilespmem:v61+s12+$0x0], $0xffff;
	_ =	sdelay $0x4  }
0xc1: {  	[tilespmem:$0x14D0] =	vst v1  }
0xc2: {  	v1 =	vld.idx.msk [tilespmem:v62+s12+$0x0], $0xffff;
	_ =	sdelay $0x4  }
0xc3: {  	[tilespmem:$0x14E0] =	vst v1  }
0xc4: {  	v1 =	vld.idx.msk [tilespmem:v63+s12+$0x0], $0xffff  }
0xc5: {  	v2 =	vor.u32 $0x8, v0;
	_ =	sdelay $0x3  }
0xc6: {  	[tilespmem:$0x14F0] =	vst v1  }
0xc7: {  	v1 =	vld.idx.msk [tilespmem:v2+s12+$0x0], $0xffff  }
0xc8: {  	v2 =	vor.u32 $0x108, v0;
	_ =	sdelay $0x3  }
0xc9: {  	[tilespmem:$0x1500] =	vst v1  }
0xca: {  	v1 =	vld.idx.msk [tilespmem:v2+s12+$0x0], $0xffff  }
0xcb: {  	v2 =	vor.u32 $0x208, v0;
	_ =	sdelay $0x3  }
0xcc: {  	[tilespmem:$0x1510] =	vst v1  }
0xcd: {  	v1 =	vld.idx.msk [tilespmem:v2+s12+$0x0], $0xffff  }
0xce: {  	v2 =	vor.u32 $0x308, v0;
	_ =	sdelay $0x3  }
0xcf: {  	[tilespmem:$0x1520] =	vst v1  }
0xd0: {  	v1 =	vld.idx.msk [tilespmem:v2+s12+$0x0], $0xffff  }
0xd1: {  	v2 =	vor.u32 $0x408, v0;
	_ =	sdelay $0x3  }
0xd2: {  	[tilespmem:$0x1530] =	vst v1  }
0xd3: {  	v1 =	vld.idx.msk [tilespmem:v2+s12+$0x0], $0xffff  }
0xd4: {  	v2 =	vor.u32 $0x508, v0;
	_ =	sdelay $0x3  }
0xd5: {  	[tilespmem:$0x1540] =	vst v1  }
0xd6: {  	v1 =	vld.idx.msk [tilespmem:v2+s12+$0x0], $0xffff  }
0xd7: {  	v2 =	vor.u32 $0x608, v0;
	_ =	sdelay $0x3  }
0xd8: {  	[tilespmem:$0x1550] =	vst v1  }
0xd9: {  	v1 =	vld.idx.msk [tilespmem:v2+s12+$0x0], $0xffff  }
0xda: {  	v2 =	vor.u32 $0x708, v0;
	_ =	sdelay $0x3  }
0xdb: {  	[tilespmem:$0x1560] =	vst v1  }
0xdc: {  	v1 =	vld.idx.msk [tilespmem:v2+s12+$0x0], $0xffff  }
0xdd: {  	v2 =	vor.u32 $0x9, v0;
	_ =	sdelay $0x3  }
0xde: {  	[tilespmem:$0x1570] =	vst v1  }
0xdf: {  	v1 =	vld.idx.msk [tilespmem:v2+s12+$0x0], $0xffff  }
0xe0: {  	v2 =	vor.u32 $0x109, v0;
	_ =	sdelay $0x3  }
0xe1: {  	[tilespmem:$0x1580] =	vst v1  }
0xe2: {  	v1 =	vld.idx.msk [tilespmem:v2+s12+$0x0], $0xffff  }
0xe3: {  	v2 =	vor.u32 $0x209, v0;
	_ =	sdelay $0x3  }
0xe4: {  	[tilespmem:$0x1590] =	vst v1  }
0xe5: {  	v1 =	vld.idx.msk [tilespmem:v2+s12+$0x0], $0xffff  }
0xe6: {  	v2 =	vor.u32 $0x309, v0;
	_ =	sdelay $0x3  }
0xe7: {  	[tilespmem:$0x15A0] =	vst v1  }
0xe8: {  	v1 =	vld.idx.msk [tilespmem:v2+s12+$0x0], $0xffff  }
0xe9: {  	v2 =	vor.u32 $0x409, v0;
	_ =	sdelay $0x3  }
0xea: {  	[tilespmem:$0x15B0] =	vst v1  }
0xeb: {  	v1 =	vld.idx.msk [tilespmem:v2+s12+$0x0], $0xffff  }
0xec: {  	v2 =	vor.u32 $0x509, v0;
	_ =	sdelay $0x3  }
0xed: {  	[tilespmem:$0x15C0] =	vst v1  }
0xee: {  	v1 =	vld.idx.msk [tilespmem:v2+s12+$0x0], $0xffff  }
0xef: {  	v2 =	vor.u32 $0x609, v0;
	_ =	sdelay $0x3  }
0xf0: {  	[tilespmem:$0x15D0] =	vst v1  }
0xf1: {  	v1 =	vld.idx.msk [tilespmem:v2+s12+$0x0], $0xffff  }
0xf2: {  	v2 =	vor.u32 $0x709, v0;
	_ =	sdelay $0x3  }
0xf3: {  	[tilespmem:$0x15E0] =	vst v1  }
0xf4: {  	v1 =	vld.idx.msk [tilespmem:v2+s12+$0x0], $0xffff  }
0xf5: {  	v2 =	vor.u32 $0xA, v0;
	_ =	sdelay $0x3  }
0xf6: {  	[tilespmem:$0x15F0] =	vst v1  }
0xf7: {  	v1 =	vld.idx.msk [tilespmem:v2+s12+$0x0], $0xffff  }
0xf8: {  	v2 =	vor.u32 $0x10A, v0;
	_ =	sdelay $0x3  }
0xf9: {  	[tilespmem:$0x1600] =	vst v1  }
0xfa: {  	v1 =	vld.idx.msk [tilespmem:v2+s12+$0x0], $0xffff  }
0xfb: {  	v2 =	vor.u32 $0x20A, v0;
	_ =	sdelay $0x3  }
0xfc: {  	[tilespmem:$0x1610] =	vst v1  }
0xfd: {  	v1 =	vld.idx.msk [tilespmem:v2+s12+$0x0], $0xffff  }
0xfe: {  	v2 =	vor.u32 $0x30A, v0;
	_ =	sdelay $0x3  }
0xff: {  	[tilespmem:$0x1620] =	vst v1  }
0x100: {  	v1 =	vld.idx.msk [tilespmem:v2+s12+$0x0], $0xffff  }
0x101: {  	v2 =	vor.u32 $0x40A, v0;
	_ =	sdelay $0x3  }
0x102: {  	[tilespmem:$0x1630] =	vst v1  }
0x103: {  	v1 =	vld.idx.msk [tilespmem:v2+s12+$0x0], $0xffff  }
0x104: {  	v2 =	vor.u32 $0x50A, v0;
	_ =	sdelay $0x3  }
0x105: {  	[tilespmem:$0x1640] =	vst v1  }
0x106: {  	v1 =	vld.idx.msk [tilespmem:v2+s12+$0x0], $0xffff  }
0x107: {  	v2 =	vor.u32 $0x60A, v0;
	_ =	sdelay $0x3  }
0x108: {  	[tilespmem:$0x1650] =	vst v1  }
0x109: {  	v1 =	vld.idx.msk [tilespmem:v2+s12+$0x0], $0xffff  }
0x10a: {  	v2 =	vor.u32 $0x70A, v0;
	_ =	sdelay $0x3  }
0x10b: {  	[tilespmem:$0x1660] =	vst v1  }
0x10c: {  	v1 =	vld.idx.msk [tilespmem:v2+s12+$0x0], $0xffff  }
0x10d: {  	v2 =	vor.u32 $0xB, v0;
	_ =	sdelay $0x3  }
0x10e: {  	[tilespmem:$0x1670] =	vst v1  }
0x10f: {  	v1 =	vld.idx.msk [tilespmem:v2+s12+$0x0], $0xffff  }
0x110: {  	v2 =	vor.u32 $0x10B, v0;
	_ =	sdelay $0x3  }
0x111: {  	[tilespmem:$0x1680] =	vst v1  }
0x112: {  	v1 =	vld.idx.msk [tilespmem:v2+s12+$0x0], $0xffff  }
0x113: {  	v2 =	vor.u32 $0x20B, v0;
	_ =	sdelay $0x3  }
0x114: {  	[tilespmem:$0x1690] =	vst v1  }
0x115: {  	v1 =	vld.idx.msk [tilespmem:v2+s12+$0x0], $0xffff  }
0x116: {  	v2 =	vor.u32 $0x30B, v0;
	_ =	sdelay $0x3  }
0x117: {  	[tilespmem:$0x16A0] =	vst v1  }
0x118: {  	v1 =	vld.idx.msk [tilespmem:v2+s12+$0x0], $0xffff  }
0x119: {  	v2 =	vor.u32 $0x40B, v0;
	_ =	sdelay $0x3  }
0x11a: {  	[tilespmem:$0x16B0] =	vst v1  }
0x11b: {  	v1 =	vld.idx.msk [tilespmem:v2+s12+$0x0], $0xffff  }
0x11c: {  	v2 =	vor.u32 $0x50B, v0;
	_ =	sdelay $0x3  }
0x11d: {  	[tilespmem:$0x16C0] =	vst v1  }
0x11e: {  	v1 =	vld.idx.msk [tilespmem:v2+s12+$0x0], $0xffff  }
0x11f: {  	v2 =	vor.u32 $0x60B, v0;
	_ =	sdelay $0x3  }
0x120: {  	[tilespmem:$0x16D0] =	vst v1  }
0x121: {  	v1 =	vld.idx.msk [tilespmem:v2+s12+$0x0], $0xffff  }
0x122: {  	v2 =	vor.u32 $0x70B, v0;
	_ =	sdelay $0x3  }
0x123: {  	[tilespmem:$0x16E0] =	vst v1  }
0x124: {  	v1 =	vld.idx.msk [tilespmem:v2+s12+$0x0], $0xffff  }
0x125: {  	v2 =	vor.u32 $0xC, v0;
	_ =	sdelay $0x3  }
0x126: {  	[tilespmem:$0x16F0] =	vst v1  }
0x127: {  	v1 =	vld.idx.msk [tilespmem:v2+s12+$0x0], $0xffff  }
0x128: {  	v2 =	vor.u32 $0x10C, v0;
	_ =	sdelay $0x3  }
0x129: {  	[tilespmem:$0x1700] =	vst v1  }
0x12a: {  	v1 =	vld.idx.msk [tilespmem:v2+s12+$0x0], $0xffff  }
0x12b: {  	v2 =	vor.u32 $0x20C, v0;
	_ =	sdelay $0x3  }
0x12c: {  	[tilespmem:$0x1710] =	vst v1  }
0x12d: {  	v1 =	vld.idx.msk [tilespmem:v2+s12+$0x0], $0xffff  }
0x12e: {  	v2 =	vor.u32 $0x30C, v0;
	_ =	sdelay $0x3  }
0x12f: {  	[tilespmem:$0x1720] =	vst v1  }
0x130: {  	v1 =	vld.idx.msk [tilespmem:v2+s12+$0x0], $0xffff  }
0x131: {  	v2 =	vor.u32 $0x40C, v0;
	_ =	sdelay $0x3  }
0x132: {  	[tilespmem:$0x1730] =	vst v1  }
0x133: {  	v1 =	vld.idx.msk [tilespmem:v2+s12+$0x0], $0xffff  }
0x134: {  	v2 =	vor.u32 $0x50C, v0;
	_ =	sdelay $0x3  }
0x135: {  	[tilespmem:$0x1740] =	vst v1  }
0x136: {  	v1 =	vld.idx.msk [tilespmem:v2+s12+$0x0], $0xffff  }
0x137: {  	v2 =	vor.u32 $0x60C, v0;
	_ =	sdelay $0x3  }
0x138: {  	[tilespmem:$0x1750] =	vst v1  }
0x139: {  	v1 =	vld.idx.msk [tilespmem:v2+s12+$0x0], $0xffff  }
0x13a: {  	v2 =	vor.u32 $0x70C, v0;
	_ =	sdelay $0x3  }
0x13b: {  	[tilespmem:$0x1760] =	vst v1  }
0x13c: {  	v1 =	vld.idx.msk [tilespmem:v2+s12+$0x0], $0xffff  }
0x13d: {  	v2 =	vor.u32 $0xD, v0;
	_ =	sdelay $0x3  }
0x13e: {  	[tilespmem:$0x1770] =	vst v1  }
0x13f: {  	v1 =	vld.idx.msk [tilespmem:v2+s12+$0x0], $0xffff  }
0x140: {  	v2 =	vor.u32 $0x10D, v0;
	_ =	sdelay $0x3  }
0x141: {  	[tilespmem:$0x1780] =	vst v1  }
0x142: {  	v1 =	vld.idx.msk [tilespmem:v2+s12+$0x0], $0xffff  }
0x143: {  	v2 =	vor.u32 $0x20D, v0;
	_ =	sdelay $0x3  }
0x144: {  	[tilespmem:$0x1790] =	vst v1  }
0x145: {  	v1 =	vld.idx.msk [tilespmem:v2+s12+$0x0], $0xffff  }
0x146: {  	v2 =	vor.u32 $0x30D, v0;
	_ =	sdelay $0x3  }
0x147: {  	[tilespmem:$0x17A0] =	vst v1  }
0x148: {  	v1 =	vld.idx.msk [tilespmem:v2+s12+$0x0], $0xffff  }
0x149: {  	v2 =	vor.u32 $0x40D, v0;
	_ =	sdelay $0x3  }
0x14a: {  	[tilespmem:$0x17B0] =	vst v1  }
0x14b: {  	v1 =	vld.idx.msk [tilespmem:v2+s12+$0x0], $0xffff  }
0x14c: {  	v2 =	vor.u32 $0x50D, v0;
	_ =	sdelay $0x3  }
0x14d: {  	[tilespmem:$0x17C0] =	vst v1  }
0x14e: {  	v1 =	vld.idx.msk [tilespmem:v2+s12+$0x0], $0xffff  }
0x14f: {  	v2 =	vor.u32 $0x60D, v0;
	_ =	sdelay $0x3  }
0x150: {  	[tilespmem:$0x17D0] =	vst v1  }
0x151: {  	v1 =	vld.idx.msk [tilespmem:v2+s12+$0x0], $0xffff  }
0x152: {  	v2 =	vor.u32 $0x70D, v0;
	_ =	sdelay $0x3  }
0x153: {  	[tilespmem:$0x17E0] =	vst v1  }
0x154: {  	v1 =	vld.idx.msk [tilespmem:v2+s12+$0x0], $0xffff  }
0x155: {  	v2 =	vor.u32 $0xE, v0;
	_ =	sdelay $0x3  }
0x156: {  	[tilespmem:$0x17F0] =	vst v1  }
0x157: {  	v1 =	vld.idx.msk [tilespmem:v2+s12+$0x0], $0xffff  }
0x158: {  	v2 =	vor.u32 $0x10E, v0;
	_ =	sdelay $0x3  }
0x159: {  	[tilespmem:$0x1800] =	vst v1  }
0x15a: {  	v1 =	vld.idx.msk [tilespmem:v2+s12+$0x0], $0xffff  }
0x15b: {  	v2 =	vor.u32 $0x20E, v0;
	_ =	sdelay $0x3  }
0x15c: {  	[tilespmem:$0x1810] =	vst v1  }
0x15d: {  	v1 =	vld.idx.msk [tilespmem:v2+s12+$0x0], $0xffff  }
0x15e: {  	v2 =	vor.u32 $0x30E, v0;
	_ =	sdelay $0x3  }
0x15f: {  	[tilespmem:$0x1820] =	vst v1  }
0x160: {  	v1 =	vld.idx.msk [tilespmem:v2+s12+$0x0], $0xffff  }
0x161: {  	v2 =	vor.u32 $0x40E, v0;
	_ =	sdelay $0x3  }
0x162: {  	[tilespmem:$0x1830] =	vst v1  }
0x163: {  	v1 =	vld.idx.msk [tilespmem:v2+s12+$0x0], $0xffff  }
0x164: {  	v2 =	vor.u32 $0x50E, v0;
	_ =	sdelay $0x3  }
0x165: {  	[tilespmem:$0x1840] =	vst v1  }
0x166: {  	v1 =	vld.idx.msk [tilespmem:v2+s12+$0x0], $0xffff  }
0x167: {  	v2 =	vor.u32 $0x60E, v0;
	_ =	sdelay $0x3  }
0x168: {  	[tilespmem:$0x1850] =	vst v1  }
0x169: {  	v1 =	vld.idx.msk [tilespmem:v2+s12+$0x0], $0xffff  }
0x16a: {  	v2 =	vor.u32 $0x70E, v0;
	_ =	sdelay $0x3  }
0x16b: {  	[tilespmem:$0x1860] =	vst v1  }
0x16c: {  	v1 =	vld.idx.msk [tilespmem:v2+s12+$0x0], $0xffff  }
0x16d: {  	v2 =	vor.u32 $0xF, v0;
	_ =	sdelay $0x3  }
0x16e: {  	[tilespmem:$0x1870] =	vst v1  }
0x16f: {  	v1 =	vld.idx.msk [tilespmem:v2+s12+$0x0], $0xffff  }
0x170: {  	v2 =	vor.u32 $0x10F, v0;
	_ =	sdelay $0x3  }
0x171: {  	[tilespmem:$0x1880] =	vst v1  }
0x172: {  	v1 =	vld.idx.msk [tilespmem:v2+s12+$0x0], $0xffff  }
0x173: {  	v2 =	vor.u32 $0x20F, v0;
	_ =	sdelay $0x3  }
0x174: {  	[tilespmem:$0x1890] =	vst v1  }
0x175: {  	v1 =	vld.idx.msk [tilespmem:v2+s12+$0x0], $0xffff  }
0x176: {  	v2 =	vor.u32 $0x30F, v0;
	_ =	sdelay $0x3  }
0x177: {  	[tilespmem:$0x18A0] =	vst v1  }
0x178: {  	v1 =	vld.idx.msk [tilespmem:v2+s12+$0x0], $0xffff  }
0x179: {  	v2 =	vor.u32 $0x40F, v0;
	_ =	sdelay $0x3  }
0x17a: {  	[tilespmem:$0x18B0] =	vst v1  }
0x17b: {  	v1 =	vld.idx.msk [tilespmem:v2+s12+$0x0], $0xffff  }
0x17c: {  	v2 =	vor.u32 $0x50F, v0;
	_ =	sdelay $0x3  }
0x17d: {  	[tilespmem:$0x18C0] =	vst v1  }
0x17e: {  	v1 =	vld.idx.msk [tilespmem:v2+s12+$0x0], $0xffff  }
0x17f: {  	v2 =	vor.u32 $0x60F, v0;
	_ =	sdelay $0x3  }
0x180: {  	[tilespmem:$0x18D0] =	vst v1  }
0x181: {  	v1 =	vld.idx.msk [tilespmem:v2+s12+$0x0], $0xffff  }
0x182: {  	v2 =	vor.u32 $0x70F, v0;
	_ =	sdelay $0x3  }
0x183: {  	[tilespmem:$0x18E0] =	vst v1  }
0x184: {  	v1 =	vld.idx.msk [tilespmem:v2+s12+$0x0], $0xffff;
	_ =	sdelay $0x4  }
0x185: {  	[tilespmem:$0x18F0] =	vst v1  }
0x186: {  	[hbm4b:s19+s1] =	stream.linear.scatter [tilespmem:s14], [sflag:$0x3], $0x800, $0x38;
	[tilespmem:$0x2100] =	vst v63  }
.LBB2_4:
0x187: {  	p2 =	sne.s32 s20, $0x9C0  }
.Ltmp5:
0x188: {  	_ = 	snop;
	(pc) =	sbr.rel @!p2 .LBB2_5-.Ltmp5, $1  }
0x189: {  	_ =	sdelay $0x3  }
0x18a: {  	s23 =	sadd.s32 $0x40, s22  }
0x18b: {  	p2 =	sgt.u32 s23, $0x9C3  }
0x18c: {  	s23 =	simm.s32 @!p2 $0x0;
	s24 =	simm.s32 @!p2 $0x5  }
0x18d: {  	[tilespmem:s23], [sflag:$0x5] =	stream.linear.gather @!p2 [hbm4b:s18+s23], $0x80, $0x38;
	[tilespmem:$0x2100] =	vst v63  }
0x18e: {  	_ =	swait.ge @!p2 [sflag:s24], $0x80  }
0x18f: {  	[sflag:s24] =	ssyncset.done @!p2 $0x0  }
0x190: {  	s25 =	simm.s32 @!p2 $0x100;
	[sflag:s24] =	ssyncadd.s32 @!p2 $0xFFFFFF80;
	s24 =	simm.s32 @!p2 $0x80  }
0x191: {  	[tilespmem:s25], [sflag:$0x1] =	stream.indirect.gather @!p2 [hbm4b:s3+s24], $0x10, s23, s24, $0xb8;
	[tilespmem:$0x2100] =	vst v63  }
0x192: {  	s23 =	sadd.s32 $0x20, s22  }
.Ltmp6:
0x193: {  	p2 =	sgt.u32 s23, $0x9C3;
	(pc) =	sbr.rel @p1 .LBB2_8-.Ltmp6, $4  }
0x194: {  	s24 =	simm.s32 @!p2 $0x2  }
0x195: {  	_ =	swait.ge @!p2 [sflag:s24], $0x800  }
0x196: {  	[sflag:s24] =	ssyncset.done @!p2 $0x0  }
0x197: {  	[sflag:s24] =	ssyncadd.s32 @!p2 $0xFFFFF800  }
0x198: {  	p1 =	slt.u32 s23, $0x9C4  }
.Ltmp7:
0x199: {  	_ = 	snop;
	(pc) =	sbr.rel @p1 .LBB2_9-.Ltmp7, $4  }
.Ltmp8:
0x19a: {  	_ = 	snop;
	(pc) =	sbr.rel @!p1 .LBB2_10-.Ltmp8, $4  }
0x19b: {  	_ =	swait.ge [sflag:s15], $0x800  }
0x19c: {  	[sflag:s15] =	ssyncset.done $0x0  }
0x19d: {  	[sflag:s15] =	ssyncadd.s32 $0xFFFFF800  }
0x19e: {  	_ = 	snop  }
.LBB2_8:
.Ltmp9:
0x19f: {  	(pc) =	sbr.rel @p2 .LBB2_11-.Ltmp9, $1  }
0x1a0: {  	_ =	sdelay $0x3  }
.LBB2_9:
0x1a1: {  	_ =	sdelay $0x3  }
0x1a2: {  	v1 =	vld.idx.msk [tilespmem:v0+s13+$0x0], $0xffff;
	_ =	sdelay $0x4  }
0x1a3: {  	[tilespmem:$0x1900] =	vst v1;
	v1 =	vld [tilespmem:$0x1FFE0];
	_ =	sdelay $0x7  }
0x1a4: {  	v1 =	vld.idx.msk [tilespmem:v1+s13+$0x0], $0xffff;
	_ =	sdelay $0x4  }
0x1a5: {  	[tilespmem:$0x1910] =	vst v1;
	v1 =	vld [tilespmem:$0x1FFF0];
	_ =	sdelay $0x7  }
0x1a6: {  	v1 =	vld.idx.msk [tilespmem:v1+s13+$0x0], $0xffff;
	_ =	sdelay $0x4  }
0x1a7: {  	[tilespmem:$0x1920] =	vst v1  }
0x1a8: {  	v1 =	vld.idx.msk [tilespmem:v3+s13+$0x0], $0xffff;
	_ =	sdelay $0x4  }
0x1a9: {  	[tilespmem:$0x1930] =	vst v1  }
0x1aa: {  	v1 =	vld.idx.msk [tilespmem:v4+s13+$0x0], $0xffff;
	_ =	sdelay $0x4  }
0x1ab: {  	[tilespmem:$0x1940] =	vst v1  }
0x1ac: {  	v1 =	vld.idx.msk [tilespmem:v5+s13+$0x0], $0xffff;
	_ =	sdelay $0x4  }
0x1ad: {  	[tilespmem:$0x1950] =	vst v1  }
0x1ae: {  	v1 =	vld.idx.msk [tilespmem:v6+s13+$0x0], $0xffff;
	_ =	sdelay $0x4  }
0x1af: {  	[tilespmem:$0x1960] =	vst v1  }
0x1b0: {  	v1 =	vld.idx.msk [tilespmem:v7+s13+$0x0], $0xffff;
	_ =	sdelay $0x4  }
0x1b1: {  	[tilespmem:$0x1970] =	vst v1  }
0x1b2: {  	v1 =	vld.idx.msk [tilespmem:v8+s13+$0x0], $0xffff;
	_ =	sdelay $0x4  }
0x1b3: {  	[tilespmem:$0x1980] =	vst v1  }
0x1b4: {  	v1 =	vld.idx.msk [tilespmem:v9+s13+$0x0], $0xffff;
	_ =	sdelay $0x4  }
0x1b5: {  	[tilespmem:$0x1990] =	vst v1  }
0x1b6: {  	v1 =	vld.idx.msk [tilespmem:v10+s13+$0x0], $0xffff;
	_ =	sdelay $0x4  }
0x1b7: {  	[tilespmem:$0x19A0] =	vst v1  }
0x1b8: {  	v1 =	vld.idx.msk [tilespmem:v11+s13+$0x0], $0xffff;
	_ =	sdelay $0x4  }
0x1b9: {  	[tilespmem:$0x19B0] =	vst v1  }
0x1ba: {  	v1 =	vld.idx.msk [tilespmem:v12+s13+$0x0], $0xffff;
	_ =	sdelay $0x4  }
0x1bb: {  	[tilespmem:$0x19C0] =	vst v1  }
0x1bc: {  	v1 =	vld.idx.msk [tilespmem:v13+s13+$0x0], $0xffff;
	_ =	sdelay $0x4  }
0x1bd: {  	[tilespmem:$0x19D0] =	vst v1  }
0x1be: {  	v1 =	vld.idx.msk [tilespmem:v14+s13+$0x0], $0xffff;
	_ =	sdelay $0x4  }
0x1bf: {  	[tilespmem:$0x19E0] =	vst v1  }
0x1c0: {  	v1 =	vld.idx.msk [tilespmem:v15+s13+$0x0], $0xffff;
	_ =	sdelay $0x4  }
0x1c1: {  	[tilespmem:$0x19F0] =	vst v1  }
0x1c2: {  	v1 =	vld.idx.msk [tilespmem:v16+s13+$0x0], $0xffff;
	_ =	sdelay $0x4  }
0x1c3: {  	[tilespmem:$0x1A00] =	vst v1  }
0x1c4: {  	v1 =	vld.idx.msk [tilespmem:v17+s13+$0x0], $0xffff;
	_ =	sdelay $0x4  }
0x1c5: {  	[tilespmem:$0x1A10] =	vst v1  }
0x1c6: {  	v1 =	vld.idx.msk [tilespmem:v18+s13+$0x0], $0xffff;
	_ =	sdelay $0x4  }
0x1c7: {  	[tilespmem:$0x1A20] =	vst v1  }
0x1c8: {  	v1 =	vld.idx.msk [tilespmem:v19+s13+$0x0], $0xffff;
	_ =	sdelay $0x4  }
0x1c9: {  	[tilespmem:$0x1A30] =	vst v1  }
0x1ca: {  	v1 =	vld.idx.msk [tilespmem:v20+s13+$0x0], $0xffff;
	_ =	sdelay $0x4  }
0x1cb: {  	[tilespmem:$0x1A40] =	vst v1  }
0x1cc: {  	v1 =	vld.idx.msk [tilespmem:v21+s13+$0x0], $0xffff;
	_ =	sdelay $0x4  }
0x1cd: {  	[tilespmem:$0x1A50] =	vst v1  }
0x1ce: {  	v1 =	vld.idx.msk [tilespmem:v22+s13+$0x0], $0xffff;
	_ =	sdelay $0x4  }
0x1cf: {  	[tilespmem:$0x1A60] =	vst v1  }
0x1d0: {  	v1 =	vld.idx.msk [tilespmem:v23+s13+$0x0], $0xffff;
	_ =	sdelay $0x4  }
0x1d1: {  	[tilespmem:$0x1A70] =	vst v1  }
0x1d2: {  	v1 =	vld.idx.msk [tilespmem:v24+s13+$0x0], $0xffff;
	_ =	sdelay $0x4  }
0x1d3: {  	[tilespmem:$0x1A80] =	vst v1  }
0x1d4: {  	v1 =	vld.idx.msk [tilespmem:v25+s13+$0x0], $0xffff;
	_ =	sdelay $0x4  }
0x1d5: {  	[tilespmem:$0x1A90] =	vst v1  }
0x1d6: {  	v1 =	vld.idx.msk [tilespmem:v26+s13+$0x0], $0xffff;
	_ =	sdelay $0x4  }
0x1d7: {  	[tilespmem:$0x1AA0] =	vst v1  }
0x1d8: {  	v1 =	vld.idx.msk [tilespmem:v27+s13+$0x0], $0xffff;
	_ =	sdelay $0x4  }
0x1d9: {  	[tilespmem:$0x1AB0] =	vst v1  }
0x1da: {  	v1 =	vld.idx.msk [tilespmem:v28+s13+$0x0], $0xffff;
	_ =	sdelay $0x4  }
0x1db: {  	[tilespmem:$0x1AC0] =	vst v1  }
0x1dc: {  	v1 =	vld.idx.msk [tilespmem:v29+s13+$0x0], $0xffff;
	_ =	sdelay $0x4  }
0x1dd: {  	[tilespmem:$0x1AD0] =	vst v1  }
0x1de: {  	v1 =	vld.idx.msk [tilespmem:v30+s13+$0x0], $0xffff;
	_ =	sdelay $0x4  }
0x1df: {  	[tilespmem:$0x1AE0] =	vst v1  }
0x1e0: {  	v1 =	vld.idx.msk [tilespmem:v31+s13+$0x0], $0xffff;
	_ =	sdelay $0x4  }
0x1e1: {  	[tilespmem:$0x1AF0] =	vst v1  }
0x1e2: {  	v1 =	vld.idx.msk [tilespmem:v32+s13+$0x0], $0xffff;
	_ =	sdelay $0x4  }
0x1e3: {  	[tilespmem:$0x1B00] =	vst v1  }
0x1e4: {  	v1 =	vld.idx.msk [tilespmem:v33+s13+$0x0], $0xffff;
	_ =	sdelay $0x4  }
0x1e5: {  	[tilespmem:$0x1B10] =	vst v1  }
0x1e6: {  	v1 =	vld.idx.msk [tilespmem:v34+s13+$0x0], $0xffff;
	_ =	sdelay $0x4  }
0x1e7: {  	[tilespmem:$0x1B20] =	vst v1  }
0x1e8: {  	v1 =	vld.idx.msk [tilespmem:v35+s13+$0x0], $0xffff;
	_ =	sdelay $0x4  }
0x1e9: {  	[tilespmem:$0x1B30] =	vst v1  }
0x1ea: {  	v1 =	vld.idx.msk [tilespmem:v36+s13+$0x0], $0xffff;
	_ =	sdelay $0x4  }
0x1eb: {  	[tilespmem:$0x1B40] =	vst v1  }
0x1ec: {  	v1 =	vld.idx.msk [tilespmem:v37+s13+$0x0], $0xffff;
	_ =	sdelay $0x4  }
0x1ed: {  	[tilespmem:$0x1B50] =	vst v1  }
0x1ee: {  	v1 =	vld.idx.msk [tilespmem:v38+s13+$0x0], $0xffff;
	_ =	sdelay $0x4  }
0x1ef: {  	[tilespmem:$0x1B60] =	vst v1  }
0x1f0: {  	v1 =	vld.idx.msk [tilespmem:v39+s13+$0x0], $0xffff;
	_ =	sdelay $0x4  }
0x1f1: {  	[tilespmem:$0x1B70] =	vst v1  }
0x1f2: {  	v1 =	vld.idx.msk [tilespmem:v40+s13+$0x0], $0xffff;
	_ =	sdelay $0x4  }
0x1f3: {  	[tilespmem:$0x1B80] =	vst v1  }
0x1f4: {  	v1 =	vld.idx.msk [tilespmem:v41+s13+$0x0], $0xffff;
	_ =	sdelay $0x4  }
0x1f5: {  	[tilespmem:$0x1B90] =	vst v1  }
0x1f6: {  	v1 =	vld.idx.msk [tilespmem:v42+s13+$0x0], $0xffff;
	_ =	sdelay $0x4  }
0x1f7: {  	[tilespmem:$0x1BA0] =	vst v1  }
0x1f8: {  	v1 =	vld.idx.msk [tilespmem:v43+s13+$0x0], $0xffff;
	_ =	sdelay $0x4  }
0x1f9: {  	[tilespmem:$0x1BB0] =	vst v1  }
0x1fa: {  	v1 =	vld.idx.msk [tilespmem:v44+s13+$0x0], $0xffff;
	_ =	sdelay $0x4  }
0x1fb: {  	[tilespmem:$0x1BC0] =	vst v1  }
0x1fc: {  	v1 =	vld.idx.msk [tilespmem:v45+s13+$0x0], $0xffff;
	_ =	sdelay $0x4  }
0x1fd: {  	[tilespmem:$0x1BD0] =	vst v1  }
0x1fe: {  	v1 =	vld.idx.msk [tilespmem:v46+s13+$0x0], $0xffff;
	_ =	sdelay $0x4  }
0x1ff: {  	[tilespmem:$0x1BE0] =	vst v1  }
0x200: {  	v1 =	vld.idx.msk [tilespmem:v47+s13+$0x0], $0xffff;
	_ =	sdelay $0x4  }
0x201: {  	[tilespmem:$0x1BF0] =	vst v1  }
0x202: {  	v1 =	vld.idx.msk [tilespmem:v48+s13+$0x0], $0xffff;
	_ =	sdelay $0x4  }
0x203: {  	[tilespmem:$0x1C00] =	vst v1  }
0x204: {  	v1 =	vld.idx.msk [tilespmem:v49+s13+$0x0], $0xffff;
	_ =	sdelay $0x4  }
0x205: {  	[tilespmem:$0x1C10] =	vst v1  }
0x206: {  	v1 =	vld.idx.msk [tilespmem:v50+s13+$0x0], $0xffff;
	_ =	sdelay $0x4  }
0x207: {  	[tilespmem:$0x1C20] =	vst v1  }
0x208: {  	v1 =	vld.idx.msk [tilespmem:v51+s13+$0x0], $0xffff;
	_ =	sdelay $0x4  }
0x209: {  	[tilespmem:$0x1C30] =	vst v1  }
0x20a: {  	v1 =	vld.idx.msk [tilespmem:v52+s13+$0x0], $0xffff;
	_ =	sdelay $0x4  }
0x20b: {  	[tilespmem:$0x1C40] =	vst v1  }
0x20c: {  	v1 =	vld.idx.msk [tilespmem:v53+s13+$0x0], $0xffff;
	_ =	sdelay $0x4  }
0x20d: {  	[tilespmem:$0x1C50] =	vst v1  }
0x20e: {  	v1 =	vld.idx.msk [tilespmem:v54+s13+$0x0], $0xffff;
	_ =	sdelay $0x4  }
0x20f: {  	[tilespmem:$0x1C60] =	vst v1  }
0x210: {  	v1 =	vld.idx.msk [tilespmem:v55+s13+$0x0], $0xffff;
	_ =	sdelay $0x4  }
0x211: {  	[tilespmem:$0x1C70] =	vst v1  }
0x212: {  	v1 =	vld.idx.msk [tilespmem:v56+s13+$0x0], $0xffff;
	_ =	sdelay $0x4  }
0x213: {  	[tilespmem:$0x1C80] =	vst v1  }
0x214: {  	v1 =	vld.idx.msk [tilespmem:v57+s13+$0x0], $0xffff;
	_ =	sdelay $0x4  }
0x215: {  	[tilespmem:$0x1C90] =	vst v1  }
0x216: {  	v1 =	vld.idx.msk [tilespmem:v58+s13+$0x0], $0xffff;
	_ =	sdelay $0x4  }
0x217: {  	[tilespmem:$0x1CA0] =	vst v1  }
0x218: {  	v1 =	vld.idx.msk [tilespmem:v59+s13+$0x0], $0xffff;
	_ =	sdelay $0x4  }
0x219: {  	[tilespmem:$0x1CB0] =	vst v1  }
0x21a: {  	v1 =	vld.idx.msk [tilespmem:v60+s13+$0x0], $0xffff;
	_ =	sdelay $0x4  }
0x21b: {  	[tilespmem:$0x1CC0] =	vst v1  }
0x21c: {  	v1 =	vld.idx.msk [tilespmem:v61+s13+$0x0], $0xffff;
	_ =	sdelay $0x4  }
0x21d: {  	[tilespmem:$0x1CD0] =	vst v1  }
0x21e: {  	v1 =	vld.idx.msk [tilespmem:v62+s13+$0x0], $0xffff;
	_ =	sdelay $0x4  }
0x21f: {  	[tilespmem:$0x1CE0] =	vst v1  }
0x220: {  	v1 =	vld.idx.msk [tilespmem:v63+s13+$0x0], $0xffff  }
0x221: {  	v2 =	vor.u32 $0x8, v0;
	_ =	sdelay $0x3  }
0x222: {  	[tilespmem:$0x1CF0] =	vst v1  }
0x223: {  	v1 =	vld.idx.msk [tilespmem:v2+s13+$0x0], $0xffff  }
0x224: {  	v2 =	vor.u32 $0x108, v0;
	_ =	sdelay $0x3  }
0x225: {  	[tilespmem:$0x1D00] =	vst v1  }
0x226: {  	v1 =	vld.idx.msk [tilespmem:v2+s13+$0x0], $0xffff  }
0x227: {  	v2 =	vor.u32 $0x208, v0;
	_ =	sdelay $0x3  }
0x228: {  	[tilespmem:$0x1D10] =	vst v1  }
0x229: {  	v1 =	vld.idx.msk [tilespmem:v2+s13+$0x0], $0xffff  }
0x22a: {  	v2 =	vor.u32 $0x308, v0;
	_ =	sdelay $0x3  }
0x22b: {  	[tilespmem:$0x1D20] =	vst v1  }
0x22c: {  	v1 =	vld.idx.msk [tilespmem:v2+s13+$0x0], $0xffff  }
0x22d: {  	v2 =	vor.u32 $0x408, v0;
	_ =	sdelay $0x3  }
0x22e: {  	[tilespmem:$0x1D30] =	vst v1  }
0x22f: {  	v1 =	vld.idx.msk [tilespmem:v2+s13+$0x0], $0xffff  }
0x230: {  	v2 =	vor.u32 $0x508, v0;
	_ =	sdelay $0x3  }
0x231: {  	[tilespmem:$0x1D40] =	vst v1  }
0x232: {  	v1 =	vld.idx.msk [tilespmem:v2+s13+$0x0], $0xffff  }
0x233: {  	v2 =	vor.u32 $0x608, v0;
	_ =	sdelay $0x3  }
0x234: {  	[tilespmem:$0x1D50] =	vst v1  }
0x235: {  	v1 =	vld.idx.msk [tilespmem:v2+s13+$0x0], $0xffff  }
0x236: {  	v2 =	vor.u32 $0x708, v0;
	_ =	sdelay $0x3  }
0x237: {  	[tilespmem:$0x1D60] =	vst v1  }
0x238: {  	v1 =	vld.idx.msk [tilespmem:v2+s13+$0x0], $0xffff  }
0x239: {  	v2 =	vor.u32 $0x9, v0;
	_ =	sdelay $0x3  }
0x23a: {  	[tilespmem:$0x1D70] =	vst v1  }
0x23b: {  	v1 =	vld.idx.msk [tilespmem:v2+s13+$0x0], $0xffff  }
0x23c: {  	v2 =	vor.u32 $0x109, v0;
	_ =	sdelay $0x3  }
0x23d: {  	[tilespmem:$0x1D80] =	vst v1  }
0x23e: {  	v1 =	vld.idx.msk [tilespmem:v2+s13+$0x0], $0xffff  }
0x23f: {  	v2 =	vor.u32 $0x209, v0;
	_ =	sdelay $0x3  }
0x240: {  	[tilespmem:$0x1D90] =	vst v1  }
0x241: {  	v1 =	vld.idx.msk [tilespmem:v2+s13+$0x0], $0xffff  }
0x242: {  	v2 =	vor.u32 $0x309, v0;
	_ =	sdelay $0x3  }
0x243: {  	[tilespmem:$0x1DA0] =	vst v1  }
0x244: {  	v1 =	vld.idx.msk [tilespmem:v2+s13+$0x0], $0xffff  }
0x245: {  	v2 =	vor.u32 $0x409, v0;
	_ =	sdelay $0x3  }
0x246: {  	[tilespmem:$0x1DB0] =	vst v1  }
0x247: {  	v1 =	vld.idx.msk [tilespmem:v2+s13+$0x0], $0xffff  }
0x248: {  	v2 =	vor.u32 $0x509, v0;
	_ =	sdelay $0x3  }
0x249: {  	[tilespmem:$0x1DC0] =	vst v1  }
0x24a: {  	v1 =	vld.idx.msk [tilespmem:v2+s13+$0x0], $0xffff  }
0x24b: {  	v2 =	vor.u32 $0x609, v0;
	_ =	sdelay $0x3  }
0x24c: {  	[tilespmem:$0x1DD0] =	vst v1  }
0x24d: {  	v1 =	vld.idx.msk [tilespmem:v2+s13+$0x0], $0xffff  }
0x24e: {  	v2 =	vor.u32 $0x709, v0;
	_ =	sdelay $0x3  }
0x24f: {  	[tilespmem:$0x1DE0] =	vst v1  }
0x250: {  	v1 =	vld.idx.msk [tilespmem:v2+s13+$0x0], $0xffff  }
0x251: {  	v2 =	vor.u32 $0xA, v0;
	_ =	sdelay $0x3  }
0x252: {  	[tilespmem:$0x1DF0] =	vst v1  }
0x253: {  	v1 =	vld.idx.msk [tilespmem:v2+s13+$0x0], $0xffff  }
0x254: {  	v2 =	vor.u32 $0x10A, v0;
	_ =	sdelay $0x3  }
0x255: {  	[tilespmem:$0x1E00] =	vst v1  }
0x256: {  	v1 =	vld.idx.msk [tilespmem:v2+s13+$0x0], $0xffff  }
0x257: {  	v2 =	vor.u32 $0x20A, v0;
	_ =	sdelay $0x3  }
0x258: {  	[tilespmem:$0x1E10] =	vst v1  }
0x259: {  	v1 =	vld.idx.msk [tilespmem:v2+s13+$0x0], $0xffff  }
0x25a: {  	v2 =	vor.u32 $0x30A, v0;
	_ =	sdelay $0x3  }
0x25b: {  	[tilespmem:$0x1E20] =	vst v1  }
0x25c: {  	v1 =	vld.idx.msk [tilespmem:v2+s13+$0x0], $0xffff  }
0x25d: {  	v2 =	vor.u32 $0x40A, v0;
	_ =	sdelay $0x3  }
0x25e: {  	[tilespmem:$0x1E30] =	vst v1  }
0x25f: {  	v1 =	vld.idx.msk [tilespmem:v2+s13+$0x0], $0xffff  }
0x260: {  	v2 =	vor.u32 $0x50A, v0;
	_ =	sdelay $0x3  }
0x261: {  	[tilespmem:$0x1E40] =	vst v1  }
0x262: {  	v1 =	vld.idx.msk [tilespmem:v2+s13+$0x0], $0xffff  }
0x263: {  	v2 =	vor.u32 $0x60A, v0;
	_ =	sdelay $0x3  }
0x264: {  	[tilespmem:$0x1E50] =	vst v1  }
0x265: {  	v1 =	vld.idx.msk [tilespmem:v2+s13+$0x0], $0xffff  }
0x266: {  	v2 =	vor.u32 $0x70A, v0;
	_ =	sdelay $0x3  }
0x267: {  	[tilespmem:$0x1E60] =	vst v1  }
0x268: {  	v1 =	vld.idx.msk [tilespmem:v2+s13+$0x0], $0xffff  }
0x269: {  	v2 =	vor.u32 $0xB, v0;
	_ =	sdelay $0x3  }
0x26a: {  	[tilespmem:$0x1E70] =	vst v1  }
0x26b: {  	v1 =	vld.idx.msk [tilespmem:v2+s13+$0x0], $0xffff  }
0x26c: {  	v2 =	vor.u32 $0x10B, v0;
	_ =	sdelay $0x3  }
0x26d: {  	[tilespmem:$0x1E80] =	vst v1  }
0x26e: {  	v1 =	vld.idx.msk [tilespmem:v2+s13+$0x0], $0xffff  }
0x26f: {  	v2 =	vor.u32 $0x20B, v0;
	_ =	sdelay $0x3  }
0x270: {  	[tilespmem:$0x1E90] =	vst v1  }
0x271: {  	v1 =	vld.idx.msk [tilespmem:v2+s13+$0x0], $0xffff  }
0x272: {  	v2 =	vor.u32 $0x30B, v0;
	_ =	sdelay $0x3  }
0x273: {  	[tilespmem:$0x1EA0] =	vst v1  }
0x274: {  	v1 =	vld.idx.msk [tilespmem:v2+s13+$0x0], $0xffff  }
0x275: {  	v2 =	vor.u32 $0x40B, v0;
	_ =	sdelay $0x3  }
0x276: {  	[tilespmem:$0x1EB0] =	vst v1  }
0x277: {  	v1 =	vld.idx.msk [tilespmem:v2+s13+$0x0], $0xffff  }
0x278: {  	v2 =	vor.u32 $0x50B, v0;
	_ =	sdelay $0x3  }
0x279: {  	[tilespmem:$0x1EC0] =	vst v1  }
0x27a: {  	v1 =	vld.idx.msk [tilespmem:v2+s13+$0x0], $0xffff  }
0x27b: {  	v2 =	vor.u32 $0x60B, v0;
	_ =	sdelay $0x3  }
0x27c: {  	[tilespmem:$0x1ED0] =	vst v1  }
0x27d: {  	v1 =	vld.idx.msk [tilespmem:v2+s13+$0x0], $0xffff  }
0x27e: {  	v2 =	vor.u32 $0x70B, v0;
	_ =	sdelay $0x3  }
0x27f: {  	[tilespmem:$0x1EE0] =	vst v1  }
0x280: {  	v1 =	vld.idx.msk [tilespmem:v2+s13+$0x0], $0xffff  }
0x281: {  	v2 =	vor.u32 $0xC, v0;
	_ =	sdelay $0x3  }
0x282: {  	[tilespmem:$0x1EF0] =	vst v1  }
0x283: {  	v1 =	vld.idx.msk [tilespmem:v2+s13+$0x0], $0xffff  }
0x284: {  	v2 =	vor.u32 $0x10C, v0;
	_ =	sdelay $0x3  }
0x285: {  	[tilespmem:$0x1F00] =	vst v1  }
0x286: {  	v1 =	vld.idx.msk [tilespmem:v2+s13+$0x0], $0xffff  }
0x287: {  	v2 =	vor.u32 $0x20C, v0;
	_ =	sdelay $0x3  }
0x288: {  	[tilespmem:$0x1F10] =	vst v1  }
0x289: {  	v1 =	vld.idx.msk [tilespmem:v2+s13+$0x0], $0xffff  }
0x28a: {  	v2 =	vor.u32 $0x30C, v0;
	_ =	sdelay $0x3  }
0x28b: {  	[tilespmem:$0x1F20] =	vst v1  }
0x28c: {  	v1 =	vld.idx.msk [tilespmem:v2+s13+$0x0], $0xffff  }
0x28d: {  	v2 =	vor.u32 $0x40C, v0;
	_ =	sdelay $0x3  }
0x28e: {  	[tilespmem:$0x1F30] =	vst v1  }
0x28f: {  	v1 =	vld.idx.msk [tilespmem:v2+s13+$0x0], $0xffff  }
0x290: {  	v2 =	vor.u32 $0x50C, v0;
	_ =	sdelay $0x3  }
0x291: {  	[tilespmem:$0x1F40] =	vst v1  }
0x292: {  	v1 =	vld.idx.msk [tilespmem:v2+s13+$0x0], $0xffff  }
0x293: {  	v2 =	vor.u32 $0x60C, v0;
	_ =	sdelay $0x3  }
0x294: {  	[tilespmem:$0x1F50] =	vst v1  }
0x295: {  	v1 =	vld.idx.msk [tilespmem:v2+s13+$0x0], $0xffff  }
0x296: {  	v2 =	vor.u32 $0x70C, v0;
	_ =	sdelay $0x3  }
0x297: {  	[tilespmem:$0x1F60] =	vst v1  }
0x298: {  	v1 =	vld.idx.msk [tilespmem:v2+s13+$0x0], $0xffff  }
0x299: {  	v2 =	vor.u32 $0xD, v0;
	_ =	sdelay $0x3  }
0x29a: {  	[tilespmem:$0x1F70] =	vst v1  }
0x29b: {  	v1 =	vld.idx.msk [tilespmem:v2+s13+$0x0], $0xffff  }
0x29c: {  	v2 =	vor.u32 $0x10D, v0;
	_ =	sdelay $0x3  }
0x29d: {  	[tilespmem:$0x1F80] =	vst v1  }
0x29e: {  	v1 =	vld.idx.msk [tilespmem:v2+s13+$0x0], $0xffff  }
0x29f: {  	v2 =	vor.u32 $0x20D, v0;
	_ =	sdelay $0x3  }
0x2a0: {  	[tilespmem:$0x1F90] =	vst v1  }
0x2a1: {  	v1 =	vld.idx.msk [tilespmem:v2+s13+$0x0], $0xffff  }
0x2a2: {  	v2 =	vor.u32 $0x30D, v0;
	_ =	sdelay $0x3  }
0x2a3: {  	[tilespmem:$0x1FA0] =	vst v1  }
0x2a4: {  	v1 =	vld.idx.msk [tilespmem:v2+s13+$0x0], $0xffff  }
0x2a5: {  	v2 =	vor.u32 $0x40D, v0;
	_ =	sdelay $0x3  }
0x2a6: {  	[tilespmem:$0x1FB0] =	vst v1  }
0x2a7: {  	v1 =	vld.idx.msk [tilespmem:v2+s13+$0x0], $0xffff  }
0x2a8: {  	v2 =	vor.u32 $0x50D, v0;
	_ =	sdelay $0x3  }
0x2a9: {  	[tilespmem:$0x1FC0] =	vst v1  }
0x2aa: {  	v1 =	vld.idx.msk [tilespmem:v2+s13+$0x0], $0xffff  }
0x2ab: {  	v2 =	vor.u32 $0x60D, v0;
	_ =	sdelay $0x3  }
0x2ac: {  	[tilespmem:$0x1FD0] =	vst v1  }
0x2ad: {  	v1 =	vld.idx.msk [tilespmem:v2+s13+$0x0], $0xffff  }
0x2ae: {  	v2 =	vor.u32 $0x70D, v0;
	_ =	sdelay $0x3  }
0x2af: {  	[tilespmem:$0x1FE0] =	vst v1  }
0x2b0: {  	v1 =	vld.idx.msk [tilespmem:v2+s13+$0x0], $0xffff  }
0x2b1: {  	v2 =	vor.u32 $0xE, v0;
	_ =	sdelay $0x3  }
0x2b2: {  	[tilespmem:$0x1FF0] =	vst v1  }
0x2b3: {  	v1 =	vld.idx.msk [tilespmem:v2+s13+$0x0], $0xffff  }
0x2b4: {  	v2 =	vor.u32 $0x10E, v0;
	_ =	sdelay $0x3  }
0x2b5: {  	[tilespmem:$0x2000] =	vst v1  }
0x2b6: {  	v1 =	vld.idx.msk [tilespmem:v2+s13+$0x0], $0xffff  }
0x2b7: {  	v2 =	vor.u32 $0x20E, v0;
	_ =	sdelay $0x3  }
0x2b8: {  	[tilespmem:$0x2010] =	vst v1  }
0x2b9: {  	v1 =	vld.idx.msk [tilespmem:v2+s13+$0x0], $0xffff  }
0x2ba: {  	v2 =	vor.u32 $0x30E, v0;
	_ =	sdelay $0x3  }
0x2bb: {  	[tilespmem:$0x2020] =	vst v1  }
0x2bc: {  	v1 =	vld.idx.msk [tilespmem:v2+s13+$0x0], $0xffff  }
0x2bd: {  	v2 =	vor.u32 $0x40E, v0;
	_ =	sdelay $0x3  }
0x2be: {  	[tilespmem:$0x2030] =	vst v1  }
0x2bf: {  	v1 =	vld.idx.msk [tilespmem:v2+s13+$0x0], $0xffff  }
0x2c0: {  	v2 =	vor.u32 $0x50E, v0;
	_ =	sdelay $0x3  }
0x2c1: {  	[tilespmem:$0x2040] =	vst v1  }
0x2c2: {  	v1 =	vld.idx.msk [tilespmem:v2+s13+$0x0], $0xffff  }
0x2c3: {  	v2 =	vor.u32 $0x60E, v0;
	_ =	sdelay $0x3  }
0x2c4: {  	[tilespmem:$0x2050] =	vst v1  }
0x2c5: {  	v1 =	vld.idx.msk [tilespmem:v2+s13+$0x0], $0xffff  }
0x2c6: {  	v2 =	vor.u32 $0x70E, v0;
	_ =	sdelay $0x3  }
0x2c7: {  	[tilespmem:$0x2060] =	vst v1  }
0x2c8: {  	v1 =	vld.idx.msk [tilespmem:v2+s13+$0x0], $0xffff  }
0x2c9: {  	v2 =	vor.u32 $0xF, v0;
	_ =	sdelay $0x3  }
0x2ca: {  	[tilespmem:$0x2070] =	vst v1  }
0x2cb: {  	v1 =	vld.idx.msk [tilespmem:v2+s13+$0x0], $0xffff  }
0x2cc: {  	v2 =	vor.u32 $0x10F, v0;
	_ =	sdelay $0x3  }
0x2cd: {  	[tilespmem:$0x2080] =	vst v1  }
0x2ce: {  	v1 =	vld.idx.msk [tilespmem:v2+s13+$0x0], $0xffff  }
0x2cf: {  	v2 =	vor.u32 $0x20F, v0;
	_ =	sdelay $0x3  }
0x2d0: {  	[tilespmem:$0x2090] =	vst v1  }
0x2d1: {  	v1 =	vld.idx.msk [tilespmem:v2+s13+$0x0], $0xffff  }
0x2d2: {  	v2 =	vor.u32 $0x30F, v0;
	_ =	sdelay $0x3  }
0x2d3: {  	[tilespmem:$0x20A0] =	vst v1  }
0x2d4: {  	v1 =	vld.idx.msk [tilespmem:v2+s13+$0x0], $0xffff  }
0x2d5: {  	v2 =	vor.u32 $0x40F, v0;
	_ =	sdelay $0x3  }
0x2d6: {  	[tilespmem:$0x20B0] =	vst v1  }
0x2d7: {  	v1 =	vld.idx.msk [tilespmem:v2+s13+$0x0], $0xffff  }
0x2d8: {  	v2 =	vor.u32 $0x50F, v0;
	_ =	sdelay $0x3  }
0x2d9: {  	[tilespmem:$0x20C0] =	vst v1  }
0x2da: {  	v1 =	vld.idx.msk [tilespmem:v2+s13+$0x0], $0xffff  }
0x2db: {  	v2 =	vor.u32 $0x60F, v0;
	_ =	sdelay $0x3  }
0x2dc: {  	[tilespmem:$0x20D0] =	vst v1  }
0x2dd: {  	v1 =	vld.idx.msk [tilespmem:v2+s13+$0x0], $0xffff  }
0x2de: {  	v2 =	vor.u32 $0x70F, v0;
	_ =	sdelay $0x3  }
0x2df: {  	[tilespmem:$0x20E0] =	vst v1  }
0x2e0: {  	v1 =	vld.idx.msk [tilespmem:v2+s13+$0x0], $0xffff;
	_ =	sdelay $0x4  }
0x2e1: {  	s23 =	sadd.s32 $0x2000, s19;
	[tilespmem:$0x20F0] =	vst v1  }
0x2e2: {  	[hbm4b:s23+s1] =	stream.linear.scatter [tilespmem:s16], [sflag:$0x4], $0x800, $0x38;
	[tilespmem:$0x2100] =	vst v63  }
.LBB2_10:
0x2e3: {  	p1 =	sgt.u32 s21, $0x25  }
.Ltmp10:
0x2e4: {  	_ = 	snop;
	(pc) =	sbr.rel @p1 .LBB2_12-.Ltmp10, $4  }
.Ltmp11:
0x2e5: {  	_ = 	snop;
	(pc) =	sbr.rel @!p1 .LBB2_11-.Ltmp11, $4  }
0x2e6: {  	_ = 	snop  }
0x2e7: {  	_ = 	snop  }
0x2e8: {  	_ = 	snop  }
0x2e9: {  	_ = 	snop  }
.LBB2_14:
0x2ea: {  	_ =	sfence.sel $0x180000  }
0x2eb: {  	[bflag:$0x0] =	sbarrier.arrive $0xFFFF  }
0x2ec: {  	p0 =	sne.s32 s2, $0x0;
	_ =	strace $0x90000047  }
0x2ed: {  	s0 =	sadd.s32 @!p0 $0x100000, s0;
	[bflag:$0x2] =	sbarrier.arrive $0xFFFF  }
0x2ee: {  	[sflag:s0] =	ssyncadd.tile.s32 @!p0 $0x1;
	_ =	shalt  }
.Lfunc_end2:
_tile_overlayer_lowered:
.L_overlay_start_2:
0x2ef: {  	(tag) =	ssettag $0x2  }
0x2f0: {  	s0 =	rddreg [dreg:$0x0];
	s2 =	stileid.u32  }
0x2f1: {  	s1 =	rddreg [dreg:$0x1];
	p0 =	sne.s32 s2, $0x0  }
0x2f2: {  	s3 =	rddreg [dreg:$0x2];
	[bflag:$0x3] =	sbarrier.arrive $0xFFFF;
	s2 =	simm.s32 @!p0 $0x1C05  }
0x2f3: {  	[timem:s3], [sflag:s2] =	dma.local @!p0 [hbm:s0], s1  }
0x2f4: {  	s0 =	simm.s32 @!p0 $0x5  }
0x2f5: {  	_ =	swait.ge @!p0 [sflag:s0], s1  }
0x2f6: {  	s1 =	ssub.s32 @!p0 $0x0, s1;
	[sflag:s0] =	ssyncset.done @!p0 $0x0  }
0x2f7: {  	[sflag:s0] =	ssyncadd.s32 @!p0 s1  }
0x2f8: {  	[bflag:$0x3] =	sbarrier.arrive $0xFFFF  }
0x2f9: {  	_ =	shalt  }

</sc_bundles>
